<compile_context>
chip_gen: v7x
topology: tpu7x:2x2x1
jax: 0.10.2.dev20260603
libtpu: 0.0.44.dev20260713+nightly
codegen_flags: <defaults>
</compile_context>

<pallas_src>
import jax
import jax.numpy as jnp
from jax import lax
from jax.experimental import pallas as pl
from jax.experimental.pallas import tpu as pltpu
from jax.experimental.pallas import tpu_sc as plsc

N = 10000
E = 160000
D = 256
H = 128
NC, NS, L = 2, 16, 16
EP = 163840
DUMMY = N
DEG_P = 10240
ACC_R = 10240
RB = 2000
GRID = N // RB

EB1 = EP // (NC * NS)
NB1 = EB1 // 128


def _k1_body(row_hbm, col_hbm, deg_out, didx_out, coln_out,
             acc, rowb, colb, wval, zbuf, ssem):
    c = lax.axis_index("c")
    s = lax.axis_index("s")

    def zb(i, _):
        zbuf[pl.ds(i * L, L)] = jnp.zeros((L,), jnp.float32)
        return 0

    lax.fori_loop(0, 640 // L, zb, 0)
    pltpu.sync_copy(zbuf, acc.at[pl.ds(s * 640, 640)])
    plsc.subcore_barrier()

    i = c * NS + s
    pltpu.sync_copy(row_hbm.at[i], rowb)
    pltpu.sync_copy(col_hbm.at[i], colb)

    def mk(g, _):
        ii = lax.iota(jnp.int32, L)
        for l in range(128 // L):
            sl = pl.ds(l * L, L)
            rv = rowb[g, sl]
            cv = colb[g, sl]
            wval[g, sl] = jnp.where(rv != cv, jnp.float32(1.0),
                                    jnp.float32(0.0))
            dummy = DUMMY + lax.rem(g * 8 + l, 15) * L + ii
            rowb[g, sl] = jnp.where(rv == cv, dummy, rv)
            colb[g, sl] = cv + N
        return 0

    lax.fori_loop(0, NB1, mk, 0)
    pltpu.sync_copy(rowb, didx_out.at[i])
    pltpu.sync_copy(colb, coln_out.at[i])

    def sc(kk, _):
        for j in range(8):
            g = kk * 8 + j
            pltpu.async_copy(wval.at[g], acc.at[rowb.at[g]], ssem, add=True)
        for j in range(8):
            g = kk * 8 + j
            pltpu.make_async_copy(wval.at[g], acc.at[rowb.at[g]],
                                  ssem).wait()
        return 0

    lax.fori_loop(0, NB1 // 8, sc, 0)
    plsc.subcore_barrier()
    pltpu.sync_copy(acc.at[pl.ds(s * 640, 640)],
                    deg_out.at[c, pl.ds(s * 640, 640)])


_k1 = pl.kernel(
    _k1_body,
    out_type=[
        jax.ShapeDtypeStruct((NC, DEG_P), jnp.float32),
        jax.ShapeDtypeStruct((NC * NS, NB1, 128), jnp.int32),
        jax.ShapeDtypeStruct((NC * NS, NB1, 128), jnp.int32),
    ],
    mesh=plsc.VectorSubcoreMesh(core_axis_name="c", subcore_axis_name="s"),
    scratch_types=[
        pltpu.VMEM_SHARED((DEG_P,), jnp.float32),
        pltpu.VMEM((NB1, 128), jnp.int32),
        pltpu.VMEM((NB1, 128), jnp.int32),
        pltpu.VMEM((NB1, 128), jnp.float32),
        pltpu.VMEM((640,), jnp.float32),
        pltpu.SemaphoreType.DMA,
    ],
)

EB3 = EP // NS
B3 = 128
NB3 = EB3 // B3
IR = 4


def _k3_body(col_hbm, coln_hbm, didx_hbm, z_hbm, inner_out,
             acc, gring, dring, fbuf,
             gsem0, gsem1, ssem0, ssem1, isem0, isem1, isem2, isem3):
    c = lax.axis_index("c")
    s = lax.axis_index("s")
    gsems = [gsem0, gsem1]
    ssems = [ssem0, ssem1]
    isems = [isem0, isem1, isem2, isem3]

    coff = c * N
    r0 = s * 640

    @pl.when(s != NS - 1)
    def _():
        pltpu.sync_copy(z_hbm.at[pl.ds(coff + r0, 640)],
                        acc.at[pl.ds(r0, 640)])

    @pl.when(s == NS - 1)
    def _():
        pltpu.sync_copy(z_hbm.at[pl.ds(coff + r0, 400)],
                        acc.at[pl.ds(r0, 400)])

    plsc.subcore_barrier()

    base = s * EB3

    def load_idx(g, islot):
        off = base + g * B3

        @pl.when(c == 0)
        def _():
            pltpu.async_copy(col_hbm.at[pl.ds(off, B3)], gring.at[islot],
                             isems[islot])

        @pl.when(c != 0)
        def _():
            pltpu.async_copy(coln_hbm.at[pl.ds(off, B3)], gring.at[islot],
                             isems[islot])

        pltpu.async_copy(didx_hbm.at[pl.ds(off, B3)], dring.at[islot],
                         isems[islot])

    def wait_idx(g, islot):
        off = base + g * B3

        @pl.when(c == 0)
        def _():
            pltpu.make_async_copy(col_hbm.at[pl.ds(off, B3)],
                                  gring.at[islot], isems[islot]).wait()

        @pl.when(c != 0)
        def _():
            pltpu.make_async_copy(coln_hbm.at[pl.ds(off, B3)],
                                  gring.at[islot], isems[islot]).wait()

        pltpu.make_async_copy(didx_hbm.at[pl.ds(off, B3)],
                              dring.at[islot], isems[islot]).wait()

    def gather(islot, slot):
        pltpu.async_copy(z_hbm.at[gring.at[islot]], fbuf.at[slot],
                         gsems[slot])

    def wait_gather(islot, slot):
        pltpu.make_async_copy(z_hbm.at[gring.at[islot]], fbuf.at[slot],
                              gsems[slot]).wait()

    def scatter(islot, slot):
        pltpu.async_copy(fbuf.at[slot], acc.at[dring.at[islot]],
                         ssems[slot], add=True)

    def wait_scatter(islot, slot):
        pltpu.make_async_copy(fbuf.at[slot], acc.at[dring.at[islot]],
                              ssems[slot]).wait()

    load_idx(0, 0)
    load_idx(1, 1)
    load_idx(2, 2)
    wait_idx(0, 0)
    gather(0, 0)
    load_idx(3, 3)
    wait_idx(1, 1)
    gather(1, 1)
    wait_gather(0, 0)
    scatter(0, 0)
    wait_scatter(0, 0)
    load_idx(4, 0)
    wait_idx(2, 2)
    gather(2, 0)
    wait_gather(1, 1)
    scatter(1, 1)
    wait_scatter(1, 1)
    load_idx(5, 1)
    wait_idx(3, 3)
    gather(3, 1)
    wait_gather(2, 0)
    scatter(2, 0)

    def body(k, _):
        g0 = k * 4
        for b in range(4):
            g = g0 + b
            sl = b % 2
            osl = (b + 1) % 2
            wait_scatter((b + 2) % 4, sl)

            @pl.when(g + 2 < NB3)
            def _():
                load_idx(g + 2, (b + 2) % 4)

            wait_idx(g, b)
            gather(b, sl)
            wait_gather((b + 3) % 4, osl)
            scatter((b + 3) % 4, osl)
        return 0

    lax.fori_loop(1, NB3 // 4, body, 0)
    wait_gather(3, 1)
    scatter(3, 1)
    wait_scatter(2, 0)
    wait_scatter(3, 1)
    plsc.subcore_barrier()

    def co(k, _):
        r = s * 640 + k * 64
        pltpu.async_copy(acc.at[pl.ds(r, 64)],
                         inner_out.at[c, pl.ds(r, 64)], isem0)
        return 0

    lax.fori_loop(0, 10, co, 0)

    def cow(k, _):
        r = s * 640 + k * 64
        pltpu.make_async_copy(acc.at[pl.ds(r, 64)],
                              inner_out.at[c, pl.ds(r, 64)], isem0).wait()
        return 0

    lax.fori_loop(0, 10, cow, 0)


_k3 = pl.kernel(
    _k3_body,
    out_type=jax.ShapeDtypeStruct((NC, ACC_R, H), jnp.float32),
    mesh=plsc.VectorSubcoreMesh(core_axis_name="c", subcore_axis_name="s"),
    scratch_types=[
        pltpu.VMEM_SHARED((ACC_R, H), jnp.float32),
        pltpu.VMEM((IR, B3), jnp.int32),
        pltpu.VMEM((IR, B3), jnp.int32),
        pltpu.VMEM((2, B3, H), jnp.float32),
        pltpu.SemaphoreType.DMA,
        pltpu.SemaphoreType.DMA,
        pltpu.SemaphoreType.DMA,
        pltpu.SemaphoreType.DMA,
        pltpu.SemaphoreType.DMA,
        pltpu.SemaphoreType.DMA,
        pltpu.SemaphoreType.DMA,
        pltpu.SemaphoreType.DMA,
    ],
)


def _k2_body(x_ref, d0_ref, d1_ref, dis_ref, z_ref):
    d = d0_ref[...] + d1_ref[...] + 1.0
    dis = lax.rsqrt(d)
    dis_ref[...] = dis
    z = dis * x_ref[...]
    z_ref[0] = z[:, :H]
    z_ref[1] = z[:, H:]


_k2 = pl.pallas_call(
    _k2_body,
    grid=(GRID,),
    in_specs=[
        pl.BlockSpec((RB, D), lambda j: (j, 0)),
        pl.BlockSpec((RB, 1), lambda j: (j, 0)),
        pl.BlockSpec((RB, 1), lambda j: (j, 0)),
    ],
    out_specs=[
        pl.BlockSpec((RB, 1), lambda j: (j, 0)),
        pl.BlockSpec((2, RB, H), lambda j: (0, j, 0)),
    ],
    out_shape=[
        jax.ShapeDtypeStruct((N, 1), jnp.float32),
        jax.ShapeDtypeStruct((2, N, H), jnp.float32),
    ],
)


def _k4_body(inner_ref, dis_ref, w_ref, b_ref, o_ref):
    dis = dis_ref[...]
    a0 = dis * inner_ref[0]
    a1 = dis * inner_ref[1]
    acc = lax.dot_general(a0, w_ref[:, :H], (((1,), (1,)), ((), ())),
                          preferred_element_type=jnp.float32)
    acc = acc + lax.dot_general(a1, w_ref[:, H:], (((1,), (1,)), ((), ())),
                                preferred_element_type=jnp.float32)
    o_ref[...] = jnp.maximum(acc + b_ref[...], 0.0)


_k4 = pl.pallas_call(
    _k4_body,
    grid=(GRID,),
    in_specs=[
        pl.BlockSpec((2, RB, H), lambda j: (0, j, 0)),
        pl.BlockSpec((RB, 1), lambda j: (j, 0)),
        pl.BlockSpec((D, D), lambda j: (0, 0)),
        pl.BlockSpec((1, D), lambda j: (0, 0)),
    ],
    out_specs=pl.BlockSpec((RB, D), lambda j: (j, 0)),
    out_shape=jax.ShapeDtypeStruct((N, D), jnp.float32),
)


def kernel(x, edge_index, W, b):
    row = edge_index[0].astype(jnp.int32)
    col = edge_index[1].astype(jnp.int32)
    ar = jnp.arange(EP - E, dtype=jnp.int32)
    row_p = jnp.concatenate([row, DUMMY + ar % 240])
    col_p = jnp.concatenate([col, (ar * 41) % N])
    row3 = row_p.reshape(NC * NS, NB1, 128)
    col3 = col_p.reshape(NC * NS, NB1, 128)

    degp, didx3, coln3 = _k1(row3, col3)
    d0 = degp[0, :N].reshape(N, 1)
    d1 = degp[1, :N].reshape(N, 1)

    dis, z = _k2(x, d0, d1)
    zf = z.reshape(2 * N, H)

    inner = _k3(col_p, coln3.reshape(EP), didx3.reshape(EP), zf)

    return _k4(inner, dis, W, b.reshape(1, D))

# --- scband reference (transcript-rebuilt; emitter-appended) ---
"""Pipeline reference for scband-gcnlayer-24120536334771 (READ-ONLY COPY).

The authoritative reference and input builder live on the scoring server;
editing this copy changes nothing except your own understanding.
"""

import jax, jax.numpy as jnp
import numpy as np

N_NODES = 10000
N_EDGES = 160000
D_IN = 256
D_OUT = 256


def setup_inputs(seed: int = 0) -> dict:
    key = jax.random.key(seed)
    k1, k2, k3, k4 = jax.random.split(key, 4)
    x = jax.random.normal(k1, (N_NODES, D_IN), dtype=jnp.float32)
    edge_index = jax.random.randint(k2, (2, N_EDGES), 0, N_NODES, dtype=jnp.int64)
    # Glorot-uniform linear weight [out_dim, in_dim] and zero bias (as in reset_parameters)
    limit = np.sqrt(6.0 / (D_IN + D_OUT))
    W = jax.random.uniform(k3, (D_OUT, D_IN), dtype=jnp.float32, minval=-limit, maxval=limit)
    b = jnp.zeros((D_OUT,), dtype=jnp.float32)
    return {"x": x, "edge_index": edge_index, "W": W, "b": b}


def _add_remaining_self_loops(edge_index, num_nodes):
    # PyG semantics: drop existing self loops, append one self loop per node
    row, col = edge_index[0], edge_index[1]
    keep = row != col
    loop = jnp.arange(num_nodes, dtype=edge_index.dtype)
    row = jnp.concatenate([row, loop])
    col = jnp.concatenate([col, loop])
    weight = jnp.concatenate([keep, jnp.ones((num_nodes,), dtype=bool)])
    return row, col, weight


def reference(x, edge_index, W, b):
    N = x.shape[0]
    row, col, weight = _add_remaining_self_loops(edge_index, N)
    w = weight.astype(x.dtype)
    # degree over source index `row` (count of occurrences among valid edges)
    deg = jax.ops.segment_sum(w, row, num_segments=N)
    deg_inv_sqrt = jnp.power(deg, -0.5)
    norm = deg_inv_sqrt[row] * deg_inv_sqrt[col] * w
    x_j = x[col]                                   # gather neighbor features
    x_j = norm[:, None] * x_j
    out = jax.ops.segment_sum(x_j, row, num_segments=N)  # scatter_add over dst
    out = out @ W.T + b                            # linear
    out = jax.nn.relu(out)                         # activation=True
    # norm='None', residual=False, dropout=False -> done
    return out

if __name__ == "__main__":
    import jax
    _d = setup_inputs()
    print(jax.jit(kernel)(*tuple(_d.values())))

</pallas_src>

<mosaic_0001>
#map = affine_map<(d0, d1) -> (0, 0, 0)>
#map1 = affine_map<(d0, d1) -> (0, 0)>
module attributes {stable_mosaic.version = 14 : i64} {
  func.func @_k1_body(%arg0: i32, %arg1: i32, %arg2: memref<32x40x128xi32, #tpu.memory_space<hbm>>, %arg3: memref<32x40x128xi32, #tpu.memory_space<hbm>>, %arg4: memref<2x10240xf32, #tpu.memory_space<hbm>>, %arg5: memref<32x40x128xi32, #tpu.memory_space<hbm>>, %arg6: memref<32x40x128xi32, #tpu.memory_space<hbm>>, %arg7: memref<10240xf32, #tpu.memory_space<vmem_shared>>, %arg8: memref<40x128xi32, #tpu.memory_space<vmem>>, %arg9: memref<40x128xi32, #tpu.memory_space<vmem>>, %arg10: memref<40x128xf32, #tpu.memory_space<vmem>>, %arg11: memref<640xf32, #tpu.memory_space<vmem>>, %arg12: memref<!tpu.dma_semaphore, #tpu.memory_space<semaphore_mem>>) attributes {dimension_semantics = [#tpu.dimension_semantics<core_parallel>, #tpu.dimension_semantics<subcore_parallel>], iteration_bounds = array<i64: 2, 16>, scalar_prefetch = 0 : i64, scratch_operands = 6 : i64, tpu.core_type = #tpu.core_type<sc_vector_subcore>, window_params = [{transform_indices = #map}, {transform_indices = #map}, {transform_indices = #map1}, {transform_indices = #map}, {transform_indices = #map}]} {
    %scan3A = arith.constant 0 : i32
    %scan3A_0 = arith.constant 0 : i32
    %scan3A_1 = arith.constant 40 : i32
    %scan3A_2 = arith.addi %scan3A_0, %scan3A_1 : i32
    %scan3A_3 = arith.constant 1 : i32
    %scan3A_4 = scf.for %scan3A_28 = %scan3A_0 to %scan3A_2 step %scan3A_3 iter_args(%scan3A_29 = %scan3A) -> (i32)  : i32 {
      %broadcast_in_dim3A = arith.constant 0.000000e+00 : f32
      %broadcast_in_dim3A_30 = vector.broadcast %broadcast_in_dim3A : f32 to vector<16xf32>
      %mul3A_31 = arith.constant 16 : i32
      %mul3A_32 = arith.muli %scan3A_28, %mul3A_31 : i32
      %swap3A = arith.index_cast %mul3A_32 : i32 to index
      %swap3A_33 = tpu.vector_load %arg11[%swap3A] {strides = array<i32>} : memref<640xf32, #tpu.memory_space<vmem>>, vector<16xf32>,
      %swap3A_34 = vector.shape_cast %swap3A_33 : vector<16xf32> to vector<16xf32>
      %swap3A_35 = vector.shape_cast %broadcast_in_dim3A_30 : vector<16xf32> to vector<16xf32>
      tpu.vector_store %arg11[%swap3A], %swap3A_35 {strides = array<i32>} : memref<640xf32, #tpu.memory_space<vmem>>, vector<16xf32>,
      %scan3A_36 = arith.constant 0 : i32
      scf.yield %scan3A_36 : i32
    }
    %scan3A_5 = arith.constant 40 : i32
    %mul3A = arith.constant 640 : i32
    %mul3A_6 = arith.muli %arg1, %mul3A : i32
    "tpu.region"() ({
      %run_scoped3A = tpu.sem_alloc : memref<!tpu.dma_semaphore, #tpu.memory_space<semaphore_mem>>
      %dma_start3A = tpu.memref_slice %arg7[%mul3A_6] : memref<10240xf32, #tpu.memory_space<vmem_shared>> -> memref<640xf32, #tpu.memory_space<vmem_shared>>
      %dma_start3A_28 = tpu.memref_slice %arg7[%mul3A_6] : memref<10240xf32, #tpu.memory_space<vmem_shared>> -> memref<640xf32, #tpu.memory_space<vmem_shared>>
      tpu.enqueue_dma source(%arg11 : memref<640xf32, #tpu.memory_space<vmem>>) target(%dma_start3A_28 : memref<640xf32, #tpu.memory_space<vmem_shared>>) target_semaphore(%run_scoped3A : memref<!tpu.dma_semaphore, #tpu.memory_space<semaphore_mem>>)
      %dma_wait3A = tpu.memref_slice %arg7[%mul3A_6] : memref<10240xf32, #tpu.memory_space<vmem_shared>> -> memref<640xf32, #tpu.memory_space<vmem_shared>>
      %dma_wait3A_29 = tpu.memref_slice %arg7[%mul3A_6] : memref<10240xf32, #tpu.memory_space<vmem_shared>> -> memref<640xf32, #tpu.memory_space<vmem_shared>>
      tpu.wait_dma2 semaphore(%run_scoped3A : memref<!tpu.dma_semaphore, #tpu.memory_space<semaphore_mem>>) src(%arg11 : memref<640xf32, #tpu.memory_space<vmem>>) dst(%dma_wait3A_29 : memref<640xf32, #tpu.memory_space<vmem_shared>>)
      tpu.yield
    }) : () -> ()
    %barrier3A = arith.constant 0 : index
    tpu.barrier barrier_id(%barrier3A)
    %mul3A_7 = arith.constant 16 : i32
    %mul3A_8 = arith.muli %arg0, %mul3A_7 : i32
    %add3A = arith.addi %mul3A_8, %arg1 : i32
    "tpu.region"() ({
      %run_scoped3A = tpu.sem_alloc : memref<!tpu.dma_semaphore, #tpu.memory_space<semaphore_mem>>
      %dma_start3A = arith.constant 0 : i32
      %dma_start3A_28 = arith.constant 0 : i32
      %dma_start3A_29 = tpu.memref_slice %arg2[%add3A, %dma_start3A, %dma_start3A_28] : memref<32x40x128xi32, #tpu.memory_space<hbm>> -> memref<1x40x128xi32, #tpu.memory_space<hbm>>
      %dma_start3A_30 = tpu.memref_squeeze %dma_start3A_29 : memref<1x40x128xi32, #tpu.memory_space<hbm>> -> memref<40x128xi32, #tpu.memory_space<hbm>>
      %dma_start3A_31 = arith.constant 0 : i32
      %dma_start3A_32 = arith.constant 0 : i32
      %dma_start3A_33 = tpu.memref_slice %arg2[%add3A, %dma_start3A_31, %dma_start3A_32] : memref<32x40x128xi32, #tpu.memory_space<hbm>> -> memref<1x40x128xi32, #tpu.memory_space<hbm>>
      %dma_start3A_34 = tpu.memref_squeeze %dma_start3A_33 : memref<1x40x128xi32, #tpu.memory_space<hbm>> -> memref<40x128xi32, #tpu.memory_space<hbm>>
      tpu.enqueue_dma source(%dma_start3A_34 : memref<40x128xi32, #tpu.memory_space<hbm>>) target(%arg8 : memref<40x128xi32, #tpu.memory_space<vmem>>) target_semaphore(%run_scoped3A : memref<!tpu.dma_semaphore, #tpu.memory_space<semaphore_mem>>)
      %dma_wait3A = arith.constant 0 : i32
      %dma_wait3A_35 = arith.constant 0 : i32
      %dma_wait3A_36 = tpu.memref_slice %arg2[%add3A, %dma_wait3A, %dma_wait3A_35] : memref<32x40x128xi32, #tpu.memory_space<hbm>> -> memref<1x40x128xi32, #tpu.memory_space<hbm>>
      %dma_wait3A_37 = tpu.memref_squeeze %dma_wait3A_36 : memref<1x40x128xi32, #tpu.memory_space<hbm>> -> memref<40x128xi32, #tpu.memory_space<hbm>>
      %dma_wait3A_38 = arith.constant 0 : i32
      %dma_wait3A_39 = arith.constant 0 : i32
      %dma_wait3A_40 = tpu.memref_slice %arg2[%add3A, %dma_wait3A_38, %dma_wait3A_39] : memref<32x40x128xi32, #tpu.memory_space<hbm>> -> memref<1x40x128xi32, #tpu.memory_space<hbm>>
      %dma_wait3A_41 = tpu.memref_squeeze %dma_wait3A_40 : memref<1x40x128xi32, #tpu.memory_space<hbm>> -> memref<40x128xi32, #tpu.memory_space<hbm>>
      tpu.wait_dma2 semaphore(%run_scoped3A : memref<!tpu.dma_semaphore, #tpu.memory_space<semaphore_mem>>) src(%dma_wait3A_41 : memref<40x128xi32, #tpu.memory_space<hbm>>) dst(%arg8 : memref<40x128xi32, #tpu.memory_space<vmem>>)
      tpu.yield
    }) : () -> ()
    "tpu.region"() ({
      %run_scoped3A = tpu.sem_alloc : memref<!tpu.dma_semaphore, #tpu.memory_space<semaphore_mem>>
      %dma_start3A = arith.constant 0 : i32
      %dma_start3A_28 = arith.constant 0 : i32
      %dma_start3A_29 = tpu.memref_slice %arg3[%add3A, %dma_start3A, %dma_start3A_28] : memref<32x40x128xi32, #tpu.memory_space<hbm>> -> memref<1x40x128xi32, #tpu.memory_space<hbm>>
      %dma_start3A_30 = tpu.memref_squeeze %dma_start3A_29 : memref<1x40x128xi32, #tpu.memory_space<hbm>> -> memref<40x128xi32, #tpu.memory_space<hbm>>
      %dma_start3A_31 = arith.constant 0 : i32
      %dma_start3A_32 = arith.constant 0 : i32
      %dma_start3A_33 = tpu.memref_slice %arg3[%add3A, %dma_start3A_31, %dma_start3A_32] : memref<32x40x128xi32, #tpu.memory_space<hbm>> -> memref<1x40x128xi32, #tpu.memory_space<hbm>>
      %dma_start3A_34 = tpu.memref_squeeze %dma_start3A_33 : memref<1x40x128xi32, #tpu.memory_space<hbm>> -> memref<40x128xi32, #tpu.memory_space<hbm>>
      tpu.enqueue_dma source(%dma_start3A_34 : memref<40x128xi32, #tpu.memory_space<hbm>>) target(%arg9 : memref<40x128xi32, #tpu.memory_space<vmem>>) target_semaphore(%run_scoped3A : memref<!tpu.dma_semaphore, #tpu.memory_space<semaphore_mem>>)
      %dma_wait3A = arith.constant 0 : i32
      %dma_wait3A_35 = arith.constant 0 : i32
      %dma_wait3A_36 = tpu.memref_slice %arg3[%add3A, %dma_wait3A, %dma_wait3A_35] : memref<32x40x128xi32, #tpu.memory_space<hbm>> -> memref<1x40x128xi32, #tpu.memory_space<hbm>>
      %dma_wait3A_37 = tpu.memref_squeeze %dma_wait3A_36 : memref<1x40x128xi32, #tpu.memory_space<hbm>> -> memref<40x128xi32, #tpu.memory_space<hbm>>
      %dma_wait3A_38 = arith.constant 0 : i32
      %dma_wait3A_39 = arith.constant 0 : i32
      %dma_wait3A_40 = tpu.memref_slice %arg3[%add3A, %dma_wait3A_38, %dma_wait3A_39] : memref<32x40x128xi32, #tpu.memory_space<hbm>> -> memref<1x40x128xi32, #tpu.memory_space<hbm>>
      %dma_wait3A_41 = tpu.memref_squeeze %dma_wait3A_40 : memref<1x40x128xi32, #tpu.memory_space<hbm>> -> memref<40x128xi32, #tpu.memory_space<hbm>>
      tpu.wait_dma2 semaphore(%run_scoped3A : memref<!tpu.dma_semaphore, #tpu.memory_space<semaphore_mem>>) src(%dma_wait3A_41 : memref<40x128xi32, #tpu.memory_space<hbm>>) dst(%arg9 : memref<40x128xi32, #tpu.memory_space<vmem>>)
      tpu.yield
    }) : () -> ()
    %scan3A_9 = arith.constant 0 : i32
    %scan3A_10 = arith.constant 0 : i32
    %scan3A_11 = arith.constant 40 : i32
    %scan3A_12 = arith.addi %scan3A_10, %scan3A_11 : i32
    %scan3A_13 = arith.constant 1 : i32
    %scan3A_14 = scf.for %scan3A_28 = %scan3A_10 to %scan3A_12 step %scan3A_13 iter_args(%scan3A_29 = %scan3A_9) -> (i32)  : i32 {
      %iota3A = tpu.iota {dimensions = array<i32: 0>} : vector<16xi32>
      %get3A = arith.index_cast %scan3A_28 : i32 to index
      %get3A_30 = arith.constant 0 : index
      %get3A_31 = tpu.vector_load %arg8[%get3A, %get3A_30] {strides = array<i32>} : memref<40x128xi32, #tpu.memory_space<vmem>>, vector<1x16xi32>,
      %get3A_32 = vector.shape_cast %get3A_31 : vector<1x16xi32> to vector<16xi32>
      %get3A_33 = arith.index_cast %scan3A_28 : i32 to index
      %get3A_34 = arith.constant 0 : index
      %get3A_35 = tpu.vector_load %arg9[%get3A_33, %get3A_34] {strides = array<i32>} : memref<40x128xi32, #tpu.memory_space<vmem>>, vector<1x16xi32>,
      %get3A_36 = vector.shape_cast %get3A_35 : vector<1x16xi32> to vector<16xi32>
      %ne3A = arith.cmpi ne, %get3A_32, %get3A_36 : vector<16xi32>
      %jit3A = arith.constant 1.000000e+00 : f32
      %jit3A_37 = arith.constant 0.000000e+00 : f32
      %broadcast_in_dim3A = vector.broadcast %jit3A : f32 to vector<16xf32>
      %broadcast_in_dim3A_38 = vector.broadcast %jit3A_37 : f32 to vector<16xf32>
      %select_n3A = arith.select %ne3A, %broadcast_in_dim3A, %broadcast_in_dim3A_38 : vector<16xi1>, vector<16xf32>
      %swap3A = arith.index_cast %scan3A_28 : i32 to index
      %swap3A_39 = arith.constant 0 : index
      %swap3A_40 = tpu.vector_load %arg10[%swap3A, %swap3A_39] {strides = array<i32>} : memref<40x128xf32, #tpu.memory_space<vmem>>, vector<1x16xf32>,
      %swap3A_41 = vector.shape_cast %swap3A_40 : vector<1x16xf32> to vector<16xf32>
      %swap3A_42 = vector.shape_cast %select_n3A : vector<16xf32> to vector<1x16xf32>
      tpu.vector_store %arg10[%swap3A, %swap3A_39], %swap3A_42 {strides = array<i32>} : memref<40x128xf32, #tpu.memory_space<vmem>>, vector<1x16xf32>,
      %mul3A_43 = arith.constant 8 : i32
      %mul3A_44 = arith.muli %scan3A_28, %mul3A_43 : i32
      %add3A_45 = arith.constant 0 : i32
      %add3A_46 = arith.addi %mul3A_44, %add3A_45 : i32
      %rem3A = arith.constant 15 : i32
      %rem3A_47 = arith.remsi %add3A_46, %rem3A : i32
      %mul3A_48 = arith.constant 16 : i32
      %mul3A_49 = arith.muli %rem3A_47, %mul3A_48 : i32
      %add3A_50 = arith.constant 10000 : i32
      %add3A_51 = arith.addi %add3A_50, %mul3A_49 : i32
      %add3A_52 = vector.broadcast %add3A_51 : i32 to vector<16xi32>
      %add3A_53 = arith.addi %add3A_52, %iota3A : vector<16xi32>
      %eq3A = arith.cmpi eq, %get3A_32, %get3A_36 : vector<16xi32>
      %select_n3A_54 = arith.select %eq3A, %add3A_53, %get3A_32 : vector<16xi1>, vector<16xi32>
      %swap3A_55 = arith.index_cast %scan3A_28 : i32 to index
      %swap3A_56 = arith.constant 0 : index
      %swap3A_57 = tpu.vector_load %arg8[%swap3A_55, %swap3A_56] {strides = array<i32>} : memref<40x128xi32, #tpu.memory_space<vmem>>, vector<1x16xi32>,
      %swap3A_58 = vector.shape_cast %swap3A_57 : vector<1x16xi32> to vector<16xi32>
      %swap3A_59 = vector.shape_cast %select_n3A_54 : vector<16xi32> to vector<1x16xi32>
      tpu.vector_store %arg8[%swap3A_55, %swap3A_56], %swap3A_59 {strides = array<i32>} : memref<40x128xi32, #tpu.memory_space<vmem>>, vector<1x16xi32>,
      %add3A_60 = arith.constant 10000 : i32
      %add3A_61 = vector.broadcast %add3A_60 : i32 to vector<16xi32>
      %add3A_62 = arith.addi %get3A_36, %add3A_61 : vector<16xi32>
      %swap3A_63 = arith.index_cast %scan3A_28 : i32 to index
      %swap3A_64 = arith.constant 0 : index
      %swap3A_65 = tpu.vector_load %arg9[%swap3A_63, %swap3A_64] {strides = array<i32>} : memref<40x128xi32, #tpu.memory_space<vmem>>, vector<1x16xi32>,
      %swap3A_66 = vector.shape_cast %swap3A_65 : vector<1x16xi32> to vector<16xi32>
      %swap3A_67 = vector.shape_cast %add3A_62 : vector<16xi32> to vector<1x16xi32>
      tpu.vector_store %arg9[%swap3A_63, %swap3A_64], %swap3A_67 {strides = array<i32>} : memref<40x128xi32, #tpu.memory_space<vmem>>, vector<1x16xi32>,
      %get3A_68 = arith.index_cast %scan3A_28 : i32 to index
      %get3A_69 = arith.constant 16 : index
      %get3A_70 = tpu.vector_load %arg8[%get3A_68, %get3A_69] {strides = array<i32>} : memref<40x128xi32, #tpu.memory_space<vmem>>, vector<1x16xi32>,
      %get3A_71 = vector.shape_cast %get3A_70 : vector<1x16xi32> to vector<16xi32>
      %get3A_72 = arith.index_cast %scan3A_28 : i32 to index
      %get3A_73 = arith.constant 16 : index
      %get3A_74 = tpu.vector_load %arg9[%get3A_72, %get3A_73] {strides = array<i32>} : memref<40x128xi32, #tpu.memory_space<vmem>>, vector<1x16xi32>,
      %get3A_75 = vector.shape_cast %get3A_74 : vector<1x16xi32> to vector<16xi32>
      %ne3A_76 = arith.cmpi ne, %get3A_71, %get3A_75 : vector<16xi32>
      %jit3A_77 = arith.constant 1.000000e+00 : f32
      %jit3A_78 = arith.constant 0.000000e+00 : f32
      %broadcast_in_dim3A_79 = vector.broadcast %jit3A_77 : f32 to vector<16xf32>
      %broadcast_in_dim3A_80 = vector.broadcast %jit3A_78 : f32 to vector<16xf32>
      %select_n3A_81 = arith.select %ne3A_76, %broadcast_in_dim3A_79, %broadcast_in_dim3A_80 : vector<16xi1>, vector<16xf32>
      %swap3A_82 = arith.index_cast %scan3A_28 : i32 to index
      %swap3A_83 = arith.constant 16 : index
      %swap3A_84 = tpu.vector_load %arg10[%swap3A_82, %swap3A_83] {strides = array<i32>} : memref<40x128xf32, #tpu.memory_space<vmem>>, vector<1x16xf32>,
      %swap3A_85 = vector.shape_cast %swap3A_84 : vector<1x16xf32> to vector<16xf32>
      %swap3A_86 = vector.shape_cast %select_n3A_81 : vector<16xf32> to vector<1x16xf32>
      tpu.vector_store %arg10[%swap3A_82, %swap3A_83], %swap3A_86 {strides = array<i32>} : memref<40x128xf32, #tpu.memory_space<vmem>>, vector<1x16xf32>,
      %mul3A_87 = arith.constant 8 : i32
      %mul3A_88 = arith.muli %scan3A_28, %mul3A_87 : i32
      %add3A_89 = arith.constant 1 : i32
      %add3A_90 = arith.addi %mul3A_88, %add3A_89 : i32
      %rem3A_91 = arith.constant 15 : i32
      %rem3A_92 = arith.remsi %add3A_90, %rem3A_91 : i32
      %mul3A_93 = arith.constant 16 : i32
      %mul3A_94 = arith.muli %rem3A_92, %mul3A_93 : i32
      %add3A_95 = arith.constant 10000 : i32
      %add3A_96 = arith.addi %add3A_95, %mul3A_94 : i32
      %add3A_97 = vector.broadcast %add3A_96 : i32 to vector<16xi32>
      %add3A_98 = arith.addi %add3A_97, %iota3A : vector<16xi32>
      %eq3A_99 = arith.cmpi eq, %get3A_71, %get3A_75 : vector<16xi32>
      %select_n3A_100 = arith.select %eq3A_99, %add3A_98, %get3A_71 : vector<16xi1>, vector<16xi32>
      %swap3A_101 = arith.index_cast %scan3A_28 : i32 to index
      %swap3A_102 = arith.constant 16 : index
      %swap3A_103 = tpu.vector_load %arg8[%swap3A_101, %swap3A_102] {strides = array<i32>} : memref<40x128xi32, #tpu.memory_space<vmem>>, vector<1x16xi32>,
      %swap3A_104 = vector.shape_cast %swap3A_103 : vector<1x16xi32> to vector<16xi32>
      %swap3A_105 = vector.shape_cast %select_n3A_100 : vector<16xi32> to vector<1x16xi32>
      tpu.vector_store %arg8[%swap3A_101, %swap3A_102], %swap3A_105 {strides = array<i32>} : memref<40x128xi32, #tpu.memory_space<vmem>>, vector<1x16xi32>,
      %add3A_106 = arith.constant 10000 : i32
      %add3A_107 = vector.broadcast %add3A_106 : i32 to vector<16xi32>
      %add3A_108 = arith.addi %get3A_75, %add3A_107 : vector<16xi32>
      %swap3A_109 = arith.index_cast %scan3A_28 : i32 to index
      %swap3A_110 = arith.constant 16 : index
      %swap3A_111 = tpu.vector_load %arg9[%swap3A_109, %swap3A_110] {strides = array<i32>} : memref<40x128xi32, #tpu.memory_space<vmem>>, vector<1x16xi32>,
      %swap3A_112 = vector.shape_cast %swap3A_111 : vector<1x16xi32> to vector<16xi32>
      %swap3A_113 = vector.shape_cast %add3A_108 : vector<16xi32> to vector<1x16xi32>
      tpu.vector_store %arg9[%swap3A_109, %swap3A_110], %swap3A_113 {strides = array<i32>} : memref<40x128xi32, #tpu.memory_space<vmem>>, vector<1x16xi32>,
      %get3A_114 = arith.index_cast %scan3A_28 : i32 to index
      %get3A_115 = arith.constant 32 : index
      %get3A_116 = tpu.vector_load %arg8[%get3A_114, %get3A_115] {strides = array<i32>} : memref<40x128xi32, #tpu.memory_space<vmem>>, vector<1x16xi32>,
      %get3A_117 = vector.shape_cast %get3A_116 : vector<1x16xi32> to vector<16xi32>
      %get3A_118 = arith.index_cast %scan3A_28 : i32 to index
      %get3A_119 = arith.constant 32 : index
      %get3A_120 = tpu.vector_load %arg9[%get3A_118, %get3A_119] {strides = array<i32>} : memref<40x128xi32, #tpu.memory_space<vmem>>, vector<1x16xi32>,
      %get3A_121 = vector.shape_cast %get3A_120 : vector<1x16xi32> to vector<16xi32>
      %ne3A_122 = arith.cmpi ne, %get3A_117, %get3A_121 : vector<16xi32>
      %jit3A_123 = arith.constant 1.000000e+00 : f32
      %jit3A_124 = arith.constant 0.000000e+00 : f32
      %broadcast_in_dim3A_125 = vector.broadcast %jit3A_123 : f32 to vector<16xf32>
      %broadcast_in_dim3A_126 = vector.broadcast %jit3A_124 : f32 to vector<16xf32>
      %select_n3A_127 = arith.select %ne3A_122, %broadcast_in_dim3A_125, %broadcast_in_dim3A_126 : vector<16xi1>, vector<16xf32>
      %swap3A_128 = arith.index_cast %scan3A_28 : i32 to index
      %swap3A_129 = arith.constant 32 : index
      %swap3A_130 = tpu.vector_load %arg10[%swap3A_128, %swap3A_129] {strides = array<i32>} : memref<40x128xf32, #tpu.memory_space<vmem>>, vector<1x16xf32>,
      %swap3A_131 = vector.shape_cast %swap3A_130 : vector<1x16xf32> to vector<16xf32>
      %swap3A_132 = vector.shape_cast %select_n3A_127 : vector<16xf32> to vector<1x16xf32>
      tpu.vector_store %arg10[%swap3A_128, %swap3A_129], %swap3A_132 {strides = array<i32>} : memref<40x128xf32, #tpu.memory_space<vmem>>, vector<1x16xf32>,
      %mul3A_133 = arith.constant 8 : i32
      %mul3A_134 = arith.muli %scan3A_28, %mul3A_133 : i32
      %add3A_135 = arith.constant 2 : i32
      %add3A_136 = arith.addi %mul3A_134, %add3A_135 : i32
      %rem3A_137 = arith.constant 15 : i32
      %rem3A_138 = arith.remsi %add3A_136, %rem3A_137 : i32
      %mul3A_139 = arith.constant 16 : i32
      %mul3A_140 = arith.muli %rem3A_138, %mul3A_139 : i32
      %add3A_141 = arith.constant 10000 : i32
      %add3A_142 = arith.addi %add3A_141, %mul3A_140 : i32
      %add3A_143 = vector.broadcast %add3A_142 : i32 to vector<16xi32>
      %add3A_144 = arith.addi %add3A_143, %iota3A : vector<16xi32>
      %eq3A_145 = arith.cmpi eq, %get3A_117, %get3A_121 : vector<16xi32>
      %select_n3A_146 = arith.select %eq3A_145, %add3A_144, %get3A_117 : vector<16xi1>, vector<16xi32>
      %swap3A_147 = arith.index_cast %scan3A_28 : i32 to index
      %swap3A_148 = arith.constant 32 : index
      %swap3A_149 = tpu.vector_load %arg8[%swap3A_147, %swap3A_148] {strides = array<i32>} : memref<40x128xi32, #tpu.memory_space<vmem>>, vector<1x16xi32>,
      %swap3A_150 = vector.shape_cast %swap3A_149 : vector<1x16xi32> to vector<16xi32>
      %swap3A_151 = vector.shape_cast %select_n3A_146 : vector<16xi32> to vector<1x16xi32>
      tpu.vector_store %arg8[%swap3A_147, %swap3A_148], %swap3A_151 {strides = array<i32>} : memref<40x128xi32, #tpu.memory_space<vmem>>, vector<1x16xi32>,
      %add3A_152 = arith.constant 10000 : i32
      %add3A_153 = vector.broadcast %add3A_152 : i32 to vector<16xi32>
      %add3A_154 = arith.addi %get3A_121, %add3A_153 : vector<16xi32>
      %swap3A_155 = arith.index_cast %scan3A_28 : i32 to index
      %swap3A_156 = arith.constant 32 : index
      %swap3A_157 = tpu.vector_load %arg9[%swap3A_155, %swap3A_156] {strides = array<i32>} : memref<40x128xi32, #tpu.memory_space<vmem>>, vector<1x16xi32>,
      %swap3A_158 = vector.shape_cast %swap3A_157 : vector<1x16xi32> to vector<16xi32>
      %swap3A_159 = vector.shape_cast %add3A_154 : vector<16xi32> to vector<1x16xi32>
      tpu.vector_store %arg9[%swap3A_155, %swap3A_156], %swap3A_159 {strides = array<i32>} : memref<40x128xi32, #tpu.memory_space<vmem>>, vector<1x16xi32>,
      %get3A_160 = arith.index_cast %scan3A_28 : i32 to index
      %get3A_161 = arith.constant 48 : index
      %get3A_162 = tpu.vector_load %arg8[%get3A_160, %get3A_161] {strides = array<i32>} : memref<40x128xi32, #tpu.memory_space<vmem>>, vector<1x16xi32>,
      %get3A_163 = vector.shape_cast %get3A_162 : vector<1x16xi32> to vector<16xi32>
      %get3A_164 = arith.index_cast %scan3A_28 : i32 to index
      %get3A_165 = arith.constant 48 : index
      %get3A_166 = tpu.vector_load %arg9[%get3A_164, %get3A_165] {strides = array<i32>} : memref<40x128xi32, #tpu.memory_space<vmem>>, vector<1x16xi32>,
      %get3A_167 = vector.shape_cast %get3A_166 : vector<1x16xi32> to vector<16xi32>
      %ne3A_168 = arith.cmpi ne, %get3A_163, %get3A_167 : vector<16xi32>
      %jit3A_169 = arith.constant 1.000000e+00 : f32
      %jit3A_170 = arith.constant 0.000000e+00 : f32
      %broadcast_in_dim3A_171 = vector.broadcast %jit3A_169 : f32 to vector<16xf32>
      %broadcast_in_dim3A_172 = vector.broadcast %jit3A_170 : f32 to vector<16xf32>
      %select_n3A_173 = arith.select %ne3A_168, %broadcast_in_dim3A_171, %broadcast_in_dim3A_172 : vector<16xi1>, vector<16xf32>
      %swap3A_174 = arith.index_cast %scan3A_28 : i32 to index
      %swap3A_175 = arith.constant 48 : index
      %swap3A_176 = tpu.vector_load %arg10[%swap3A_174, %swap3A_175] {strides = array<i32>} : memref<40x128xf32, #tpu.memory_space<vmem>>, vector<1x16xf32>,
      %swap3A_177 = vector.shape_cast %swap3A_176 : vector<1x16xf32> to vector<16xf32>
      %swap3A_178 = vector.shape_cast %select_n3A_173 : vector<16xf32> to vector<1x16xf32>
      tpu.vector_store %arg10[%swap3A_174, %swap3A_175], %swap3A_178 {strides = array<i32>} : memref<40x128xf32, #tpu.memory_space<vmem>>, vector<1x16xf32>,
      %mul3A_179 = arith.constant 8 : i32
      %mul3A_180 = arith.muli %scan3A_28, %mul3A_179 : i32
      %add3A_181 = arith.constant 3 : i32
      %add3A_182 = arith.addi %mul3A_180, %add3A_181 : i32
      %rem3A_183 = arith.constant 15 : i32
      %rem3A_184 = arith.remsi %add3A_182, %rem3A_183 : i32
      %mul3A_185 = arith.constant 16 : i32
      %mul3A_186 = arith.muli %rem3A_184, %mul3A_185 : i32
      %add3A_187 = arith.constant 10000 : i32
      %add3A_188 = arith.addi %add3A_187, %mul3A_186 : i32
      %add3A_189 = vector.broadcast %add3A_188 : i32 to vector<16xi32>
      %add3A_190 = arith.addi %add3A_189, %iota3A : vector<16xi32>
      %eq3A_191 = arith.cmpi eq, %get3A_163, %get3A_167 : vector<16xi32>
      %select_n3A_192 = arith.select %eq3A_191, %add3A_190, %get3A_163 : vector<16xi1>, vector<16xi32>
      %swap3A_193 = arith.index_cast %scan3A_28 : i32 to index
      %swap3A_194 = arith.constant 48 : index
      %swap3A_195 = tpu.vector_load %arg8[%swap3A_193, %swap3A_194] {strides = array<i32>} : memref<40x128xi32, #tpu.memory_space<vmem>>, vector<1x16xi32>,
      %swap3A_196 = vector.shape_cast %swap3A_195 : vector<1x16xi32> to vector<16xi32>
      %swap3A_197 = vector.shape_cast %select_n3A_192 : vector<16xi32> to vector<1x16xi32>
      tpu.vector_store %arg8[%swap3A_193, %swap3A_194], %swap3A_197 {strides = array<i32>} : memref<40x128xi32, #tpu.memory_space<vmem>>, vector<1x16xi32>,
      %add3A_198 = arith.constant 10000 : i32
      %add3A_199 = vector.broadcast %add3A_198 : i32 to vector<16xi32>
      %add3A_200 = arith.addi %get3A_167, %add3A_199 : vector<16xi32>
      %swap3A_201 = arith.index_cast %scan3A_28 : i32 to index
      %swap3A_202 = arith.constant 48 : index
      %swap3A_203 = tpu.vector_load %arg9[%swap3A_201, %swap3A_202] {strides = array<i32>} : memref<40x128xi32, #tpu.memory_space<vmem>>, vector<1x16xi32>,
      %swap3A_204 = vector.shape_cast %swap3A_203 : vector<1x16xi32> to vector<16xi32>
      %swap3A_205 = vector.shape_cast %add3A_200 : vector<16xi32> to vector<1x16xi32>
      tpu.vector_store %arg9[%swap3A_201, %swap3A_202], %swap3A_205 {strides = array<i32>} : memref<40x128xi32, #tpu.memory_space<vmem>>, vector<1x16xi32>,
      %get3A_206 = arith.index_cast %scan3A_28 : i32 to index
      %get3A_207 = arith.constant 64 : index
      %get3A_208 = tpu.vector_load %arg8[%get3A_206, %get3A_207] {strides = array<i32>} : memref<40x128xi32, #tpu.memory_space<vmem>>, vector<1x16xi32>,
      %get3A_209 = vector.shape_cast %get3A_208 : vector<1x16xi32> to vector<16xi32>
      %get3A_210 = arith.index_cast %scan3A_28 : i32 to index
      %get3A_211 = arith.constant 64 : index
      %get3A_212 = tpu.vector_load %arg9[%get3A_210, %get3A_211] {strides = array<i32>} : memref<40x128xi32, #tpu.memory_space<vmem>>, vector<1x16xi32>,
      %get3A_213 = vector.shape_cast %get3A_212 : vector<1x16xi32> to vector<16xi32>
      %ne3A_214 = arith.cmpi ne, %get3A_209, %get3A_213 : vector<16xi32>
      %jit3A_215 = arith.constant 1.000000e+00 : f32
      %jit3A_216 = arith.constant 0.000000e+00 : f32
      %broadcast_in_dim3A_217 = vector.broadcast %jit3A_215 : f32 to vector<16xf32>
      %broadcast_in_dim3A_218 = vector.broadcast %jit3A_216 : f32 to vector<16xf32>
      %select_n3A_219 = arith.select %ne3A_214, %broadcast_in_dim3A_217, %broadcast_in_dim3A_218 : vector<16xi1>, vector<16xf32>
      %swap3A_220 = arith.index_cast %scan3A_28 : i32 to index
      %swap3A_221 = arith.constant 64 : index
      %swap3A_222 = tpu.vector_load %arg10[%swap3A_220, %swap3A_221] {strides = array<i32>} : memref<40x128xf32, #tpu.memory_space<vmem>>, vector<1x16xf32>,
      %swap3A_223 = vector.shape_cast %swap3A_222 : vector<1x16xf32> to vector<16xf32>
      %swap3A_224 = vector.shape_cast %select_n3A_219 : vector<16xf32> to vector<1x16xf32>
      tpu.vector_store %arg10[%swap3A_220, %swap3A_221], %swap3A_224 {strides = array<i32>} : memref<40x128xf32, #tpu.memory_space<vmem>>, vector<1x16xf32>,
      %mul3A_225 = arith.constant 8 : i32
      %mul3A_226 = arith.muli %scan3A_28, %mul3A_225 : i32
      %add3A_227 = arith.constant 4 : i32
      %add3A_228 = arith.addi %mul3A_226, %add3A_227 : i32
      %rem3A_229 = arith.constant 15 : i32
      %rem3A_230 = arith.remsi %add3A_228, %rem3A_229 : i32
      %mul3A_231 = arith.constant 16 : i32
      %mul3A_232 = arith.muli %rem3A_230, %mul3A_231 : i32
      %add3A_233 = arith.constant 10000 : i32
      %add3A_234 = arith.addi %add3A_233, %mul3A_232 : i32
      %add3A_235 = vector.broadcast %add3A_234 : i32 to vector<16xi32>
      %add3A_236 = arith.addi %add3A_235, %iota3A : vector<16xi32>
      %eq3A_237 = arith.cmpi eq, %get3A_209, %get3A_213 : vector<16xi32>
      %select_n3A_238 = arith.select %eq3A_237, %add3A_236, %get3A_209 : vector<16xi1>, vector<16xi32>
      %swap3A_239 = arith.index_cast %scan3A_28 : i32 to index
      %swap3A_240 = arith.constant 64 : index
      %swap3A_241 = tpu.vector_load %arg8[%swap3A_239, %swap3A_240] {strides = array<i32>} : memref<40x128xi32, #tpu.memory_space<vmem>>, vector<1x16xi32>,
      %swap3A_242 = vector.shape_cast %swap3A_241 : vector<1x16xi32> to vector<16xi32>
      %swap3A_243 = vector.shape_cast %select_n3A_238 : vector<16xi32> to vector<1x16xi32>
      tpu.vector_store %arg8[%swap3A_239, %swap3A_240], %swap3A_243 {strides = array<i32>} : memref<40x128xi32, #tpu.memory_space<vmem>>, vector<1x16xi32>,
      %add3A_244 = arith.constant 10000 : i32
      %add3A_245 = vector.broadcast %add3A_244 : i32 to vector<16xi32>
      %add3A_246 = arith.addi %get3A_213, %add3A_245 : vector<16xi32>
      %swap3A_247 = arith.index_cast %scan3A_28 : i32 to index
      %swap3A_248 = arith.constant 64 : index
      %swap3A_249 = tpu.vector_load %arg9[%swap3A_247, %swap3A_248] {strides = array<i32>} : memref<40x128xi32, #tpu.memory_space<vmem>>, vector<1x16xi32>,
      %swap3A_250 = vector.shape_cast %swap3A_249 : vector<1x16xi32> to vector<16xi32>
      %swap3A_251 = vector.shape_cast %add3A_246 : vector<16xi32> to vector<1x16xi32>
      tpu.vector_store %arg9[%swap3A_247, %swap3A_248], %swap3A_251 {strides = array<i32>} : memref<40x128xi32, #tpu.memory_space<vmem>>, vector<1x16xi32>,
      %get3A_252 = arith.index_cast %scan3A_28 : i32 to index
      %get3A_253 = arith.constant 80 : index
      %get3A_254 = tpu.vector_load %arg8[%get3A_252, %get3A_253] {strides = array<i32>} : memref<40x128xi32, #tpu.memory_space<vmem>>, vector<1x16xi32>,
      %get3A_255 = vector.shape_cast %get3A_254 : vector<1x16xi32> to vector<16xi32>
      %get3A_256 = arith.index_cast %scan3A_28 : i32 to index
      %get3A_257 = arith.constant 80 : index
      %get3A_258 = tpu.vector_load %arg9[%get3A_256, %get3A_257] {strides = array<i32>} : memref<40x128xi32, #tpu.memory_space<vmem>>, vector<1x16xi32>,
      %get3A_259 = vector.shape_cast %get3A_258 : vector<1x16xi32> to vector<16xi32>
      %ne3A_260 = arith.cmpi ne, %get3A_255, %get3A_259 : vector<16xi32>
      %jit3A_261 = arith.constant 1.000000e+00 : f32
      %jit3A_262 = arith.constant 0.000000e+00 : f32
      %broadcast_in_dim3A_263 = vector.broadcast %jit3A_261 : f32 to vector<16xf32>
      %broadcast_in_dim3A_264 = vector.broadcast %jit3A_262 : f32 to vector<16xf32>
      %select_n3A_265 = arith.select %ne3A_260, %broadcast_in_dim3A_263, %broadcast_in_dim3A_264 : vector<16xi1>, vector<16xf32>
      %swap3A_266 = arith.index_cast %scan3A_28 : i32 to index
      %swap3A_267 = arith.constant 80 : index
      %swap3A_268 = tpu.vector_load %arg10[%swap3A_266, %swap3A_267] {strides = array<i32>} : memref<40x128xf32, #tpu.memory_space<vmem>>, vector<1x16xf32>,
      %swap3A_269 = vector.shape_cast %swap3A_268 : vector<1x16xf32> to vector<16xf32>
      %swap3A_270 = vector.shape_cast %select_n3A_265 : vector<16xf32> to vector<1x16xf32>
      tpu.vector_store %arg10[%swap3A_266, %swap3A_267], %swap3A_270 {strides = array<i32>} : memref<40x128xf32, #tpu.memory_space<vmem>>, vector<1x16xf32>,
      %mul3A_271 = arith.constant 8 : i32
      %mul3A_272 = arith.muli %scan3A_28, %mul3A_271 : i32
      %add3A_273 = arith.constant 5 : i32
      %add3A_274 = arith.addi %mul3A_272, %add3A_273 : i32
      %rem3A_275 = arith.constant 15 : i32
      %rem3A_276 = arith.remsi %add3A_274, %rem3A_275 : i32
      %mul3A_277 = arith.constant 16 : i32
      %mul3A_278 = arith.muli %rem3A_276, %mul3A_277 : i32
      %add3A_279 = arith.constant 10000 : i32
      %add3A_280 = arith.addi %add3A_279, %mul3A_278 : i32
      %add3A_281 = vector.broadcast %add3A_280 : i32 to vector<16xi32>
      %add3A_282 = arith.addi %add3A_281, %iota3A : vector<16xi32>
      %eq3A_283 = arith.cmpi eq, %get3A_255, %get3A_259 : vector<16xi32>
      %select_n3A_284 = arith.select %eq3A_283, %add3A_282, %get3A_255 : vector<16xi1>, vector<16xi32>
      %swap3A_285 = arith.index_cast %scan3A_28 : i32 to index
      %swap3A_286 = arith.constant 80 : index
      %swap3A_287 = tpu.vector_load %arg8[%swap3A_285, %swap3A_286] {strides = array<i32>} : memref<40x128xi32, #tpu.memory_space<vmem>>, vector<1x16xi32>,
      %swap3A_288 = vector.shape_cast %swap3A_287 : vector<1x16xi32> to vector<16xi32>
      %swap3A_289 = vector.shape_cast %select_n3A_284 : vector<16xi32> to vector<1x16xi32>
      tpu.vector_store %arg8[%swap3A_285, %swap3A_286], %swap3A_289 {strides = array<i32>} : memref<40x128xi32, #tpu.memory_space<vmem>>, vector<1x16xi32>,
      %add3A_290 = arith.constant 10000 : i32
      %add3A_291 = vector.broadcast %add3A_290 : i32 to vector<16xi32>
      %add3A_292 = arith.addi %get3A_259, %add3A_291 : vector<16xi32>
      %swap3A_293 = arith.index_cast %scan3A_28 : i32 to index
      %swap3A_294 = arith.constant 80 : index
      %swap3A_295 = tpu.vector_load %arg9[%swap3A_293, %swap3A_294] {strides = array<i32>} : memref<40x128xi32, #tpu.memory_space<vmem>>, vector<1x16xi32>,
      %swap3A_296 = vector.shape_cast %swap3A_295 : vector<1x16xi32> to vector<16xi32>
      %swap3A_297 = vector.shape_cast %add3A_292 : vector<16xi32> to vector<1x16xi32>
      tpu.vector_store %arg9[%swap3A_293, %swap3A_294], %swap3A_297 {strides = array<i32>} : memref<40x128xi32, #tpu.memory_space<vmem>>, vector<1x16xi32>,
      %get3A_298 = arith.index_cast %scan3A_28 : i32 to index
      %get3A_299 = arith.constant 96 : index
      %get3A_300 = tpu.vector_load %arg8[%get3A_298, %get3A_299] {strides = array<i32>} : memref<40x128xi32, #tpu.memory_space<vmem>>, vector<1x16xi32>,
      %get3A_301 = vector.shape_cast %get3A_300 : vector<1x16xi32> to vector<16xi32>
      %get3A_302 = arith.index_cast %scan3A_28 : i32 to index
      %get3A_303 = arith.constant 96 : index
      %get3A_304 = tpu.vector_load %arg9[%get3A_302, %get3A_303] {strides = array<i32>} : memref<40x128xi32, #tpu.memory_space<vmem>>, vector<1x16xi32>,
      %get3A_305 = vector.shape_cast %get3A_304 : vector<1x16xi32> to vector<16xi32>
      %ne3A_306 = arith.cmpi ne, %get3A_301, %get3A_305 : vector<16xi32>
      %jit3A_307 = arith.constant 1.000000e+00 : f32
      %jit3A_308 = arith.constant 0.000000e+00 : f32
      %broadcast_in_dim3A_309 = vector.broadcast %jit3A_307 : f32 to vector<16xf32>
      %broadcast_in_dim3A_310 = vector.broadcast %jit3A_308 : f32 to vector<16xf32>
      %select_n3A_311 = arith.select %ne3A_306, %broadcast_in_dim3A_309, %broadcast_in_dim3A_310 : vector<16xi1>, vector<16xf32>
      %swap3A_312 = arith.index_cast %scan3A_28 : i32 to index
      %swap3A_313 = arith.constant 96 : index
      %swap3A_314 = tpu.vector_load %arg10[%swap3A_312, %swap3A_313] {strides = array<i32>} : memref<40x128xf32, #tpu.memory_space<vmem>>, vector<1x16xf32>,
      %swap3A_315 = vector.shape_cast %swap3A_314 : vector<1x16xf32> to vector<16xf32>
      %swap3A_316 = vector.shape_cast %select_n3A_311 : vector<16xf32> to vector<1x16xf32>
      tpu.vector_store %arg10[%swap3A_312, %swap3A_313], %swap3A_316 {strides = array<i32>} : memref<40x128xf32, #tpu.memory_space<vmem>>, vector<1x16xf32>,
      %mul3A_317 = arith.constant 8 : i32
      %mul3A_318 = arith.muli %scan3A_28, %mul3A_317 : i32
      %add3A_319 = arith.constant 6 : i32
      %add3A_320 = arith.addi %mul3A_318, %add3A_319 : i32
      %rem3A_321 = arith.constant 15 : i32
      %rem3A_322 = arith.remsi %add3A_320, %rem3A_321 : i32
      %mul3A_323 = arith.constant 16 : i32
      %mul3A_324 = arith.muli %rem3A_322, %mul3A_323 : i32
      %add3A_325 = arith.constant 10000 : i32
      %add3A_326 = arith.addi %add3A_325, %mul3A_324 : i32
      %add3A_327 = vector.broadcast %add3A_326 : i32 to vector<16xi32>
      %add3A_328 = arith.addi %add3A_327, %iota3A : vector<16xi32>
      %eq3A_329 = arith.cmpi eq, %get3A_301, %get3A_305 : vector<16xi32>
      %select_n3A_330 = arith.select %eq3A_329, %add3A_328, %get3A_301 : vector<16xi1>, vector<16xi32>
      %swap3A_331 = arith.index_cast %scan3A_28 : i32 to index
      %swap3A_332 = arith.constant 96 : index
      %swap3A_333 = tpu.vector_load %arg8[%swap3A_331, %swap3A_332] {strides = array<i32>} : memref<40x128xi32, #tpu.memory_space<vmem>>, vector<1x16xi32>,
      %swap3A_334 = vector.shape_cast %swap3A_333 : vector<1x16xi32> to vector<16xi32>
      %swap3A_335 = vector.shape_cast %select_n3A_330 : vector<16xi32> to vector<1x16xi32>
      tpu.vector_store %arg8[%swap3A_331, %swap3A_332], %swap3A_335 {strides = array<i32>} : memref<40x128xi32, #tpu.memory_space<vmem>>, vector<1x16xi32>,
      %add3A_336 = arith.constant 10000 : i32
      %add3A_337 = vector.broadcast %add3A_336 : i32 to vector<16xi32>
      %add3A_338 = arith.addi %get3A_305, %add3A_337 : vector<16xi32>
      %swap3A_339 = arith.index_cast %scan3A_28 : i32 to index
      %swap3A_340 = arith.constant 96 : index
      %swap3A_341 = tpu.vector_load %arg9[%swap3A_339, %swap3A_340] {strides = array<i32>} : memref<40x128xi32, #tpu.memory_space<vmem>>, vector<1x16xi32>,
      %swap3A_342 = vector.shape_cast %swap3A_341 : vector<1x16xi32> to vector<16xi32>
      %swap3A_343 = vector.shape_cast %add3A_338 : vector<16xi32> to vector<1x16xi32>
      tpu.vector_store %arg9[%swap3A_339, %swap3A_340], %swap3A_343 {strides = array<i32>} : memref<40x128xi32, #tpu.memory_space<vmem>>, vector<1x16xi32>,
      %get3A_344 = arith.index_cast %scan3A_28 : i32 to index
      %get3A_345 = arith.constant 112 : index
      %get3A_346 = tpu.vector_load %arg8[%get3A_344, %get3A_345] {strides = array<i32>} : memref<40x128xi32, #tpu.memory_space<vmem>>, vector<1x16xi32>,
      %get3A_347 = vector.shape_cast %get3A_346 : vector<1x16xi32> to vector<16xi32>
      %get3A_348 = arith.index_cast %scan3A_28 : i32 to index
      %get3A_349 = arith.constant 112 : index
      %get3A_350 = tpu.vector_load %arg9[%get3A_348, %get3A_349] {strides = array<i32>} : memref<40x128xi32, #tpu.memory_space<vmem>>, vector<1x16xi32>,
      %get3A_351 = vector.shape_cast %get3A_350 : vector<1x16xi32> to vector<16xi32>
      %ne3A_352 = arith.cmpi ne, %get3A_347, %get3A_351 : vector<16xi32>
      %jit3A_353 = arith.constant 1.000000e+00 : f32
      %jit3A_354 = arith.constant 0.000000e+00 : f32
      %broadcast_in_dim3A_355 = vector.broadcast %jit3A_353 : f32 to vector<16xf32>
      %broadcast_in_dim3A_356 = vector.broadcast %jit3A_354 : f32 to vector<16xf32>
      %select_n3A_357 = arith.select %ne3A_352, %broadcast_in_dim3A_355, %broadcast_in_dim3A_356 : vector<16xi1>, vector<16xf32>
      %swap3A_358 = arith.index_cast %scan3A_28 : i32 to index
      %swap3A_359 = arith.constant 112 : index
      %swap3A_360 = tpu.vector_load %arg10[%swap3A_358, %swap3A_359] {strides = array<i32>} : memref<40x128xf32, #tpu.memory_space<vmem>>, vector<1x16xf32>,
      %swap3A_361 = vector.shape_cast %swap3A_360 : vector<1x16xf32> to vector<16xf32>
      %swap3A_362 = vector.shape_cast %select_n3A_357 : vector<16xf32> to vector<1x16xf32>
      tpu.vector_store %arg10[%swap3A_358, %swap3A_359], %swap3A_362 {strides = array<i32>} : memref<40x128xf32, #tpu.memory_space<vmem>>, vector<1x16xf32>,
      %mul3A_363 = arith.constant 8 : i32
      %mul3A_364 = arith.muli %scan3A_28, %mul3A_363 : i32
      %add3A_365 = arith.constant 7 : i32
      %add3A_366 = arith.addi %mul3A_364, %add3A_365 : i32
      %rem3A_367 = arith.constant 15 : i32
      %rem3A_368 = arith.remsi %add3A_366, %rem3A_367 : i32
      %mul3A_369 = arith.constant 16 : i32
      %mul3A_370 = arith.muli %rem3A_368, %mul3A_369 : i32
      %add3A_371 = arith.constant 10000 : i32
      %add3A_372 = arith.addi %add3A_371, %mul3A_370 : i32
      %add3A_373 = vector.broadcast %add3A_372 : i32 to vector<16xi32>
      %add3A_374 = arith.addi %add3A_373, %iota3A : vector<16xi32>
      %eq3A_375 = arith.cmpi eq, %get3A_347, %get3A_351 : vector<16xi32>
      %select_n3A_376 = arith.select %eq3A_375, %add3A_374, %get3A_347 : vector<16xi1>, vector<16xi32>
      %swap3A_377 = arith.index_cast %scan3A_28 : i32 to index
      %swap3A_378 = arith.constant 112 : index
      %swap3A_379 = tpu.vector_load %arg8[%swap3A_377, %swap3A_378] {strides = array<i32>} : memref<40x128xi32, #tpu.memory_space<vmem>>, vector<1x16xi32>,
      %swap3A_380 = vector.shape_cast %swap3A_379 : vector<1x16xi32> to vector<16xi32>
      %swap3A_381 = vector.shape_cast %select_n3A_376 : vector<16xi32> to vector<1x16xi32>
      tpu.vector_store %arg8[%swap3A_377, %swap3A_378], %swap3A_381 {strides = array<i32>} : memref<40x128xi32, #tpu.memory_space<vmem>>, vector<1x16xi32>,
      %add3A_382 = arith.constant 10000 : i32
      %add3A_383 = vector.broadcast %add3A_382 : i32 to vector<16xi32>
      %add3A_384 = arith.addi %get3A_351, %add3A_383 : vector<16xi32>
      %swap3A_385 = arith.index_cast %scan3A_28 : i32 to index
      %swap3A_386 = arith.constant 112 : index
      %swap3A_387 = tpu.vector_load %arg9[%swap3A_385, %swap3A_386] {strides = array<i32>} : memref<40x128xi32, #tpu.memory_space<vmem>>, vector<1x16xi32>,
      %swap3A_388 = vector.shape_cast %swap3A_387 : vector<1x16xi32> to vector<16xi32>
      %swap3A_389 = vector.shape_cast %add3A_384 : vector<16xi32> to vector<1x16xi32>
      tpu.vector_store %arg9[%swap3A_385, %swap3A_386], %swap3A_389 {strides = array<i32>} : memref<40x128xi32, #tpu.memory_space<vmem>>, vector<1x16xi32>,
      %scan3A_390 = arith.constant 0 : i32
      scf.yield %scan3A_390 : i32
    }
    %scan3A_15 = arith.constant 40 : i32
    "tpu.region"() ({
      %run_scoped3A = tpu.sem_alloc : memref<!tpu.dma_semaphore, #tpu.memory_space<semaphore_mem>>
      %dma_start3A = arith.constant 0 : i32
      %dma_start3A_28 = arith.constant 0 : i32
      %dma_start3A_29 = tpu.memref_slice %arg5[%add3A, %dma_start3A, %dma_start3A_28] : memref<32x40x128xi32, #tpu.memory_space<hbm>> -> memref<1x40x128xi32, #tpu.memory_space<hbm>>
      %dma_start3A_30 = tpu.memref_squeeze %dma_start3A_29 : memref<1x40x128xi32, #tpu.memory_space<hbm>> -> memref<40x128xi32, #tpu.memory_space<hbm>>
      %dma_start3A_31 = arith.constant 0 : i32
      %dma_start3A_32 = arith.constant 0 : i32
      %dma_start3A_33 = tpu.memref_slice %arg5[%add3A, %dma_start3A_31, %dma_start3A_32] : memref<32x40x128xi32, #tpu.memory_space<hbm>> -> memref<1x40x128xi32, #tpu.memory_space<hbm>>
      %dma_start3A_34 = tpu.memref_squeeze %dma_start3A_33 : memref<1x40x128xi32, #tpu.memory_space<hbm>> -> memref<40x128xi32, #tpu.memory_space<hbm>>
      tpu.enqueue_dma source(%arg8 : memref<40x128xi32, #tpu.memory_space<vmem>>) target(%dma_start3A_34 : memref<40x128xi32, #tpu.memory_space<hbm>>) target_semaphore(%run_scoped3A : memref<!tpu.dma_semaphore, #tpu.memory_space<semaphore_mem>>)
      %dma_wait3A = arith.constant 0 : i32
      %dma_wait3A_35 = arith.constant 0 : i32
      %dma_wait3A_36 = tpu.memref_slice %arg5[%add3A, %dma_wait3A, %dma_wait3A_35] : memref<32x40x128xi32, #tpu.memory_space<hbm>> -> memref<1x40x128xi32, #tpu.memory_space<hbm>>
      %dma_wait3A_37 = tpu.memref_squeeze %dma_wait3A_36 : memref<1x40x128xi32, #tpu.memory_space<hbm>> -> memref<40x128xi32, #tpu.memory_space<hbm>>
      %dma_wait3A_38 = arith.constant 0 : i32
      %dma_wait3A_39 = arith.constant 0 : i32
      %dma_wait3A_40 = tpu.memref_slice %arg5[%add3A, %dma_wait3A_38, %dma_wait3A_39] : memref<32x40x128xi32, #tpu.memory_space<hbm>> -> memref<1x40x128xi32, #tpu.memory_space<hbm>>
      %dma_wait3A_41 = tpu.memref_squeeze %dma_wait3A_40 : memref<1x40x128xi32, #tpu.memory_space<hbm>> -> memref<40x128xi32, #tpu.memory_space<hbm>>
      tpu.wait_dma2 semaphore(%run_scoped3A : memref<!tpu.dma_semaphore, #tpu.memory_space<semaphore_mem>>) src(%arg8 : memref<40x128xi32, #tpu.memory_space<vmem>>) dst(%dma_wait3A_41 : memref<40x128xi32, #tpu.memory_space<hbm>>)
      tpu.yield
    }) : () -> ()
    "tpu.region"() ({
      %run_scoped3A = tpu.sem_alloc : memref<!tpu.dma_semaphore, #tpu.memory_space<semaphore_mem>>
      %dma_start3A = arith.constant 0 : i32
      %dma_start3A_28 = arith.constant 0 : i32
      %dma_start3A_29 = tpu.memref_slice %arg6[%add3A, %dma_start3A, %dma_start3A_28] : memref<32x40x128xi32, #tpu.memory_space<hbm>> -> memref<1x40x128xi32, #tpu.memory_space<hbm>>
      %dma_start3A_30 = tpu.memref_squeeze %dma_start3A_29 : memref<1x40x128xi32, #tpu.memory_space<hbm>> -> memref<40x128xi32, #tpu.memory_space<hbm>>
      %dma_start3A_31 = arith.constant 0 : i32
      %dma_start3A_32 = arith.constant 0 : i32
      %dma_start3A_33 = tpu.memref_slice %arg6[%add3A, %dma_start3A_31, %dma_start3A_32] : memref<32x40x128xi32, #tpu.memory_space<hbm>> -> memref<1x40x128xi32, #tpu.memory_space<hbm>>
      %dma_start3A_34 = tpu.memref_squeeze %dma_start3A_33 : memref<1x40x128xi32, #tpu.memory_space<hbm>> -> memref<40x128xi32, #tpu.memory_space<hbm>>
      tpu.enqueue_dma source(%arg9 : memref<40x128xi32, #tpu.memory_space<vmem>>) target(%dma_start3A_34 : memref<40x128xi32, #tpu.memory_space<hbm>>) target_semaphore(%run_scoped3A : memref<!tpu.dma_semaphore, #tpu.memory_space<semaphore_mem>>)
      %dma_wait3A = arith.constant 0 : i32
      %dma_wait3A_35 = arith.constant 0 : i32
      %dma_wait3A_36 = tpu.memref_slice %arg6[%add3A, %dma_wait3A, %dma_wait3A_35] : memref<32x40x128xi32, #tpu.memory_space<hbm>> -> memref<1x40x128xi32, #tpu.memory_space<hbm>>
      %dma_wait3A_37 = tpu.memref_squeeze %dma_wait3A_36 : memref<1x40x128xi32, #tpu.memory_space<hbm>> -> memref<40x128xi32, #tpu.memory_space<hbm>>
      %dma_wait3A_38 = arith.constant 0 : i32
      %dma_wait3A_39 = arith.constant 0 : i32
      %dma_wait3A_40 = tpu.memref_slice %arg6[%add3A, %dma_wait3A_38, %dma_wait3A_39] : memref<32x40x128xi32, #tpu.memory_space<hbm>> -> memref<1x40x128xi32, #tpu.memory_space<hbm>>
      %dma_wait3A_41 = tpu.memref_squeeze %dma_wait3A_40 : memref<1x40x128xi32, #tpu.memory_space<hbm>> -> memref<40x128xi32, #tpu.memory_space<hbm>>
      tpu.wait_dma2 semaphore(%run_scoped3A : memref<!tpu.dma_semaphore, #tpu.memory_space<semaphore_mem>>) src(%arg9 : memref<40x128xi32, #tpu.memory_space<vmem>>) dst(%dma_wait3A_41 : memref<40x128xi32, #tpu.memory_space<hbm>>)
      tpu.yield
    }) : () -> ()
    %scan3A_16 = arith.constant 0 : i32
    %scan3A_17 = arith.constant 0 : i32
    %scan3A_18 = arith.constant 5 : i32
    %scan3A_19 = arith.addi %scan3A_17, %scan3A_18 : i32
    %scan3A_20 = arith.constant 1 : i32
    %scan3A_21 = scf.for %scan3A_28 = %scan3A_17 to %scan3A_19 step %scan3A_20 iter_args(%scan3A_29 = %scan3A_16) -> (i32)  : i32 {
      %mul3A_30 = arith.constant 8 : i32
      %mul3A_31 = arith.muli %scan3A_28, %mul3A_30 : i32
      %add3A_32 = arith.constant 0 : i32
      %add3A_33 = arith.addi %mul3A_31, %add3A_32 : i32
      %dma_start3A = arith.constant 0 : i32
      %dma_start3A_34 = tpu.memref_slice %arg10[%add3A_33, %dma_start3A] : memref<40x128xf32, #tpu.memory_space<vmem>> -> memref<1x128xf32, #tpu.memory_space<vmem>>
      %dma_start3A_35 = tpu.memref_squeeze %dma_start3A_34 : memref<1x128xf32, #tpu.memory_space<vmem>> -> memref<128xf32, #tpu.memory_space<vmem>>
      %dma_start3A_36 = arith.constant 0 : i32
      %dma_start3A_37 = tpu.memref_slice %arg8[%add3A_33, %dma_start3A_36] : memref<40x128xi32, #tpu.memory_space<vmem>> -> memref<1x128xi32, #tpu.memory_space<vmem>>
      %dma_start3A_38 = tpu.memref_squeeze %dma_start3A_37 : memref<1x128xi32, #tpu.memory_space<vmem>> -> memref<128xi32, #tpu.memory_space<vmem>>
      %dma_start3A_39 = arith.constant 0 : i32
      %dma_start3A_40 = tpu.memref_slice %arg7[%dma_start3A_39] : memref<10240xf32, #tpu.memory_space<vmem_shared>> -> memref<10240xf32, #tpu.memory_space<vmem_shared>>
      tpu.enqueue_indirect_dma source(%dma_start3A_35 : memref<128xf32, #tpu.memory_space<vmem>>) target(%dma_start3A_40 : memref<10240xf32, #tpu.memory_space<vmem_shared>>) offsets(%dma_start3A_38 : memref<128xi32, #tpu.memory_space<vmem>>) semaphore(%arg12 : memref<!tpu.dma_semaphore, #tpu.memory_space<semaphore_mem>>) {add = true}
      %mul3A_41 = arith.constant 8 : i32
      %mul3A_42 = arith.muli %scan3A_28, %mul3A_41 : i32
      %add3A_43 = arith.constant 1 : i32
      %add3A_44 = arith.addi %mul3A_42, %add3A_43 : i32
      %dma_start3A_45 = arith.constant 0 : i32
      %dma_start3A_46 = tpu.memref_slice %arg10[%add3A_44, %dma_start3A_45] : memref<40x128xf32, #tpu.memory_space<vmem>> -> memref<1x128xf32, #tpu.memory_space<vmem>>
      %dma_start3A_47 = tpu.memref_squeeze %dma_start3A_46 : memref<1x128xf32, #tpu.memory_space<vmem>> -> memref<128xf32, #tpu.memory_space<vmem>>
      %dma_start3A_48 = arith.constant 0 : i32
      %dma_start3A_49 = tpu.memref_slice %arg8[%add3A_44, %dma_start3A_48] : memref<40x128xi32, #tpu.memory_space<vmem>> -> memref<1x128xi32, #tpu.memory_space<vmem>>
      %dma_start3A_50 = tpu.memref_squeeze %dma_start3A_49 : memref<1x128xi32, #tpu.memory_space<vmem>> -> memref<128xi32, #tpu.memory_space<vmem>>
      %dma_start3A_51 = arith.constant 0 : i32
      %dma_start3A_52 = tpu.memref_slice %arg7[%dma_start3A_51] : memref<10240xf32, #tpu.memory_space<vmem_shared>> -> memref<10240xf32, #tpu.memory_space<vmem_shared>>
      tpu.enqueue_indirect_dma source(%dma_start3A_47 : memref<128xf32, #tpu.memory_space<vmem>>) target(%dma_start3A_52 : memref<10240xf32, #tpu.memory_space<vmem_shared>>) offsets(%dma_start3A_50 : memref<128xi32, #tpu.memory_space<vmem>>) semaphore(%arg12 : memref<!tpu.dma_semaphore, #tpu.memory_space<semaphore_mem>>) {add = true}
      %mul3A_53 = arith.constant 8 : i32
      %mul3A_54 = arith.muli %scan3A_28, %mul3A_53 : i32
      %add3A_55 = arith.constant 2 : i32
      %add3A_56 = arith.addi %mul3A_54, %add3A_55 : i32
      %dma_start3A_57 = arith.constant 0 : i32
      %dma_start3A_58 = tpu.memref_slice %arg10[%add3A_56, %dma_start3A_57] : memref<40x128xf32, #tpu.memory_space<vmem>> -> memref<1x128xf32, #tpu.memory_space<vmem>>
      %dma_start3A_59 = tpu.memref_squeeze %dma_start3A_58 : memref<1x128xf32, #tpu.memory_space<vmem>> -> memref<128xf32, #tpu.memory_space<vmem>>
      %dma_start3A_60 = arith.constant 0 : i32
      %dma_start3A_61 = tpu.memref_slice %arg8[%add3A_56, %dma_start3A_60] : memref<40x128xi32, #tpu.memory_space<vmem>> -> memref<1x128xi32, #tpu.memory_space<vmem>>
      %dma_start3A_62 = tpu.memref_squeeze %dma_start3A_61 : memref<1x128xi32, #tpu.memory_space<vmem>> -> memref<128xi32, #tpu.memory_space<vmem>>
      %dma_start3A_63 = arith.constant 0 : i32
      %dma_start3A_64 = tpu.memref_slice %arg7[%dma_start3A_63] : memref<10240xf32, #tpu.memory_space<vmem_shared>> -> memref<10240xf32, #tpu.memory_space<vmem_shared>>
      tpu.enqueue_indirect_dma source(%dma_start3A_59 : memref<128xf32, #tpu.memory_space<vmem>>) target(%dma_start3A_64 : memref<10240xf32, #tpu.memory_space<vmem_shared>>) offsets(%dma_start3A_62 : memref<128xi32, #tpu.memory_space<vmem>>) semaphore(%arg12 : memref<!tpu.dma_semaphore, #tpu.memory_space<semaphore_mem>>) {add = true}
      %mul3A_65 = arith.constant 8 : i32
      %mul3A_66 = arith.muli %scan3A_28, %mul3A_65 : i32
      %add3A_67 = arith.constant 3 : i32
      %add3A_68 = arith.addi %mul3A_66, %add3A_67 : i32
      %dma_start3A_69 = arith.constant 0 : i32
      %dma_start3A_70 = tpu.memref_slice %arg10[%add3A_68, %dma_start3A_69] : memref<40x128xf32, #tpu.memory_space<vmem>> -> memref<1x128xf32, #tpu.memory_space<vmem>>
      %dma_start3A_71 = tpu.memref_squeeze %dma_start3A_70 : memref<1x128xf32, #tpu.memory_space<vmem>> -> memref<128xf32, #tpu.memory_space<vmem>>
      %dma_start3A_72 = arith.constant 0 : i32
      %dma_start3A_73 = tpu.memref_slice %arg8[%add3A_68, %dma_start3A_72] : memref<40x128xi32, #tpu.memory_space<vmem>> -> memref<1x128xi32, #tpu.memory_space<vmem>>
      %dma_start3A_74 = tpu.memref_squeeze %dma_start3A_73 : memref<1x128xi32, #tpu.memory_space<vmem>> -> memref<128xi32, #tpu.memory_space<vmem>>
      %dma_start3A_75 = arith.constant 0 : i32
      %dma_start3A_76 = tpu.memref_slice %arg7[%dma_start3A_75] : memref<10240xf32, #tpu.memory_space<vmem_shared>> -> memref<10240xf32, #tpu.memory_space<vmem_shared>>
      tpu.enqueue_indirect_dma source(%dma_start3A_71 : memref<128xf32, #tpu.memory_space<vmem>>) target(%dma_start3A_76 : memref<10240xf32, #tpu.memory_space<vmem_shared>>) offsets(%dma_start3A_74 : memref<128xi32, #tpu.memory_space<vmem>>) semaphore(%arg12 : memref<!tpu.dma_semaphore, #tpu.memory_space<semaphore_mem>>) {add = true}
      %mul3A_77 = arith.constant 8 : i32
      %mul3A_78 = arith.muli %scan3A_28, %mul3A_77 : i32
      %add3A_79 = arith.constant 4 : i32
      %add3A_80 = arith.addi %mul3A_78, %add3A_79 : i32
      %dma_start3A_81 = arith.constant 0 : i32
      %dma_start3A_82 = tpu.memref_slice %arg10[%add3A_80, %dma_start3A_81] : memref<40x128xf32, #tpu.memory_space<vmem>> -> memref<1x128xf32, #tpu.memory_space<vmem>>
      %dma_start3A_83 = tpu.memref_squeeze %dma_start3A_82 : memref<1x128xf32, #tpu.memory_space<vmem>> -> memref<128xf32, #tpu.memory_space<vmem>>
      %dma_start3A_84 = arith.constant 0 : i32
      %dma_start3A_85 = tpu.memref_slice %arg8[%add3A_80, %dma_start3A_84] : memref<40x128xi32, #tpu.memory_space<vmem>> -> memref<1x128xi32, #tpu.memory_space<vmem>>
      %dma_start3A_86 = tpu.memref_squeeze %dma_start3A_85 : memref<1x128xi32, #tpu.memory_space<vmem>> -> memref<128xi32, #tpu.memory_space<vmem>>
      %dma_start3A_87 = arith.constant 0 : i32
      %dma_start3A_88 = tpu.memref_slice %arg7[%dma_start3A_87] : memref<10240xf32, #tpu.memory_space<vmem_shared>> -> memref<10240xf32, #tpu.memory_space<vmem_shared>>
      tpu.enqueue_indirect_dma source(%dma_start3A_83 : memref<128xf32, #tpu.memory_space<vmem>>) target(%dma_start3A_88 : memref<10240xf32, #tpu.memory_space<vmem_shared>>) offsets(%dma_start3A_86 : memref<128xi32, #tpu.memory_space<vmem>>) semaphore(%arg12 : memref<!tpu.dma_semaphore, #tpu.memory_space<semaphore_mem>>) {add = true}
      %mul3A_89 = arith.constant 8 : i32
      %mul3A_90 = arith.muli %scan3A_28, %mul3A_89 : i32
      %add3A_91 = arith.constant 5 : i32
      %add3A_92 = arith.addi %mul3A_90, %add3A_91 : i32
      %dma_start3A_93 = arith.constant 0 : i32
      %dma_start3A_94 = tpu.memref_slice %arg10[%add3A_92, %dma_start3A_93] : memref<40x128xf32, #tpu.memory_space<vmem>> -> memref<1x128xf32, #tpu.memory_space<vmem>>
      %dma_start3A_95 = tpu.memref_squeeze %dma_start3A_94 : memref<1x128xf32, #tpu.memory_space<vmem>> -> memref<128xf32, #tpu.memory_space<vmem>>
      %dma_start3A_96 = arith.constant 0 : i32
      %dma_start3A_97 = tpu.memref_slice %arg8[%add3A_92, %dma_start3A_96] : memref<40x128xi32, #tpu.memory_space<vmem>> -> memref<1x128xi32, #tpu.memory_space<vmem>>
      %dma_start3A_98 = tpu.memref_squeeze %dma_start3A_97 : memref<1x128xi32, #tpu.memory_space<vmem>> -> memref<128xi32, #tpu.memory_space<vmem>>
      %dma_start3A_99 = arith.constant 0 : i32
      %dma_start3A_100 = tpu.memref_slice %arg7[%dma_start3A_99] : memref<10240xf32, #tpu.memory_space<vmem_shared>> -> memref<10240xf32, #tpu.memory_space<vmem_shared>>
      tpu.enqueue_indirect_dma source(%dma_start3A_95 : memref<128xf32, #tpu.memory_space<vmem>>) target(%dma_start3A_100 : memref<10240xf32, #tpu.memory_space<vmem_shared>>) offsets(%dma_start3A_98 : memref<128xi32, #tpu.memory_space<vmem>>) semaphore(%arg12 : memref<!tpu.dma_semaphore, #tpu.memory_space<semaphore_mem>>) {add = true}
      %mul3A_101 = arith.constant 8 : i32
      %mul3A_102 = arith.muli %scan3A_28, %mul3A_101 : i32
      %add3A_103 = arith.constant 6 : i32
      %add3A_104 = arith.addi %mul3A_102, %add3A_103 : i32
      %dma_start3A_105 = arith.constant 0 : i32
      %dma_start3A_106 = tpu.memref_slice %arg10[%add3A_104, %dma_start3A_105] : memref<40x128xf32, #tpu.memory_space<vmem>> -> memref<1x128xf32, #tpu.memory_space<vmem>>
      %dma_start3A_107 = tpu.memref_squeeze %dma_start3A_106 : memref<1x128xf32, #tpu.memory_space<vmem>> -> memref<128xf32, #tpu.memory_space<vmem>>
      %dma_start3A_108 = arith.constant 0 : i32
      %dma_start3A_109 = tpu.memref_slice %arg8[%add3A_104, %dma_start3A_108] : memref<40x128xi32, #tpu.memory_space<vmem>> -> memref<1x128xi32, #tpu.memory_space<vmem>>
      %dma_start3A_110 = tpu.memref_squeeze %dma_start3A_109 : memref<1x128xi32, #tpu.memory_space<vmem>> -> memref<128xi32, #tpu.memory_space<vmem>>
      %dma_start3A_111 = arith.constant 0 : i32
      %dma_start3A_112 = tpu.memref_slice %arg7[%dma_start3A_111] : memref<10240xf32, #tpu.memory_space<vmem_shared>> -> memref<10240xf32, #tpu.memory_space<vmem_shared>>
      tpu.enqueue_indirect_dma source(%dma_start3A_107 : memref<128xf32, #tpu.memory_space<vmem>>) target(%dma_start3A_112 : memref<10240xf32, #tpu.memory_space<vmem_shared>>) offsets(%dma_start3A_110 : memref<128xi32, #tpu.memory_space<vmem>>) semaphore(%arg12 : memref<!tpu.dma_semaphore, #tpu.memory_space<semaphore_mem>>) {add = true}
      %mul3A_113 = arith.constant 8 : i32
      %mul3A_114 = arith.muli %scan3A_28, %mul3A_113 : i32
      %add3A_115 = arith.constant 7 : i32
      %add3A_116 = arith.addi %mul3A_114, %add3A_115 : i32
      %dma_start3A_117 = arith.constant 0 : i32
      %dma_start3A_118 = tpu.memref_slice %arg10[%add3A_116, %dma_start3A_117] : memref<40x128xf32, #tpu.memory_space<vmem>> -> memref<1x128xf32, #tpu.memory_space<vmem>>
      %dma_start3A_119 = tpu.memref_squeeze %dma_start3A_118 : memref<1x128xf32, #tpu.memory_space<vmem>> -> memref<128xf32, #tpu.memory_space<vmem>>
      %dma_start3A_120 = arith.constant 0 : i32
      %dma_start3A_121 = tpu.memref_slice %arg8[%add3A_116, %dma_start3A_120] : memref<40x128xi32, #tpu.memory_space<vmem>> -> memref<1x128xi32, #tpu.memory_space<vmem>>
      %dma_start3A_122 = tpu.memref_squeeze %dma_start3A_121 : memref<1x128xi32, #tpu.memory_space<vmem>> -> memref<128xi32, #tpu.memory_space<vmem>>
      %dma_start3A_123 = arith.constant 0 : i32
      %dma_start3A_124 = tpu.memref_slice %arg7[%dma_start3A_123] : memref<10240xf32, #tpu.memory_space<vmem_shared>> -> memref<10240xf32, #tpu.memory_space<vmem_shared>>
      tpu.enqueue_indirect_dma source(%dma_start3A_119 : memref<128xf32, #tpu.memory_space<vmem>>) target(%dma_start3A_124 : memref<10240xf32, #tpu.memory_space<vmem_shared>>) offsets(%dma_start3A_122 : memref<128xi32, #tpu.memory_space<vmem>>) semaphore(%arg12 : memref<!tpu.dma_semaphore, #tpu.memory_space<semaphore_mem>>) {add = true}
      %mul3A_125 = arith.constant 8 : i32
      %mul3A_126 = arith.muli %scan3A_28, %mul3A_125 : i32
      %add3A_127 = arith.constant 0 : i32
      %add3A_128 = arith.addi %mul3A_126, %add3A_127 : i32
      %dma_wait3A = arith.constant 0 : i32
      %dma_wait3A_129 = tpu.memref_slice %arg10[%add3A_128, %dma_wait3A] : memref<40x128xf32, #tpu.memory_space<vmem>> -> memref<1x128xf32, #tpu.memory_space<vmem>>
      %dma_wait3A_130 = tpu.memref_squeeze %dma_wait3A_129 : memref<1x128xf32, #tpu.memory_space<vmem>> -> memref<128xf32, #tpu.memory_space<vmem>>
      %dma_wait3A_131 = arith.constant 0 : i32
      %dma_wait3A_132 = tpu.memref_slice %arg8[%add3A_128, %dma_wait3A_131] : memref<40x128xi32, #tpu.memory_space<vmem>> -> memref<1x128xi32, #tpu.memory_space<vmem>>
      %dma_wait3A_133 = tpu.memref_squeeze %dma_wait3A_132 : memref<1x128xi32, #tpu.memory_space<vmem>> -> memref<128xi32, #tpu.memory_space<vmem>>
      %dma_wait3A_134 = arith.constant 0 : i32
      %dma_wait3A_135 = tpu.memref_slice %arg7[%dma_wait3A_134] : memref<10240xf32, #tpu.memory_space<vmem_shared>> -> memref<10240xf32, #tpu.memory_space<vmem_shared>>
      tpu.wait_indirect_dma semaphore(%arg12 : memref<!tpu.dma_semaphore, #tpu.memory_space<semaphore_mem>>) src(%dma_wait3A_130 : memref<128xf32, #tpu.memory_space<vmem>>) dst(%dma_wait3A_135 : memref<10240xf32, #tpu.memory_space<vmem_shared>>)
      %mul3A_136 = arith.constant 8 : i32
      %mul3A_137 = arith.muli %scan3A_28, %mul3A_136 : i32
      %add3A_138 = arith.constant 1 : i32
      %add3A_139 = arith.addi %mul3A_137, %add3A_138 : i32
      %dma_wait3A_140 = arith.constant 0 : i32
      %dma_wait3A_141 = tpu.memref_slice %arg10[%add3A_139, %dma_wait3A_140] : memref<40x128xf32, #tpu.memory_space<vmem>> -> memref<1x128xf32, #tpu.memory_space<vmem>>
      %dma_wait3A_142 = tpu.memref_squeeze %dma_wait3A_141 : memref<1x128xf32, #tpu.memory_space<vmem>> -> memref<128xf32, #tpu.memory_space<vmem>>
      %dma_wait3A_143 = arith.constant 0 : i32
      %dma_wait3A_144 = tpu.memref_slice %arg8[%add3A_139, %dma_wait3A_143] : memref<40x128xi32, #tpu.memory_space<vmem>> -> memref<1x128xi32, #tpu.memory_space<vmem>>
      %dma_wait3A_145 = tpu.memref_squeeze %dma_wait3A_144 : memref<1x128xi32, #tpu.memory_space<vmem>> -> memref<128xi32, #tpu.memory_space<vmem>>
      %dma_wait3A_146 = arith.constant 0 : i32
      %dma_wait3A_147 = tpu.memref_slice %arg7[%dma_wait3A_146] : memref<10240xf32, #tpu.memory_space<vmem_shared>> -> memref<10240xf32, #tpu.memory_space<vmem_shared>>
      tpu.wait_indirect_dma semaphore(%arg12 : memref<!tpu.dma_semaphore, #tpu.memory_space<semaphore_mem>>) src(%dma_wait3A_142 : memref<128xf32, #tpu.memory_space<vmem>>) dst(%dma_wait3A_147 : memref<10240xf32, #tpu.memory_space<vmem_shared>>)
      %mul3A_148 = arith.constant 8 : i32
      %mul3A_149 = arith.muli %scan3A_28, %mul3A_148 : i32
      %add3A_150 = arith.constant 2 : i32
      %add3A_151 = arith.addi %mul3A_149, %add3A_150 : i32
      %dma_wait3A_152 = arith.constant 0 : i32
      %dma_wait3A_153 = tpu.memref_slice %arg10[%add3A_151, %dma_wait3A_152] : memref<40x128xf32, #tpu.memory_space<vmem>> -> memref<1x128xf32, #tpu.memory_space<vmem>>
      %dma_wait3A_154 = tpu.memref_squeeze %dma_wait3A_153 : memref<1x128xf32, #tpu.memory_space<vmem>> -> memref<128xf32, #tpu.memory_space<vmem>>
      %dma_wait3A_155 = arith.constant 0 : i32
      %dma_wait3A_156 = tpu.memref_slice %arg8[%add3A_151, %dma_wait3A_155] : memref<40x128xi32, #tpu.memory_space<vmem>> -> memref<1x128xi32, #tpu.memory_space<vmem>>
      %dma_wait3A_157 = tpu.memref_squeeze %dma_wait3A_156 : memref<1x128xi32, #tpu.memory_space<vmem>> -> memref<128xi32, #tpu.memory_space<vmem>>
      %dma_wait3A_158 = arith.constant 0 : i32
      %dma_wait3A_159 = tpu.memref_slice %arg7[%dma_wait3A_158] : memref<10240xf32, #tpu.memory_space<vmem_shared>> -> memref<10240xf32, #tpu.memory_space<vmem_shared>>
      tpu.wait_indirect_dma semaphore(%arg12 : memref<!tpu.dma_semaphore, #tpu.memory_space<semaphore_mem>>) src(%dma_wait3A_154 : memref<128xf32, #tpu.memory_space<vmem>>) dst(%dma_wait3A_159 : memref<10240xf32, #tpu.memory_space<vmem_shared>>)
      %mul3A_160 = arith.constant 8 : i32
      %mul3A_161 = arith.muli %scan3A_28, %mul3A_160 : i32
      %add3A_162 = arith.constant 3 : i32
      %add3A_163 = arith.addi %mul3A_161, %add3A_162 : i32
      %dma_wait3A_164 = arith.constant 0 : i32
      %dma_wait3A_165 = tpu.memref_slice %arg10[%add3A_163, %dma_wait3A_164] : memref<40x128xf32, #tpu.memory_space<vmem>> -> memref<1x128xf32, #tpu.memory_space<vmem>>
      %dma_wait3A_166 = tpu.memref_squeeze %dma_wait3A_165 : memref<1x128xf32, #tpu.memory_space<vmem>> -> memref<128xf32, #tpu.memory_space<vmem>>
      %dma_wait3A_167 = arith.constant 0 : i32
      %dma_wait3A_168 = tpu.memref_slice %arg8[%add3A_163, %dma_wait3A_167] : memref<40x128xi32, #tpu.memory_space<vmem>> -> memref<1x128xi32, #tpu.memory_space<vmem>>
      %dma_wait3A_169 = tpu.memref_squeeze %dma_wait3A_168 : memref<1x128xi32, #tpu.memory_space<vmem>> -> memref<128xi32, #tpu.memory_space<vmem>>
      %dma_wait3A_170 = arith.constant 0 : i32
      %dma_wait3A_171 = tpu.memref_slice %arg7[%dma_wait3A_170] : memref<10240xf32, #tpu.memory_space<vmem_shared>> -> memref<10240xf32, #tpu.memory_space<vmem_shared>>
      tpu.wait_indirect_dma semaphore(%arg12 : memref<!tpu.dma_semaphore, #tpu.memory_space<semaphore_mem>>) src(%dma_wait3A_166 : memref<128xf32, #tpu.memory_space<vmem>>) dst(%dma_wait3A_171 : memref<10240xf32, #tpu.memory_space<vmem_shared>>)
      %mul3A_172 = arith.constant 8 : i32
      %mul3A_173 = arith.muli %scan3A_28, %mul3A_172 : i32
      %add3A_174 = arith.constant 4 : i32
      %add3A_175 = arith.addi %mul3A_173, %add3A_174 : i32
      %dma_wait3A_176 = arith.constant 0 : i32
      %dma_wait3A_177 = tpu.memref_slice %arg10[%add3A_175, %dma_wait3A_176] : memref<40x128xf32, #tpu.memory_space<vmem>> -> memref<1x128xf32, #tpu.memory_space<vmem>>
      %dma_wait3A_178 = tpu.memref_squeeze %dma_wait3A_177 : memref<1x128xf32, #tpu.memory_space<vmem>> -> memref<128xf32, #tpu.memory_space<vmem>>
      %dma_wait3A_179 = arith.constant 0 : i32
      %dma_wait3A_180 = tpu.memref_slice %arg8[%add3A_175, %dma_wait3A_179] : memref<40x128xi32, #tpu.memory_space<vmem>> -> memref<1x128xi32, #tpu.memory_space<vmem>>
      %dma_wait3A_181 = tpu.memref_squeeze %dma_wait3A_180 : memref<1x128xi32, #tpu.memory_space<vmem>> -> memref<128xi32, #tpu.memory_space<vmem>>
      %dma_wait3A_182 = arith.constant 0 : i32
      %dma_wait3A_183 = tpu.memref_slice %arg7[%dma_wait3A_182] : memref<10240xf32, #tpu.memory_space<vmem_shared>> -> memref<10240xf32, #tpu.memory_space<vmem_shared>>
      tpu.wait_indirect_dma semaphore(%arg12 : memref<!tpu.dma_semaphore, #tpu.memory_space<semaphore_mem>>) src(%dma_wait3A_178 : memref<128xf32, #tpu.memory_space<vmem>>) dst(%dma_wait3A_183 : memref<10240xf32, #tpu.memory_space<vmem_shared>>)
      %mul3A_184 = arith.constant 8 : i32
      %mul3A_185 = arith.muli %scan3A_28, %mul3A_184 : i32
      %add3A_186 = arith.constant 5 : i32
      %add3A_187 = arith.addi %mul3A_185, %add3A_186 : i32
      %dma_wait3A_188 = arith.constant 0 : i32
      %dma_wait3A_189 = tpu.memref_slice %arg10[%add3A_187, %dma_wait3A_188] : memref<40x128xf32, #tpu.memory_space<vmem>> -> memref<1x128xf32, #tpu.memory_space<vmem>>
      %dma_wait3A_190 = tpu.memref_squeeze %dma_wait3A_189 : memref<1x128xf32, #tpu.memory_space<vmem>> -> memref<128xf32, #tpu.memory_space<vmem>>
      %dma_wait3A_191 = arith.constant 0 : i32
      %dma_wait3A_192 = tpu.memref_slice %arg8[%add3A_187, %dma_wait3A_191] : memref<40x128xi32, #tpu.memory_space<vmem>> -> memref<1x128xi32, #tpu.memory_space<vmem>>
      %dma_wait3A_193 = tpu.memref_squeeze %dma_wait3A_192 : memref<1x128xi32, #tpu.memory_space<vmem>> -> memref<128xi32, #tpu.memory_space<vmem>>
      %dma_wait3A_194 = arith.constant 0 : i32
      %dma_wait3A_195 = tpu.memref_slice %arg7[%dma_wait3A_194] : memref<10240xf32, #tpu.memory_space<vmem_shared>> -> memref<10240xf32, #tpu.memory_space<vmem_shared>>
      tpu.wait_indirect_dma semaphore(%arg12 : memref<!tpu.dma_semaphore, #tpu.memory_space<semaphore_mem>>) src(%dma_wait3A_190 : memref<128xf32, #tpu.memory_space<vmem>>) dst(%dma_wait3A_195 : memref<10240xf32, #tpu.memory_space<vmem_shared>>)
      %mul3A_196 = arith.constant 8 : i32
      %mul3A_197 = arith.muli %scan3A_28, %mul3A_196 : i32
      %add3A_198 = arith.constant 6 : i32
      %add3A_199 = arith.addi %mul3A_197, %add3A_198 : i32
      %dma_wait3A_200 = arith.constant 0 : i32
      %dma_wait3A_201 = tpu.memref_slice %arg10[%add3A_199, %dma_wait3A_200] : memref<40x128xf32, #tpu.memory_space<vmem>> -> memref<1x128xf32, #tpu.memory_space<vmem>>
      %dma_wait3A_202 = tpu.memref_squeeze %dma_wait3A_201 : memref<1x128xf32, #tpu.memory_space<vmem>> -> memref<128xf32, #tpu.memory_space<vmem>>
      %dma_wait3A_203 = arith.constant 0 : i32
      %dma_wait3A_204 = tpu.memref_slice %arg8[%add3A_199, %dma_wait3A_203] : memref<40x128xi32, #tpu.memory_space<vmem>> -> memref<1x128xi32, #tpu.memory_space<vmem>>
      %dma_wait3A_205 = tpu.memref_squeeze %dma_wait3A_204 : memref<1x128xi32, #tpu.memory_space<vmem>> -> memref<128xi32, #tpu.memory_space<vmem>>
      %dma_wait3A_206 = arith.constant 0 : i32
      %dma_wait3A_207 = tpu.memref_slice %arg7[%dma_wait3A_206] : memref<10240xf32, #tpu.memory_space<vmem_shared>> -> memref<10240xf32, #tpu.memory_space<vmem_shared>>
      tpu.wait_indirect_dma semaphore(%arg12 : memref<!tpu.dma_semaphore, #tpu.memory_space<semaphore_mem>>) src(%dma_wait3A_202 : memref<128xf32, #tpu.memory_space<vmem>>) dst(%dma_wait3A_207 : memref<10240xf32, #tpu.memory_space<vmem_shared>>)
      %mul3A_208 = arith.constant 8 : i32
      %mul3A_209 = arith.muli %scan3A_28, %mul3A_208 : i32
      %add3A_210 = arith.constant 7 : i32
      %add3A_211 = arith.addi %mul3A_209, %add3A_210 : i32
      %dma_wait3A_212 = arith.constant 0 : i32
      %dma_wait3A_213 = tpu.memref_slice %arg10[%add3A_211, %dma_wait3A_212] : memref<40x128xf32, #tpu.memory_space<vmem>> -> memref<1x128xf32, #tpu.memory_space<vmem>>
      %dma_wait3A_214 = tpu.memref_squeeze %dma_wait3A_213 : memref<1x128xf32, #tpu.memory_space<vmem>> -> memref<128xf32, #tpu.memory_space<vmem>>
      %dma_wait3A_215 = arith.constant 0 : i32
      %dma_wait3A_216 = tpu.memref_slice %arg8[%add3A_211, %dma_wait3A_215] : memref<40x128xi32, #tpu.memory_space<vmem>> -> memref<1x128xi32, #tpu.memory_space<vmem>>
      %dma_wait3A_217 = tpu.memref_squeeze %dma_wait3A_216 : memref<1x128xi32, #tpu.memory_space<vmem>> -> memref<128xi32, #tpu.memory_space<vmem>>
      %dma_wait3A_218 = arith.constant 0 : i32
      %dma_wait3A_219 = tpu.memref_slice %arg7[%dma_wait3A_218] : memref<10240xf32, #tpu.memory_space<vmem_shared>> -> memref<10240xf32, #tpu.memory_space<vmem_shared>>
      tpu.wait_indirect_dma semaphore(%arg12 : memref<!tpu.dma_semaphore, #tpu.memory_space<semaphore_mem>>) src(%dma_wait3A_214 : memref<128xf32, #tpu.memory_space<vmem>>) dst(%dma_wait3A_219 : memref<10240xf32, #tpu.memory_space<vmem_shared>>)
      %scan3A_220 = arith.constant 0 : i32
      scf.yield %scan3A_220 : i32
    }
    %scan3A_22 = arith.constant 5 : i32
    %barrier3A_23 = arith.constant 0 : index
    tpu.barrier barrier_id(%barrier3A_23)
    %mul3A_24 = arith.constant 640 : i32
    %mul3A_25 = arith.muli %arg1, %mul3A_24 : i32
    %mul3A_26 = arith.constant 640 : i32
    %mul3A_27 = arith.muli %arg1, %mul3A_26 : i32
    "tpu.region"() ({
      %run_scoped3A = tpu.sem_alloc : memref<!tpu.dma_semaphore, #tpu.memory_space<semaphore_mem>>
      %dma_start3A = tpu.memref_slice %arg4[%arg0, %mul3A_27] : memref<2x10240xf32, #tpu.memory_space<hbm>> -> memref<1x640xf32, #tpu.memory_space<hbm>>
      %dma_start3A_28 = tpu.memref_squeeze %dma_start3A : memref<1x640xf32, #tpu.memory_space<hbm>> -> memref<640xf32, #tpu.memory_space<hbm>>
      %dma_start3A_29 = tpu.memref_slice %arg7[%mul3A_25] : memref<10240xf32, #tpu.memory_space<vmem_shared>> -> memref<640xf32, #tpu.memory_space<vmem_shared>>
      tpu.enqueue_dma source(%dma_start3A_29 : memref<640xf32, #tpu.memory_space<vmem_shared>>) target(%dma_start3A_28 : memref<640xf32, #tpu.memory_space<hbm>>) target_semaphore(%run_scoped3A : memref<!tpu.dma_semaphore, #tpu.memory_space<semaphore_mem>>)
      %dma_wait3A = tpu.memref_slice %arg4[%arg0, %mul3A_27] : memref<2x10240xf32, #tpu.memory_space<hbm>> -> memref<1x640xf32, #tpu.memory_space<hbm>>
      %dma_wait3A_30 = tpu.memref_squeeze %dma_wait3A : memref<1x640xf32, #tpu.memory_space<hbm>> -> memref<640xf32, #tpu.memory_space<hbm>>
      %dma_wait3A_31 = tpu.memref_slice %arg7[%mul3A_25] : memref<10240xf32, #tpu.memory_space<vmem_shared>> -> memref<640xf32, #tpu.memory_space<vmem_shared>>
      tpu.wait_dma2 semaphore(%run_scoped3A : memref<!tpu.dma_semaphore, #tpu.memory_space<semaphore_mem>>) src(%dma_wait3A_31 : memref<640xf32, #tpu.memory_space<vmem_shared>>) dst(%dma_wait3A_30 : memref<640xf32, #tpu.memory_space<hbm>>)
      tpu.yield
    }) : () -> ()
    return
  }
}

#map = affine_map<(d0, d1) -> (0)>
#map1 = affine_map<(d0, d1) -> (0, 0)>
#map2 = affine_map<(d0, d1) -> (0, 0, 0)>
module attributes {stable_mosaic.version = 14 : i64} {
  func.func @_k3_body(%arg0: i32, %arg1: i32, %arg2: memref<163840xi32, #tpu.memory_space<hbm>>, %arg3: memref<163840xi32, #tpu.memory_space<hbm>>, %arg4: memref<163840xi32, #tpu.memory_space<hbm>>, %arg5: memref<20000x128xf32, #tpu.memory_space<hbm>>, %arg6: memref<2x10240x128xf32, #tpu.memory_space<hbm>>, %arg7: memref<10240x128xf32, #tpu.memory_space<vmem_shared>>, %arg8: memref<4x128xi32, #tpu.memory_space<vmem>>, %arg9: memref<4x128xi32, #tpu.memory_space<vmem>>, %arg10: memref<2x128x128xf32, #tpu.memory_space<vmem>>, %arg11: memref<!tpu.dma_semaphore, #tpu.memory_space<semaphore_mem>>, %arg12: memref<!tpu.dma_semaphore, #tpu.memory_space<semaphore_mem>>, %arg13: memref<!tpu.dma_semaphore, #tpu.memory_space<semaphore_mem>>, %arg14: memref<!tpu.dma_semaphore, #tpu.memory_space<semaphore_mem>>, %arg15: memref<!tpu.dma_semaphore, #tpu.memory_space<semaphore_mem>>, %arg16: memref<!tpu.dma_semaphore, #tpu.memory_space<semaphore_mem>>, %arg17: memref<!tpu.dma_semaphore, #tpu.memory_space<semaphore_mem>>, %arg18: memref<!tpu.dma_semaphore, #tpu.memory_space<semaphore_mem>>) attributes {dimension_semantics = [#tpu.dimension_semantics<core_parallel>, #tpu.dimension_semantics<subcore_parallel>], iteration_bounds = array<i64: 2, 16>, scalar_prefetch = 0 : i64, scratch_operands = 12 : i64, tpu.core_type = #tpu.core_type<sc_vector_subcore>, window_params = [{transform_indices = #map}, {transform_indices = #map}, {transform_indices = #map}, {transform_indices = #map1}, {transform_indices = #map2}]} {
    %mul3A = arith.constant 10000 : i32
    %mul3A_0 = arith.muli %arg0, %mul3A : i32
    %mul3A_1 = arith.constant 640 : i32
    %mul3A_2 = arith.muli %arg1, %mul3A_1 : i32
    %ne3A = arith.constant 15 : i32
    %ne3A_3 = arith.cmpi ne, %arg1, %ne3A : i32
    %convert_element_type3A = arith.extui %ne3A_3 : i1 to i32
    %cond3A = arith.constant 0 : i32
    %cond3A_4 = arith.cmpi ne, %convert_element_type3A, %cond3A : i32
    scf.if %cond3A_4 {
      %add3A_431 = arith.addi %mul3A_0, %mul3A_2 : i32
      "tpu.region"() ({
        %run_scoped3A = tpu.sem_alloc : memref<!tpu.dma_semaphore, #tpu.memory_space<semaphore_mem>>
        %dma_start3A_432 = arith.constant 0 : i32
        %dma_start3A_433 = tpu.memref_slice %arg7[%mul3A_2, %dma_start3A_432] : memref<10240x128xf32, #tpu.memory_space<vmem_shared>> -> memref<640x128xf32, #tpu.memory_space<vmem_shared>>
        %dma_start3A_434 = arith.constant 0 : i32
        %dma_start3A_435 = tpu.memref_slice %arg5[%add3A_431, %dma_start3A_434] : memref<20000x128xf32, #tpu.memory_space<hbm>> -> memref<640x128xf32, #tpu.memory_space<hbm>>
        tpu.enqueue_dma source(%dma_start3A_435 : memref<640x128xf32, #tpu.memory_space<hbm>>) target(%dma_start3A_433 : memref<640x128xf32, #tpu.memory_space<vmem_shared>>) target_semaphore(%run_scoped3A : memref<!tpu.dma_semaphore, #tpu.memory_space<semaphore_mem>>)
        %dma_wait3A_436 = arith.constant 0 : i32
        %dma_wait3A_437 = tpu.memref_slice %arg7[%mul3A_2, %dma_wait3A_436] : memref<10240x128xf32, #tpu.memory_space<vmem_shared>> -> memref<640x128xf32, #tpu.memory_space<vmem_shared>>
        %dma_wait3A_438 = arith.constant 0 : i32
        %dma_wait3A_439 = tpu.memref_slice %arg5[%add3A_431, %dma_wait3A_438] : memref<20000x128xf32, #tpu.memory_space<hbm>> -> memref<640x128xf32, #tpu.memory_space<hbm>>
        tpu.wait_dma2 semaphore(%run_scoped3A : memref<!tpu.dma_semaphore, #tpu.memory_space<semaphore_mem>>) src(%dma_wait3A_439 : memref<640x128xf32, #tpu.memory_space<hbm>>) dst(%dma_wait3A_437 : memref<640x128xf32, #tpu.memory_space<vmem_shared>>)
        tpu.yield
      }) : () -> ()
    } else {
    }
    %eq3A = arith.constant 15 : i32
    %eq3A_5 = arith.cmpi eq, %arg1, %eq3A : i32
    %convert_element_type3A_6 = arith.extui %eq3A_5 : i1 to i32
    %cond3A_7 = arith.constant 0 : i32
    %cond3A_8 = arith.cmpi ne, %convert_element_type3A_6, %cond3A_7 : i32
    scf.if %cond3A_8 {
      %add3A_431 = arith.addi %mul3A_0, %mul3A_2 : i32
      "tpu.region"() ({
        %run_scoped3A = tpu.sem_alloc : memref<!tpu.dma_semaphore, #tpu.memory_space<semaphore_mem>>
        %dma_start3A_432 = arith.constant 0 : i32
        %dma_start3A_433 = tpu.memref_slice %arg7[%mul3A_2, %dma_start3A_432] : memref<10240x128xf32, #tpu.memory_space<vmem_shared>> -> memref<400x128xf32, #tpu.memory_space<vmem_shared>>
        %dma_start3A_434 = arith.constant 0 : i32
        %dma_start3A_435 = tpu.memref_slice %arg5[%add3A_431, %dma_start3A_434] : memref<20000x128xf32, #tpu.memory_space<hbm>> -> memref<400x128xf32, #tpu.memory_space<hbm>>
        tpu.enqueue_dma source(%dma_start3A_435 : memref<400x128xf32, #tpu.memory_space<hbm>>) target(%dma_start3A_433 : memref<400x128xf32, #tpu.memory_space<vmem_shared>>) target_semaphore(%run_scoped3A : memref<!tpu.dma_semaphore, #tpu.memory_space<semaphore_mem>>)
        %dma_wait3A_436 = arith.constant 0 : i32
        %dma_wait3A_437 = tpu.memref_slice %arg7[%mul3A_2, %dma_wait3A_436] : memref<10240x128xf32, #tpu.memory_space<vmem_shared>> -> memref<400x128xf32, #tpu.memory_space<vmem_shared>>
        %dma_wait3A_438 = arith.constant 0 : i32
        %dma_wait3A_439 = tpu.memref_slice %arg5[%add3A_431, %dma_wait3A_438] : memref<20000x128xf32, #tpu.memory_space<hbm>> -> memref<400x128xf32, #tpu.memory_space<hbm>>
        tpu.wait_dma2 semaphore(%run_scoped3A : memref<!tpu.dma_semaphore, #tpu.memory_space<semaphore_mem>>) src(%dma_wait3A_439 : memref<400x128xf32, #tpu.memory_space<hbm>>) dst(%dma_wait3A_437 : memref<400x128xf32, #tpu.memory_space<vmem_shared>>)
        tpu.yield
      }) : () -> ()
    } else {
    }
    %barrier3A = arith.constant 0 : index
    tpu.barrier barrier_id(%barrier3A)
    %mul3A_9 = arith.constant 10240 : i32
    %mul3A_10 = arith.muli %arg1, %mul3A_9 : i32
    %add3A = arith.constant 0 : i32
    %add3A_11 = arith.addi %mul3A_10, %add3A : i32
    %eq3A_12 = arith.constant 0 : i32
    %eq3A_13 = arith.cmpi eq, %arg0, %eq3A_12 : i32
    %convert_element_type3A_14 = arith.extui %eq3A_13 : i1 to i32
    %cond3A_15 = arith.constant 0 : i32
    %cond3A_16 = arith.cmpi ne, %convert_element_type3A_14, %cond3A_15 : i32
    scf.if %cond3A_16 {
      %dma_start3A_431 = arith.constant 0 : i32
      %dma_start3A_432 = arith.constant 0 : i32
      %dma_start3A_433 = tpu.memref_slice %arg8[%dma_start3A_431, %dma_start3A_432] : memref<4x128xi32, #tpu.memory_space<vmem>> -> memref<1x128xi32, #tpu.memory_space<vmem>>
      %dma_start3A_434 = tpu.memref_squeeze %dma_start3A_433 : memref<1x128xi32, #tpu.memory_space<vmem>> -> memref<128xi32, #tpu.memory_space<vmem>>
      %dma_start3A_435 = tpu.memref_slice %arg2[%add3A_11] : memref<163840xi32, #tpu.memory_space<hbm>> -> memref<128xi32, #tpu.memory_space<hbm>>
      %dma_start3A_436 = arith.constant 0 : i32
      %dma_start3A_437 = tpu.memref_slice %arg8[%dma_start3A_431, %dma_start3A_436] : memref<4x128xi32, #tpu.memory_space<vmem>> -> memref<1x128xi32, #tpu.memory_space<vmem>>
      %dma_start3A_438 = tpu.memref_squeeze %dma_start3A_437 : memref<1x128xi32, #tpu.memory_space<vmem>> -> memref<128xi32, #tpu.memory_space<vmem>>
      %dma_start3A_439 = tpu.memref_slice %arg2[%add3A_11] : memref<163840xi32, #tpu.memory_space<hbm>> -> memref<128xi32, #tpu.memory_space<hbm>>
      tpu.enqueue_dma source(%dma_start3A_439 : memref<128xi32, #tpu.memory_space<hbm>>) target(%dma_start3A_438 : memref<128xi32, #tpu.memory_space<vmem>>) target_semaphore(%arg15 : memref<!tpu.dma_semaphore, #tpu.memory_space<semaphore_mem>>)
    } else {
    }
    %ne3A_17 = arith.constant 0 : i32
    %ne3A_18 = arith.cmpi ne, %arg0, %ne3A_17 : i32
    %convert_element_type3A_19 = arith.extui %ne3A_18 : i1 to i32
    %cond3A_20 = arith.constant 0 : i32
    %cond3A_21 = arith.cmpi ne, %convert_element_type3A_19, %cond3A_20 : i32
    scf.if %cond3A_21 {
      %dma_start3A_431 = arith.constant 0 : i32
      %dma_start3A_432 = arith.constant 0 : i32
      %dma_start3A_433 = tpu.memref_slice %arg8[%dma_start3A_431, %dma_start3A_432] : memref<4x128xi32, #tpu.memory_space<vmem>> -> memref<1x128xi32, #tpu.memory_space<vmem>>
      %dma_start3A_434 = tpu.memref_squeeze %dma_start3A_433 : memref<1x128xi32, #tpu.memory_space<vmem>> -> memref<128xi32, #tpu.memory_space<vmem>>
      %dma_start3A_435 = tpu.memref_slice %arg3[%add3A_11] : memref<163840xi32, #tpu.memory_space<hbm>> -> memref<128xi32, #tpu.memory_space<hbm>>
      %dma_start3A_436 = arith.constant 0 : i32
      %dma_start3A_437 = tpu.memref_slice %arg8[%dma_start3A_431, %dma_start3A_436] : memref<4x128xi32, #tpu.memory_space<vmem>> -> memref<1x128xi32, #tpu.memory_space<vmem>>
      %dma_start3A_438 = tpu.memref_squeeze %dma_start3A_437 : memref<1x128xi32, #tpu.memory_space<vmem>> -> memref<128xi32, #tpu.memory_space<vmem>>
      %dma_start3A_439 = tpu.memref_slice %arg3[%add3A_11] : memref<163840xi32, #tpu.memory_space<hbm>> -> memref<128xi32, #tpu.memory_space<hbm>>
      tpu.enqueue_dma source(%dma_start3A_439 : memref<128xi32, #tpu.memory_space<hbm>>) target(%dma_start3A_438 : memref<128xi32, #tpu.memory_space<vmem>>) target_semaphore(%arg15 : memref<!tpu.dma_semaphore, #tpu.memory_space<semaphore_mem>>)
    } else {
    }
    %dma_start3A = arith.constant 0 : i32
    %dma_start3A_22 = arith.constant 0 : i32
    %dma_start3A_23 = tpu.memref_slice %arg9[%dma_start3A, %dma_start3A_22] : memref<4x128xi32, #tpu.memory_space<vmem>> -> memref<1x128xi32, #tpu.memory_space<vmem>>
    %dma_start3A_24 = tpu.memref_squeeze %dma_start3A_23 : memref<1x128xi32, #tpu.memory_space<vmem>> -> memref<128xi32, #tpu.memory_space<vmem>>
    %dma_start3A_25 = tpu.memref_slice %arg4[%add3A_11] : memref<163840xi32, #tpu.memory_space<hbm>> -> memref<128xi32, #tpu.memory_space<hbm>>
    %dma_start3A_26 = arith.constant 0 : i32
    %dma_start3A_27 = tpu.memref_slice %arg9[%dma_start3A, %dma_start3A_26] : memref<4x128xi32, #tpu.memory_space<vmem>> -> memref<1x128xi32, #tpu.memory_space<vmem>>
    %dma_start3A_28 = tpu.memref_squeeze %dma_start3A_27 : memref<1x128xi32, #tpu.memory_space<vmem>> -> memref<128xi32, #tpu.memory_space<vmem>>
    %dma_start3A_29 = tpu.memref_slice %arg4[%add3A_11] : memref<163840xi32, #tpu.memory_space<hbm>> -> memref<128xi32, #tpu.memory_space<hbm>>
    tpu.enqueue_dma source(%dma_start3A_29 : memref<128xi32, #tpu.memory_space<hbm>>) target(%dma_start3A_28 : memref<128xi32, #tpu.memory_space<vmem>>) target_semaphore(%arg15 : memref<!tpu.dma_semaphore, #tpu.memory_space<semaphore_mem>>)
    %add3A_30 = arith.constant 128 : i32
    %add3A_31 = arith.addi %mul3A_10, %add3A_30 : i32
    %eq3A_32 = arith.constant 0 : i32
    %eq3A_33 = arith.cmpi eq, %arg0, %eq3A_32 : i32
    %convert_element_type3A_34 = arith.extui %eq3A_33 : i1 to i32
    %cond3A_35 = arith.constant 0 : i32
    %cond3A_36 = arith.cmpi ne, %convert_element_type3A_34, %cond3A_35 : i32
    scf.if %cond3A_36 {
      %dma_start3A_431 = arith.constant 1 : i32
      %dma_start3A_432 = arith.constant 0 : i32
      %dma_start3A_433 = tpu.memref_slice %arg8[%dma_start3A_431, %dma_start3A_432] : memref<4x128xi32, #tpu.memory_space<vmem>> -> memref<1x128xi32, #tpu.memory_space<vmem>>
      %dma_start3A_434 = tpu.memref_squeeze %dma_start3A_433 : memref<1x128xi32, #tpu.memory_space<vmem>> -> memref<128xi32, #tpu.memory_space<vmem>>
      %dma_start3A_435 = tpu.memref_slice %arg2[%add3A_31] : memref<163840xi32, #tpu.memory_space<hbm>> -> memref<128xi32, #tpu.memory_space<hbm>>
      %dma_start3A_436 = arith.constant 0 : i32
      %dma_start3A_437 = tpu.memref_slice %arg8[%dma_start3A_431, %dma_start3A_436] : memref<4x128xi32, #tpu.memory_space<vmem>> -> memref<1x128xi32, #tpu.memory_space<vmem>>
      %dma_start3A_438 = tpu.memref_squeeze %dma_start3A_437 : memref<1x128xi32, #tpu.memory_space<vmem>> -> memref<128xi32, #tpu.memory_space<vmem>>
      %dma_start3A_439 = tpu.memref_slice %arg2[%add3A_31] : memref<163840xi32, #tpu.memory_space<hbm>> -> memref<128xi32, #tpu.memory_space<hbm>>
      tpu.enqueue_dma source(%dma_start3A_439 : memref<128xi32, #tpu.memory_space<hbm>>) target(%dma_start3A_438 : memref<128xi32, #tpu.memory_space<vmem>>) target_semaphore(%arg16 : memref<!tpu.dma_semaphore, #tpu.memory_space<semaphore_mem>>)
    } else {
    }
    %ne3A_37 = arith.constant 0 : i32
    %ne3A_38 = arith.cmpi ne, %arg0, %ne3A_37 : i32
    %convert_element_type3A_39 = arith.extui %ne3A_38 : i1 to i32
    %cond3A_40 = arith.constant 0 : i32
    %cond3A_41 = arith.cmpi ne, %convert_element_type3A_39, %cond3A_40 : i32
    scf.if %cond3A_41 {
      %dma_start3A_431 = arith.constant 1 : i32
      %dma_start3A_432 = arith.constant 0 : i32
      %dma_start3A_433 = tpu.memref_slice %arg8[%dma_start3A_431, %dma_start3A_432] : memref<4x128xi32, #tpu.memory_space<vmem>> -> memref<1x128xi32, #tpu.memory_space<vmem>>
      %dma_start3A_434 = tpu.memref_squeeze %dma_start3A_433 : memref<1x128xi32, #tpu.memory_space<vmem>> -> memref<128xi32, #tpu.memory_space<vmem>>
      %dma_start3A_435 = tpu.memref_slice %arg3[%add3A_31] : memref<163840xi32, #tpu.memory_space<hbm>> -> memref<128xi32, #tpu.memory_space<hbm>>
      %dma_start3A_436 = arith.constant 0 : i32
      %dma_start3A_437 = tpu.memref_slice %arg8[%dma_start3A_431, %dma_start3A_436] : memref<4x128xi32, #tpu.memory_space<vmem>> -> memref<1x128xi32, #tpu.memory_space<vmem>>
      %dma_start3A_438 = tpu.memref_squeeze %dma_start3A_437 : memref<1x128xi32, #tpu.memory_space<vmem>> -> memref<128xi32, #tpu.memory_space<vmem>>
      %dma_start3A_439 = tpu.memref_slice %arg3[%add3A_31] : memref<163840xi32, #tpu.memory_space<hbm>> -> memref<128xi32, #tpu.memory_space<hbm>>
      tpu.enqueue_dma source(%dma_start3A_439 : memref<128xi32, #tpu.memory_space<hbm>>) target(%dma_start3A_438 : memref<128xi32, #tpu.memory_space<vmem>>) target_semaphore(%arg16 : memref<!tpu.dma_semaphore, #tpu.memory_space<semaphore_mem>>)
    } else {
    }
    %dma_start3A_42 = arith.constant 1 : i32
    %dma_start3A_43 = arith.constant 0 : i32
    %dma_start3A_44 = tpu.memref_slice %arg9[%dma_start3A_42, %dma_start3A_43] : memref<4x128xi32, #tpu.memory_space<vmem>> -> memref<1x128xi32, #tpu.memory_space<vmem>>
    %dma_start3A_45 = tpu.memref_squeeze %dma_start3A_44 : memref<1x128xi32, #tpu.memory_space<vmem>> -> memref<128xi32, #tpu.memory_space<vmem>>
    %dma_start3A_46 = tpu.memref_slice %arg4[%add3A_31] : memref<163840xi32, #tpu.memory_space<hbm>> -> memref<128xi32, #tpu.memory_space<hbm>>
    %dma_start3A_47 = arith.constant 0 : i32
    %dma_start3A_48 = tpu.memref_slice %arg9[%dma_start3A_42, %dma_start3A_47] : memref<4x128xi32, #tpu.memory_space<vmem>> -> memref<1x128xi32, #tpu.memory_space<vmem>>
    %dma_start3A_49 = tpu.memref_squeeze %dma_start3A_48 : memref<1x128xi32, #tpu.memory_space<vmem>> -> memref<128xi32, #tpu.memory_space<vmem>>
    %dma_start3A_50 = tpu.memref_slice %arg4[%add3A_31] : memref<163840xi32, #tpu.memory_space<hbm>> -> memref<128xi32, #tpu.memory_space<hbm>>
    tpu.enqueue_dma source(%dma_start3A_50 : memref<128xi32, #tpu.memory_space<hbm>>) target(%dma_start3A_49 : memref<128xi32, #tpu.memory_space<vmem>>) target_semaphore(%arg16 : memref<!tpu.dma_semaphore, #tpu.memory_space<semaphore_mem>>)
    %add3A_51 = arith.constant 256 : i32
    %add3A_52 = arith.addi %mul3A_10, %add3A_51 : i32
    %eq3A_53 = arith.constant 0 : i32
    %eq3A_54 = arith.cmpi eq, %arg0, %eq3A_53 : i32
    %convert_element_type3A_55 = arith.extui %eq3A_54 : i1 to i32
    %cond3A_56 = arith.constant 0 : i32
    %cond3A_57 = arith.cmpi ne, %convert_element_type3A_55, %cond3A_56 : i32
    scf.if %cond3A_57 {
      %dma_start3A_431 = arith.constant 2 : i32
      %dma_start3A_432 = arith.constant 0 : i32
      %dma_start3A_433 = tpu.memref_slice %arg8[%dma_start3A_431, %dma_start3A_432] : memref<4x128xi32, #tpu.memory_space<vmem>> -> memref<1x128xi32, #tpu.memory_space<vmem>>
      %dma_start3A_434 = tpu.memref_squeeze %dma_start3A_433 : memref<1x128xi32, #tpu.memory_space<vmem>> -> memref<128xi32, #tpu.memory_space<vmem>>
      %dma_start3A_435 = tpu.memref_slice %arg2[%add3A_52] : memref<163840xi32, #tpu.memory_space<hbm>> -> memref<128xi32, #tpu.memory_space<hbm>>
      %dma_start3A_436 = arith.constant 0 : i32
      %dma_start3A_437 = tpu.memref_slice %arg8[%dma_start3A_431, %dma_start3A_436] : memref<4x128xi32, #tpu.memory_space<vmem>> -> memref<1x128xi32, #tpu.memory_space<vmem>>
      %dma_start3A_438 = tpu.memref_squeeze %dma_start3A_437 : memref<1x128xi32, #tpu.memory_space<vmem>> -> memref<128xi32, #tpu.memory_space<vmem>>
      %dma_start3A_439 = tpu.memref_slice %arg2[%add3A_52] : memref<163840xi32, #tpu.memory_space<hbm>> -> memref<128xi32, #tpu.memory_space<hbm>>
      tpu.enqueue_dma source(%dma_start3A_439 : memref<128xi32, #tpu.memory_space<hbm>>) target(%dma_start3A_438 : memref<128xi32, #tpu.memory_space<vmem>>) target_semaphore(%arg17 : memref<!tpu.dma_semaphore, #tpu.memory_space<semaphore_mem>>)
    } else {
    }
    %ne3A_58 = arith.constant 0 : i32
    %ne3A_59 = arith.cmpi ne, %arg0, %ne3A_58 : i32
    %convert_element_type3A_60 = arith.extui %ne3A_59 : i1 to i32
    %cond3A_61 = arith.constant 0 : i32
    %cond3A_62 = arith.cmpi ne, %convert_element_type3A_60, %cond3A_61 : i32
    scf.if %cond3A_62 {
      %dma_start3A_431 = arith.constant 2 : i32
      %dma_start3A_432 = arith.constant 0 : i32
      %dma_start3A_433 = tpu.memref_slice %arg8[%dma_start3A_431, %dma_start3A_432] : memref<4x128xi32, #tpu.memory_space<vmem>> -> memref<1x128xi32, #tpu.memory_space<vmem>>
      %dma_start3A_434 = tpu.memref_squeeze %dma_start3A_433 : memref<1x128xi32, #tpu.memory_space<vmem>> -> memref<128xi32, #tpu.memory_space<vmem>>
      %dma_start3A_435 = tpu.memref_slice %arg3[%add3A_52] : memref<163840xi32, #tpu.memory_space<hbm>> -> memref<128xi32, #tpu.memory_space<hbm>>
      %dma_start3A_436 = arith.constant 0 : i32
      %dma_start3A_437 = tpu.memref_slice %arg8[%dma_start3A_431, %dma_start3A_436] : memref<4x128xi32, #tpu.memory_space<vmem>> -> memref<1x128xi32, #tpu.memory_space<vmem>>
      %dma_start3A_438 = tpu.memref_squeeze %dma_start3A_437 : memref<1x128xi32, #tpu.memory_space<vmem>> -> memref<128xi32, #tpu.memory_space<vmem>>
      %dma_start3A_439 = tpu.memref_slice %arg3[%add3A_52] : memref<163840xi32, #tpu.memory_space<hbm>> -> memref<128xi32, #tpu.memory_space<hbm>>
      tpu.enqueue_dma source(%dma_start3A_439 : memref<128xi32, #tpu.memory_space<hbm>>) target(%dma_start3A_438 : memref<128xi32, #tpu.memory_space<vmem>>) target_semaphore(%arg17 : memref<!tpu.dma_semaphore, #tpu.memory_space<semaphore_mem>>)
    } else {
    }
    %dma_start3A_63 = arith.constant 2 : i32
    %dma_start3A_64 = arith.constant 0 : i32
    %dma_start3A_65 = tpu.memref_slice %arg9[%dma_start3A_63, %dma_start3A_64] : memref<4x128xi32, #tpu.memory_space<vmem>> -> memref<1x128xi32, #tpu.memory_space<vmem>>
    %dma_start3A_66 = tpu.memref_squeeze %dma_start3A_65 : memref<1x128xi32, #tpu.memory_space<vmem>> -> memref<128xi32, #tpu.memory_space<vmem>>
    %dma_start3A_67 = tpu.memref_slice %arg4[%add3A_52] : memref<163840xi32, #tpu.memory_space<hbm>> -> memref<128xi32, #tpu.memory_space<hbm>>
    %dma_start3A_68 = arith.constant 0 : i32
    %dma_start3A_69 = tpu.memref_slice %arg9[%dma_start3A_63, %dma_start3A_68] : memref<4x128xi32, #tpu.memory_space<vmem>> -> memref<1x128xi32, #tpu.memory_space<vmem>>
    %dma_start3A_70 = tpu.memref_squeeze %dma_start3A_69 : memref<1x128xi32, #tpu.memory_space<vmem>> -> memref<128xi32, #tpu.memory_space<vmem>>
    %dma_start3A_71 = tpu.memref_slice %arg4[%add3A_52] : memref<163840xi32, #tpu.memory_space<hbm>> -> memref<128xi32, #tpu.memory_space<hbm>>
    tpu.enqueue_dma source(%dma_start3A_71 : memref<128xi32, #tpu.memory_space<hbm>>) target(%dma_start3A_70 : memref<128xi32, #tpu.memory_space<vmem>>) target_semaphore(%arg17 : memref<!tpu.dma_semaphore, #tpu.memory_space<semaphore_mem>>)
    %add3A_72 = arith.constant 0 : i32
    %add3A_73 = arith.addi %mul3A_10, %add3A_72 : i32
    %eq3A_74 = arith.constant 0 : i32
    %eq3A_75 = arith.cmpi eq, %arg0, %eq3A_74 : i32
    %convert_element_type3A_76 = arith.extui %eq3A_75 : i1 to i32
    %cond3A_77 = arith.constant 0 : i32
    %cond3A_78 = arith.cmpi ne, %convert_element_type3A_76, %cond3A_77 : i32
    scf.if %cond3A_78 {
      %dma_wait3A_431 = arith.constant 0 : i32
      %dma_wait3A_432 = arith.constant 0 : i32
      %dma_wait3A_433 = tpu.memref_slice %arg8[%dma_wait3A_431, %dma_wait3A_432] : memref<4x128xi32, #tpu.memory_space<vmem>> -> memref<1x128xi32, #tpu.memory_space<vmem>>
      %dma_wait3A_434 = tpu.memref_squeeze %dma_wait3A_433 : memref<1x128xi32, #tpu.memory_space<vmem>> -> memref<128xi32, #tpu.memory_space<vmem>>
      %dma_wait3A_435 = tpu.memref_slice %arg2[%add3A_73] : memref<163840xi32, #tpu.memory_space<hbm>> -> memref<128xi32, #tpu.memory_space<hbm>>
      %dma_wait3A_436 = arith.constant 0 : i32
      %dma_wait3A_437 = tpu.memref_slice %arg8[%dma_wait3A_431, %dma_wait3A_436] : memref<4x128xi32, #tpu.memory_space<vmem>> -> memref<1x128xi32, #tpu.memory_space<vmem>>
      %dma_wait3A_438 = tpu.memref_squeeze %dma_wait3A_437 : memref<1x128xi32, #tpu.memory_space<vmem>> -> memref<128xi32, #tpu.memory_space<vmem>>
      %dma_wait3A_439 = tpu.memref_slice %arg2[%add3A_73] : memref<163840xi32, #tpu.memory_space<hbm>> -> memref<128xi32, #tpu.memory_space<hbm>>
      tpu.wait_dma2 semaphore(%arg15 : memref<!tpu.dma_semaphore, #tpu.memory_space<semaphore_mem>>) src(%dma_wait3A_439 : memref<128xi32, #tpu.memory_space<hbm>>) dst(%dma_wait3A_438 : memref<128xi32, #tpu.memory_space<vmem>>)
    } else {
    }
    %ne3A_79 = arith.constant 0 : i32
    %ne3A_80 = arith.cmpi ne, %arg0, %ne3A_79 : i32
    %convert_element_type3A_81 = arith.extui %ne3A_80 : i1 to i32
    %cond3A_82 = arith.constant 0 : i32
    %cond3A_83 = arith.cmpi ne, %convert_element_type3A_81, %cond3A_82 : i32
    scf.if %cond3A_83 {
      %dma_wait3A_431 = arith.constant 0 : i32
      %dma_wait3A_432 = arith.constant 0 : i32
      %dma_wait3A_433 = tpu.memref_slice %arg8[%dma_wait3A_431, %dma_wait3A_432] : memref<4x128xi32, #tpu.memory_space<vmem>> -> memref<1x128xi32, #tpu.memory_space<vmem>>
      %dma_wait3A_434 = tpu.memref_squeeze %dma_wait3A_433 : memref<1x128xi32, #tpu.memory_space<vmem>> -> memref<128xi32, #tpu.memory_space<vmem>>
      %dma_wait3A_435 = tpu.memref_slice %arg3[%add3A_73] : memref<163840xi32, #tpu.memory_space<hbm>> -> memref<128xi32, #tpu.memory_space<hbm>>
      %dma_wait3A_436 = arith.constant 0 : i32
      %dma_wait3A_437 = tpu.memref_slice %arg8[%dma_wait3A_431, %dma_wait3A_436] : memref<4x128xi32, #tpu.memory_space<vmem>> -> memref<1x128xi32, #tpu.memory_space<vmem>>
      %dma_wait3A_438 = tpu.memref_squeeze %dma_wait3A_437 : memref<1x128xi32, #tpu.memory_space<vmem>> -> memref<128xi32, #tpu.memory_space<vmem>>
      %dma_wait3A_439 = tpu.memref_slice %arg3[%add3A_73] : memref<163840xi32, #tpu.memory_space<hbm>> -> memref<128xi32, #tpu.memory_space<hbm>>
      tpu.wait_dma2 semaphore(%arg15 : memref<!tpu.dma_semaphore, #tpu.memory_space<semaphore_mem>>) src(%dma_wait3A_439 : memref<128xi32, #tpu.memory_space<hbm>>) dst(%dma_wait3A_438 : memref<128xi32, #tpu.memory_space<vmem>>)
    } else {
    }
    %dma_wait3A = arith.constant 0 : i32
    %dma_wait3A_84 = arith.constant 0 : i32
    %dma_wait3A_85 = tpu.memref_slice %arg9[%dma_wait3A, %dma_wait3A_84] : memref<4x128xi32, #tpu.memory_space<vmem>> -> memref<1x128xi32, #tpu.memory_space<vmem>>
    %dma_wait3A_86 = tpu.memref_squeeze %dma_wait3A_85 : memref<1x128xi32, #tpu.memory_space<vmem>> -> memref<128xi32, #tpu.memory_space<vmem>>
    %dma_wait3A_87 = tpu.memref_slice %arg4[%add3A_73] : memref<163840xi32, #tpu.memory_space<hbm>> -> memref<128xi32, #tpu.memory_space<hbm>>
    %dma_wait3A_88 = arith.constant 0 : i32
    %dma_wait3A_89 = tpu.memref_slice %arg9[%dma_wait3A, %dma_wait3A_88] : memref<4x128xi32, #tpu.memory_space<vmem>> -> memref<1x128xi32, #tpu.memory_space<vmem>>
    %dma_wait3A_90 = tpu.memref_squeeze %dma_wait3A_89 : memref<1x128xi32, #tpu.memory_space<vmem>> -> memref<128xi32, #tpu.memory_space<vmem>>
    %dma_wait3A_91 = tpu.memref_slice %arg4[%add3A_73] : memref<163840xi32, #tpu.memory_space<hbm>> -> memref<128xi32, #tpu.memory_space<hbm>>
    tpu.wait_dma2 semaphore(%arg15 : memref<!tpu.dma_semaphore, #tpu.memory_space<semaphore_mem>>) src(%dma_wait3A_91 : memref<128xi32, #tpu.memory_space<hbm>>) dst(%dma_wait3A_90 : memref<128xi32, #tpu.memory_space<vmem>>)
    %dma_start3A_92 = arith.constant 0 : i32
    %dma_start3A_93 = arith.constant 0 : i32
    %dma_start3A_94 = arith.constant 0 : i32
    %dma_start3A_95 = arith.constant 0 : i32
    %dma_start3A_96 = tpu.memref_slice %arg10[%dma_start3A_93, %dma_start3A_94, %dma_start3A_95] : memref<2x128x128xf32, #tpu.memory_space<vmem>> -> memref<1x128x128xf32, #tpu.memory_space<vmem>>
    %dma_start3A_97 = tpu.memref_squeeze %dma_start3A_96 : memref<1x128x128xf32, #tpu.memory_space<vmem>> -> memref<128x128xf32, #tpu.memory_space<vmem>>
    %dma_start3A_98 = arith.constant 0 : i32
    %dma_start3A_99 = tpu.memref_slice %arg8[%dma_start3A_92, %dma_start3A_98] : memref<4x128xi32, #tpu.memory_space<vmem>> -> memref<1x128xi32, #tpu.memory_space<vmem>>
    %dma_start3A_100 = tpu.memref_squeeze %dma_start3A_99 : memref<1x128xi32, #tpu.memory_space<vmem>> -> memref<128xi32, #tpu.memory_space<vmem>>
    %dma_start3A_101 = arith.constant 0 : i32
    %dma_start3A_102 = arith.constant 0 : i32
    %dma_start3A_103 = tpu.memref_slice %arg5[%dma_start3A_101, %dma_start3A_102] : memref<20000x128xf32, #tpu.memory_space<hbm>> -> memref<20000x128xf32, #tpu.memory_space<hbm>>
    tpu.enqueue_indirect_dma source(%dma_start3A_103 : memref<20000x128xf32, #tpu.memory_space<hbm>>) target(%dma_start3A_97 : memref<128x128xf32, #tpu.memory_space<vmem>>) offsets(%dma_start3A_100 : memref<128xi32, #tpu.memory_space<vmem>>) semaphore(%arg11 : memref<!tpu.dma_semaphore, #tpu.memory_space<semaphore_mem>>)
    %add3A_104 = arith.constant 384 : i32
    %add3A_105 = arith.addi %mul3A_10, %add3A_104 : i32
    %eq3A_106 = arith.constant 0 : i32
    %eq3A_107 = arith.cmpi eq, %arg0, %eq3A_106 : i32
    %convert_element_type3A_108 = arith.extui %eq3A_107 : i1 to i32
    %cond3A_109 = arith.constant 0 : i32
    %cond3A_110 = arith.cmpi ne, %convert_element_type3A_108, %cond3A_109 : i32
    scf.if %cond3A_110 {
      %dma_start3A_431 = arith.constant 3 : i32
      %dma_start3A_432 = arith.constant 0 : i32
      %dma_start3A_433 = tpu.memref_slice %arg8[%dma_start3A_431, %dma_start3A_432] : memref<4x128xi32, #tpu.memory_space<vmem>> -> memref<1x128xi32, #tpu.memory_space<vmem>>
      %dma_start3A_434 = tpu.memref_squeeze %dma_start3A_433 : memref<1x128xi32, #tpu.memory_space<vmem>> -> memref<128xi32, #tpu.memory_space<vmem>>
      %dma_start3A_435 = tpu.memref_slice %arg2[%add3A_105] : memref<163840xi32, #tpu.memory_space<hbm>> -> memref<128xi32, #tpu.memory_space<hbm>>
      %dma_start3A_436 = arith.constant 0 : i32
      %dma_start3A_437 = tpu.memref_slice %arg8[%dma_start3A_431, %dma_start3A_436] : memref<4x128xi32, #tpu.memory_space<vmem>> -> memref<1x128xi32, #tpu.memory_space<vmem>>
      %dma_start3A_438 = tpu.memref_squeeze %dma_start3A_437 : memref<1x128xi32, #tpu.memory_space<vmem>> -> memref<128xi32, #tpu.memory_space<vmem>>
      %dma_start3A_439 = tpu.memref_slice %arg2[%add3A_105] : memref<163840xi32, #tpu.memory_space<hbm>> -> memref<128xi32, #tpu.memory_space<hbm>>
      tpu.enqueue_dma source(%dma_start3A_439 : memref<128xi32, #tpu.memory_space<hbm>>) target(%dma_start3A_438 : memref<128xi32, #tpu.memory_space<vmem>>) target_semaphore(%arg18 : memref<!tpu.dma_semaphore, #tpu.memory_space<semaphore_mem>>)
    } else {
    }
    %ne3A_111 = arith.constant 0 : i32
    %ne3A_112 = arith.cmpi ne, %arg0, %ne3A_111 : i32
    %convert_element_type3A_113 = arith.extui %ne3A_112 : i1 to i32
    %cond3A_114 = arith.constant 0 : i32
    %cond3A_115 = arith.cmpi ne, %convert_element_type3A_113, %cond3A_114 : i32
    scf.if %cond3A_115 {
      %dma_start3A_431 = arith.constant 3 : i32
      %dma_start3A_432 = arith.constant 0 : i32
      %dma_start3A_433 = tpu.memref_slice %arg8[%dma_start3A_431, %dma_start3A_432] : memref<4x128xi32, #tpu.memory_space<vmem>> -> memref<1x128xi32, #tpu.memory_space<vmem>>
      %dma_start3A_434 = tpu.memref_squeeze %dma_start3A_433 : memref<1x128xi32, #tpu.memory_space<vmem>> -> memref<128xi32, #tpu.memory_space<vmem>>
      %dma_start3A_435 = tpu.memref_slice %arg3[%add3A_105] : memref<163840xi32, #tpu.memory_space<hbm>> -> memref<128xi32, #tpu.memory_space<hbm>>
      %dma_start3A_436 = arith.constant 0 : i32
      %dma_start3A_437 = tpu.memref_slice %arg8[%dma_start3A_431, %dma_start3A_436] : memref<4x128xi32, #tpu.memory_space<vmem>> -> memref<1x128xi32, #tpu.memory_space<vmem>>
      %dma_start3A_438 = tpu.memref_squeeze %dma_start3A_437 : memref<1x128xi32, #tpu.memory_space<vmem>> -> memref<128xi32, #tpu.memory_space<vmem>>
      %dma_start3A_439 = tpu.memref_slice %arg3[%add3A_105] : memref<163840xi32, #tpu.memory_space<hbm>> -> memref<128xi32, #tpu.memory_space<hbm>>
      tpu.enqueue_dma source(%dma_start3A_439 : memref<128xi32, #tpu.memory_space<hbm>>) target(%dma_start3A_438 : memref<128xi32, #tpu.memory_space<vmem>>) target_semaphore(%arg18 : memref<!tpu.dma_semaphore, #tpu.memory_space<semaphore_mem>>)
    } else {
    }
    %dma_start3A_116 = arith.constant 3 : i32
    %dma_start3A_117 = arith.constant 0 : i32
    %dma_start3A_118 = tpu.memref_slice %arg9[%dma_start3A_116, %dma_start3A_117] : memref<4x128xi32, #tpu.memory_space<vmem>> -> memref<1x128xi32, #tpu.memory_space<vmem>>
    %dma_start3A_119 = tpu.memref_squeeze %dma_start3A_118 : memref<1x128xi32, #tpu.memory_space<vmem>> -> memref<128xi32, #tpu.memory_space<vmem>>
    %dma_start3A_120 = tpu.memref_slice %arg4[%add3A_105] : memref<163840xi32, #tpu.memory_space<hbm>> -> memref<128xi32, #tpu.memory_space<hbm>>
    %dma_start3A_121 = arith.constant 0 : i32
    %dma_start3A_122 = tpu.memref_slice %arg9[%dma_start3A_116, %dma_start3A_121] : memref<4x128xi32, #tpu.memory_space<vmem>> -> memref<1x128xi32, #tpu.memory_space<vmem>>
    %dma_start3A_123 = tpu.memref_squeeze %dma_start3A_122 : memref<1x128xi32, #tpu.memory_space<vmem>> -> memref<128xi32, #tpu.memory_space<vmem>>
    %dma_start3A_124 = tpu.memref_slice %arg4[%add3A_105] : memref<163840xi32, #tpu.memory_space<hbm>> -> memref<128xi32, #tpu.memory_space<hbm>>
    tpu.enqueue_dma source(%dma_start3A_124 : memref<128xi32, #tpu.memory_space<hbm>>) target(%dma_start3A_123 : memref<128xi32, #tpu.memory_space<vmem>>) target_semaphore(%arg18 : memref<!tpu.dma_semaphore, #tpu.memory_space<semaphore_mem>>)
    %add3A_125 = arith.constant 128 : i32
    %add3A_126 = arith.addi %mul3A_10, %add3A_125 : i32
    %eq3A_127 = arith.constant 0 : i32
    %eq3A_128 = arith.cmpi eq, %arg0, %eq3A_127 : i32
    %convert_element_type3A_129 = arith.extui %eq3A_128 : i1 to i32
    %cond3A_130 = arith.constant 0 : i32
    %cond3A_131 = arith.cmpi ne, %convert_element_type3A_129, %cond3A_130 : i32
    scf.if %cond3A_131 {
      %dma_wait3A_431 = arith.constant 1 : i32
      %dma_wait3A_432 = arith.constant 0 : i32
      %dma_wait3A_433 = tpu.memref_slice %arg8[%dma_wait3A_431, %dma_wait3A_432] : memref<4x128xi32, #tpu.memory_space<vmem>> -> memref<1x128xi32, #tpu.memory_space<vmem>>
      %dma_wait3A_434 = tpu.memref_squeeze %dma_wait3A_433 : memref<1x128xi32, #tpu.memory_space<vmem>> -> memref<128xi32, #tpu.memory_space<vmem>>
      %dma_wait3A_435 = tpu.memref_slice %arg2[%add3A_126] : memref<163840xi32, #tpu.memory_space<hbm>> -> memref<128xi32, #tpu.memory_space<hbm>>
      %dma_wait3A_436 = arith.constant 0 : i32
      %dma_wait3A_437 = tpu.memref_slice %arg8[%dma_wait3A_431, %dma_wait3A_436] : memref<4x128xi32, #tpu.memory_space<vmem>> -> memref<1x128xi32, #tpu.memory_space<vmem>>
      %dma_wait3A_438 = tpu.memref_squeeze %dma_wait3A_437 : memref<1x128xi32, #tpu.memory_space<vmem>> -> memref<128xi32, #tpu.memory_space<vmem>>
      %dma_wait3A_439 = tpu.memref_slice %arg2[%add3A_126] : memref<163840xi32, #tpu.memory_space<hbm>> -> memref<128xi32, #tpu.memory_space<hbm>>
      tpu.wait_dma2 semaphore(%arg16 : memref<!tpu.dma_semaphore, #tpu.memory_space<semaphore_mem>>) src(%dma_wait3A_439 : memref<128xi32, #tpu.memory_space<hbm>>) dst(%dma_wait3A_438 : memref<128xi32, #tpu.memory_space<vmem>>)
    } else {
    }
    %ne3A_132 = arith.constant 0 : i32
    %ne3A_133 = arith.cmpi ne, %arg0, %ne3A_132 : i32
    %convert_element_type3A_134 = arith.extui %ne3A_133 : i1 to i32
    %cond3A_135 = arith.constant 0 : i32
    %cond3A_136 = arith.cmpi ne, %convert_element_type3A_134, %cond3A_135 : i32
    scf.if %cond3A_136 {
      %dma_wait3A_431 = arith.constant 1 : i32
      %dma_wait3A_432 = arith.constant 0 : i32
      %dma_wait3A_433 = tpu.memref_slice %arg8[%dma_wait3A_431, %dma_wait3A_432] : memref<4x128xi32, #tpu.memory_space<vmem>> -> memref<1x128xi32, #tpu.memory_space<vmem>>
      %dma_wait3A_434 = tpu.memref_squeeze %dma_wait3A_433 : memref<1x128xi32, #tpu.memory_space<vmem>> -> memref<128xi32, #tpu.memory_space<vmem>>
      %dma_wait3A_435 = tpu.memref_slice %arg3[%add3A_126] : memref<163840xi32, #tpu.memory_space<hbm>> -> memref<128xi32, #tpu.memory_space<hbm>>
      %dma_wait3A_436 = arith.constant 0 : i32
      %dma_wait3A_437 = tpu.memref_slice %arg8[%dma_wait3A_431, %dma_wait3A_436] : memref<4x128xi32, #tpu.memory_space<vmem>> -> memref<1x128xi32, #tpu.memory_space<vmem>>
      %dma_wait3A_438 = tpu.memref_squeeze %dma_wait3A_437 : memref<1x128xi32, #tpu.memory_space<vmem>> -> memref<128xi32, #tpu.memory_space<vmem>>
      %dma_wait3A_439 = tpu.memref_slice %arg3[%add3A_126] : memref<163840xi32, #tpu.memory_space<hbm>> -> memref<128xi32, #tpu.memory_space<hbm>>
      tpu.wait_dma2 semaphore(%arg16 : memref<!tpu.dma_semaphore, #tpu.memory_space<semaphore_mem>>) src(%dma_wait3A_439 : memref<128xi32, #tpu.memory_space<hbm>>) dst(%dma_wait3A_438 : memref<128xi32, #tpu.memory_space<vmem>>)
    } else {
    }
    %dma_wait3A_137 = arith.constant 1 : i32
    %dma_wait3A_138 = arith.constant 0 : i32
    %dma_wait3A_139 = tpu.memref_slice %arg9[%dma_wait3A_137, %dma_wait3A_138] : memref<4x128xi32, #tpu.memory_space<vmem>> -> memref<1x128xi32, #tpu.memory_space<vmem>>
    %dma_wait3A_140 = tpu.memref_squeeze %dma_wait3A_139 : memref<1x128xi32, #tpu.memory_space<vmem>> -> memref<128xi32, #tpu.memory_space<vmem>>
    %dma_wait3A_141 = tpu.memref_slice %arg4[%add3A_126] : memref<163840xi32, #tpu.memory_space<hbm>> -> memref<128xi32, #tpu.memory_space<hbm>>
    %dma_wait3A_142 = arith.constant 0 : i32
    %dma_wait3A_143 = tpu.memref_slice %arg9[%dma_wait3A_137, %dma_wait3A_142] : memref<4x128xi32, #tpu.memory_space<vmem>> -> memref<1x128xi32, #tpu.memory_space<vmem>>
    %dma_wait3A_144 = tpu.memref_squeeze %dma_wait3A_143 : memref<1x128xi32, #tpu.memory_space<vmem>> -> memref<128xi32, #tpu.memory_space<vmem>>
    %dma_wait3A_145 = tpu.memref_slice %arg4[%add3A_126] : memref<163840xi32, #tpu.memory_space<hbm>> -> memref<128xi32, #tpu.memory_space<hbm>>
    tpu.wait_dma2 semaphore(%arg16 : memref<!tpu.dma_semaphore, #tpu.memory_space<semaphore_mem>>) src(%dma_wait3A_145 : memref<128xi32, #tpu.memory_space<hbm>>) dst(%dma_wait3A_144 : memref<128xi32, #tpu.memory_space<vmem>>)
    %dma_start3A_146 = arith.constant 1 : i32
    %dma_start3A_147 = arith.constant 1 : i32
    %dma_start3A_148 = arith.constant 0 : i32
    %dma_start3A_149 = arith.constant 0 : i32
    %dma_start3A_150 = tpu.memref_slice %arg10[%dma_start3A_147, %dma_start3A_148, %dma_start3A_149] : memref<2x128x128xf32, #tpu.memory_space<vmem>> -> memref<1x128x128xf32, #tpu.memory_space<vmem>>
    %dma_start3A_151 = tpu.memref_squeeze %dma_start3A_150 : memref<1x128x128xf32, #tpu.memory_space<vmem>> -> memref<128x128xf32, #tpu.memory_space<vmem>>
    %dma_start3A_152 = arith.constant 0 : i32
    %dma_start3A_153 = tpu.memref_slice %arg8[%dma_start3A_146, %dma_start3A_152] : memref<4x128xi32, #tpu.memory_space<vmem>> -> memref<1x128xi32, #tpu.memory_space<vmem>>
    %dma_start3A_154 = tpu.memref_squeeze %dma_start3A_153 : memref<1x128xi32, #tpu.memory_space<vmem>> -> memref<128xi32, #tpu.memory_space<vmem>>
    %dma_start3A_155 = arith.constant 0 : i32
    %dma_start3A_156 = arith.constant 0 : i32
    %dma_start3A_157 = tpu.memref_slice %arg5[%dma_start3A_155, %dma_start3A_156] : memref<20000x128xf32, #tpu.memory_space<hbm>> -> memref<20000x128xf32, #tpu.memory_space<hbm>>
    tpu.enqueue_indirect_dma source(%dma_start3A_157 : memref<20000x128xf32, #tpu.memory_space<hbm>>) target(%dma_start3A_151 : memref<128x128xf32, #tpu.memory_space<vmem>>) offsets(%dma_start3A_154 : memref<128xi32, #tpu.memory_space<vmem>>) semaphore(%arg12 : memref<!tpu.dma_semaphore, #tpu.memory_space<semaphore_mem>>)
    %dma_wait3A_158 = arith.constant 0 : i32
    %dma_wait3A_159 = arith.constant 0 : i32
    %dma_wait3A_160 = arith.constant 0 : i32
    %dma_wait3A_161 = arith.constant 0 : i32
    %dma_wait3A_162 = tpu.memref_slice %arg10[%dma_wait3A_159, %dma_wait3A_160, %dma_wait3A_161] : memref<2x128x128xf32, #tpu.memory_space<vmem>> -> memref<1x128x128xf32, #tpu.memory_space<vmem>>
    %dma_wait3A_163 = tpu.memref_squeeze %dma_wait3A_162 : memref<1x128x128xf32, #tpu.memory_space<vmem>> -> memref<128x128xf32, #tpu.memory_space<vmem>>
    %dma_wait3A_164 = arith.constant 0 : i32
    %dma_wait3A_165 = tpu.memref_slice %arg8[%dma_wait3A_158, %dma_wait3A_164] : memref<4x128xi32, #tpu.memory_space<vmem>> -> memref<1x128xi32, #tpu.memory_space<vmem>>
    %dma_wait3A_166 = tpu.memref_squeeze %dma_wait3A_165 : memref<1x128xi32, #tpu.memory_space<vmem>> -> memref<128xi32, #tpu.memory_space<vmem>>
    %dma_wait3A_167 = arith.constant 0 : i32
    %dma_wait3A_168 = arith.constant 0 : i32
    %dma_wait3A_169 = tpu.memref_slice %arg5[%dma_wait3A_167, %dma_wait3A_168] : memref<20000x128xf32, #tpu.memory_space<hbm>> -> memref<20000x128xf32, #tpu.memory_space<hbm>>
    tpu.wait_indirect_dma semaphore(%arg11 : memref<!tpu.dma_semaphore, #tpu.memory_space<semaphore_mem>>) src(%dma_wait3A_169 : memref<20000x128xf32, #tpu.memory_space<hbm>>) dst(%dma_wait3A_163 : memref<128x128xf32, #tpu.memory_space<vmem>>)
    %dma_start3A_170 = arith.constant 0 : i32
    %dma_start3A_171 = arith.constant 0 : i32
    %dma_start3A_172 = arith.constant 0 : i32
    %dma_start3A_173 = arith.constant 0 : i32
    %dma_start3A_174 = tpu.memref_slice %arg10[%dma_start3A_170, %dma_start3A_172, %dma_start3A_173] : memref<2x128x128xf32, #tpu.memory_space<vmem>> -> memref<1x128x128xf32, #tpu.memory_space<vmem>>
    %dma_start3A_175 = tpu.memref_squeeze %dma_start3A_174 : memref<1x128x128xf32, #tpu.memory_space<vmem>> -> memref<128x128xf32, #tpu.memory_space<vmem>>
    %dma_start3A_176 = arith.constant 0 : i32
    %dma_start3A_177 = tpu.memref_slice %arg9[%dma_start3A_171, %dma_start3A_176] : memref<4x128xi32, #tpu.memory_space<vmem>> -> memref<1x128xi32, #tpu.memory_space<vmem>>
    %dma_start3A_178 = tpu.memref_squeeze %dma_start3A_177 : memref<1x128xi32, #tpu.memory_space<vmem>> -> memref<128xi32, #tpu.memory_space<vmem>>
    %dma_start3A_179 = arith.constant 0 : i32
    %dma_start3A_180 = arith.constant 0 : i32
    %dma_start3A_181 = tpu.memref_slice %arg7[%dma_start3A_179, %dma_start3A_180] : memref<10240x128xf32, #tpu.memory_space<vmem_shared>> -> memref<10240x128xf32, #tpu.memory_space<vmem_shared>>
    tpu.enqueue_indirect_dma source(%dma_start3A_175 : memref<128x128xf32, #tpu.memory_space<vmem>>) target(%dma_start3A_181 : memref<10240x128xf32, #tpu.memory_space<vmem_shared>>) offsets(%dma_start3A_178 : memref<128xi32, #tpu.memory_space<vmem>>) semaphore(%arg13 : memref<!tpu.dma_semaphore, #tpu.memory_space<semaphore_mem>>) {add = true}
    %dma_wait3A_182 = arith.constant 0 : i32
    %dma_wait3A_183 = arith.constant 0 : i32
    %dma_wait3A_184 = arith.constant 0 : i32
    %dma_wait3A_185 = arith.constant 0 : i32
    %dma_wait3A_186 = tpu.memref_slice %arg10[%dma_wait3A_182, %dma_wait3A_184, %dma_wait3A_185] : memref<2x128x128xf32, #tpu.memory_space<vmem>> -> memref<1x128x128xf32, #tpu.memory_space<vmem>>
    %dma_wait3A_187 = tpu.memref_squeeze %dma_wait3A_186 : memref<1x128x128xf32, #tpu.memory_space<vmem>> -> memref<128x128xf32, #tpu.memory_space<vmem>>
    %dma_wait3A_188 = arith.constant 0 : i32
    %dma_wait3A_189 = tpu.memref_slice %arg9[%dma_wait3A_183, %dma_wait3A_188] : memref<4x128xi32, #tpu.memory_space<vmem>> -> memref<1x128xi32, #tpu.memory_space<vmem>>
    %dma_wait3A_190 = tpu.memref_squeeze %dma_wait3A_189 : memref<1x128xi32, #tpu.memory_space<vmem>> -> memref<128xi32, #tpu.memory_space<vmem>>
    %dma_wait3A_191 = arith.constant 0 : i32
    %dma_wait3A_192 = arith.constant 0 : i32
    %dma_wait3A_193 = tpu.memref_slice %arg7[%dma_wait3A_191, %dma_wait3A_192] : memref<10240x128xf32, #tpu.memory_space<vmem_shared>> -> memref<10240x128xf32, #tpu.memory_space<vmem_shared>>
    tpu.wait_indirect_dma semaphore(%arg13 : memref<!tpu.dma_semaphore, #tpu.memory_space<semaphore_mem>>) src(%dma_wait3A_187 : memref<128x128xf32, #tpu.memory_space<vmem>>) dst(%dma_wait3A_193 : memref<10240x128xf32, #tpu.memory_space<vmem_shared>>)
    %add3A_194 = arith.constant 512 : i32
    %add3A_195 = arith.addi %mul3A_10, %add3A_194 : i32
    %eq3A_196 = arith.constant 0 : i32
    %eq3A_197 = arith.cmpi eq, %arg0, %eq3A_196 : i32
    %convert_element_type3A_198 = arith.extui %eq3A_197 : i1 to i32
    %cond3A_199 = arith.constant 0 : i32
    %cond3A_200 = arith.cmpi ne, %convert_element_type3A_198, %cond3A_199 : i32
    scf.if %cond3A_200 {
      %dma_start3A_431 = arith.constant 0 : i32
      %dma_start3A_432 = arith.constant 0 : i32
      %dma_start3A_433 = tpu.memref_slice %arg8[%dma_start3A_431, %dma_start3A_432] : memref<4x128xi32, #tpu.memory_space<vmem>> -> memref<1x128xi32, #tpu.memory_space<vmem>>
      %dma_start3A_434 = tpu.memref_squeeze %dma_start3A_433 : memref<1x128xi32, #tpu.memory_space<vmem>> -> memref<128xi32, #tpu.memory_space<vmem>>
      %dma_start3A_435 = tpu.memref_slice %arg2[%add3A_195] : memref<163840xi32, #tpu.memory_space<hbm>> -> memref<128xi32, #tpu.memory_space<hbm>>
      %dma_start3A_436 = arith.constant 0 : i32
      %dma_start3A_437 = tpu.memref_slice %arg8[%dma_start3A_431, %dma_start3A_436] : memref<4x128xi32, #tpu.memory_space<vmem>> -> memref<1x128xi32, #tpu.memory_space<vmem>>
      %dma_start3A_438 = tpu.memref_squeeze %dma_start3A_437 : memref<1x128xi32, #tpu.memory_space<vmem>> -> memref<128xi32, #tpu.memory_space<vmem>>
      %dma_start3A_439 = tpu.memref_slice %arg2[%add3A_195] : memref<163840xi32, #tpu.memory_space<hbm>> -> memref<128xi32, #tpu.memory_space<hbm>>
      tpu.enqueue_dma source(%dma_start3A_439 : memref<128xi32, #tpu.memory_space<hbm>>) target(%dma_start3A_438 : memref<128xi32, #tpu.memory_space<vmem>>) target_semaphore(%arg15 : memref<!tpu.dma_semaphore, #tpu.memory_space<semaphore_mem>>)
    } else {
    }
    %ne3A_201 = arith.constant 0 : i32
    %ne3A_202 = arith.cmpi ne, %arg0, %ne3A_201 : i32
    %convert_element_type3A_203 = arith.extui %ne3A_202 : i1 to i32
    %cond3A_204 = arith.constant 0 : i32
    %cond3A_205 = arith.cmpi ne, %convert_element_type3A_203, %cond3A_204 : i32
    scf.if %cond3A_205 {
      %dma_start3A_431 = arith.constant 0 : i32
      %dma_start3A_432 = arith.constant 0 : i32
      %dma_start3A_433 = tpu.memref_slice %arg8[%dma_start3A_431, %dma_start3A_432] : memref<4x128xi32, #tpu.memory_space<vmem>> -> memref<1x128xi32, #tpu.memory_space<vmem>>
      %dma_start3A_434 = tpu.memref_squeeze %dma_start3A_433 : memref<1x128xi32, #tpu.memory_space<vmem>> -> memref<128xi32, #tpu.memory_space<vmem>>
      %dma_start3A_435 = tpu.memref_slice %arg3[%add3A_195] : memref<163840xi32, #tpu.memory_space<hbm>> -> memref<128xi32, #tpu.memory_space<hbm>>
      %dma_start3A_436 = arith.constant 0 : i32
      %dma_start3A_437 = tpu.memref_slice %arg8[%dma_start3A_431, %dma_start3A_436] : memref<4x128xi32, #tpu.memory_space<vmem>> -> memref<1x128xi32, #tpu.memory_space<vmem>>
      %dma_start3A_438 = tpu.memref_squeeze %dma_start3A_437 : memref<1x128xi32, #tpu.memory_space<vmem>> -> memref<128xi32, #tpu.memory_space<vmem>>
      %dma_start3A_439 = tpu.memref_slice %arg3[%add3A_195] : memref<163840xi32, #tpu.memory_space<hbm>> -> memref<128xi32, #tpu.memory_space<hbm>>
      tpu.enqueue_dma source(%dma_start3A_439 : memref<128xi32, #tpu.memory_space<hbm>>) target(%dma_start3A_438 : memref<128xi32, #tpu.memory_space<vmem>>) target_semaphore(%arg15 : memref<!tpu.dma_semaphore, #tpu.memory_space<semaphore_mem>>)
    } else {
    }
    %dma_start3A_206 = arith.constant 0 : i32
    %dma_start3A_207 = arith.constant 0 : i32
    %dma_start3A_208 = tpu.memref_slice %arg9[%dma_start3A_206, %dma_start3A_207] : memref<4x128xi32, #tpu.memory_space<vmem>> -> memref<1x128xi32, #tpu.memory_space<vmem>>
    %dma_start3A_209 = tpu.memref_squeeze %dma_start3A_208 : memref<1x128xi32, #tpu.memory_space<vmem>> -> memref<128xi32, #tpu.memory_space<vmem>>
    %dma_start3A_210 = tpu.memref_slice %arg4[%add3A_195] : memref<163840xi32, #tpu.memory_space<hbm>> -> memref<128xi32, #tpu.memory_space<hbm>>
    %dma_start3A_211 = arith.constant 0 : i32
    %dma_start3A_212 = tpu.memref_slice %arg9[%dma_start3A_206, %dma_start3A_211] : memref<4x128xi32, #tpu.memory_space<vmem>> -> memref<1x128xi32, #tpu.memory_space<vmem>>
    %dma_start3A_213 = tpu.memref_squeeze %dma_start3A_212 : memref<1x128xi32, #tpu.memory_space<vmem>> -> memref<128xi32, #tpu.memory_space<vmem>>
    %dma_start3A_214 = tpu.memref_slice %arg4[%add3A_195] : memref<163840xi32, #tpu.memory_space<hbm>> -> memref<128xi32, #tpu.memory_space<hbm>>
    tpu.enqueue_dma source(%dma_start3A_214 : memref<128xi32, #tpu.memory_space<hbm>>) target(%dma_start3A_213 : memref<128xi32, #tpu.memory_space<vmem>>) target_semaphore(%arg15 : memref<!tpu.dma_semaphore, #tpu.memory_space<semaphore_mem>>)
    %add3A_215 = arith.constant 256 : i32
    %add3A_216 = arith.addi %mul3A_10, %add3A_215 : i32
    %eq3A_217 = arith.constant 0 : i32
    %eq3A_218 = arith.cmpi eq, %arg0, %eq3A_217 : i32
    %convert_element_type3A_219 = arith.extui %eq3A_218 : i1 to i32
    %cond3A_220 = arith.constant 0 : i32
    %cond3A_221 = arith.cmpi ne, %convert_element_type3A_219, %cond3A_220 : i32
    scf.if %cond3A_221 {
      %dma_wait3A_431 = arith.constant 2 : i32
      %dma_wait3A_432 = arith.constant 0 : i32
      %dma_wait3A_433 = tpu.memref_slice %arg8[%dma_wait3A_431, %dma_wait3A_432] : memref<4x128xi32, #tpu.memory_space<vmem>> -> memref<1x128xi32, #tpu.memory_space<vmem>>
      %dma_wait3A_434 = tpu.memref_squeeze %dma_wait3A_433 : memref<1x128xi32, #tpu.memory_space<vmem>> -> memref<128xi32, #tpu.memory_space<vmem>>
      %dma_wait3A_435 = tpu.memref_slice %arg2[%add3A_216] : memref<163840xi32, #tpu.memory_space<hbm>> -> memref<128xi32, #tpu.memory_space<hbm>>
      %dma_wait3A_436 = arith.constant 0 : i32
      %dma_wait3A_437 = tpu.memref_slice %arg8[%dma_wait3A_431, %dma_wait3A_436] : memref<4x128xi32, #tpu.memory_space<vmem>> -> memref<1x128xi32, #tpu.memory_space<vmem>>
      %dma_wait3A_438 = tpu.memref_squeeze %dma_wait3A_437 : memref<1x128xi32, #tpu.memory_space<vmem>> -> memref<128xi32, #tpu.memory_space<vmem>>
      %dma_wait3A_439 = tpu.memref_slice %arg2[%add3A_216] : memref<163840xi32, #tpu.memory_space<hbm>> -> memref<128xi32, #tpu.memory_space<hbm>>
      tpu.wait_dma2 semaphore(%arg17 : memref<!tpu.dma_semaphore, #tpu.memory_space<semaphore_mem>>) src(%dma_wait3A_439 : memref<128xi32, #tpu.memory_space<hbm>>) dst(%dma_wait3A_438 : memref<128xi32, #tpu.memory_space<vmem>>)
    } else {
    }
    %ne3A_222 = arith.constant 0 : i32
    %ne3A_223 = arith.cmpi ne, %arg0, %ne3A_222 : i32
    %convert_element_type3A_224 = arith.extui %ne3A_223 : i1 to i32
    %cond3A_225 = arith.constant 0 : i32
    %cond3A_226 = arith.cmpi ne, %convert_element_type3A_224, %cond3A_225 : i32
    scf.if %cond3A_226 {
      %dma_wait3A_431 = arith.constant 2 : i32
      %dma_wait3A_432 = arith.constant 0 : i32
      %dma_wait3A_433 = tpu.memref_slice %arg8[%dma_wait3A_431, %dma_wait3A_432] : memref<4x128xi32, #tpu.memory_space<vmem>> -> memref<1x128xi32, #tpu.memory_space<vmem>>
      %dma_wait3A_434 = tpu.memref_squeeze %dma_wait3A_433 : memref<1x128xi32, #tpu.memory_space<vmem>> -> memref<128xi32, #tpu.memory_space<vmem>>
      %dma_wait3A_435 = tpu.memref_slice %arg3[%add3A_216] : memref<163840xi32, #tpu.memory_space<hbm>> -> memref<128xi32, #tpu.memory_space<hbm>>
      %dma_wait3A_436 = arith.constant 0 : i32
      %dma_wait3A_437 = tpu.memref_slice %arg8[%dma_wait3A_431, %dma_wait3A_436] : memref<4x128xi32, #tpu.memory_space<vmem>> -> memref<1x128xi32, #tpu.memory_space<vmem>>
      %dma_wait3A_438 = tpu.memref_squeeze %dma_wait3A_437 : memref<1x128xi32, #tpu.memory_space<vmem>> -> memref<128xi32, #tpu.memory_space<vmem>>
      %dma_wait3A_439 = tpu.memref_slice %arg3[%add3A_216] : memref<163840xi32, #tpu.memory_space<hbm>> -> memref<128xi32, #tpu.memory_space<hbm>>
      tpu.wait_dma2 semaphore(%arg17 : memref<!tpu.dma_semaphore, #tpu.memory_space<semaphore_mem>>) src(%dma_wait3A_439 : memref<128xi32, #tpu.memory_space<hbm>>) dst(%dma_wait3A_438 : memref<128xi32, #tpu.memory_space<vmem>>)
    } else {
    }
    %dma_wait3A_227 = arith.constant 2 : i32
    %dma_wait3A_228 = arith.constant 0 : i32
    %dma_wait3A_229 = tpu.memref_slice %arg9[%dma_wait3A_227, %dma_wait3A_228] : memref<4x128xi32, #tpu.memory_space<vmem>> -> memref<1x128xi32, #tpu.memory_space<vmem>>
    %dma_wait3A_230 = tpu.memref_squeeze %dma_wait3A_229 : memref<1x128xi32, #tpu.memory_space<vmem>> -> memref<128xi32, #tpu.memory_space<vmem>>
    %dma_wait3A_231 = tpu.memref_slice %arg4[%add3A_216] : memref<163840xi32, #tpu.memory_space<hbm>> -> memref<128xi32, #tpu.memory_space<hbm>>
    %dma_wait3A_232 = arith.constant 0 : i32
    %dma_wait3A_233 = tpu.memref_slice %arg9[%dma_wait3A_227, %dma_wait3A_232] : memref<4x128xi32, #tpu.memory_space<vmem>> -> memref<1x128xi32, #tpu.memory_space<vmem>>
    %dma_wait3A_234 = tpu.memref_squeeze %dma_wait3A_233 : memref<1x128xi32, #tpu.memory_space<vmem>> -> memref<128xi32, #tpu.memory_space<vmem>>
    %dma_wait3A_235 = tpu.memref_slice %arg4[%add3A_216] : memref<163840xi32, #tpu.memory_space<hbm>> -> memref<128xi32, #tpu.memory_space<hbm>>
    tpu.wait_dma2 semaphore(%arg17 : memref<!tpu.dma_semaphore, #tpu.memory_space<semaphore_mem>>) src(%dma_wait3A_235 : memref<128xi32, #tpu.memory_space<hbm>>) dst(%dma_wait3A_234 : memref<128xi32, #tpu.memory_space<vmem>>)
    %dma_start3A_236 = arith.constant 2 : i32
    %dma_start3A_237 = arith.constant 0 : i32
    %dma_start3A_238 = arith.constant 0 : i32
    %dma_start3A_239 = arith.constant 0 : i32
    %dma_start3A_240 = tpu.memref_slice %arg10[%dma_start3A_237, %dma_start3A_238, %dma_start3A_239] : memref<2x128x128xf32, #tpu.memory_space<vmem>> -> memref<1x128x128xf32, #tpu.memory_space<vmem>>
    %dma_start3A_241 = tpu.memref_squeeze %dma_start3A_240 : memref<1x128x128xf32, #tpu.memory_space<vmem>> -> memref<128x128xf32, #tpu.memory_space<vmem>>
    %dma_start3A_242 = arith.constant 0 : i32
    %dma_start3A_243 = tpu.memref_slice %arg8[%dma_start3A_236, %dma_start3A_242] : memref<4x128xi32, #tpu.memory_space<vmem>> -> memref<1x128xi32, #tpu.memory_space<vmem>>
    %dma_start3A_244 = tpu.memref_squeeze %dma_start3A_243 : memref<1x128xi32, #tpu.memory_space<vmem>> -> memref<128xi32, #tpu.memory_space<vmem>>
    %dma_start3A_245 = arith.constant 0 : i32
    %dma_start3A_246 = arith.constant 0 : i32
    %dma_start3A_247 = tpu.memref_slice %arg5[%dma_start3A_245, %dma_start3A_246] : memref<20000x128xf32, #tpu.memory_space<hbm>> -> memref<20000x128xf32, #tpu.memory_space<hbm>>
    tpu.enqueue_indirect_dma source(%dma_start3A_247 : memref<20000x128xf32, #tpu.memory_space<hbm>>) target(%dma_start3A_241 : memref<128x128xf32, #tpu.memory_space<vmem>>) offsets(%dma_start3A_244 : memref<128xi32, #tpu.memory_space<vmem>>) semaphore(%arg11 : memref<!tpu.dma_semaphore, #tpu.memory_space<semaphore_mem>>)
    %dma_wait3A_248 = arith.constant 1 : i32
    %dma_wait3A_249 = arith.constant 1 : i32
    %dma_wait3A_250 = arith.constant 0 : i32
    %dma_wait3A_251 = arith.constant 0 : i32
    %dma_wait3A_252 = tpu.memref_slice %arg10[%dma_wait3A_249, %dma_wait3A_250, %dma_wait3A_251] : memref<2x128x128xf32, #tpu.memory_space<vmem>> -> memref<1x128x128xf32, #tpu.memory_space<vmem>>
    %dma_wait3A_253 = tpu.memref_squeeze %dma_wait3A_252 : memref<1x128x128xf32, #tpu.memory_space<vmem>> -> memref<128x128xf32, #tpu.memory_space<vmem>>
    %dma_wait3A_254 = arith.constant 0 : i32
    %dma_wait3A_255 = tpu.memref_slice %arg8[%dma_wait3A_248, %dma_wait3A_254] : memref<4x128xi32, #tpu.memory_space<vmem>> -> memref<1x128xi32, #tpu.memory_space<vmem>>
    %dma_wait3A_256 = tpu.memref_squeeze %dma_wait3A_255 : memref<1x128xi32, #tpu.memory_space<vmem>> -> memref<128xi32, #tpu.memory_space<vmem>>
    %dma_wait3A_257 = arith.constant 0 : i32
    %dma_wait3A_258 = arith.constant 0 : i32
    %dma_wait3A_259 = tpu.memref_slice %arg5[%dma_wait3A_257, %dma_wait3A_258] : memref<20000x128xf32, #tpu.memory_space<hbm>> -> memref<20000x128xf32, #tpu.memory_space<hbm>>
    tpu.wait_indirect_dma semaphore(%arg12 : memref<!tpu.dma_semaphore, #tpu.memory_space<semaphore_mem>>) src(%dma_wait3A_259 : memref<20000x128xf32, #tpu.memory_space<hbm>>) dst(%dma_wait3A_253 : memref<128x128xf32, #tpu.memory_space<vmem>>)
    %dma_start3A_260 = arith.constant 1 : i32
    %dma_start3A_261 = arith.constant 1 : i32
    %dma_start3A_262 = arith.constant 0 : i32
    %dma_start3A_263 = arith.constant 0 : i32
    %dma_start3A_264 = tpu.memref_slice %arg10[%dma_start3A_260, %dma_start3A_262, %dma_start3A_263] : memref<2x128x128xf32, #tpu.memory_space<vmem>> -> memref<1x128x128xf32, #tpu.memory_space<vmem>>
    %dma_start3A_265 = tpu.memref_squeeze %dma_start3A_264 : memref<1x128x128xf32, #tpu.memory_space<vmem>> -> memref<128x128xf32, #tpu.memory_space<vmem>>
    %dma_start3A_266 = arith.constant 0 : i32
    %dma_start3A_267 = tpu.memref_slice %arg9[%dma_start3A_261, %dma_start3A_266] : memref<4x128xi32, #tpu.memory_space<vmem>> -> memref<1x128xi32, #tpu.memory_space<vmem>>
    %dma_start3A_268 = tpu.memref_squeeze %dma_start3A_267 : memref<1x128xi32, #tpu.memory_space<vmem>> -> memref<128xi32, #tpu.memory_space<vmem>>
    %dma_start3A_269 = arith.constant 0 : i32
    %dma_start3A_270 = arith.constant 0 : i32
    %dma_start3A_271 = tpu.memref_slice %arg7[%dma_start3A_269, %dma_start3A_270] : memref<10240x128xf32, #tpu.memory_space<vmem_shared>> -> memref<10240x128xf32, #tpu.memory_space<vmem_shared>>
    tpu.enqueue_indirect_dma source(%dma_start3A_265 : memref<128x128xf32, #tpu.memory_space<vmem>>) target(%dma_start3A_271 : memref<10240x128xf32, #tpu.memory_space<vmem_shared>>) offsets(%dma_start3A_268 : memref<128xi32, #tpu.memory_space<vmem>>) semaphore(%arg14 : memref<!tpu.dma_semaphore, #tpu.memory_space<semaphore_mem>>) {add = true}
    %dma_wait3A_272 = arith.constant 1 : i32
    %dma_wait3A_273 = arith.constant 1 : i32
    %dma_wait3A_274 = arith.constant 0 : i32
    %dma_wait3A_275 = arith.constant 0 : i32
    %dma_wait3A_276 = tpu.memref_slice %arg10[%dma_wait3A_272, %dma_wait3A_274, %dma_wait3A_275] : memref<2x128x128xf32, #tpu.memory_space<vmem>> -> memref<1x128x128xf32, #tpu.memory_space<vmem>>
    %dma_wait3A_277 = tpu.memref_squeeze %dma_wait3A_276 : memref<1x128x128xf32, #tpu.memory_space<vmem>> -> memref<128x128xf32, #tpu.memory_space<vmem>>
    %dma_wait3A_278 = arith.constant 0 : i32
    %dma_wait3A_279 = tpu.memref_slice %arg9[%dma_wait3A_273, %dma_wait3A_278] : memref<4x128xi32, #tpu.memory_space<vmem>> -> memref<1x128xi32, #tpu.memory_space<vmem>>
    %dma_wait3A_280 = tpu.memref_squeeze %dma_wait3A_279 : memref<1x128xi32, #tpu.memory_space<vmem>> -> memref<128xi32, #tpu.memory_space<vmem>>
    %dma_wait3A_281 = arith.constant 0 : i32
    %dma_wait3A_282 = arith.constant 0 : i32
    %dma_wait3A_283 = tpu.memref_slice %arg7[%dma_wait3A_281, %dma_wait3A_282] : memref<10240x128xf32, #tpu.memory_space<vmem_shared>> -> memref<10240x128xf32, #tpu.memory_space<vmem_shared>>
    tpu.wait_indirect_dma semaphore(%arg14 : memref<!tpu.dma_semaphore, #tpu.memory_space<semaphore_mem>>) src(%dma_wait3A_277 : memref<128x128xf32, #tpu.memory_space<vmem>>) dst(%dma_wait3A_283 : memref<10240x128xf32, #tpu.memory_space<vmem_shared>>)
    %add3A_284 = arith.constant 640 : i32
    %add3A_285 = arith.addi %mul3A_10, %add3A_284 : i32
    %eq3A_286 = arith.constant 0 : i32
    %eq3A_287 = arith.cmpi eq, %arg0, %eq3A_286 : i32
    %convert_element_type3A_288 = arith.extui %eq3A_287 : i1 to i32
    %cond3A_289 = arith.constant 0 : i32
    %cond3A_290 = arith.cmpi ne, %convert_element_type3A_288, %cond3A_289 : i32
    scf.if %cond3A_290 {
      %dma_start3A_431 = arith.constant 1 : i32
      %dma_start3A_432 = arith.constant 0 : i32
      %dma_start3A_433 = tpu.memref_slice %arg8[%dma_start3A_431, %dma_start3A_432] : memref<4x128xi32, #tpu.memory_space<vmem>> -> memref<1x128xi32, #tpu.memory_space<vmem>>
      %dma_start3A_434 = tpu.memref_squeeze %dma_start3A_433 : memref<1x128xi32, #tpu.memory_space<vmem>> -> memref<128xi32, #tpu.memory_space<vmem>>
      %dma_start3A_435 = tpu.memref_slice %arg2[%add3A_285] : memref<163840xi32, #tpu.memory_space<hbm>> -> memref<128xi32, #tpu.memory_space<hbm>>
      %dma_start3A_436 = arith.constant 0 : i32
      %dma_start3A_437 = tpu.memref_slice %arg8[%dma_start3A_431, %dma_start3A_436] : memref<4x128xi32, #tpu.memory_space<vmem>> -> memref<1x128xi32, #tpu.memory_space<vmem>>
      %dma_start3A_438 = tpu.memref_squeeze %dma_start3A_437 : memref<1x128xi32, #tpu.memory_space<vmem>> -> memref<128xi32, #tpu.memory_space<vmem>>
      %dma_start3A_439 = tpu.memref_slice %arg2[%add3A_285] : memref<163840xi32, #tpu.memory_space<hbm>> -> memref<128xi32, #tpu.memory_space<hbm>>
      tpu.enqueue_dma source(%dma_start3A_439 : memref<128xi32, #tpu.memory_space<hbm>>) target(%dma_start3A_438 : memref<128xi32, #tpu.memory_space<vmem>>) target_semaphore(%arg16 : memref<!tpu.dma_semaphore, #tpu.memory_space<semaphore_mem>>)
    } else {
    }
    %ne3A_291 = arith.constant 0 : i32
    %ne3A_292 = arith.cmpi ne, %arg0, %ne3A_291 : i32
    %convert_element_type3A_293 = arith.extui %ne3A_292 : i1 to i32
    %cond3A_294 = arith.constant 0 : i32
    %cond3A_295 = arith.cmpi ne, %convert_element_type3A_293, %cond3A_294 : i32
    scf.if %cond3A_295 {
      %dma_start3A_431 = arith.constant 1 : i32
      %dma_start3A_432 = arith.constant 0 : i32
      %dma_start3A_433 = tpu.memref_slice %arg8[%dma_start3A_431, %dma_start3A_432] : memref<4x128xi32, #tpu.memory_space<vmem>> -> memref<1x128xi32, #tpu.memory_space<vmem>>
      %dma_start3A_434 = tpu.memref_squeeze %dma_start3A_433 : memref<1x128xi32, #tpu.memory_space<vmem>> -> memref<128xi32, #tpu.memory_space<vmem>>
      %dma_start3A_435 = tpu.memref_slice %arg3[%add3A_285] : memref<163840xi32, #tpu.memory_space<hbm>> -> memref<128xi32, #tpu.memory_space<hbm>>
      %dma_start3A_436 = arith.constant 0 : i32
      %dma_start3A_437 = tpu.memref_slice %arg8[%dma_start3A_431, %dma_start3A_436] : memref<4x128xi32, #tpu.memory_space<vmem>> -> memref<1x128xi32, #tpu.memory_space<vmem>>
      %dma_start3A_438 = tpu.memref_squeeze %dma_start3A_437 : memref<1x128xi32, #tpu.memory_space<vmem>> -> memref<128xi32, #tpu.memory_space<vmem>>
      %dma_start3A_439 = tpu.memref_slice %arg3[%add3A_285] : memref<163840xi32, #tpu.memory_space<hbm>> -> memref<128xi32, #tpu.memory_space<hbm>>
      tpu.enqueue_dma source(%dma_start3A_439 : memref<128xi32, #tpu.memory_space<hbm>>) target(%dma_start3A_438 : memref<128xi32, #tpu.memory_space<vmem>>) target_semaphore(%arg16 : memref<!tpu.dma_semaphore, #tpu.memory_space<semaphore_mem>>)
    } else {
    }
    %dma_start3A_296 = arith.constant 1 : i32
    %dma_start3A_297 = arith.constant 0 : i32
    %dma_start3A_298 = tpu.memref_slice %arg9[%dma_start3A_296, %dma_start3A_297] : memref<4x128xi32, #tpu.memory_space<vmem>> -> memref<1x128xi32, #tpu.memory_space<vmem>>
    %dma_start3A_299 = tpu.memref_squeeze %dma_start3A_298 : memref<1x128xi32, #tpu.memory_space<vmem>> -> memref<128xi32, #tpu.memory_space<vmem>>
    %dma_start3A_300 = tpu.memref_slice %arg4[%add3A_285] : memref<163840xi32, #tpu.memory_space<hbm>> -> memref<128xi32, #tpu.memory_space<hbm>>
    %dma_start3A_301 = arith.constant 0 : i32
    %dma_start3A_302 = tpu.memref_slice %arg9[%dma_start3A_296, %dma_start3A_301] : memref<4x128xi32, #tpu.memory_space<vmem>> -> memref<1x128xi32, #tpu.memory_space<vmem>>
    %dma_start3A_303 = tpu.memref_squeeze %dma_start3A_302 : memref<1x128xi32, #tpu.memory_space<vmem>> -> memref<128xi32, #tpu.memory_space<vmem>>
    %dma_start3A_304 = tpu.memref_slice %arg4[%add3A_285] : memref<163840xi32, #tpu.memory_space<hbm>> -> memref<128xi32, #tpu.memory_space<hbm>>
    tpu.enqueue_dma source(%dma_start3A_304 : memref<128xi32, #tpu.memory_space<hbm>>) target(%dma_start3A_303 : memref<128xi32, #tpu.memory_space<vmem>>) target_semaphore(%arg16 : memref<!tpu.dma_semaphore, #tpu.memory_space<semaphore_mem>>)
    %add3A_305 = arith.constant 384 : i32
    %add3A_306 = arith.addi %mul3A_10, %add3A_305 : i32
    %eq3A_307 = arith.constant 0 : i32
    %eq3A_308 = arith.cmpi eq, %arg0, %eq3A_307 : i32
    %convert_element_type3A_309 = arith.extui %eq3A_308 : i1 to i32
    %cond3A_310 = arith.constant 0 : i32
    %cond3A_311 = arith.cmpi ne, %convert_element_type3A_309, %cond3A_310 : i32
    scf.if %cond3A_311 {
      %dma_wait3A_431 = arith.constant 3 : i32
      %dma_wait3A_432 = arith.constant 0 : i32
      %dma_wait3A_433 = tpu.memref_slice %arg8[%dma_wait3A_431, %dma_wait3A_432] : memref<4x128xi32, #tpu.memory_space<vmem>> -> memref<1x128xi32, #tpu.memory_space<vmem>>
      %dma_wait3A_434 = tpu.memref_squeeze %dma_wait3A_433 : memref<1x128xi32, #tpu.memory_space<vmem>> -> memref<128xi32, #tpu.memory_space<vmem>>
      %dma_wait3A_435 = tpu.memref_slice %arg2[%add3A_306] : memref<163840xi32, #tpu.memory_space<hbm>> -> memref<128xi32, #tpu.memory_space<hbm>>
      %dma_wait3A_436 = arith.constant 0 : i32
      %dma_wait3A_437 = tpu.memref_slice %arg8[%dma_wait3A_431, %dma_wait3A_436] : memref<4x128xi32, #tpu.memory_space<vmem>> -> memref<1x128xi32, #tpu.memory_space<vmem>>
      %dma_wait3A_438 = tpu.memref_squeeze %dma_wait3A_437 : memref<1x128xi32, #tpu.memory_space<vmem>> -> memref<128xi32, #tpu.memory_space<vmem>>
      %dma_wait3A_439 = tpu.memref_slice %arg2[%add3A_306] : memref<163840xi32, #tpu.memory_space<hbm>> -> memref<128xi32, #tpu.memory_space<hbm>>
      tpu.wait_dma2 semaphore(%arg18 : memref<!tpu.dma_semaphore, #tpu.memory_space<semaphore_mem>>) src(%dma_wait3A_439 : memref<128xi32, #tpu.memory_space<hbm>>) dst(%dma_wait3A_438 : memref<128xi32, #tpu.memory_space<vmem>>)
    } else {
    }
    %ne3A_312 = arith.constant 0 : i32
    %ne3A_313 = arith.cmpi ne, %arg0, %ne3A_312 : i32
    %convert_element_type3A_314 = arith.extui %ne3A_313 : i1 to i32
    %cond3A_315 = arith.constant 0 : i32
    %cond3A_316 = arith.cmpi ne, %convert_element_type3A_314, %cond3A_315 : i32
    scf.if %cond3A_316 {
      %dma_wait3A_431 = arith.constant 3 : i32
      %dma_wait3A_432 = arith.constant 0 : i32
      %dma_wait3A_433 = tpu.memref_slice %arg8[%dma_wait3A_431, %dma_wait3A_432] : memref<4x128xi32, #tpu.memory_space<vmem>> -> memref<1x128xi32, #tpu.memory_space<vmem>>
      %dma_wait3A_434 = tpu.memref_squeeze %dma_wait3A_433 : memref<1x128xi32, #tpu.memory_space<vmem>> -> memref<128xi32, #tpu.memory_space<vmem>>
      %dma_wait3A_435 = tpu.memref_slice %arg3[%add3A_306] : memref<163840xi32, #tpu.memory_space<hbm>> -> memref<128xi32, #tpu.memory_space<hbm>>
      %dma_wait3A_436 = arith.constant 0 : i32
      %dma_wait3A_437 = tpu.memref_slice %arg8[%dma_wait3A_431, %dma_wait3A_436] : memref<4x128xi32, #tpu.memory_space<vmem>> -> memref<1x128xi32, #tpu.memory_space<vmem>>
      %dma_wait3A_438 = tpu.memref_squeeze %dma_wait3A_437 : memref<1x128xi32, #tpu.memory_space<vmem>> -> memref<128xi32, #tpu.memory_space<vmem>>
      %dma_wait3A_439 = tpu.memref_slice %arg3[%add3A_306] : memref<163840xi32, #tpu.memory_space<hbm>> -> memref<128xi32, #tpu.memory_space<hbm>>
      tpu.wait_dma2 semaphore(%arg18 : memref<!tpu.dma_semaphore, #tpu.memory_space<semaphore_mem>>) src(%dma_wait3A_439 : memref<128xi32, #tpu.memory_space<hbm>>) dst(%dma_wait3A_438 : memref<128xi32, #tpu.memory_space<vmem>>)
    } else {
    }
    %dma_wait3A_317 = arith.constant 3 : i32
    %dma_wait3A_318 = arith.constant 0 : i32
    %dma_wait3A_319 = tpu.memref_slice %arg9[%dma_wait3A_317, %dma_wait3A_318] : memref<4x128xi32, #tpu.memory_space<vmem>> -> memref<1x128xi32, #tpu.memory_space<vmem>>
    %dma_wait3A_320 = tpu.memref_squeeze %dma_wait3A_319 : memref<1x128xi32, #tpu.memory_space<vmem>> -> memref<128xi32, #tpu.memory_space<vmem>>
    %dma_wait3A_321 = tpu.memref_slice %arg4[%add3A_306] : memref<163840xi32, #tpu.memory_space<hbm>> -> memref<128xi32, #tpu.memory_space<hbm>>
    %dma_wait3A_322 = arith.constant 0 : i32
    %dma_wait3A_323 = tpu.memref_slice %arg9[%dma_wait3A_317, %dma_wait3A_322] : memref<4x128xi32, #tpu.memory_space<vmem>> -> memref<1x128xi32, #tpu.memory_space<vmem>>
    %dma_wait3A_324 = tpu.memref_squeeze %dma_wait3A_323 : memref<1x128xi32, #tpu.memory_space<vmem>> -> memref<128xi32, #tpu.memory_space<vmem>>
    %dma_wait3A_325 = tpu.memref_slice %arg4[%add3A_306] : memref<163840xi32, #tpu.memory_space<hbm>> -> memref<128xi32, #tpu.memory_space<hbm>>
    tpu.wait_dma2 semaphore(%arg18 : memref<!tpu.dma_semaphore, #tpu.memory_space<semaphore_mem>>) src(%dma_wait3A_325 : memref<128xi32, #tpu.memory_space<hbm>>) dst(%dma_wait3A_324 : memref<128xi32, #tpu.memory_space<vmem>>)
    %dma_start3A_326 = arith.constant 3 : i32
    %dma_start3A_327 = arith.constant 1 : i32
    %dma_start3A_328 = arith.constant 0 : i32
    %dma_start3A_329 = arith.constant 0 : i32
    %dma_start3A_330 = tpu.memref_slice %arg10[%dma_start3A_327, %dma_start3A_328, %dma_start3A_329] : memref<2x128x128xf32, #tpu.memory_space<vmem>> -> memref<1x128x128xf32, #tpu.memory_space<vmem>>
    %dma_start3A_331 = tpu.memref_squeeze %dma_start3A_330 : memref<1x128x128xf32, #tpu.memory_space<vmem>> -> memref<128x128xf32, #tpu.memory_space<vmem>>
    %dma_start3A_332 = arith.constant 0 : i32
    %dma_start3A_333 = tpu.memref_slice %arg8[%dma_start3A_326, %dma_start3A_332] : memref<4x128xi32, #tpu.memory_space<vmem>> -> memref<1x128xi32, #tpu.memory_space<vmem>>
    %dma_start3A_334 = tpu.memref_squeeze %dma_start3A_333 : memref<1x128xi32, #tpu.memory_space<vmem>> -> memref<128xi32, #tpu.memory_space<vmem>>
    %dma_start3A_335 = arith.constant 0 : i32
    %dma_start3A_336 = arith.constant 0 : i32
    %dma_start3A_337 = tpu.memref_slice %arg5[%dma_start3A_335, %dma_start3A_336] : memref<20000x128xf32, #tpu.memory_space<hbm>> -> memref<20000x128xf32, #tpu.memory_space<hbm>>
    tpu.enqueue_indirect_dma source(%dma_start3A_337 : memref<20000x128xf32, #tpu.memory_space<hbm>>) target(%dma_start3A_331 : memref<128x128xf32, #tpu.memory_space<vmem>>) offsets(%dma_start3A_334 : memref<128xi32, #tpu.memory_space<vmem>>) semaphore(%arg12 : memref<!tpu.dma_semaphore, #tpu.memory_space<semaphore_mem>>)
    %dma_wait3A_338 = arith.constant 2 : i32
    %dma_wait3A_339 = arith.constant 0 : i32
    %dma_wait3A_340 = arith.constant 0 : i32
    %dma_wait3A_341 = arith.constant 0 : i32
    %dma_wait3A_342 = tpu.memref_slice %arg10[%dma_wait3A_339, %dma_wait3A_340, %dma_wait3A_341] : memref<2x128x128xf32, #tpu.memory_space<vmem>> -> memref<1x128x128xf32, #tpu.memory_space<vmem>>
    %dma_wait3A_343 = tpu.memref_squeeze %dma_wait3A_342 : memref<1x128x128xf32, #tpu.memory_space<vmem>> -> memref<128x128xf32, #tpu.memory_space<vmem>>
    %dma_wait3A_344 = arith.constant 0 : i32
    %dma_wait3A_345 = tpu.memref_slice %arg8[%dma_wait3A_338, %dma_wait3A_344] : memref<4x128xi32, #tpu.memory_space<vmem>> -> memref<1x128xi32, #tpu.memory_space<vmem>>
    %dma_wait3A_346 = tpu.memref_squeeze %dma_wait3A_345 : memref<1x128xi32, #tpu.memory_space<vmem>> -> memref<128xi32, #tpu.memory_space<vmem>>
    %dma_wait3A_347 = arith.constant 0 : i32
    %dma_wait3A_348 = arith.constant 0 : i32
    %dma_wait3A_349 = tpu.memref_slice %arg5[%dma_wait3A_347, %dma_wait3A_348] : memref<20000x128xf32, #tpu.memory_space<hbm>> -> memref<20000x128xf32, #tpu.memory_space<hbm>>
    tpu.wait_indirect_dma semaphore(%arg11 : memref<!tpu.dma_semaphore, #tpu.memory_space<semaphore_mem>>) src(%dma_wait3A_349 : memref<20000x128xf32, #tpu.memory_space<hbm>>) dst(%dma_wait3A_343 : memref<128x128xf32, #tpu.memory_space<vmem>>)
    %dma_start3A_350 = arith.constant 0 : i32
    %dma_start3A_351 = arith.constant 2 : i32
    %dma_start3A_352 = arith.constant 0 : i32
    %dma_start3A_353 = arith.constant 0 : i32
    %dma_start3A_354 = tpu.memref_slice %arg10[%dma_start3A_350, %dma_start3A_352, %dma_start3A_353] : memref<2x128x128xf32, #tpu.memory_space<vmem>> -> memref<1x128x128xf32, #tpu.memory_space<vmem>>
    %dma_start3A_355 = tpu.memref_squeeze %dma_start3A_354 : memref<1x128x128xf32, #tpu.memory_space<vmem>> -> memref<128x128xf32, #tpu.memory_space<vmem>>
    %dma_start3A_356 = arith.constant 0 : i32
    %dma_start3A_357 = tpu.memref_slice %arg9[%dma_start3A_351, %dma_start3A_356] : memref<4x128xi32, #tpu.memory_space<vmem>> -> memref<1x128xi32, #tpu.memory_space<vmem>>
    %dma_start3A_358 = tpu.memref_squeeze %dma_start3A_357 : memref<1x128xi32, #tpu.memory_space<vmem>> -> memref<128xi32, #tpu.memory_space<vmem>>
    %dma_start3A_359 = arith.constant 0 : i32
    %dma_start3A_360 = arith.constant 0 : i32
    %dma_start3A_361 = tpu.memref_slice %arg7[%dma_start3A_359, %dma_start3A_360] : memref<10240x128xf32, #tpu.memory_space<vmem_shared>> -> memref<10240x128xf32, #tpu.memory_space<vmem_shared>>
    tpu.enqueue_indirect_dma source(%dma_start3A_355 : memref<128x128xf32, #tpu.memory_space<vmem>>) target(%dma_start3A_361 : memref<10240x128xf32, #tpu.memory_space<vmem_shared>>) offsets(%dma_start3A_358 : memref<128xi32, #tpu.memory_space<vmem>>) semaphore(%arg13 : memref<!tpu.dma_semaphore, #tpu.memory_space<semaphore_mem>>) {add = true}
    %scan3A = arith.constant 0 : i32
    %scan3A_362 = arith.constant 1 : i32
    %scan3A_363 = arith.constant 19 : i32
    %scan3A_364 = arith.addi %scan3A_362, %scan3A_363 : i32
    %scan3A_365 = arith.constant 1 : i32
    %scan3A_366 = scf.for %scan3A_431 = %scan3A_362 to %scan3A_364 step %scan3A_365 iter_args(%scan3A_432 = %scan3A) -> (i32)  : i32 {
      %mul3A_433 = arith.constant 4 : i32
      %mul3A_434 = arith.muli %scan3A_431, %mul3A_433 : i32
      %add3A_435 = arith.constant 0 : i32
      %add3A_436 = arith.addi %mul3A_434, %add3A_435 : i32
      %dma_wait3A_437 = arith.constant 0 : i32
      %dma_wait3A_438 = arith.constant 2 : i32
      %dma_wait3A_439 = arith.constant 0 : i32
      %dma_wait3A_440 = arith.constant 0 : i32
      %dma_wait3A_441 = tpu.memref_slice %arg10[%dma_wait3A_437, %dma_wait3A_439, %dma_wait3A_440] : memref<2x128x128xf32, #tpu.memory_space<vmem>> -> memref<1x128x128xf32, #tpu.memory_space<vmem>>
      %dma_wait3A_442 = tpu.memref_squeeze %dma_wait3A_441 : memref<1x128x128xf32, #tpu.memory_space<vmem>> -> memref<128x128xf32, #tpu.memory_space<vmem>>
      %dma_wait3A_443 = arith.constant 0 : i32
      %dma_wait3A_444 = tpu.memref_slice %arg9[%dma_wait3A_438, %dma_wait3A_443] : memref<4x128xi32, #tpu.memory_space<vmem>> -> memref<1x128xi32, #tpu.memory_space<vmem>>
      %dma_wait3A_445 = tpu.memref_squeeze %dma_wait3A_444 : memref<1x128xi32, #tpu.memory_space<vmem>> -> memref<128xi32, #tpu.memory_space<vmem>>
      %dma_wait3A_446 = arith.constant 0 : i32
      %dma_wait3A_447 = arith.constant 0 : i32
      %dma_wait3A_448 = tpu.memref_slice %arg7[%dma_wait3A_446, %dma_wait3A_447] : memref<10240x128xf32, #tpu.memory_space<vmem_shared>> -> memref<10240x128xf32, #tpu.memory_space<vmem_shared>>
      tpu.wait_indirect_dma semaphore(%arg13 : memref<!tpu.dma_semaphore, #tpu.memory_space<semaphore_mem>>) src(%dma_wait3A_442 : memref<128x128xf32, #tpu.memory_space<vmem>>) dst(%dma_wait3A_448 : memref<10240x128xf32, #tpu.memory_space<vmem_shared>>)
      %add3A_449 = arith.constant 2 : i32
      %add3A_450 = arith.addi %add3A_436, %add3A_449 : i32
      %lt3A = arith.constant 80 : i32
      %lt3A_451 = arith.cmpi slt, %add3A_450, %lt3A : i32
      %convert_element_type3A_452 = arith.extui %lt3A_451 : i1 to i32
      %cond3A_453 = arith.constant 0 : i32
      %cond3A_454 = arith.cmpi ne, %convert_element_type3A_452, %cond3A_453 : i32
      scf.if %cond3A_454 {
        %add3A_751 = arith.constant 2 : i32
        %add3A_752 = arith.addi %add3A_436, %add3A_751 : i32
        %mul3A_753 = arith.constant 128 : i32
        %mul3A_754 = arith.muli %add3A_752, %mul3A_753 : i32
        %add3A_755 = arith.addi %mul3A_10, %mul3A_754 : i32
        %eq3A_756 = arith.constant 0 : i32
        %eq3A_757 = arith.cmpi eq, %arg0, %eq3A_756 : i32
        %convert_element_type3A_758 = arith.extui %eq3A_757 : i1 to i32
        %cond3A_759 = arith.constant 0 : i32
        %cond3A_760 = arith.cmpi ne, %convert_element_type3A_758, %cond3A_759 : i32
        scf.if %cond3A_760 {
          %dma_start3A_775 = arith.constant 2 : i32
          %dma_start3A_776 = arith.constant 0 : i32
          %dma_start3A_777 = tpu.memref_slice %arg8[%dma_start3A_775, %dma_start3A_776] : memref<4x128xi32, #tpu.memory_space<vmem>> -> memref<1x128xi32, #tpu.memory_space<vmem>>
          %dma_start3A_778 = tpu.memref_squeeze %dma_start3A_777 : memref<1x128xi32, #tpu.memory_space<vmem>> -> memref<128xi32, #tpu.memory_space<vmem>>
          %dma_start3A_779 = tpu.memref_slice %arg2[%add3A_755] : memref<163840xi32, #tpu.memory_space<hbm>> -> memref<128xi32, #tpu.memory_space<hbm>>
          %dma_start3A_780 = arith.constant 0 : i32
          %dma_start3A_781 = tpu.memref_slice %arg8[%dma_start3A_775, %dma_start3A_780] : memref<4x128xi32, #tpu.memory_space<vmem>> -> memref<1x128xi32, #tpu.memory_space<vmem>>
          %dma_start3A_782 = tpu.memref_squeeze %dma_start3A_781 : memref<1x128xi32, #tpu.memory_space<vmem>> -> memref<128xi32, #tpu.memory_space<vmem>>
          %dma_start3A_783 = tpu.memref_slice %arg2[%add3A_755] : memref<163840xi32, #tpu.memory_space<hbm>> -> memref<128xi32, #tpu.memory_space<hbm>>
          tpu.enqueue_dma source(%dma_start3A_783 : memref<128xi32, #tpu.memory_space<hbm>>) target(%dma_start3A_782 : memref<128xi32, #tpu.memory_space<vmem>>) target_semaphore(%arg17 : memref<!tpu.dma_semaphore, #tpu.memory_space<semaphore_mem>>)
        } else {
        }
        %ne3A_761 = arith.constant 0 : i32
        %ne3A_762 = arith.cmpi ne, %arg0, %ne3A_761 : i32
        %convert_element_type3A_763 = arith.extui %ne3A_762 : i1 to i32
        %cond3A_764 = arith.constant 0 : i32
        %cond3A_765 = arith.cmpi ne, %convert_element_type3A_763, %cond3A_764 : i32
        scf.if %cond3A_765 {
          %dma_start3A_775 = arith.constant 2 : i32
          %dma_start3A_776 = arith.constant 0 : i32
          %dma_start3A_777 = tpu.memref_slice %arg8[%dma_start3A_775, %dma_start3A_776] : memref<4x128xi32, #tpu.memory_space<vmem>> -> memref<1x128xi32, #tpu.memory_space<vmem>>
          %dma_start3A_778 = tpu.memref_squeeze %dma_start3A_777 : memref<1x128xi32, #tpu.memory_space<vmem>> -> memref<128xi32, #tpu.memory_space<vmem>>
          %dma_start3A_779 = tpu.memref_slice %arg3[%add3A_755] : memref<163840xi32, #tpu.memory_space<hbm>> -> memref<128xi32, #tpu.memory_space<hbm>>
          %dma_start3A_780 = arith.constant 0 : i32
          %dma_start3A_781 = tpu.memref_slice %arg8[%dma_start3A_775, %dma_start3A_780] : memref<4x128xi32, #tpu.memory_space<vmem>> -> memref<1x128xi32, #tpu.memory_space<vmem>>
          %dma_start3A_782 = tpu.memref_squeeze %dma_start3A_781 : memref<1x128xi32, #tpu.memory_space<vmem>> -> memref<128xi32, #tpu.memory_space<vmem>>
          %dma_start3A_783 = tpu.memref_slice %arg3[%add3A_755] : memref<163840xi32, #tpu.memory_space<hbm>> -> memref<128xi32, #tpu.memory_space<hbm>>
          tpu.enqueue_dma source(%dma_start3A_783 : memref<128xi32, #tpu.memory_space<hbm>>) target(%dma_start3A_782 : memref<128xi32, #tpu.memory_space<vmem>>) target_semaphore(%arg17 : memref<!tpu.dma_semaphore, #tpu.memory_space<semaphore_mem>>)
        } else {
        }
        %dma_start3A_766 = arith.constant 2 : i32
        %dma_start3A_767 = arith.constant 0 : i32
        %dma_start3A_768 = tpu.memref_slice %arg9[%dma_start3A_766, %dma_start3A_767] : memref<4x128xi32, #tpu.memory_space<vmem>> -> memref<1x128xi32, #tpu.memory_space<vmem>>
        %dma_start3A_769 = tpu.memref_squeeze %dma_start3A_768 : memref<1x128xi32, #tpu.memory_space<vmem>> -> memref<128xi32, #tpu.memory_space<vmem>>
        %dma_start3A_770 = tpu.memref_slice %arg4[%add3A_755] : memref<163840xi32, #tpu.memory_space<hbm>> -> memref<128xi32, #tpu.memory_space<hbm>>
        %dma_start3A_771 = arith.constant 0 : i32
        %dma_start3A_772 = tpu.memref_slice %arg9[%dma_start3A_766, %dma_start3A_771] : memref<4x128xi32, #tpu.memory_space<vmem>> -> memref<1x128xi32, #tpu.memory_space<vmem>>
        %dma_start3A_773 = tpu.memref_squeeze %dma_start3A_772 : memref<1x128xi32, #tpu.memory_space<vmem>> -> memref<128xi32, #tpu.memory_space<vmem>>
        %dma_start3A_774 = tpu.memref_slice %arg4[%add3A_755] : memref<163840xi32, #tpu.memory_space<hbm>> -> memref<128xi32, #tpu.memory_space<hbm>>
        tpu.enqueue_dma source(%dma_start3A_774 : memref<128xi32, #tpu.memory_space<hbm>>) target(%dma_start3A_773 : memref<128xi32, #tpu.memory_space<vmem>>) target_semaphore(%arg17 : memref<!tpu.dma_semaphore, #tpu.memory_space<semaphore_mem>>)
      } else {
      }
      %mul3A_455 = arith.constant 128 : i32
      %mul3A_456 = arith.muli %add3A_436, %mul3A_455 : i32
      %add3A_457 = arith.addi %mul3A_10, %mul3A_456 : i32
      %eq3A_458 = arith.constant 0 : i32
      %eq3A_459 = arith.cmpi eq, %arg0, %eq3A_458 : i32
      %convert_element_type3A_460 = arith.extui %eq3A_459 : i1 to i32
      %cond3A_461 = arith.constant 0 : i32
      %cond3A_462 = arith.cmpi ne, %convert_element_type3A_460, %cond3A_461 : i32
      scf.if %cond3A_462 {
        %dma_wait3A_751 = arith.constant 0 : i32
        %dma_wait3A_752 = arith.constant 0 : i32
        %dma_wait3A_753 = tpu.memref_slice %arg8[%dma_wait3A_751, %dma_wait3A_752] : memref<4x128xi32, #tpu.memory_space<vmem>> -> memref<1x128xi32, #tpu.memory_space<vmem>>
        %dma_wait3A_754 = tpu.memref_squeeze %dma_wait3A_753 : memref<1x128xi32, #tpu.memory_space<vmem>> -> memref<128xi32, #tpu.memory_space<vmem>>
        %dma_wait3A_755 = tpu.memref_slice %arg2[%add3A_457] : memref<163840xi32, #tpu.memory_space<hbm>> -> memref<128xi32, #tpu.memory_space<hbm>>
        %dma_wait3A_756 = arith.constant 0 : i32
        %dma_wait3A_757 = tpu.memref_slice %arg8[%dma_wait3A_751, %dma_wait3A_756] : memref<4x128xi32, #tpu.memory_space<vmem>> -> memref<1x128xi32, #tpu.memory_space<vmem>>
        %dma_wait3A_758 = tpu.memref_squeeze %dma_wait3A_757 : memref<1x128xi32, #tpu.memory_space<vmem>> -> memref<128xi32, #tpu.memory_space<vmem>>
        %dma_wait3A_759 = tpu.memref_slice %arg2[%add3A_457] : memref<163840xi32, #tpu.memory_space<hbm>> -> memref<128xi32, #tpu.memory_space<hbm>>
        tpu.wait_dma2 semaphore(%arg15 : memref<!tpu.dma_semaphore, #tpu.memory_space<semaphore_mem>>) src(%dma_wait3A_759 : memref<128xi32, #tpu.memory_space<hbm>>) dst(%dma_wait3A_758 : memref<128xi32, #tpu.memory_space<vmem>>)
      } else {
      }
      %ne3A_463 = arith.constant 0 : i32
      %ne3A_464 = arith.cmpi ne, %arg0, %ne3A_463 : i32
      %convert_element_type3A_465 = arith.extui %ne3A_464 : i1 to i32
      %cond3A_466 = arith.constant 0 : i32
      %cond3A_467 = arith.cmpi ne, %convert_element_type3A_465, %cond3A_466 : i32
      scf.if %cond3A_467 {
        %dma_wait3A_751 = arith.constant 0 : i32
        %dma_wait3A_752 = arith.constant 0 : i32
        %dma_wait3A_753 = tpu.memref_slice %arg8[%dma_wait3A_751, %dma_wait3A_752] : memref<4x128xi32, #tpu.memory_space<vmem>> -> memref<1x128xi32, #tpu.memory_space<vmem>>
        %dma_wait3A_754 = tpu.memref_squeeze %dma_wait3A_753 : memref<1x128xi32, #tpu.memory_space<vmem>> -> memref<128xi32, #tpu.memory_space<vmem>>
        %dma_wait3A_755 = tpu.memref_slice %arg3[%add3A_457] : memref<163840xi32, #tpu.memory_space<hbm>> -> memref<128xi32, #tpu.memory_space<hbm>>
        %dma_wait3A_756 = arith.constant 0 : i32
        %dma_wait3A_757 = tpu.memref_slice %arg8[%dma_wait3A_751, %dma_wait3A_756] : memref<4x128xi32, #tpu.memory_space<vmem>> -> memref<1x128xi32, #tpu.memory_space<vmem>>
        %dma_wait3A_758 = tpu.memref_squeeze %dma_wait3A_757 : memref<1x128xi32, #tpu.memory_space<vmem>> -> memref<128xi32, #tpu.memory_space<vmem>>
        %dma_wait3A_759 = tpu.memref_slice %arg3[%add3A_457] : memref<163840xi32, #tpu.memory_space<hbm>> -> memref<128xi32, #tpu.memory_space<hbm>>
        tpu.wait_dma2 semaphore(%arg15 : memref<!tpu.dma_semaphore, #tpu.memory_space<semaphore_mem>>) src(%dma_wait3A_759 : memref<128xi32, #tpu.memory_space<hbm>>) dst(%dma_wait3A_758 : memref<128xi32, #tpu.memory_space<vmem>>)
      } else {
      }
      %dma_wait3A_468 = arith.constant 0 : i32
      %dma_wait3A_469 = arith.constant 0 : i32
      %dma_wait3A_470 = tpu.memref_slice %arg9[%dma_wait3A_468, %dma_wait3A_469] : memref<4x128xi32, #tpu.memory_space<vmem>> -> memref<1x128xi32, #tpu.memory_space<vmem>>
      %dma_wait3A_471 = tpu.memref_squeeze %dma_wait3A_470 : memref<1x128xi32, #tpu.memory_space<vmem>> -> memref<128xi32, #tpu.memory_space<vmem>>
      %dma_wait3A_472 = tpu.memref_slice %arg4[%add3A_457] : memref<163840xi32, #tpu.memory_space<hbm>> -> memref<128xi32, #tpu.memory_space<hbm>>
      %dma_wait3A_473 = arith.constant 0 : i32
      %dma_wait3A_474 = tpu.memref_slice %arg9[%dma_wait3A_468, %dma_wait3A_473] : memref<4x128xi32, #tpu.memory_space<vmem>> -> memref<1x128xi32, #tpu.memory_space<vmem>>
      %dma_wait3A_475 = tpu.memref_squeeze %dma_wait3A_474 : memref<1x128xi32, #tpu.memory_space<vmem>> -> memref<128xi32, #tpu.memory_space<vmem>>
      %dma_wait3A_476 = tpu.memref_slice %arg4[%add3A_457] : memref<163840xi32, #tpu.memory_space<hbm>> -> memref<128xi32, #tpu.memory_space<hbm>>
      tpu.wait_dma2 semaphore(%arg15 : memref<!tpu.dma_semaphore, #tpu.memory_space<semaphore_mem>>) src(%dma_wait3A_476 : memref<128xi32, #tpu.memory_space<hbm>>) dst(%dma_wait3A_475 : memref<128xi32, #tpu.memory_space<vmem>>)
      %dma_start3A_477 = arith.constant 0 : i32
      %dma_start3A_478 = arith.constant 0 : i32
      %dma_start3A_479 = arith.constant 0 : i32
      %dma_start3A_480 = arith.constant 0 : i32
      %dma_start3A_481 = tpu.memref_slice %arg10[%dma_start3A_478, %dma_start3A_479, %dma_start3A_480] : memref<2x128x128xf32, #tpu.memory_space<vmem>> -> memref<1x128x128xf32, #tpu.memory_space<vmem>>
      %dma_start3A_482 = tpu.memref_squeeze %dma_start3A_481 : memref<1x128x128xf32, #tpu.memory_space<vmem>> -> memref<128x128xf32, #tpu.memory_space<vmem>>
      %dma_start3A_483 = arith.constant 0 : i32
      %dma_start3A_484 = tpu.memref_slice %arg8[%dma_start3A_477, %dma_start3A_483] : memref<4x128xi32, #tpu.memory_space<vmem>> -> memref<1x128xi32, #tpu.memory_space<vmem>>
      %dma_start3A_485 = tpu.memref_squeeze %dma_start3A_484 : memref<1x128xi32, #tpu.memory_space<vmem>> -> memref<128xi32, #tpu.memory_space<vmem>>
      %dma_start3A_486 = arith.constant 0 : i32
      %dma_start3A_487 = arith.constant 0 : i32
      %dma_start3A_488 = tpu.memref_slice %arg5[%dma_start3A_486, %dma_start3A_487] : memref<20000x128xf32, #tpu.memory_space<hbm>> -> memref<20000x128xf32, #tpu.memory_space<hbm>>
      tpu.enqueue_indirect_dma source(%dma_start3A_488 : memref<20000x128xf32, #tpu.memory_space<hbm>>) target(%dma_start3A_482 : memref<128x128xf32, #tpu.memory_space<vmem>>) offsets(%dma_start3A_485 : memref<128xi32, #tpu.memory_space<vmem>>) semaphore(%arg11 : memref<!tpu.dma_semaphore, #tpu.memory_space<semaphore_mem>>)
      %dma_wait3A_489 = arith.constant 3 : i32
      %dma_wait3A_490 = arith.constant 1 : i32
      %dma_wait3A_491 = arith.constant 0 : i32
      %dma_wait3A_492 = arith.constant 0 : i32
      %dma_wait3A_493 = tpu.memref_slice %arg10[%dma_wait3A_490, %dma_wait3A_491, %dma_wait3A_492] : memref<2x128x128xf32, #tpu.memory_space<vmem>> -> memref<1x128x128xf32, #tpu.memory_space<vmem>>
      %dma_wait3A_494 = tpu.memref_squeeze %dma_wait3A_493 : memref<1x128x128xf32, #tpu.memory_space<vmem>> -> memref<128x128xf32, #tpu.memory_space<vmem>>
      %dma_wait3A_495 = arith.constant 0 : i32
      %dma_wait3A_496 = tpu.memref_slice %arg8[%dma_wait3A_489, %dma_wait3A_495] : memref<4x128xi32, #tpu.memory_space<vmem>> -> memref<1x128xi32, #tpu.memory_space<vmem>>
      %dma_wait3A_497 = tpu.memref_squeeze %dma_wait3A_496 : memref<1x128xi32, #tpu.memory_space<vmem>> -> memref<128xi32, #tpu.memory_space<vmem>>
      %dma_wait3A_498 = arith.constant 0 : i32
      %dma_wait3A_499 = arith.constant 0 : i32
      %dma_wait3A_500 = tpu.memref_slice %arg5[%dma_wait3A_498, %dma_wait3A_499] : memref<20000x128xf32, #tpu.memory_space<hbm>> -> memref<20000x128xf32, #tpu.memory_space<hbm>>
      tpu.wait_indirect_dma semaphore(%arg12 : memref<!tpu.dma_semaphore, #tpu.memory_space<semaphore_mem>>) src(%dma_wait3A_500 : memref<20000x128xf32, #tpu.memory_space<hbm>>) dst(%dma_wait3A_494 : memref<128x128xf32, #tpu.memory_space<vmem>>)
      %dma_start3A_501 = arith.constant 1 : i32
      %dma_start3A_502 = arith.constant 3 : i32
      %dma_start3A_503 = arith.constant 0 : i32
      %dma_start3A_504 = arith.constant 0 : i32
      %dma_start3A_505 = tpu.memref_slice %arg10[%dma_start3A_501, %dma_start3A_503, %dma_start3A_504] : memref<2x128x128xf32, #tpu.memory_space<vmem>> -> memref<1x128x128xf32, #tpu.memory_space<vmem>>
      %dma_start3A_506 = tpu.memref_squeeze %dma_start3A_505 : memref<1x128x128xf32, #tpu.memory_space<vmem>> -> memref<128x128xf32, #tpu.memory_space<vmem>>
      %dma_start3A_507 = arith.constant 0 : i32
      %dma_start3A_508 = tpu.memref_slice %arg9[%dma_start3A_502, %dma_start3A_507] : memref<4x128xi32, #tpu.memory_space<vmem>> -> memref<1x128xi32, #tpu.memory_space<vmem>>
      %dma_start3A_509 = tpu.memref_squeeze %dma_start3A_508 : memref<1x128xi32, #tpu.memory_space<vmem>> -> memref<128xi32, #tpu.memory_space<vmem>>
      %dma_start3A_510 = arith.constant 0 : i32
      %dma_start3A_511 = arith.constant 0 : i32
      %dma_start3A_512 = tpu.memref_slice %arg7[%dma_start3A_510, %dma_start3A_511] : memref<10240x128xf32, #tpu.memory_space<vmem_shared>> -> memref<10240x128xf32, #tpu.memory_space<vmem_shared>>
      tpu.enqueue_indirect_dma source(%dma_start3A_506 : memref<128x128xf32, #tpu.memory_space<vmem>>) target(%dma_start3A_512 : memref<10240x128xf32, #tpu.memory_space<vmem_shared>>) offsets(%dma_start3A_509 : memref<128xi32, #tpu.memory_space<vmem>>) semaphore(%arg14 : memref<!tpu.dma_semaphore, #tpu.memory_space<semaphore_mem>>) {add = true}
      %add3A_513 = arith.constant 1 : i32
      %add3A_514 = arith.addi %mul3A_434, %add3A_513 : i32
      %dma_wait3A_515 = arith.constant 1 : i32
      %dma_wait3A_516 = arith.constant 3 : i32
      %dma_wait3A_517 = arith.constant 0 : i32
      %dma_wait3A_518 = arith.constant 0 : i32
      %dma_wait3A_519 = tpu.memref_slice %arg10[%dma_wait3A_515, %dma_wait3A_517, %dma_wait3A_518] : memref<2x128x128xf32, #tpu.memory_space<vmem>> -> memref<1x128x128xf32, #tpu.memory_space<vmem>>
      %dma_wait3A_520 = tpu.memref_squeeze %dma_wait3A_519 : memref<1x128x128xf32, #tpu.memory_space<vmem>> -> memref<128x128xf32, #tpu.memory_space<vmem>>
      %dma_wait3A_521 = arith.constant 0 : i32
      %dma_wait3A_522 = tpu.memref_slice %arg9[%dma_wait3A_516, %dma_wait3A_521] : memref<4x128xi32, #tpu.memory_space<vmem>> -> memref<1x128xi32, #tpu.memory_space<vmem>>
      %dma_wait3A_523 = tpu.memref_squeeze %dma_wait3A_522 : memref<1x128xi32, #tpu.memory_space<vmem>> -> memref<128xi32, #tpu.memory_space<vmem>>
      %dma_wait3A_524 = arith.constant 0 : i32
      %dma_wait3A_525 = arith.constant 0 : i32
      %dma_wait3A_526 = tpu.memref_slice %arg7[%dma_wait3A_524, %dma_wait3A_525] : memref<10240x128xf32, #tpu.memory_space<vmem_shared>> -> memref<10240x128xf32, #tpu.memory_space<vmem_shared>>
      tpu.wait_indirect_dma semaphore(%arg14 : memref<!tpu.dma_semaphore, #tpu.memory_space<semaphore_mem>>) src(%dma_wait3A_520 : memref<128x128xf32, #tpu.memory_space<vmem>>) dst(%dma_wait3A_526 : memref<10240x128xf32, #tpu.memory_space<vmem_shared>>)
      %add3A_527 = arith.constant 2 : i32
      %add3A_528 = arith.addi %add3A_514, %add3A_527 : i32
      %lt3A_529 = arith.constant 80 : i32
      %lt3A_530 = arith.cmpi slt, %add3A_528, %lt3A_529 : i32
      %convert_element_type3A_531 = arith.extui %lt3A_530 : i1 to i32
      %cond3A_532 = arith.constant 0 : i32
      %cond3A_533 = arith.cmpi ne, %convert_element_type3A_531, %cond3A_532 : i32
      scf.if %cond3A_533 {
        %add3A_751 = arith.constant 2 : i32
        %add3A_752 = arith.addi %add3A_514, %add3A_751 : i32
        %mul3A_753 = arith.constant 128 : i32
        %mul3A_754 = arith.muli %add3A_752, %mul3A_753 : i32
        %add3A_755 = arith.addi %mul3A_10, %mul3A_754 : i32
        %eq3A_756 = arith.constant 0 : i32
        %eq3A_757 = arith.cmpi eq, %arg0, %eq3A_756 : i32
        %convert_element_type3A_758 = arith.extui %eq3A_757 : i1 to i32
        %cond3A_759 = arith.constant 0 : i32
        %cond3A_760 = arith.cmpi ne, %convert_element_type3A_758, %cond3A_759 : i32
        scf.if %cond3A_760 {
          %dma_start3A_775 = arith.constant 3 : i32
          %dma_start3A_776 = arith.constant 0 : i32
          %dma_start3A_777 = tpu.memref_slice %arg8[%dma_start3A_775, %dma_start3A_776] : memref<4x128xi32, #tpu.memory_space<vmem>> -> memref<1x128xi32, #tpu.memory_space<vmem>>
          %dma_start3A_778 = tpu.memref_squeeze %dma_start3A_777 : memref<1x128xi32, #tpu.memory_space<vmem>> -> memref<128xi32, #tpu.memory_space<vmem>>
          %dma_start3A_779 = tpu.memref_slice %arg2[%add3A_755] : memref<163840xi32, #tpu.memory_space<hbm>> -> memref<128xi32, #tpu.memory_space<hbm>>
          %dma_start3A_780 = arith.constant 0 : i32
          %dma_start3A_781 = tpu.memref_slice %arg8[%dma_start3A_775, %dma_start3A_780] : memref<4x128xi32, #tpu.memory_space<vmem>> -> memref<1x128xi32, #tpu.memory_space<vmem>>
          %dma_start3A_782 = tpu.memref_squeeze %dma_start3A_781 : memref<1x128xi32, #tpu.memory_space<vmem>> -> memref<128xi32, #tpu.memory_space<vmem>>
          %dma_start3A_783 = tpu.memref_slice %arg2[%add3A_755] : memref<163840xi32, #tpu.memory_space<hbm>> -> memref<128xi32, #tpu.memory_space<hbm>>
          tpu.enqueue_dma source(%dma_start3A_783 : memref<128xi32, #tpu.memory_space<hbm>>) target(%dma_start3A_782 : memref<128xi32, #tpu.memory_space<vmem>>) target_semaphore(%arg18 : memref<!tpu.dma_semaphore, #tpu.memory_space<semaphore_mem>>)
        } else {
        }
        %ne3A_761 = arith.constant 0 : i32
        %ne3A_762 = arith.cmpi ne, %arg0, %ne3A_761 : i32
        %convert_element_type3A_763 = arith.extui %ne3A_762 : i1 to i32
        %cond3A_764 = arith.constant 0 : i32
        %cond3A_765 = arith.cmpi ne, %convert_element_type3A_763, %cond3A_764 : i32
        scf.if %cond3A_765 {
          %dma_start3A_775 = arith.constant 3 : i32
          %dma_start3A_776 = arith.constant 0 : i32
          %dma_start3A_777 = tpu.memref_slice %arg8[%dma_start3A_775, %dma_start3A_776] : memref<4x128xi32, #tpu.memory_space<vmem>> -> memref<1x128xi32, #tpu.memory_space<vmem>>
          %dma_start3A_778 = tpu.memref_squeeze %dma_start3A_777 : memref<1x128xi32, #tpu.memory_space<vmem>> -> memref<128xi32, #tpu.memory_space<vmem>>
          %dma_start3A_779 = tpu.memref_slice %arg3[%add3A_755] : memref<163840xi32, #tpu.memory_space<hbm>> -> memref<128xi32, #tpu.memory_space<hbm>>
          %dma_start3A_780 = arith.constant 0 : i32
          %dma_start3A_781 = tpu.memref_slice %arg8[%dma_start3A_775, %dma_start3A_780] : memref<4x128xi32, #tpu.memory_space<vmem>> -> memref<1x128xi32, #tpu.memory_space<vmem>>
          %dma_start3A_782 = tpu.memref_squeeze %dma_start3A_781 : memref<1x128xi32, #tpu.memory_space<vmem>> -> memref<128xi32, #tpu.memory_space<vmem>>
          %dma_start3A_783 = tpu.memref_slice %arg3[%add3A_755] : memref<163840xi32, #tpu.memory_space<hbm>> -> memref<128xi32, #tpu.memory_space<hbm>>
          tpu.enqueue_dma source(%dma_start3A_783 : memref<128xi32, #tpu.memory_space<hbm>>) target(%dma_start3A_782 : memref<128xi32, #tpu.memory_space<vmem>>) target_semaphore(%arg18 : memref<!tpu.dma_semaphore, #tpu.memory_space<semaphore_mem>>)
        } else {
        }
        %dma_start3A_766 = arith.constant 3 : i32
        %dma_start3A_767 = arith.constant 0 : i32
        %dma_start3A_768 = tpu.memref_slice %arg9[%dma_start3A_766, %dma_start3A_767] : memref<4x128xi32, #tpu.memory_space<vmem>> -> memref<1x128xi32, #tpu.memory_space<vmem>>
        %dma_start3A_769 = tpu.memref_squeeze %dma_start3A_768 : memref<1x128xi32, #tpu.memory_space<vmem>> -> memref<128xi32, #tpu.memory_space<vmem>>
        %dma_start3A_770 = tpu.memref_slice %arg4[%add3A_755] : memref<163840xi32, #tpu.memory_space<hbm>> -> memref<128xi32, #tpu.memory_space<hbm>>
        %dma_start3A_771 = arith.constant 0 : i32
        %dma_start3A_772 = tpu.memref_slice %arg9[%dma_start3A_766, %dma_start3A_771] : memref<4x128xi32, #tpu.memory_space<vmem>> -> memref<1x128xi32, #tpu.memory_space<vmem>>
        %dma_start3A_773 = tpu.memref_squeeze %dma_start3A_772 : memref<1x128xi32, #tpu.memory_space<vmem>> -> memref<128xi32, #tpu.memory_space<vmem>>
        %dma_start3A_774 = tpu.memref_slice %arg4[%add3A_755] : memref<163840xi32, #tpu.memory_space<hbm>> -> memref<128xi32, #tpu.memory_space<hbm>>
        tpu.enqueue_dma source(%dma_start3A_774 : memref<128xi32, #tpu.memory_space<hbm>>) target(%dma_start3A_773 : memref<128xi32, #tpu.memory_space<vmem>>) target_semaphore(%arg18 : memref<!tpu.dma_semaphore, #tpu.memory_space<semaphore_mem>>)
      } else {
      }
      %mul3A_534 = arith.constant 128 : i32
      %mul3A_535 = arith.muli %add3A_514, %mul3A_534 : i32
      %add3A_536 = arith.addi %mul3A_10, %mul3A_535 : i32
      %eq3A_537 = arith.constant 0 : i32
      %eq3A_538 = arith.cmpi eq, %arg0, %eq3A_537 : i32
      %convert_element_type3A_539 = arith.extui %eq3A_538 : i1 to i32
      %cond3A_540 = arith.constant 0 : i32
      %cond3A_541 = arith.cmpi ne, %convert_element_type3A_539, %cond3A_540 : i32
      scf.if %cond3A_541 {
        %dma_wait3A_751 = arith.constant 1 : i32
        %dma_wait3A_752 = arith.constant 0 : i32
        %dma_wait3A_753 = tpu.memref_slice %arg8[%dma_wait3A_751, %dma_wait3A_752] : memref<4x128xi32, #tpu.memory_space<vmem>> -> memref<1x128xi32, #tpu.memory_space<vmem>>
        %dma_wait3A_754 = tpu.memref_squeeze %dma_wait3A_753 : memref<1x128xi32, #tpu.memory_space<vmem>> -> memref<128xi32, #tpu.memory_space<vmem>>
        %dma_wait3A_755 = tpu.memref_slice %arg2[%add3A_536] : memref<163840xi32, #tpu.memory_space<hbm>> -> memref<128xi32, #tpu.memory_space<hbm>>
        %dma_wait3A_756 = arith.constant 0 : i32
        %dma_wait3A_757 = tpu.memref_slice %arg8[%dma_wait3A_751, %dma_wait3A_756] : memref<4x128xi32, #tpu.memory_space<vmem>> -> memref<1x128xi32, #tpu.memory_space<vmem>>
        %dma_wait3A_758 = tpu.memref_squeeze %dma_wait3A_757 : memref<1x128xi32, #tpu.memory_space<vmem>> -> memref<128xi32, #tpu.memory_space<vmem>>
        %dma_wait3A_759 = tpu.memref_slice %arg2[%add3A_536] : memref<163840xi32, #tpu.memory_space<hbm>> -> memref<128xi32, #tpu.memory_space<hbm>>
        tpu.wait_dma2 semaphore(%arg16 : memref<!tpu.dma_semaphore, #tpu.memory_space<semaphore_mem>>) src(%dma_wait3A_759 : memref<128xi32, #tpu.memory_space<hbm>>) dst(%dma_wait3A_758 : memref<128xi32, #tpu.memory_space<vmem>>)
      } else {
      }
      %ne3A_542 = arith.constant 0 : i32
      %ne3A_543 = arith.cmpi ne, %arg0, %ne3A_542 : i32
      %convert_element_type3A_544 = arith.extui %ne3A_543 : i1 to i32
      %cond3A_545 = arith.constant 0 : i32
      %cond3A_546 = arith.cmpi ne, %convert_element_type3A_544, %cond3A_545 : i32
      scf.if %cond3A_546 {
        %dma_wait3A_751 = arith.constant 1 : i32
        %dma_wait3A_752 = arith.constant 0 : i32
        %dma_wait3A_753 = tpu.memref_slice %arg8[%dma_wait3A_751, %dma_wait3A_752] : memref<4x128xi32, #tpu.memory_space<vmem>> -> memref<1x128xi32, #tpu.memory_space<vmem>>
        %dma_wait3A_754 = tpu.memref_squeeze %dma_wait3A_753 : memref<1x128xi32, #tpu.memory_space<vmem>> -> memref<128xi32, #tpu.memory_space<vmem>>
        %dma_wait3A_755 = tpu.memref_slice %arg3[%add3A_536] : memref<163840xi32, #tpu.memory_space<hbm>> -> memref<128xi32, #tpu.memory_space<hbm>>
        %dma_wait3A_756 = arith.constant 0 : i32
        %dma_wait3A_757 = tpu.memref_slice %arg8[%dma_wait3A_751, %dma_wait3A_756] : memref<4x128xi32, #tpu.memory_space<vmem>> -> memref<1x128xi32, #tpu.memory_space<vmem>>
        %dma_wait3A_758 = tpu.memref_squeeze %dma_wait3A_757 : memref<1x128xi32, #tpu.memory_space<vmem>> -> memref<128xi32, #tpu.memory_space<vmem>>
        %dma_wait3A_759 = tpu.memref_slice %arg3[%add3A_536] : memref<163840xi32, #tpu.memory_space<hbm>> -> memref<128xi32, #tpu.memory_space<hbm>>
        tpu.wait_dma2 semaphore(%arg16 : memref<!tpu.dma_semaphore, #tpu.memory_space<semaphore_mem>>) src(%dma_wait3A_759 : memref<128xi32, #tpu.memory_space<hbm>>) dst(%dma_wait3A_758 : memref<128xi32, #tpu.memory_space<vmem>>)
      } else {
      }
      %dma_wait3A_547 = arith.constant 1 : i32
      %dma_wait3A_548 = arith.constant 0 : i32
      %dma_wait3A_549 = tpu.memref_slice %arg9[%dma_wait3A_547, %dma_wait3A_548] : memref<4x128xi32, #tpu.memory_space<vmem>> -> memref<1x128xi32, #tpu.memory_space<vmem>>
      %dma_wait3A_550 = tpu.memref_squeeze %dma_wait3A_549 : memref<1x128xi32, #tpu.memory_space<vmem>> -> memref<128xi32, #tpu.memory_space<vmem>>
      %dma_wait3A_551 = tpu.memref_slice %arg4[%add3A_536] : memref<163840xi32, #tpu.memory_space<hbm>> -> memref<128xi32, #tpu.memory_space<hbm>>
      %dma_wait3A_552 = arith.constant 0 : i32
      %dma_wait3A_553 = tpu.memref_slice %arg9[%dma_wait3A_547, %dma_wait3A_552] : memref<4x128xi32, #tpu.memory_space<vmem>> -> memref<1x128xi32, #tpu.memory_space<vmem>>
      %dma_wait3A_554 = tpu.memref_squeeze %dma_wait3A_553 : memref<1x128xi32, #tpu.memory_space<vmem>> -> memref<128xi32, #tpu.memory_space<vmem>>
      %dma_wait3A_555 = tpu.memref_slice %arg4[%add3A_536] : memref<163840xi32, #tpu.memory_space<hbm>> -> memref<128xi32, #tpu.memory_space<hbm>>
      tpu.wait_dma2 semaphore(%arg16 : memref<!tpu.dma_semaphore, #tpu.memory_space<semaphore_mem>>) src(%dma_wait3A_555 : memref<128xi32, #tpu.memory_space<hbm>>) dst(%dma_wait3A_554 : memref<128xi32, #tpu.memory_space<vmem>>)
      %dma_start3A_556 = arith.constant 1 : i32
      %dma_start3A_557 = arith.constant 1 : i32
      %dma_start3A_558 = arith.constant 0 : i32
      %dma_start3A_559 = arith.constant 0 : i32
      %dma_start3A_560 = tpu.memref_slice %arg10[%dma_start3A_557, %dma_start3A_558, %dma_start3A_559] : memref<2x128x128xf32, #tpu.memory_space<vmem>> -> memref<1x128x128xf32, #tpu.memory_space<vmem>>
      %dma_start3A_561 = tpu.memref_squeeze %dma_start3A_560 : memref<1x128x128xf32, #tpu.memory_space<vmem>> -> memref<128x128xf32, #tpu.memory_space<vmem>>
      %dma_start3A_562 = arith.constant 0 : i32
      %dma_start3A_563 = tpu.memref_slice %arg8[%dma_start3A_556, %dma_start3A_562] : memref<4x128xi32, #tpu.memory_space<vmem>> -> memref<1x128xi32, #tpu.memory_space<vmem>>
      %dma_start3A_564 = tpu.memref_squeeze %dma_start3A_563 : memref<1x128xi32, #tpu.memory_space<vmem>> -> memref<128xi32, #tpu.memory_space<vmem>>
      %dma_start3A_565 = arith.constant 0 : i32
      %dma_start3A_566 = arith.constant 0 : i32
      %dma_start3A_567 = tpu.memref_slice %arg5[%dma_start3A_565, %dma_start3A_566] : memref<20000x128xf32, #tpu.memory_space<hbm>> -> memref<20000x128xf32, #tpu.memory_space<hbm>>
      tpu.enqueue_indirect_dma source(%dma_start3A_567 : memref<20000x128xf32, #tpu.memory_space<hbm>>) target(%dma_start3A_561 : memref<128x128xf32, #tpu.memory_space<vmem>>) offsets(%dma_start3A_564 : memref<128xi32, #tpu.memory_space<vmem>>) semaphore(%arg12 : memref<!tpu.dma_semaphore, #tpu.memory_space<semaphore_mem>>)
      %dma_wait3A_568 = arith.constant 0 : i32
      %dma_wait3A_569 = arith.constant 0 : i32
      %dma_wait3A_570 = arith.constant 0 : i32
      %dma_wait3A_571 = arith.constant 0 : i32
      %dma_wait3A_572 = tpu.memref_slice %arg10[%dma_wait3A_569, %dma_wait3A_570, %dma_wait3A_571] : memref<2x128x128xf32, #tpu.memory_space<vmem>> -> memref<1x128x128xf32, #tpu.memory_space<vmem>>
      %dma_wait3A_573 = tpu.memref_squeeze %dma_wait3A_572 : memref<1x128x128xf32, #tpu.memory_space<vmem>> -> memref<128x128xf32, #tpu.memory_space<vmem>>
      %dma_wait3A_574 = arith.constant 0 : i32
      %dma_wait3A_575 = tpu.memref_slice %arg8[%dma_wait3A_568, %dma_wait3A_574] : memref<4x128xi32, #tpu.memory_space<vmem>> -> memref<1x128xi32, #tpu.memory_space<vmem>>
      %dma_wait3A_576 = tpu.memref_squeeze %dma_wait3A_575 : memref<1x128xi32, #tpu.memory_space<vmem>> -> memref<128xi32, #tpu.memory_space<vmem>>
      %dma_wait3A_577 = arith.constant 0 : i32
      %dma_wait3A_578 = arith.constant 0 : i32
      %dma_wait3A_579 = tpu.memref_slice %arg5[%dma_wait3A_577, %dma_wait3A_578] : memref<20000x128xf32, #tpu.memory_space<hbm>> -> memref<20000x128xf32, #tpu.memory_space<hbm>>
      tpu.wait_indirect_dma semaphore(%arg11 : memref<!tpu.dma_semaphore, #tpu.memory_space<semaphore_mem>>) src(%dma_wait3A_579 : memref<20000x128xf32, #tpu.memory_space<hbm>>) dst(%dma_wait3A_573 : memref<128x128xf32, #tpu.memory_space<vmem>>)
      %dma_start3A_580 = arith.constant 0 : i32
      %dma_start3A_581 = arith.constant 0 : i32
      %dma_start3A_582 = arith.constant 0 : i32
      %dma_start3A_583 = arith.constant 0 : i32
      %dma_start3A_584 = tpu.memref_slice %arg10[%dma_start3A_580, %dma_start3A_582, %dma_start3A_583] : memref<2x128x128xf32, #tpu.memory_space<vmem>> -> memref<1x128x128xf32, #tpu.memory_space<vmem>>
      %dma_start3A_585 = tpu.memref_squeeze %dma_start3A_584 : memref<1x128x128xf32, #tpu.memory_space<vmem>> -> memref<128x128xf32, #tpu.memory_space<vmem>>
      %dma_start3A_586 = arith.constant 0 : i32
      %dma_start3A_587 = tpu.memref_slice %arg9[%dma_start3A_581, %dma_start3A_586] : memref<4x128xi32, #tpu.memory_space<vmem>> -> memref<1x128xi32, #tpu.memory_space<vmem>>
      %dma_start3A_588 = tpu.memref_squeeze %dma_start3A_587 : memref<1x128xi32, #tpu.memory_space<vmem>> -> memref<128xi32, #tpu.memory_space<vmem>>
      %dma_start3A_589 = arith.constant 0 : i32
      %dma_start3A_590 = arith.constant 0 : i32
      %dma_start3A_591 = tpu.memref_slice %arg7[%dma_start3A_589, %dma_start3A_590] : memref<10240x128xf32, #tpu.memory_space<vmem_shared>> -> memref<10240x128xf32, #tpu.memory_space<vmem_shared>>
      tpu.enqueue_indirect_dma source(%dma_start3A_585 : memref<128x128xf32, #tpu.memory_space<vmem>>) target(%dma_start3A_591 : memref<10240x128xf32, #tpu.memory_space<vmem_shared>>) offsets(%dma_start3A_588 : memref<128xi32, #tpu.memory_space<vmem>>) semaphore(%arg13 : memref<!tpu.dma_semaphore, #tpu.memory_space<semaphore_mem>>) {add = true}
      %add3A_592 = arith.constant 2 : i32
      %add3A_593 = arith.addi %mul3A_434, %add3A_592 : i32
      %dma_wait3A_594 = arith.constant 0 : i32
      %dma_wait3A_595 = arith.constant 0 : i32
      %dma_wait3A_596 = arith.constant 0 : i32
      %dma_wait3A_597 = arith.constant 0 : i32
      %dma_wait3A_598 = tpu.memref_slice %arg10[%dma_wait3A_594, %dma_wait3A_596, %dma_wait3A_597] : memref<2x128x128xf32, #tpu.memory_space<vmem>> -> memref<1x128x128xf32, #tpu.memory_space<vmem>>
      %dma_wait3A_599 = tpu.memref_squeeze %dma_wait3A_598 : memref<1x128x128xf32, #tpu.memory_space<vmem>> -> memref<128x128xf32, #tpu.memory_space<vmem>>
      %dma_wait3A_600 = arith.constant 0 : i32
      %dma_wait3A_601 = tpu.memref_slice %arg9[%dma_wait3A_595, %dma_wait3A_600] : memref<4x128xi32, #tpu.memory_space<vmem>> -> memref<1x128xi32, #tpu.memory_space<vmem>>
      %dma_wait3A_602 = tpu.memref_squeeze %dma_wait3A_601 : memref<1x128xi32, #tpu.memory_space<vmem>> -> memref<128xi32, #tpu.memory_space<vmem>>
      %dma_wait3A_603 = arith.constant 0 : i32
      %dma_wait3A_604 = arith.constant 0 : i32
      %dma_wait3A_605 = tpu.memref_slice %arg7[%dma_wait3A_603, %dma_wait3A_604] : memref<10240x128xf32, #tpu.memory_space<vmem_shared>> -> memref<10240x128xf32, #tpu.memory_space<vmem_shared>>
      tpu.wait_indirect_dma semaphore(%arg13 : memref<!tpu.dma_semaphore, #tpu.memory_space<semaphore_mem>>) src(%dma_wait3A_599 : memref<128x128xf32, #tpu.memory_space<vmem>>) dst(%dma_wait3A_605 : memref<10240x128xf32, #tpu.memory_space<vmem_shared>>)
      %add3A_606 = arith.constant 2 : i32
      %add3A_607 = arith.addi %add3A_593, %add3A_606 : i32
      %lt3A_608 = arith.constant 80 : i32
      %lt3A_609 = arith.cmpi slt, %add3A_607, %lt3A_608 : i32
      %convert_element_type3A_610 = arith.extui %lt3A_609 : i1 to i32
      %cond3A_611 = arith.constant 0 : i32
      %cond3A_612 = arith.cmpi ne, %convert_element_type3A_610, %cond3A_611 : i32
      scf.if %cond3A_612 {
        %add3A_751 = arith.constant 2 : i32
        %add3A_752 = arith.addi %add3A_593, %add3A_751 : i32
        %mul3A_753 = arith.constant 128 : i32
        %mul3A_754 = arith.muli %add3A_752, %mul3A_753 : i32
        %add3A_755 = arith.addi %mul3A_10, %mul3A_754 : i32
        %eq3A_756 = arith.constant 0 : i32
        %eq3A_757 = arith.cmpi eq, %arg0, %eq3A_756 : i32
        %convert_element_type3A_758 = arith.extui %eq3A_757 : i1 to i32
        %cond3A_759 = arith.constant 0 : i32
        %cond3A_760 = arith.cmpi ne, %convert_element_type3A_758, %cond3A_759 : i32
        scf.if %cond3A_760 {
          %dma_start3A_775 = arith.constant 0 : i32
          %dma_start3A_776 = arith.constant 0 : i32
          %dma_start3A_777 = tpu.memref_slice %arg8[%dma_start3A_775, %dma_start3A_776] : memref<4x128xi32, #tpu.memory_space<vmem>> -> memref<1x128xi32, #tpu.memory_space<vmem>>
          %dma_start3A_778 = tpu.memref_squeeze %dma_start3A_777 : memref<1x128xi32, #tpu.memory_space<vmem>> -> memref<128xi32, #tpu.memory_space<vmem>>
          %dma_start3A_779 = tpu.memref_slice %arg2[%add3A_755] : memref<163840xi32, #tpu.memory_space<hbm>> -> memref<128xi32, #tpu.memory_space<hbm>>
          %dma_start3A_780 = arith.constant 0 : i32
          %dma_start3A_781 = tpu.memref_slice %arg8[%dma_start3A_775, %dma_start3A_780] : memref<4x128xi32, #tpu.memory_space<vmem>> -> memref<1x128xi32, #tpu.memory_space<vmem>>
          %dma_start3A_782 = tpu.memref_squeeze %dma_start3A_781 : memref<1x128xi32, #tpu.memory_space<vmem>> -> memref<128xi32, #tpu.memory_space<vmem>>
          %dma_start3A_783 = tpu.memref_slice %arg2[%add3A_755] : memref<163840xi32, #tpu.memory_space<hbm>> -> memref<128xi32, #tpu.memory_space<hbm>>
          tpu.enqueue_dma source(%dma_start3A_783 : memref<128xi32, #tpu.memory_space<hbm>>) target(%dma_start3A_782 : memref<128xi32, #tpu.memory_space<vmem>>) target_semaphore(%arg15 : memref<!tpu.dma_semaphore, #tpu.memory_space<semaphore_mem>>)
        } else {
        }
        %ne3A_761 = arith.constant 0 : i32
        %ne3A_762 = arith.cmpi ne, %arg0, %ne3A_761 : i32
        %convert_element_type3A_763 = arith.extui %ne3A_762 : i1 to i32
        %cond3A_764 = arith.constant 0 : i32
        %cond3A_765 = arith.cmpi ne, %convert_element_type3A_763, %cond3A_764 : i32
        scf.if %cond3A_765 {
          %dma_start3A_775 = arith.constant 0 : i32
          %dma_start3A_776 = arith.constant 0 : i32
          %dma_start3A_777 = tpu.memref_slice %arg8[%dma_start3A_775, %dma_start3A_776] : memref<4x128xi32, #tpu.memory_space<vmem>> -> memref<1x128xi32, #tpu.memory_space<vmem>>
          %dma_start3A_778 = tpu.memref_squeeze %dma_start3A_777 : memref<1x128xi32, #tpu.memory_space<vmem>> -> memref<128xi32, #tpu.memory_space<vmem>>
          %dma_start3A_779 = tpu.memref_slice %arg3[%add3A_755] : memref<163840xi32, #tpu.memory_space<hbm>> -> memref<128xi32, #tpu.memory_space<hbm>>
          %dma_start3A_780 = arith.constant 0 : i32
          %dma_start3A_781 = tpu.memref_slice %arg8[%dma_start3A_775, %dma_start3A_780] : memref<4x128xi32, #tpu.memory_space<vmem>> -> memref<1x128xi32, #tpu.memory_space<vmem>>
          %dma_start3A_782 = tpu.memref_squeeze %dma_start3A_781 : memref<1x128xi32, #tpu.memory_space<vmem>> -> memref<128xi32, #tpu.memory_space<vmem>>
          %dma_start3A_783 = tpu.memref_slice %arg3[%add3A_755] : memref<163840xi32, #tpu.memory_space<hbm>> -> memref<128xi32, #tpu.memory_space<hbm>>
          tpu.enqueue_dma source(%dma_start3A_783 : memref<128xi32, #tpu.memory_space<hbm>>) target(%dma_start3A_782 : memref<128xi32, #tpu.memory_space<vmem>>) target_semaphore(%arg15 : memref<!tpu.dma_semaphore, #tpu.memory_space<semaphore_mem>>)
        } else {
        }
        %dma_start3A_766 = arith.constant 0 : i32
        %dma_start3A_767 = arith.constant 0 : i32
        %dma_start3A_768 = tpu.memref_slice %arg9[%dma_start3A_766, %dma_start3A_767] : memref<4x128xi32, #tpu.memory_space<vmem>> -> memref<1x128xi32, #tpu.memory_space<vmem>>
        %dma_start3A_769 = tpu.memref_squeeze %dma_start3A_768 : memref<1x128xi32, #tpu.memory_space<vmem>> -> memref<128xi32, #tpu.memory_space<vmem>>
        %dma_start3A_770 = tpu.memref_slice %arg4[%add3A_755] : memref<163840xi32, #tpu.memory_space<hbm>> -> memref<128xi32, #tpu.memory_space<hbm>>
        %dma_start3A_771 = arith.constant 0 : i32
        %dma_start3A_772 = tpu.memref_slice %arg9[%dma_start3A_766, %dma_start3A_771] : memref<4x128xi32, #tpu.memory_space<vmem>> -> memref<1x128xi32, #tpu.memory_space<vmem>>
        %dma_start3A_773 = tpu.memref_squeeze %dma_start3A_772 : memref<1x128xi32, #tpu.memory_space<vmem>> -> memref<128xi32, #tpu.memory_space<vmem>>
        %dma_start3A_774 = tpu.memref_slice %arg4[%add3A_755] : memref<163840xi32, #tpu.memory_space<hbm>> -> memref<128xi32, #tpu.memory_space<hbm>>
        tpu.enqueue_dma source(%dma_start3A_774 : memref<128xi32, #tpu.memory_space<hbm>>) target(%dma_start3A_773 : memref<128xi32, #tpu.memory_space<vmem>>) target_semaphore(%arg15 : memref<!tpu.dma_semaphore, #tpu.memory_space<semaphore_mem>>)
      } else {
      }
      %mul3A_613 = arith.constant 128 : i32
      %mul3A_614 = arith.muli %add3A_593, %mul3A_613 : i32
      %add3A_615 = arith.addi %mul3A_10, %mul3A_614 : i32
      %eq3A_616 = arith.constant 0 : i32
      %eq3A_617 = arith.cmpi eq, %arg0, %eq3A_616 : i32
      %convert_element_type3A_618 = arith.extui %eq3A_617 : i1 to i32
      %cond3A_619 = arith.constant 0 : i32
      %cond3A_620 = arith.cmpi ne, %convert_element_type3A_618, %cond3A_619 : i32
      scf.if %cond3A_620 {
        %dma_wait3A_751 = arith.constant 2 : i32
        %dma_wait3A_752 = arith.constant 0 : i32
        %dma_wait3A_753 = tpu.memref_slice %arg8[%dma_wait3A_751, %dma_wait3A_752] : memref<4x128xi32, #tpu.memory_space<vmem>> -> memref<1x128xi32, #tpu.memory_space<vmem>>
        %dma_wait3A_754 = tpu.memref_squeeze %dma_wait3A_753 : memref<1x128xi32, #tpu.memory_space<vmem>> -> memref<128xi32, #tpu.memory_space<vmem>>
        %dma_wait3A_755 = tpu.memref_slice %arg2[%add3A_615] : memref<163840xi32, #tpu.memory_space<hbm>> -> memref<128xi32, #tpu.memory_space<hbm>>
        %dma_wait3A_756 = arith.constant 0 : i32
        %dma_wait3A_757 = tpu.memref_slice %arg8[%dma_wait3A_751, %dma_wait3A_756] : memref<4x128xi32, #tpu.memory_space<vmem>> -> memref<1x128xi32, #tpu.memory_space<vmem>>
        %dma_wait3A_758 = tpu.memref_squeeze %dma_wait3A_757 : memref<1x128xi32, #tpu.memory_space<vmem>> -> memref<128xi32, #tpu.memory_space<vmem>>
        %dma_wait3A_759 = tpu.memref_slice %arg2[%add3A_615] : memref<163840xi32, #tpu.memory_space<hbm>> -> memref<128xi32, #tpu.memory_space<hbm>>
        tpu.wait_dma2 semaphore(%arg17 : memref<!tpu.dma_semaphore, #tpu.memory_space<semaphore_mem>>) src(%dma_wait3A_759 : memref<128xi32, #tpu.memory_space<hbm>>) dst(%dma_wait3A_758 : memref<128xi32, #tpu.memory_space<vmem>>)
      } else {
      }
      %ne3A_621 = arith.constant 0 : i32
      %ne3A_622 = arith.cmpi ne, %arg0, %ne3A_621 : i32
      %convert_element_type3A_623 = arith.extui %ne3A_622 : i1 to i32
      %cond3A_624 = arith.constant 0 : i32
      %cond3A_625 = arith.cmpi ne, %convert_element_type3A_623, %cond3A_624 : i32
      scf.if %cond3A_625 {
        %dma_wait3A_751 = arith.constant 2 : i32
        %dma_wait3A_752 = arith.constant 0 : i32
        %dma_wait3A_753 = tpu.memref_slice %arg8[%dma_wait3A_751, %dma_wait3A_752] : memref<4x128xi32, #tpu.memory_space<vmem>> -> memref<1x128xi32, #tpu.memory_space<vmem>>
        %dma_wait3A_754 = tpu.memref_squeeze %dma_wait3A_753 : memref<1x128xi32, #tpu.memory_space<vmem>> -> memref<128xi32, #tpu.memory_space<vmem>>
        %dma_wait3A_755 = tpu.memref_slice %arg3[%add3A_615] : memref<163840xi32, #tpu.memory_space<hbm>> -> memref<128xi32, #tpu.memory_space<hbm>>
        %dma_wait3A_756 = arith.constant 0 : i32
        %dma_wait3A_757 = tpu.memref_slice %arg8[%dma_wait3A_751, %dma_wait3A_756] : memref<4x128xi32, #tpu.memory_space<vmem>> -> memref<1x128xi32, #tpu.memory_space<vmem>>
        %dma_wait3A_758 = tpu.memref_squeeze %dma_wait3A_757 : memref<1x128xi32, #tpu.memory_space<vmem>> -> memref<128xi32, #tpu.memory_space<vmem>>
        %dma_wait3A_759 = tpu.memref_slice %arg3[%add3A_615] : memref<163840xi32, #tpu.memory_space<hbm>> -> memref<128xi32, #tpu.memory_space<hbm>>
        tpu.wait_dma2 semaphore(%arg17 : memref<!tpu.dma_semaphore, #tpu.memory_space<semaphore_mem>>) src(%dma_wait3A_759 : memref<128xi32, #tpu.memory_space<hbm>>) dst(%dma_wait3A_758 : memref<128xi32, #tpu.memory_space<vmem>>)
      } else {
      }
      %dma_wait3A_626 = arith.constant 2 : i32
      %dma_wait3A_627 = arith.constant 0 : i32
      %dma_wait3A_628 = tpu.memref_slice %arg9[%dma_wait3A_626, %dma_wait3A_627] : memref<4x128xi32, #tpu.memory_space<vmem>> -> memref<1x128xi32, #tpu.memory_space<vmem>>
      %dma_wait3A_629 = tpu.memref_squeeze %dma_wait3A_628 : memref<1x128xi32, #tpu.memory_space<vmem>> -> memref<128xi32, #tpu.memory_space<vmem>>
      %dma_wait3A_630 = tpu.memref_slice %arg4[%add3A_615] : memref<163840xi32, #tpu.memory_space<hbm>> -> memref<128xi32, #tpu.memory_space<hbm>>
      %dma_wait3A_631 = arith.constant 0 : i32
      %dma_wait3A_632 = tpu.memref_slice %arg9[%dma_wait3A_626, %dma_wait3A_631] : memref<4x128xi32, #tpu.memory_space<vmem>> -> memref<1x128xi32, #tpu.memory_space<vmem>>
      %dma_wait3A_633 = tpu.memref_squeeze %dma_wait3A_632 : memref<1x128xi32, #tpu.memory_space<vmem>> -> memref<128xi32, #tpu.memory_space<vmem>>
      %dma_wait3A_634 = tpu.memref_slice %arg4[%add3A_615] : memref<163840xi32, #tpu.memory_space<hbm>> -> memref<128xi32, #tpu.memory_space<hbm>>
      tpu.wait_dma2 semaphore(%arg17 : memref<!tpu.dma_semaphore, #tpu.memory_space<semaphore_mem>>) src(%dma_wait3A_634 : memref<128xi32, #tpu.memory_space<hbm>>) dst(%dma_wait3A_633 : memref<128xi32, #tpu.memory_space<vmem>>)
      %dma_start3A_635 = arith.constant 2 : i32
      %dma_start3A_636 = arith.constant 0 : i32
      %dma_start3A_637 = arith.constant 0 : i32
      %dma_start3A_638 = arith.constant 0 : i32
      %dma_start3A_639 = tpu.memref_slice %arg10[%dma_start3A_636, %dma_start3A_637, %dma_start3A_638] : memref<2x128x128xf32, #tpu.memory_space<vmem>> -> memref<1x128x128xf32, #tpu.memory_space<vmem>>
      %dma_start3A_640 = tpu.memref_squeeze %dma_start3A_639 : memref<1x128x128xf32, #tpu.memory_space<vmem>> -> memref<128x128xf32, #tpu.memory_space<vmem>>
      %dma_start3A_641 = arith.constant 0 : i32
      %dma_start3A_642 = tpu.memref_slice %arg8[%dma_start3A_635, %dma_start3A_641] : memref<4x128xi32, #tpu.memory_space<vmem>> -> memref<1x128xi32, #tpu.memory_space<vmem>>
      %dma_start3A_643 = tpu.memref_squeeze %dma_start3A_642 : memref<1x128xi32, #tpu.memory_space<vmem>> -> memref<128xi32, #tpu.memory_space<vmem>>
      %dma_start3A_644 = arith.constant 0 : i32
      %dma_start3A_645 = arith.constant 0 : i32
      %dma_start3A_646 = tpu.memref_slice %arg5[%dma_start3A_644, %dma_start3A_645] : memref<20000x128xf32, #tpu.memory_space<hbm>> -> memref<20000x128xf32, #tpu.memory_space<hbm>>
      tpu.enqueue_indirect_dma source(%dma_start3A_646 : memref<20000x128xf32, #tpu.memory_space<hbm>>) target(%dma_start3A_640 : memref<128x128xf32, #tpu.memory_space<vmem>>) offsets(%dma_start3A_643 : memref<128xi32, #tpu.memory_space<vmem>>) semaphore(%arg11 : memref<!tpu.dma_semaphore, #tpu.memory_space<semaphore_mem>>)
      %dma_wait3A_647 = arith.constant 1 : i32
      %dma_wait3A_648 = arith.constant 1 : i32
      %dma_wait3A_649 = arith.constant 0 : i32
      %dma_wait3A_650 = arith.constant 0 : i32
      %dma_wait3A_651 = tpu.memref_slice %arg10[%dma_wait3A_648, %dma_wait3A_649, %dma_wait3A_650] : memref<2x128x128xf32, #tpu.memory_space<vmem>> -> memref<1x128x128xf32, #tpu.memory_space<vmem>>
      %dma_wait3A_652 = tpu.memref_squeeze %dma_wait3A_651 : memref<1x128x128xf32, #tpu.memory_space<vmem>> -> memref<128x128xf32, #tpu.memory_space<vmem>>
      %dma_wait3A_653 = arith.constant 0 : i32
      %dma_wait3A_654 = tpu.memref_slice %arg8[%dma_wait3A_647, %dma_wait3A_653] : memref<4x128xi32, #tpu.memory_space<vmem>> -> memref<1x128xi32, #tpu.memory_space<vmem>>
      %dma_wait3A_655 = tpu.memref_squeeze %dma_wait3A_654 : memref<1x128xi32, #tpu.memory_space<vmem>> -> memref<128xi32, #tpu.memory_space<vmem>>
      %dma_wait3A_656 = arith.constant 0 : i32
      %dma_wait3A_657 = arith.constant 0 : i32
      %dma_wait3A_658 = tpu.memref_slice %arg5[%dma_wait3A_656, %dma_wait3A_657] : memref<20000x128xf32, #tpu.memory_space<hbm>> -> memref<20000x128xf32, #tpu.memory_space<hbm>>
      tpu.wait_indirect_dma semaphore(%arg12 : memref<!tpu.dma_semaphore, #tpu.memory_space<semaphore_mem>>) src(%dma_wait3A_658 : memref<20000x128xf32, #tpu.memory_space<hbm>>) dst(%dma_wait3A_652 : memref<128x128xf32, #tpu.memory_space<vmem>>)
      %dma_start3A_659 = arith.constant 1 : i32
      %dma_start3A_660 = arith.constant 1 : i32
      %dma_start3A_661 = arith.constant 0 : i32
      %dma_start3A_662 = arith.constant 0 : i32
      %dma_start3A_663 = tpu.memref_slice %arg10[%dma_start3A_659, %dma_start3A_661, %dma_start3A_662] : memref<2x128x128xf32, #tpu.memory_space<vmem>> -> memref<1x128x128xf32, #tpu.memory_space<vmem>>
      %dma_start3A_664 = tpu.memref_squeeze %dma_start3A_663 : memref<1x128x128xf32, #tpu.memory_space<vmem>> -> memref<128x128xf32, #tpu.memory_space<vmem>>
      %dma_start3A_665 = arith.constant 0 : i32
      %dma_start3A_666 = tpu.memref_slice %arg9[%dma_start3A_660, %dma_start3A_665] : memref<4x128xi32, #tpu.memory_space<vmem>> -> memref<1x128xi32, #tpu.memory_space<vmem>>
      %dma_start3A_667 = tpu.memref_squeeze %dma_start3A_666 : memref<1x128xi32, #tpu.memory_space<vmem>> -> memref<128xi32, #tpu.memory_space<vmem>>
      %dma_start3A_668 = arith.constant 0 : i32
      %dma_start3A_669 = arith.constant 0 : i32
      %dma_start3A_670 = tpu.memref_slice %arg7[%dma_start3A_668, %dma_start3A_669] : memref<10240x128xf32, #tpu.memory_space<vmem_shared>> -> memref<10240x128xf32, #tpu.memory_space<vmem_shared>>
      tpu.enqueue_indirect_dma source(%dma_start3A_664 : memref<128x128xf32, #tpu.memory_space<vmem>>) target(%dma_start3A_670 : memref<10240x128xf32, #tpu.memory_space<vmem_shared>>) offsets(%dma_start3A_667 : memref<128xi32, #tpu.memory_space<vmem>>) semaphore(%arg14 : memref<!tpu.dma_semaphore, #tpu.memory_space<semaphore_mem>>) {add = true}
      %add3A_671 = arith.constant 3 : i32
      %add3A_672 = arith.addi %mul3A_434, %add3A_671 : i32
      %dma_wait3A_673 = arith.constant 1 : i32
      %dma_wait3A_674 = arith.constant 1 : i32
      %dma_wait3A_675 = arith.constant 0 : i32
      %dma_wait3A_676 = arith.constant 0 : i32
      %dma_wait3A_677 = tpu.memref_slice %arg10[%dma_wait3A_673, %dma_wait3A_675, %dma_wait3A_676] : memref<2x128x128xf32, #tpu.memory_space<vmem>> -> memref<1x128x128xf32, #tpu.memory_space<vmem>>
      %dma_wait3A_678 = tpu.memref_squeeze %dma_wait3A_677 : memref<1x128x128xf32, #tpu.memory_space<vmem>> -> memref<128x128xf32, #tpu.memory_space<vmem>>
      %dma_wait3A_679 = arith.constant 0 : i32
      %dma_wait3A_680 = tpu.memref_slice %arg9[%dma_wait3A_674, %dma_wait3A_679] : memref<4x128xi32, #tpu.memory_space<vmem>> -> memref<1x128xi32, #tpu.memory_space<vmem>>
      %dma_wait3A_681 = tpu.memref_squeeze %dma_wait3A_680 : memref<1x128xi32, #tpu.memory_space<vmem>> -> memref<128xi32, #tpu.memory_space<vmem>>
      %dma_wait3A_682 = arith.constant 0 : i32
      %dma_wait3A_683 = arith.constant 0 : i32
      %dma_wait3A_684 = tpu.memref_slice %arg7[%dma_wait3A_682, %dma_wait3A_683] : memref<10240x128xf32, #tpu.memory_space<vmem_shared>> -> memref<10240x128xf32, #tpu.memory_space<vmem_shared>>
      tpu.wait_indirect_dma semaphore(%arg14 : memref<!tpu.dma_semaphore, #tpu.memory_space<semaphore_mem>>) src(%dma_wait3A_678 : memref<128x128xf32, #tpu.memory_space<vmem>>) dst(%dma_wait3A_684 : memref<10240x128xf32, #tpu.memory_space<vmem_shared>>)
      %add3A_685 = arith.constant 2 : i32
      %add3A_686 = arith.addi %add3A_672, %add3A_685 : i32
      %lt3A_687 = arith.constant 80 : i32
      %lt3A_688 = arith.cmpi slt, %add3A_686, %lt3A_687 : i32
      %convert_element_type3A_689 = arith.extui %lt3A_688 : i1 to i32
      %cond3A_690 = arith.constant 0 : i32
      %cond3A_691 = arith.cmpi ne, %convert_element_type3A_689, %cond3A_690 : i32
      scf.if %cond3A_691 {
        %add3A_751 = arith.constant 2 : i32
        %add3A_752 = arith.addi %add3A_672, %add3A_751 : i32
        %mul3A_753 = arith.constant 128 : i32
        %mul3A_754 = arith.muli %add3A_752, %mul3A_753 : i32
        %add3A_755 = arith.addi %mul3A_10, %mul3A_754 : i32
        %eq3A_756 = arith.constant 0 : i32
        %eq3A_757 = arith.cmpi eq, %arg0, %eq3A_756 : i32
        %convert_element_type3A_758 = arith.extui %eq3A_757 : i1 to i32
        %cond3A_759 = arith.constant 0 : i32
        %cond3A_760 = arith.cmpi ne, %convert_element_type3A_758, %cond3A_759 : i32
        scf.if %cond3A_760 {
          %dma_start3A_775 = arith.constant 1 : i32
          %dma_start3A_776 = arith.constant 0 : i32
          %dma_start3A_777 = tpu.memref_slice %arg8[%dma_start3A_775, %dma_start3A_776] : memref<4x128xi32, #tpu.memory_space<vmem>> -> memref<1x128xi32, #tpu.memory_space<vmem>>
          %dma_start3A_778 = tpu.memref_squeeze %dma_start3A_777 : memref<1x128xi32, #tpu.memory_space<vmem>> -> memref<128xi32, #tpu.memory_space<vmem>>
          %dma_start3A_779 = tpu.memref_slice %arg2[%add3A_755] : memref<163840xi32, #tpu.memory_space<hbm>> -> memref<128xi32, #tpu.memory_space<hbm>>
          %dma_start3A_780 = arith.constant 0 : i32
          %dma_start3A_781 = tpu.memref_slice %arg8[%dma_start3A_775, %dma_start3A_780] : memref<4x128xi32, #tpu.memory_space<vmem>> -> memref<1x128xi32, #tpu.memory_space<vmem>>
          %dma_start3A_782 = tpu.memref_squeeze %dma_start3A_781 : memref<1x128xi32, #tpu.memory_space<vmem>> -> memref<128xi32, #tpu.memory_space<vmem>>
          %dma_start3A_783 = tpu.memref_slice %arg2[%add3A_755] : memref<163840xi32, #tpu.memory_space<hbm>> -> memref<128xi32, #tpu.memory_space<hbm>>
          tpu.enqueue_dma source(%dma_start3A_783 : memref<128xi32, #tpu.memory_space<hbm>>) target(%dma_start3A_782 : memref<128xi32, #tpu.memory_space<vmem>>) target_semaphore(%arg16 : memref<!tpu.dma_semaphore, #tpu.memory_space<semaphore_mem>>)
        } else {
        }
        %ne3A_761 = arith.constant 0 : i32
        %ne3A_762 = arith.cmpi ne, %arg0, %ne3A_761 : i32
        %convert_element_type3A_763 = arith.extui %ne3A_762 : i1 to i32
        %cond3A_764 = arith.constant 0 : i32
        %cond3A_765 = arith.cmpi ne, %convert_element_type3A_763, %cond3A_764 : i32
        scf.if %cond3A_765 {
          %dma_start3A_775 = arith.constant 1 : i32
          %dma_start3A_776 = arith.constant 0 : i32
          %dma_start3A_777 = tpu.memref_slice %arg8[%dma_start3A_775, %dma_start3A_776] : memref<4x128xi32, #tpu.memory_space<vmem>> -> memref<1x128xi32, #tpu.memory_space<vmem>>
          %dma_start3A_778 = tpu.memref_squeeze %dma_start3A_777 : memref<1x128xi32, #tpu.memory_space<vmem>> -> memref<128xi32, #tpu.memory_space<vmem>>
          %dma_start3A_779 = tpu.memref_slice %arg3[%add3A_755] : memref<163840xi32, #tpu.memory_space<hbm>> -> memref<128xi32, #tpu.memory_space<hbm>>
          %dma_start3A_780 = arith.constant 0 : i32
          %dma_start3A_781 = tpu.memref_slice %arg8[%dma_start3A_775, %dma_start3A_780] : memref<4x128xi32, #tpu.memory_space<vmem>> -> memref<1x128xi32, #tpu.memory_space<vmem>>
          %dma_start3A_782 = tpu.memref_squeeze %dma_start3A_781 : memref<1x128xi32, #tpu.memory_space<vmem>> -> memref<128xi32, #tpu.memory_space<vmem>>
          %dma_start3A_783 = tpu.memref_slice %arg3[%add3A_755] : memref<163840xi32, #tpu.memory_space<hbm>> -> memref<128xi32, #tpu.memory_space<hbm>>
          tpu.enqueue_dma source(%dma_start3A_783 : memref<128xi32, #tpu.memory_space<hbm>>) target(%dma_start3A_782 : memref<128xi32, #tpu.memory_space<vmem>>) target_semaphore(%arg16 : memref<!tpu.dma_semaphore, #tpu.memory_space<semaphore_mem>>)
        } else {
        }
        %dma_start3A_766 = arith.constant 1 : i32
        %dma_start3A_767 = arith.constant 0 : i32
        %dma_start3A_768 = tpu.memref_slice %arg9[%dma_start3A_766, %dma_start3A_767] : memref<4x128xi32, #tpu.memory_space<vmem>> -> memref<1x128xi32, #tpu.memory_space<vmem>>
        %dma_start3A_769 = tpu.memref_squeeze %dma_start3A_768 : memref<1x128xi32, #tpu.memory_space<vmem>> -> memref<128xi32, #tpu.memory_space<vmem>>
        %dma_start3A_770 = tpu.memref_slice %arg4[%add3A_755] : memref<163840xi32, #tpu.memory_space<hbm>> -> memref<128xi32, #tpu.memory_space<hbm>>
        %dma_start3A_771 = arith.constant 0 : i32
        %dma_start3A_772 = tpu.memref_slice %arg9[%dma_start3A_766, %dma_start3A_771] : memref<4x128xi32, #tpu.memory_space<vmem>> -> memref<1x128xi32, #tpu.memory_space<vmem>>
        %dma_start3A_773 = tpu.memref_squeeze %dma_start3A_772 : memref<1x128xi32, #tpu.memory_space<vmem>> -> memref<128xi32, #tpu.memory_space<vmem>>
        %dma_start3A_774 = tpu.memref_slice %arg4[%add3A_755] : memref<163840xi32, #tpu.memory_space<hbm>> -> memref<128xi32, #tpu.memory_space<hbm>>
        tpu.enqueue_dma source(%dma_start3A_774 : memref<128xi32, #tpu.memory_space<hbm>>) target(%dma_start3A_773 : memref<128xi32, #tpu.memory_space<vmem>>) target_semaphore(%arg16 : memref<!tpu.dma_semaphore, #tpu.memory_space<semaphore_mem>>)
      } else {
      }
      %mul3A_692 = arith.constant 128 : i32
      %mul3A_693 = arith.muli %add3A_672, %mul3A_692 : i32
      %add3A_694 = arith.addi %mul3A_10, %mul3A_693 : i32
      %eq3A_695 = arith.constant 0 : i32
      %eq3A_696 = arith.cmpi eq, %arg0, %eq3A_695 : i32
      %convert_element_type3A_697 = arith.extui %eq3A_696 : i1 to i32
      %cond3A_698 = arith.constant 0 : i32
      %cond3A_699 = arith.cmpi ne, %convert_element_type3A_697, %cond3A_698 : i32
      scf.if %cond3A_699 {
        %dma_wait3A_751 = arith.constant 3 : i32
        %dma_wait3A_752 = arith.constant 0 : i32
        %dma_wait3A_753 = tpu.memref_slice %arg8[%dma_wait3A_751, %dma_wait3A_752] : memref<4x128xi32, #tpu.memory_space<vmem>> -> memref<1x128xi32, #tpu.memory_space<vmem>>
        %dma_wait3A_754 = tpu.memref_squeeze %dma_wait3A_753 : memref<1x128xi32, #tpu.memory_space<vmem>> -> memref<128xi32, #tpu.memory_space<vmem>>
        %dma_wait3A_755 = tpu.memref_slice %arg2[%add3A_694] : memref<163840xi32, #tpu.memory_space<hbm>> -> memref<128xi32, #tpu.memory_space<hbm>>
        %dma_wait3A_756 = arith.constant 0 : i32
        %dma_wait3A_757 = tpu.memref_slice %arg8[%dma_wait3A_751, %dma_wait3A_756] : memref<4x128xi32, #tpu.memory_space<vmem>> -> memref<1x128xi32, #tpu.memory_space<vmem>>
        %dma_wait3A_758 = tpu.memref_squeeze %dma_wait3A_757 : memref<1x128xi32, #tpu.memory_space<vmem>> -> memref<128xi32, #tpu.memory_space<vmem>>
        %dma_wait3A_759 = tpu.memref_slice %arg2[%add3A_694] : memref<163840xi32, #tpu.memory_space<hbm>> -> memref<128xi32, #tpu.memory_space<hbm>>
        tpu.wait_dma2 semaphore(%arg18 : memref<!tpu.dma_semaphore, #tpu.memory_space<semaphore_mem>>) src(%dma_wait3A_759 : memref<128xi32, #tpu.memory_space<hbm>>) dst(%dma_wait3A_758 : memref<128xi32, #tpu.memory_space<vmem>>)
      } else {
      }
      %ne3A_700 = arith.constant 0 : i32
      %ne3A_701 = arith.cmpi ne, %arg0, %ne3A_700 : i32
      %convert_element_type3A_702 = arith.extui %ne3A_701 : i1 to i32
      %cond3A_703 = arith.constant 0 : i32
      %cond3A_704 = arith.cmpi ne, %convert_element_type3A_702, %cond3A_703 : i32
      scf.if %cond3A_704 {
        %dma_wait3A_751 = arith.constant 3 : i32
        %dma_wait3A_752 = arith.constant 0 : i32
        %dma_wait3A_753 = tpu.memref_slice %arg8[%dma_wait3A_751, %dma_wait3A_752] : memref<4x128xi32, #tpu.memory_space<vmem>> -> memref<1x128xi32, #tpu.memory_space<vmem>>
        %dma_wait3A_754 = tpu.memref_squeeze %dma_wait3A_753 : memref<1x128xi32, #tpu.memory_space<vmem>> -> memref<128xi32, #tpu.memory_space<vmem>>
        %dma_wait3A_755 = tpu.memref_slice %arg3[%add3A_694] : memref<163840xi32, #tpu.memory_space<hbm>> -> memref<128xi32, #tpu.memory_space<hbm>>
        %dma_wait3A_756 = arith.constant 0 : i32
        %dma_wait3A_757 = tpu.memref_slice %arg8[%dma_wait3A_751, %dma_wait3A_756] : memref<4x128xi32, #tpu.memory_space<vmem>> -> memref<1x128xi32, #tpu.memory_space<vmem>>
        %dma_wait3A_758 = tpu.memref_squeeze %dma_wait3A_757 : memref<1x128xi32, #tpu.memory_space<vmem>> -> memref<128xi32, #tpu.memory_space<vmem>>
        %dma_wait3A_759 = tpu.memref_slice %arg3[%add3A_694] : memref<163840xi32, #tpu.memory_space<hbm>> -> memref<128xi32, #tpu.memory_space<hbm>>
        tpu.wait_dma2 semaphore(%arg18 : memref<!tpu.dma_semaphore, #tpu.memory_space<semaphore_mem>>) src(%dma_wait3A_759 : memref<128xi32, #tpu.memory_space<hbm>>) dst(%dma_wait3A_758 : memref<128xi32, #tpu.memory_space<vmem>>)
      } else {
      }
      %dma_wait3A_705 = arith.constant 3 : i32
      %dma_wait3A_706 = arith.constant 0 : i32
      %dma_wait3A_707 = tpu.memref_slice %arg9[%dma_wait3A_705, %dma_wait3A_706] : memref<4x128xi32, #tpu.memory_space<vmem>> -> memref<1x128xi32, #tpu.memory_space<vmem>>
      %dma_wait3A_708 = tpu.memref_squeeze %dma_wait3A_707 : memref<1x128xi32, #tpu.memory_space<vmem>> -> memref<128xi32, #tpu.memory_space<vmem>>
      %dma_wait3A_709 = tpu.memref_slice %arg4[%add3A_694] : memref<163840xi32, #tpu.memory_space<hbm>> -> memref<128xi32, #tpu.memory_space<hbm>>
      %dma_wait3A_710 = arith.constant 0 : i32
      %dma_wait3A_711 = tpu.memref_slice %arg9[%dma_wait3A_705, %dma_wait3A_710] : memref<4x128xi32, #tpu.memory_space<vmem>> -> memref<1x128xi32, #tpu.memory_space<vmem>>
      %dma_wait3A_712 = tpu.memref_squeeze %dma_wait3A_711 : memref<1x128xi32, #tpu.memory_space<vmem>> -> memref<128xi32, #tpu.memory_space<vmem>>
      %dma_wait3A_713 = tpu.memref_slice %arg4[%add3A_694] : memref<163840xi32, #tpu.memory_space<hbm>> -> memref<128xi32, #tpu.memory_space<hbm>>
      tpu.wait_dma2 semaphore(%arg18 : memref<!tpu.dma_semaphore, #tpu.memory_space<semaphore_mem>>) src(%dma_wait3A_713 : memref<128xi32, #tpu.memory_space<hbm>>) dst(%dma_wait3A_712 : memref<128xi32, #tpu.memory_space<vmem>>)
      %dma_start3A_714 = arith.constant 3 : i32
      %dma_start3A_715 = arith.constant 1 : i32
      %dma_start3A_716 = arith.constant 0 : i32
      %dma_start3A_717 = arith.constant 0 : i32
      %dma_start3A_718 = tpu.memref_slice %arg10[%dma_start3A_715, %dma_start3A_716, %dma_start3A_717] : memref<2x128x128xf32, #tpu.memory_space<vmem>> -> memref<1x128x128xf32, #tpu.memory_space<vmem>>
      %dma_start3A_719 = tpu.memref_squeeze %dma_start3A_718 : memref<1x128x128xf32, #tpu.memory_space<vmem>> -> memref<128x128xf32, #tpu.memory_space<vmem>>
      %dma_start3A_720 = arith.constant 0 : i32
      %dma_start3A_721 = tpu.memref_slice %arg8[%dma_start3A_714, %dma_start3A_720] : memref<4x128xi32, #tpu.memory_space<vmem>> -> memref<1x128xi32, #tpu.memory_space<vmem>>
      %dma_start3A_722 = tpu.memref_squeeze %dma_start3A_721 : memref<1x128xi32, #tpu.memory_space<vmem>> -> memref<128xi32, #tpu.memory_space<vmem>>
      %dma_start3A_723 = arith.constant 0 : i32
      %dma_start3A_724 = arith.constant 0 : i32
      %dma_start3A_725 = tpu.memref_slice %arg5[%dma_start3A_723, %dma_start3A_724] : memref<20000x128xf32, #tpu.memory_space<hbm>> -> memref<20000x128xf32, #tpu.memory_space<hbm>>
      tpu.enqueue_indirect_dma source(%dma_start3A_725 : memref<20000x128xf32, #tpu.memory_space<hbm>>) target(%dma_start3A_719 : memref<128x128xf32, #tpu.memory_space<vmem>>) offsets(%dma_start3A_722 : memref<128xi32, #tpu.memory_space<vmem>>) semaphore(%arg12 : memref<!tpu.dma_semaphore, #tpu.memory_space<semaphore_mem>>)
      %dma_wait3A_726 = arith.constant 2 : i32
      %dma_wait3A_727 = arith.constant 0 : i32
      %dma_wait3A_728 = arith.constant 0 : i32
      %dma_wait3A_729 = arith.constant 0 : i32
      %dma_wait3A_730 = tpu.memref_slice %arg10[%dma_wait3A_727, %dma_wait3A_728, %dma_wait3A_729] : memref<2x128x128xf32, #tpu.memory_space<vmem>> -> memref<1x128x128xf32, #tpu.memory_space<vmem>>
      %dma_wait3A_731 = tpu.memref_squeeze %dma_wait3A_730 : memref<1x128x128xf32, #tpu.memory_space<vmem>> -> memref<128x128xf32, #tpu.memory_space<vmem>>
      %dma_wait3A_732 = arith.constant 0 : i32
      %dma_wait3A_733 = tpu.memref_slice %arg8[%dma_wait3A_726, %dma_wait3A_732] : memref<4x128xi32, #tpu.memory_space<vmem>> -> memref<1x128xi32, #tpu.memory_space<vmem>>
      %dma_wait3A_734 = tpu.memref_squeeze %dma_wait3A_733 : memref<1x128xi32, #tpu.memory_space<vmem>> -> memref<128xi32, #tpu.memory_space<vmem>>
      %dma_wait3A_735 = arith.constant 0 : i32
      %dma_wait3A_736 = arith.constant 0 : i32
      %dma_wait3A_737 = tpu.memref_slice %arg5[%dma_wait3A_735, %dma_wait3A_736] : memref<20000x128xf32, #tpu.memory_space<hbm>> -> memref<20000x128xf32, #tpu.memory_space<hbm>>
      tpu.wait_indirect_dma semaphore(%arg11 : memref<!tpu.dma_semaphore, #tpu.memory_space<semaphore_mem>>) src(%dma_wait3A_737 : memref<20000x128xf32, #tpu.memory_space<hbm>>) dst(%dma_wait3A_731 : memref<128x128xf32, #tpu.memory_space<vmem>>)
      %dma_start3A_738 = arith.constant 0 : i32
      %dma_start3A_739 = arith.constant 2 : i32
      %dma_start3A_740 = arith.constant 0 : i32
      %dma_start3A_741 = arith.constant 0 : i32
      %dma_start3A_742 = tpu.memref_slice %arg10[%dma_start3A_738, %dma_start3A_740, %dma_start3A_741] : memref<2x128x128xf32, #tpu.memory_space<vmem>> -> memref<1x128x128xf32, #tpu.memory_space<vmem>>
      %dma_start3A_743 = tpu.memref_squeeze %dma_start3A_742 : memref<1x128x128xf32, #tpu.memory_space<vmem>> -> memref<128x128xf32, #tpu.memory_space<vmem>>
      %dma_start3A_744 = arith.constant 0 : i32
      %dma_start3A_745 = tpu.memref_slice %arg9[%dma_start3A_739, %dma_start3A_744] : memref<4x128xi32, #tpu.memory_space<vmem>> -> memref<1x128xi32, #tpu.memory_space<vmem>>
      %dma_start3A_746 = tpu.memref_squeeze %dma_start3A_745 : memref<1x128xi32, #tpu.memory_space<vmem>> -> memref<128xi32, #tpu.memory_space<vmem>>
      %dma_start3A_747 = arith.constant 0 : i32
      %dma_start3A_748 = arith.constant 0 : i32
      %dma_start3A_749 = tpu.memref_slice %arg7[%dma_start3A_747, %dma_start3A_748] : memref<10240x128xf32, #tpu.memory_space<vmem_shared>> -> memref<10240x128xf32, #tpu.memory_space<vmem_shared>>
      tpu.enqueue_indirect_dma source(%dma_start3A_743 : memref<128x128xf32, #tpu.memory_space<vmem>>) target(%dma_start3A_749 : memref<10240x128xf32, #tpu.memory_space<vmem_shared>>) offsets(%dma_start3A_746 : memref<128xi32, #tpu.memory_space<vmem>>) semaphore(%arg13 : memref<!tpu.dma_semaphore, #tpu.memory_space<semaphore_mem>>) {add = true}
      %scan3A_750 = arith.constant 0 : i32
      scf.yield %scan3A_750 : i32
    }
    %scan3A_367 = arith.constant 19 : i32
    %dma_wait3A_368 = arith.constant 3 : i32
    %dma_wait3A_369 = arith.constant 1 : i32
    %dma_wait3A_370 = arith.constant 0 : i32
    %dma_wait3A_371 = arith.constant 0 : i32
    %dma_wait3A_372 = tpu.memref_slice %arg10[%dma_wait3A_369, %dma_wait3A_370, %dma_wait3A_371] : memref<2x128x128xf32, #tpu.memory_space<vmem>> -> memref<1x128x128xf32, #tpu.memory_space<vmem>>
    %dma_wait3A_373 = tpu.memref_squeeze %dma_wait3A_372 : memref<1x128x128xf32, #tpu.memory_space<vmem>> -> memref<128x128xf32, #tpu.memory_space<vmem>>
    %dma_wait3A_374 = arith.constant 0 : i32
    %dma_wait3A_375 = tpu.memref_slice %arg8[%dma_wait3A_368, %dma_wait3A_374] : memref<4x128xi32, #tpu.memory_space<vmem>> -> memref<1x128xi32, #tpu.memory_space<vmem>>
    %dma_wait3A_376 = tpu.memref_squeeze %dma_wait3A_375 : memref<1x128xi32, #tpu.memory_space<vmem>> -> memref<128xi32, #tpu.memory_space<vmem>>
    %dma_wait3A_377 = arith.constant 0 : i32
    %dma_wait3A_378 = arith.constant 0 : i32
    %dma_wait3A_379 = tpu.memref_slice %arg5[%dma_wait3A_377, %dma_wait3A_378] : memref<20000x128xf32, #tpu.memory_space<hbm>> -> memref<20000x128xf32, #tpu.memory_space<hbm>>
    tpu.wait_indirect_dma semaphore(%arg12 : memref<!tpu.dma_semaphore, #tpu.memory_space<semaphore_mem>>) src(%dma_wait3A_379 : memref<20000x128xf32, #tpu.memory_space<hbm>>) dst(%dma_wait3A_373 : memref<128x128xf32, #tpu.memory_space<vmem>>)
    %dma_start3A_380 = arith.constant 1 : i32
    %dma_start3A_381 = arith.constant 3 : i32
    %dma_start3A_382 = arith.constant 0 : i32
    %dma_start3A_383 = arith.constant 0 : i32
    %dma_start3A_384 = tpu.memref_slice %arg10[%dma_start3A_380, %dma_start3A_382, %dma_start3A_383] : memref<2x128x128xf32, #tpu.memory_space<vmem>> -> memref<1x128x128xf32, #tpu.memory_space<vmem>>
    %dma_start3A_385 = tpu.memref_squeeze %dma_start3A_384 : memref<1x128x128xf32, #tpu.memory_space<vmem>> -> memref<128x128xf32, #tpu.memory_space<vmem>>
    %dma_start3A_386 = arith.constant 0 : i32
    %dma_start3A_387 = tpu.memref_slice %arg9[%dma_start3A_381, %dma_start3A_386] : memref<4x128xi32, #tpu.memory_space<vmem>> -> memref<1x128xi32, #tpu.memory_space<vmem>>
    %dma_start3A_388 = tpu.memref_squeeze %dma_start3A_387 : memref<1x128xi32, #tpu.memory_space<vmem>> -> memref<128xi32, #tpu.memory_space<vmem>>
    %dma_start3A_389 = arith.constant 0 : i32
    %dma_start3A_390 = arith.constant 0 : i32
    %dma_start3A_391 = tpu.memref_slice %arg7[%dma_start3A_389, %dma_start3A_390] : memref<10240x128xf32, #tpu.memory_space<vmem_shared>> -> memref<10240x128xf32, #tpu.memory_space<vmem_shared>>
    tpu.enqueue_indirect_dma source(%dma_start3A_385 : memref<128x128xf32, #tpu.memory_space<vmem>>) target(%dma_start3A_391 : memref<10240x128xf32, #tpu.memory_space<vmem_shared>>) offsets(%dma_start3A_388 : memref<128xi32, #tpu.memory_space<vmem>>) semaphore(%arg14 : memref<!tpu.dma_semaphore, #tpu.memory_space<semaphore_mem>>) {add = true}
    %dma_wait3A_392 = arith.constant 0 : i32
    %dma_wait3A_393 = arith.constant 2 : i32
    %dma_wait3A_394 = arith.constant 0 : i32
    %dma_wait3A_395 = arith.constant 0 : i32
    %dma_wait3A_396 = tpu.memref_slice %arg10[%dma_wait3A_392, %dma_wait3A_394, %dma_wait3A_395] : memref<2x128x128xf32, #tpu.memory_space<vmem>> -> memref<1x128x128xf32, #tpu.memory_space<vmem>>
    %dma_wait3A_397 = tpu.memref_squeeze %dma_wait3A_396 : memref<1x128x128xf32, #tpu.memory_space<vmem>> -> memref<128x128xf32, #tpu.memory_space<vmem>>
    %dma_wait3A_398 = arith.constant 0 : i32
    %dma_wait3A_399 = tpu.memref_slice %arg9[%dma_wait3A_393, %dma_wait3A_398] : memref<4x128xi32, #tpu.memory_space<vmem>> -> memref<1x128xi32, #tpu.memory_space<vmem>>
    %dma_wait3A_400 = tpu.memref_squeeze %dma_wait3A_399 : memref<1x128xi32, #tpu.memory_space<vmem>> -> memref<128xi32, #tpu.memory_space<vmem>>
    %dma_wait3A_401 = arith.constant 0 : i32
    %dma_wait3A_402 = arith.constant 0 : i32
    %dma_wait3A_403 = tpu.memref_slice %arg7[%dma_wait3A_401, %dma_wait3A_402] : memref<10240x128xf32, #tpu.memory_space<vmem_shared>> -> memref<10240x128xf32, #tpu.memory_space<vmem_shared>>
    tpu.wait_indirect_dma semaphore(%arg13 : memref<!tpu.dma_semaphore, #tpu.memory_space<semaphore_mem>>) src(%dma_wait3A_397 : memref<128x128xf32, #tpu.memory_space<vmem>>) dst(%dma_wait3A_403 : memref<10240x128xf32, #tpu.memory_space<vmem_shared>>)
    %dma_wait3A_404 = arith.constant 1 : i32
    %dma_wait3A_405 = arith.constant 3 : i32
    %dma_wait3A_406 = arith.constant 0 : i32
    %dma_wait3A_407 = arith.constant 0 : i32
    %dma_wait3A_408 = tpu.memref_slice %arg10[%dma_wait3A_404, %dma_wait3A_406, %dma_wait3A_407] : memref<2x128x128xf32, #tpu.memory_space<vmem>> -> memref<1x128x128xf32, #tpu.memory_space<vmem>>
    %dma_wait3A_409 = tpu.memref_squeeze %dma_wait3A_408 : memref<1x128x128xf32, #tpu.memory_space<vmem>> -> memref<128x128xf32, #tpu.memory_space<vmem>>
    %dma_wait3A_410 = arith.constant 0 : i32
    %dma_wait3A_411 = tpu.memref_slice %arg9[%dma_wait3A_405, %dma_wait3A_410] : memref<4x128xi32, #tpu.memory_space<vmem>> -> memref<1x128xi32, #tpu.memory_space<vmem>>
    %dma_wait3A_412 = tpu.memref_squeeze %dma_wait3A_411 : memref<1x128xi32, #tpu.memory_space<vmem>> -> memref<128xi32, #tpu.memory_space<vmem>>
    %dma_wait3A_413 = arith.constant 0 : i32
    %dma_wait3A_414 = arith.constant 0 : i32
    %dma_wait3A_415 = tpu.memref_slice %arg7[%dma_wait3A_413, %dma_wait3A_414] : memref<10240x128xf32, #tpu.memory_space<vmem_shared>> -> memref<10240x128xf32, #tpu.memory_space<vmem_shared>>
    tpu.wait_indirect_dma semaphore(%arg14 : memref<!tpu.dma_semaphore, #tpu.memory_space<semaphore_mem>>) src(%dma_wait3A_409 : memref<128x128xf32, #tpu.memory_space<vmem>>) dst(%dma_wait3A_415 : memref<10240x128xf32, #tpu.memory_space<vmem_shared>>)
    %barrier3A_416 = arith.constant 0 : index
    tpu.barrier barrier_id(%barrier3A_416)
    %scan3A_417 = arith.constant 0 : i32
    %scan3A_418 = arith.constant 0 : i32
    %scan3A_419 = arith.constant 10 : i32
    %scan3A_420 = arith.addi %scan3A_418, %scan3A_419 : i32
    %scan3A_421 = arith.constant 1 : i32
    %scan3A_422 = scf.for %scan3A_431 = %scan3A_418 to %scan3A_420 step %scan3A_421 iter_args(%scan3A_432 = %scan3A_417) -> (i32)  : i32 {
      %mul3A_433 = arith.constant 640 : i32
      %mul3A_434 = arith.muli %arg1, %mul3A_433 : i32
      %mul3A_435 = arith.constant 64 : i32
      %mul3A_436 = arith.muli %scan3A_431, %mul3A_435 : i32
      %add3A_437 = arith.addi %mul3A_434, %mul3A_436 : i32
      %dma_start3A_438 = arith.constant 0 : i32
      %dma_start3A_439 = tpu.memref_slice %arg6[%arg0, %add3A_437, %dma_start3A_438] : memref<2x10240x128xf32, #tpu.memory_space<hbm>> -> memref<1x64x128xf32, #tpu.memory_space<hbm>>
      %dma_start3A_440 = tpu.memref_squeeze %dma_start3A_439 : memref<1x64x128xf32, #tpu.memory_space<hbm>> -> memref<64x128xf32, #tpu.memory_space<hbm>>
      %dma_start3A_441 = arith.constant 0 : i32
      %dma_start3A_442 = tpu.memref_slice %arg7[%add3A_437, %dma_start3A_441] : memref<10240x128xf32, #tpu.memory_space<vmem_shared>> -> memref<64x128xf32, #tpu.memory_space<vmem_shared>>
      tpu.enqueue_dma source(%dma_start3A_442 : memref<64x128xf32, #tpu.memory_space<vmem_shared>>) target(%dma_start3A_440 : memref<64x128xf32, #tpu.memory_space<hbm>>) target_semaphore(%arg15 : memref<!tpu.dma_semaphore, #tpu.memory_space<semaphore_mem>>)
      %scan3A_443 = arith.constant 0 : i32
      scf.yield %scan3A_443 : i32
    }
    %scan3A_423 = arith.constant 10 : i32
    %scan3A_424 = arith.constant 0 : i32
    %scan3A_425 = arith.constant 0 : i32
    %scan3A_426 = arith.constant 10 : i32
    %scan3A_427 = arith.addi %scan3A_425, %scan3A_426 : i32
    %scan3A_428 = arith.constant 1 : i32
    %scan3A_429 = scf.for %scan3A_431 = %scan3A_425 to %scan3A_427 step %scan3A_428 iter_args(%scan3A_432 = %scan3A_424) -> (i32)  : i32 {
      %mul3A_433 = arith.constant 640 : i32
      %mul3A_434 = arith.muli %arg1, %mul3A_433 : i32
      %mul3A_435 = arith.constant 64 : i32
      %mul3A_436 = arith.muli %scan3A_431, %mul3A_435 : i32
      %add3A_437 = arith.addi %mul3A_434, %mul3A_436 : i32
      %dma_wait3A_438 = arith.constant 0 : i32
      %dma_wait3A_439 = tpu.memref_slice %arg6[%arg0, %add3A_437, %dma_wait3A_438] : memref<2x10240x128xf32, #tpu.memory_space<hbm>> -> memref<1x64x128xf32, #tpu.memory_space<hbm>>
      %dma_wait3A_440 = tpu.memref_squeeze %dma_wait3A_439 : memref<1x64x128xf32, #tpu.memory_space<hbm>> -> memref<64x128xf32, #tpu.memory_space<hbm>>
      %dma_wait3A_441 = arith.constant 0 : i32
      %dma_wait3A_442 = tpu.memref_slice %arg7[%add3A_437, %dma_wait3A_441] : memref<10240x128xf32, #tpu.memory_space<vmem_shared>> -> memref<64x128xf32, #tpu.memory_space<vmem_shared>>
      tpu.wait_dma2 semaphore(%arg15 : memref<!tpu.dma_semaphore, #tpu.memory_space<semaphore_mem>>) src(%dma_wait3A_442 : memref<64x128xf32, #tpu.memory_space<vmem_shared>>) dst(%dma_wait3A_440 : memref<64x128xf32, #tpu.memory_space<hbm>>)
      %scan3A_443 = arith.constant 0 : i32
      scf.yield %scan3A_443 : i32
    }
    %scan3A_430 = arith.constant 10 : i32
    return
  }
}

module attributes {stable_mosaic.version = 14 : i64} {
  func.func @_k2_body(%arg0: i32, %arg1: memref<2000x256xf32, #tpu.memory_space<vmem>>, %arg2: memref<2000x1xf32, #tpu.memory_space<vmem>>, %arg3: memref<2000x1xf32, #tpu.memory_space<vmem>>, %arg4: memref<2000x1xf32, #tpu.memory_space<vmem>>, %arg5: memref<2x2000x128xf32, #tpu.memory_space<vmem>>) attributes {dimension_semantics = [#tpu.dimension_semantics<arbitrary>], iteration_bounds = array<i64: 5>, scalar_prefetch = 0 : i64, scratch_operands = 0 : i64, tpu.core_type = #tpu.core_type<tc>, window_params = [{transform_indices = @transform_0, window_bounds = array<i64: 2000, 256>}, {transform_indices = @transform_1, window_bounds = array<i64: 2000, 1>}, {transform_indices = @transform_2, window_bounds = array<i64: 2000, 1>}, {transform_indices = @transform_3, window_bounds = array<i64: 2000, 1>}, {transform_indices = @transform_4, window_bounds = array<i64: 2, 2000, 128>}]} {
    %get3A = arith.constant 0 : index
    %get3A_0 = arith.constant 0 : index
    %get3A_1 = vector.load %arg2[%get3A, %get3A_0] : memref<2000x1xf32, #tpu.memory_space<vmem>>, vector<2000x1xf32>
    %get3A_2 = arith.constant 0 : index
    %get3A_3 = arith.constant 0 : index
    %get3A_4 = vector.load %arg3[%get3A_2, %get3A_3] : memref<2000x1xf32, #tpu.memory_space<vmem>>, vector<2000x1xf32>
    %add3A = arith.addf %get3A_1, %get3A_4 : vector<2000x1xf32>
    %add3A_5 = arith.constant 1.000000e+00 : f32
    %add3A_6 = vector.broadcast %add3A_5 : f32 to vector<2000x1xf32>
    %add3A_7 = arith.addf %add3A, %add3A_6 : vector<2000x1xf32>
    %rsqrt3A = math.rsqrt %add3A_7 : vector<2000x1xf32>
    %swap3A = arith.constant 0 : index
    %swap3A_8 = arith.constant 0 : index
    %swap3A_9 = vector.load %arg4[%swap3A, %swap3A_8] : memref<2000x1xf32, #tpu.memory_space<vmem>>, vector<2000x1xf32>
    tpu.vector_store %arg4[%swap3A, %swap3A_8], %rsqrt3A {strides = array<i32>} : memref<2000x1xf32, #tpu.memory_space<vmem>>, vector<2000x1xf32>,
    %get3A_10 = arith.constant 0 : index
    %get3A_11 = arith.constant 0 : index
    %get3A_12 = vector.load %arg1[%get3A_10, %get3A_11] : memref<2000x256xf32, #tpu.memory_space<vmem>>, vector<2000x256xf32>
    %mul3A = vector.broadcast %rsqrt3A : vector<2000x1xf32> to vector<2000x256xf32>
    %mul3A_13 = arith.mulf %mul3A, %get3A_12 : vector<2000x256xf32>
    %slice3A = vector.extract_strided_slice %mul3A_13 {offsets = [0, 0], sizes = [2000, 128], strides = [1, 1]} : vector<2000x256xf32> to vector<2000x128xf32>
    %swap3A_14 = arith.constant 0 : index
    %swap3A_15 = arith.constant 0 : index
    %swap3A_16 = arith.constant 0 : index
    %swap3A_17 = vector.load %arg5[%swap3A_14, %swap3A_15, %swap3A_16] : memref<2x2000x128xf32, #tpu.memory_space<vmem>>, vector<1x2000x128xf32>
    %swap3A_18 = vector.shape_cast %swap3A_17 : vector<1x2000x128xf32> to vector<2000x128xf32>
    %swap3A_19 = vector.shape_cast %slice3A : vector<2000x128xf32> to vector<1x2000x128xf32>
    tpu.vector_store %arg5[%swap3A_14, %swap3A_15, %swap3A_16], %swap3A_19 {strides = array<i32>} : memref<2x2000x128xf32, #tpu.memory_space<vmem>>, vector<1x2000x128xf32>,
    %slice3A_20 = vector.extract_strided_slice %mul3A_13 {offsets = [0, 128], sizes = [2000, 128], strides = [1, 1]} : vector<2000x256xf32> to vector<2000x128xf32>
    %swap3A_21 = arith.constant 1 : index
    %swap3A_22 = arith.constant 0 : index
    %swap3A_23 = arith.constant 0 : index
    %swap3A_24 = vector.load %arg5[%swap3A_21, %swap3A_22, %swap3A_23] : memref<2x2000x128xf32, #tpu.memory_space<vmem>>, vector<1x2000x128xf32>
    %swap3A_25 = vector.shape_cast %swap3A_24 : vector<1x2000x128xf32> to vector<2000x128xf32>
    %swap3A_26 = vector.shape_cast %slice3A_20 : vector<2000x128xf32> to vector<1x2000x128xf32>
    tpu.vector_store %arg5[%swap3A_21, %swap3A_22, %swap3A_23], %swap3A_26 {strides = array<i32>} : memref<2x2000x128xf32, #tpu.memory_space<vmem>>, vector<1x2000x128xf32>,
    return
  }
  func.func @transform_0(%arg0: i32) -> (i32, i32) {
    %c0_i32 = arith.constant 0 : i32
    %c0_i32_0 = arith.constant 0 : i32
    return %arg0, %c0_i32 : i32, i32
  }
  func.func @transform_1(%arg0: i32) -> (i32, i32) {
    %c0_i32 = arith.constant 0 : i32
    %c0_i32_0 = arith.constant 0 : i32
    return %arg0, %c0_i32 : i32, i32
  }
  func.func @transform_2(%arg0: i32) -> (i32, i32) {
    %c0_i32 = arith.constant 0 : i32
    %c0_i32_0 = arith.constant 0 : i32
    return %arg0, %c0_i32 : i32, i32
  }
  func.func @transform_3(%arg0: i32) -> (i32, i32) {
    %c0_i32 = arith.constant 0 : i32
    %c0_i32_0 = arith.constant 0 : i32
    return %arg0, %c0_i32 : i32, i32
  }
  func.func @transform_4(%arg0: i32) -> (i32, i32, i32) {
    %c0_i32 = arith.constant 0 : i32
    %c0_i32_0 = arith.constant 0 : i32
    %c0_i32_1 = arith.constant 0 : i32
    return %c0_i32, %arg0, %c0_i32_0 : i32, i32, i32
  }
}

module attributes {stable_mosaic.version = 14 : i64} {
  func.func @_k4_body(%arg0: i32, %arg1: memref<2x2000x128xf32, #tpu.memory_space<vmem>>, %arg2: memref<2000x1xf32, #tpu.memory_space<vmem>>, %arg3: memref<256x256xf32, #tpu.memory_space<vmem>>, %arg4: memref<1x256xf32, #tpu.memory_space<vmem>>, %arg5: memref<2000x256xf32, #tpu.memory_space<vmem>>) attributes {dimension_semantics = [#tpu.dimension_semantics<arbitrary>], iteration_bounds = array<i64: 5>, scalar_prefetch = 0 : i64, scratch_operands = 0 : i64, tpu.core_type = #tpu.core_type<tc>, window_params = [{transform_indices = @transform_0, window_bounds = array<i64: 2, 2000, 128>}, {transform_indices = @transform_1, window_bounds = array<i64: 2000, 1>}, {pipeline_mode = #tpu.pipeline_mode<synchronous>, transform_indices = @transform_2, window_bounds = array<i64: 256, 256>}, {pipeline_mode = #tpu.pipeline_mode<synchronous>, transform_indices = @transform_3, window_bounds = array<i64: 1, 256>}, {transform_indices = @transform_4, window_bounds = array<i64: 2000, 256>}]} {
    %get3A = arith.constant 0 : index
    %get3A_0 = arith.constant 0 : index
    %get3A_1 = vector.load %arg2[%get3A, %get3A_0] : memref<2000x1xf32, #tpu.memory_space<vmem>>, vector<2000x1xf32>
    %get3A_2 = arith.constant 0 : index
    %get3A_3 = arith.constant 0 : index
    %get3A_4 = arith.constant 0 : index
    %get3A_5 = vector.load %arg1[%get3A_2, %get3A_3, %get3A_4] : memref<2x2000x128xf32, #tpu.memory_space<vmem>>, vector<1x2000x128xf32>
    %get3A_6 = vector.shape_cast %get3A_5 : vector<1x2000x128xf32> to vector<2000x128xf32>
    %mul3A = vector.broadcast %get3A_1 : vector<2000x1xf32> to vector<2000x128xf32>
    %mul3A_7 = arith.mulf %mul3A, %get3A_6 : vector<2000x128xf32>
    %get3A_8 = arith.constant 1 : index
    %get3A_9 = arith.constant 0 : index
    %get3A_10 = arith.constant 0 : index
    %get3A_11 = vector.load %arg1[%get3A_8, %get3A_9, %get3A_10] : memref<2x2000x128xf32, #tpu.memory_space<vmem>>, vector<1x2000x128xf32>
    %get3A_12 = vector.shape_cast %get3A_11 : vector<1x2000x128xf32> to vector<2000x128xf32>
    %mul3A_13 = vector.broadcast %get3A_1 : vector<2000x1xf32> to vector<2000x128xf32>
    %mul3A_14 = arith.mulf %mul3A_13, %get3A_12 : vector<2000x128xf32>
    %get3A_15 = arith.constant 0 : index
    %get3A_16 = arith.constant 0 : index
    %get3A_17 = vector.load %arg3[%get3A_15, %get3A_16] : memref<256x256xf32, #tpu.memory_space<vmem>>, vector<256x128xf32>
    %dot_general3A = arith.constant dense<0.000000e+00> : vector<2000x256xf32>
    %dot_general3A_18 = tpu.matmul %mul3A_7, %get3A_17, %dot_general3A {dimension_numbers = #tpu.dot_dimension_numbers<[1], [1], [0], [0], [0, 0, 1, 0], [], []>, transpose_lhs_hint = false} : vector<2000x128xf32>, vector<256x128xf32>, vector<2000x256xf32> -> vector<2000x256xf32>
    %get3A_19 = arith.constant 0 : index
    %get3A_20 = arith.constant 128 : index
    %get3A_21 = vector.load %arg3[%get3A_19, %get3A_20] : memref<256x256xf32, #tpu.memory_space<vmem>>, vector<256x128xf32>
    %dot_general3A_22 = arith.constant dense<0.000000e+00> : vector<2000x256xf32>
    %dot_general3A_23 = tpu.matmul %mul3A_14, %get3A_21, %dot_general3A_22 {dimension_numbers = #tpu.dot_dimension_numbers<[1], [1], [0], [0], [0, 0, 1, 0], [], []>, transpose_lhs_hint = false} : vector<2000x128xf32>, vector<256x128xf32>, vector<2000x256xf32> -> vector<2000x256xf32>
    %add3A = arith.addf %dot_general3A_18, %dot_general3A_23 : vector<2000x256xf32>
    %get3A_24 = arith.constant 0 : index
    %get3A_25 = arith.constant 0 : index
    %get3A_26 = vector.load %arg4[%get3A_24, %get3A_25] : memref<1x256xf32, #tpu.memory_space<vmem>>, vector<1x256xf32>
    %add3A_27 = vector.broadcast %get3A_26 : vector<1x256xf32> to vector<2000x256xf32>
    %add3A_28 = arith.addf %add3A, %add3A_27 : vector<2000x256xf32>
    %max3A = arith.constant 0.000000e+00 : f32
    %max3A_29 = vector.broadcast %max3A : f32 to vector<2000x256xf32>
    %max3A_30 = arith.maximumf %add3A_28, %max3A_29 : vector<2000x256xf32>
    %swap3A = arith.constant 0 : index
    %swap3A_31 = arith.constant 0 : index
    %swap3A_32 = vector.load %arg5[%swap3A, %swap3A_31] : memref<2000x256xf32, #tpu.memory_space<vmem>>, vector<2000x256xf32>
    tpu.vector_store %arg5[%swap3A, %swap3A_31], %max3A_30 {strides = array<i32>} : memref<2000x256xf32, #tpu.memory_space<vmem>>, vector<2000x256xf32>,
    return
  }
  func.func @transform_0(%arg0: i32) -> (i32, i32, i32) {
    %c0_i32 = arith.constant 0 : i32
    %c0_i32_0 = arith.constant 0 : i32
    %c0_i32_1 = arith.constant 0 : i32
    return %c0_i32, %arg0, %c0_i32_0 : i32, i32, i32
  }
  func.func @transform_1(%arg0: i32) -> (i32, i32) {
    %c0_i32 = arith.constant 0 : i32
    %c0_i32_0 = arith.constant 0 : i32
    return %arg0, %c0_i32 : i32, i32
  }
  func.func @transform_2(%arg0: i32) -> (i32, i32) {
    %c0_i32 = arith.constant 0 : i32
    %c0_i32_0 = arith.constant 0 : i32
    %c0_i32_1 = arith.constant 0 : i32
    return %c0_i32, %c0_i32_0 : i32, i32
  }
  func.func @transform_3(%arg0: i32) -> (i32, i32) {
    %c0_i32 = arith.constant 0 : i32
    %c0_i32_0 = arith.constant 0 : i32
    %c0_i32_1 = arith.constant 0 : i32
    return %c0_i32, %c0_i32_0 : i32, i32
  }
  func.func @transform_4(%arg0: i32) -> (i32, i32) {
    %c0_i32 = arith.constant 0 : i32
    %c0_i32_0 = arith.constant 0 : i32
    return %arg0, %c0_i32 : i32, i32
  }
}

</mosaic_0001>

<sc_bundles>
// kernel: kernel.6.cloned.1.call-start
scs
__scs_entry_jumppad:
0x0: {  	(pc) =	sbr.rel $0x88, $3  }
0x1: {  	(tag) =	ssettag $0x0;
	lr =	simm.s32 $0x1  }
0x2: {  	[smem:$0x3F9D] =	sst lr;
	_ =	strace $0xD0000000  }
0x3: {  	_ = 	snop  }
0x4: {  	_ = 	snop  }
0x5: {  	_ = 	snop  }
0x6: {  	_ = 	snop  }
0x7: {  	_ = 	snop  }
__scs_overlays_trampoline_lowered:
0x8: {  	[smem:$0x3FAC] =	sst s0  }
0x9: {  	[smem:$0x3FAD] =	sst s1  }
0xa: {  	[smem:$0x3FAE] =	sst s2  }
0xb: {  	[smem:$0x3FAF] =	sst s3  }
0xc: {  	[smem:$0x3FB0] =	sst s4  }
0xd: {  	[smem:$0x3FB1] =	sst s5  }
0xe: {  	[smem:$0x3FB2] =	sst s6  }
0xf: {  	[smem:$0x3FB3] =	sst s7  }
0x10: {  	[smem:$0x3FB4] =	sst s8  }
0x11: {  	[smem:$0x3FB5] =	sst s9;
	s0 =	simm.s32 @!p0 $0x0  }
0x12: {  	s1 =	sld [smem:$0x3F9B];
	s0 =	simm.s32 @p0 $0x1  }
0x13: {  	[smem:$0x3FB6] =	sst s0;
	s0 =	simm.s32 @!p1 $0x0  }
0x14: {  	s2 =	sld [smem:$0x3F9A];
	s0 =	simm.s32 @p1 $0x1  }
0x15: {  	[smem:$0x3FB7] =	sst s0;
	s0 =	simm.s32 @!p2 $0x0  }
0x16: {  	s3 =	sld [smem:$0x3FDB];
	s0 =	simm.s32 @p2 $0x1  }
0x17: {  	s4 =	simm.s32 $0x1BF5;
	[smem:$0x3FB9] =	sst s0  }
0x18: {  	s0 =	sld [smem:$0x3F9C];
	_ =	swait.ge [sflag:s4], $0x0  }
0x19: {  	s7 =	sld [smem:$0x3F9D]  }
0x1a: {  	s8 =	sadd.s32 $0xFFFFE003, lr  }
0x1b: {  	s9 =	sadd.s32 $0xFFFFFEF7, lr;
	s5 =	simm.s32 $0xFFFFFFFF;
	p2 =	slt.u32 s8, $0xFFFFF086  }
0x1c: {  	p1 =	slt.u32 s9, $0xF7A;
	s5 =	simm.s32 @!p2 $0x0  }
0x1d: {  	s5 =	simm.s32 @p1 $0x1;
	p0 =	seq.s32 s7, s2  }
0x1e: {  	s7 =	smul.u32 @!p0 $0xF7A, s2;
	p2 =	seq.s32 @!p0 s5, $0x0  }
0x1f: {  	s9 =	smul.u32 $0xF7A, s1;
	s8 =	simm.s32 @!p0 $0x1BF5;
	p2 =	por !p2, p0  }
0x20: {  	[sflag:s8] =	ssyncset.s32 @!p0 $0xFFFFF086;
	s6 =	sadd.s32 @!p0 s3, s7;
	s7 =	simm.s32 @!p0 $0x108  }
0x21: {  	s3 =	sadd.s32 s3, s9;
	s6 =	sadd.s32 @!p0 $0x88, s6;
	s7 =	simm.s32 @p2 $0x1082  }
0x22: {  	[simem:s7], [sflag:s8] =	dma.local @!p0 [hbm:s6], $0xF7A  }
0x23: {  	s9 =	sor.u32 $0xD0000000, s2;
	s6 =	simm.s32 $0x108;
	_ =	swait.ge @!p0 [sflag:s8], $0x0  }
0x24: {  	s3 =	sadd.s32 $0x88, s3;
	s6 =	simm.s32 @!p1 $0x1082;
	[sflag:s4] =	ssyncset.s32 $0xFFFFF086  }
0x25: {  	[simem:s6], [sflag:s4] =	dma.local [hbm:s3], $0xF7A  }
0x26: {  	[smem:$0x3F9D] =	sst s1;
	(tag) =	ssettag s2;
	_ =	strace s9  }
0x27: {  	s1 =	sld [smem:$0x3FAD]  }
0x28: {  	s2 =	sld [smem:$0x3FAE]  }
0x29: {  	s4 =	sld [smem:$0x3FB0]  }
0x2a: {  	p0 =	seq.s32 s5, $0x0;
	s5 =	sld [smem:$0x3FB1]  }
0x2b: {  	s6 =	sld [smem:$0x3FB2]  }
0x2c: {  	s7 =	sld [smem:$0x3FB3]  }
0x2d: {  	s3 =	simm.s32 $0x108;
	s8 =	sld [smem:$0x3FB4]  }
0x2e: {  	s3 =	simm.s32 @!p0 $0x1082;
	s9 =	sld [smem:$0x3FB5]  }
0x2f: {  	lr =	sadd.s32 s0, s3;
	s0 =	sld [smem:$0x3FAC]  }
0x30: {  	s3 =	sld [smem:$0x3FAF]  }
0x31: {  	[smem:$0x3FB8] =	sst s10  }
0x32: {  	s10 =	sld [smem:$0x3FB6];
	_ =	sdelay $0x3  }
0x33: {  	p0 =	seq.s32 s10, $0x1;
	s10 =	sld [smem:$0x3FB8];
	_ =	sdelay $0x3  }
0x34: {  	[smem:$0x3FB8] =	sst s10  }
0x35: {  	s10 =	sld [smem:$0x3FB7];
	_ =	sdelay $0x3  }
0x36: {  	p1 =	seq.s32 s10, $0x1;
	s10 =	sld [smem:$0x3FB8];
	_ =	sdelay $0x3  }
0x37: {  	[smem:$0x3FB8] =	sst s10  }
0x38: {  	s10 =	sld [smem:$0x3FB9]  }
0x39: {  	_ = 	snop;
	(pc) =	sbr.ind lr, $3  }
0x3a: {  	_ = 	snop  }
0x3b: {  	_ = 	snop  }
0x3c: {  	p2 =	seq.s32 s10, $0x1;
	s10 =	sld [smem:$0x3FB8]  }
0x3d: {  	_ =	shalt  }
0x3e: {  	_ =	shalt  }
0x3f: {  	_ =	shalt  }
0x40: {  	_ =	shalt  }
0x41: {  	_ =	shalt  }
0x42: {  	_ =	shalt  }
0x43: {  	_ =	shalt  }
0x44: {  	_ =	shalt  }
0x45: {  	_ =	shalt  }
0x46: {  	_ =	shalt  }
0x47: {  	_ =	shalt  }
0x48: {  	_ =	shalt  }
0x49: {  	_ =	shalt  }
0x4a: {  	_ =	shalt  }
0x4b: {  	_ =	shalt  }
0x4c: {  	_ =	shalt  }
0x4d: {  	_ =	shalt  }
0x4e: {  	_ =	shalt  }
0x4f: {  	_ =	shalt  }
0x50: {  	_ =	shalt  }
0x51: {  	_ =	shalt  }
0x52: {  	_ =	shalt  }
0x53: {  	_ =	shalt  }
0x54: {  	_ =	shalt  }
0x55: {  	_ =	shalt  }
0x56: {  	_ =	shalt  }
0x57: {  	_ =	shalt  }
0x58: {  	_ =	shalt  }
0x59: {  	_ =	shalt  }
0x5a: {  	_ =	shalt  }
0x5b: {  	_ =	shalt  }
0x5c: {  	_ =	shalt  }
0x5d: {  	_ =	shalt  }
0x5e: {  	_ =	shalt  }
0x5f: {  	_ =	shalt  }
0x60: {  	_ =	shalt  }
0x61: {  	_ =	shalt  }
0x62: {  	_ =	shalt  }
0x63: {  	_ =	shalt  }
0x64: {  	_ =	shalt  }
0x65: {  	_ =	shalt  }
0x66: {  	_ =	shalt  }
0x67: {  	_ =	shalt  }
0x68: {  	_ =	shalt  }
0x69: {  	_ =	shalt  }
0x6a: {  	_ =	shalt  }
0x6b: {  	_ =	shalt  }
0x6c: {  	_ =	shalt  }
0x6d: {  	_ =	shalt  }
0x6e: {  	_ =	shalt  }
0x6f: {  	_ =	shalt  }
0x70: {  	_ =	shalt  }
0x71: {  	_ =	shalt  }
0x72: {  	_ =	shalt  }
0x73: {  	_ =	shalt  }
0x74: {  	_ =	shalt  }
0x75: {  	_ =	shalt  }
0x76: {  	_ =	shalt  }
0x77: {  	_ =	shalt  }
0x78: {  	_ =	shalt  }
0x79: {  	_ =	shalt  }
0x7a: {  	_ =	shalt  }
0x7b: {  	_ =	shalt  }
0x7c: {  	_ =	shalt  }
0x7d: {  	_ =	shalt  }
0x7e: {  	_ =	shalt  }
0x7f: {  	_ =	shalt  }
0x80: {  	_ =	shalt  }
0x81: {  	_ =	shalt  }
0x82: {  	_ =	shalt  }
0x83: {  	_ =	shalt  }
0x84: {  	_ =	shalt  }
0x85: {  	_ =	shalt  }
0x86: {  	_ =	shalt  }
0x87: {  	_ =	shalt  }
.Lfunc_end0:
.L_simem_size_0:
called_computation_lowered:
.L_overlay_start_0:
0x88: {  	s2 =	sld [smem:$0x3FD9]  }
0x89: {  	s3 =	sld [smem:$0x3FFE];
	_ =	sdelay $0x1  }
0x8a: {  	s1 =	srdreg.scid  }
0x8b: {  	s0 =	sand.u32 $0x1, s1  }
0x8c: {  	s17 =	sshll.u32 s0, $0xA;
	s2 =	sadd.s32 s3, s2  }
0x8d: {  	s2 =	sadd.s32 s2, s17  }
0x8e: {  	[smem:$0x3FC4] =	sst s2  }
0x8f: {  	_ = 	snop  }
0x90: {  	s2 =	sld [smem:$0x3FD0];
	(tm) =	ssettm $0x1  }
0x91: {  	s18 =	sld [smem:$0x3FFB];
	_ =	sdelay $0x3  }
0x92: {  	_ =	strace s18  }
0x93: {  	s3 =	sld [smem:$0x3FFC];
	_ =	sdelay $0x3  }
0x94: {  	_ =	strace s3  }
0x95: {  	s3 =	sld [smem:$0x3FFD];
	_ =	sdelay $0x3  }
0x96: {  	_ =	strace s3  }
0x97: {  	_ =	strace $0x8FFFFFFF  }
0x98: {  	s19 =	sld [smem:$0x3FDB];
	_ =	sdelay $0x1  }
0x99: {  	s4 =	simm.s32 $_scs_section_size  }
0x9a: {  	s5 =	simm.s32 $_size__tile_overlayer_lowered;
	s6 =	simm.s32 $_tile_overlayer_lowered  }
0x9b: {  	s22 =	simm.s32 $0x1BFF;
	s21 =	sshll.u32 s6, $0x1;
	s3 =	sadd.s32 s4, s19  }
0x9c: {  	s7 =	simm.s32 $0x0;
	s20 =	sshll.u32 s5, $0x1;
	s5 =	sadd.s32 s21, s3  }
0x9d: {  	[timem:s7], [sflag:s22] =	dma.local [hbm:s5], s20  }
0x9e: {  	_ =	swait.ge [sflag:s22], s20  }
0x9f: {  	s4 =	ssub.s32 $0x0, s20;
	[sflag:s22] =	ssyncset.done $0x0  }
0xa0: {  	[sflag:s22] =	ssyncadd.s32 s4;
	_ =	sdelay $0x1  }
0xa1: {  	s23 =	simm.s32 $0x1B8B  }
0xa2: {  	_ =	swait.ge [sflag:s23], $0x1  }
0xa3: {  	[sflag:s23] =	ssyncset.done $0x0  }
0xa4: {  	s25 =	simm.s32 $0x1B8E;
	s24 =	sld [smem:$0x3FFE];
	[sflag:s23] =	ssyncadd.s32 $0xFFFFFFFF  }
0xa5: {  	s26 =	simm.s32 $execute0_lowered;
	[smem:$0x3FD2] =	sst s25  }
0xa6: {  	s5 =	sshll.u32 s26, $0x1;
	_ =	strace $0x80000046;
	[dreg:$0x1] =	wrdreg $0xFFFFFFFF  }
0xa7: {  	s28 =	simm.s32 $_size_execute0_lowered;
	s3 =	sadd.s32 s3, s5;
	[dreg:$0x0] =	wrdreg $0x0  }
0xa8: {  	s5 =	sshll.u32 s28, $0x1;
	[dreg:$0x2] =	wrdreg s3  }
0xa9: {  	[dreg:$0x3] =	wrdreg s5  }
0xaa: {  	[dreg:$0x4] =	wrdreg $0xC0  }
0xab: {  	_ =	task [dreg:s7], $0x5FFFF  }
0xac: {  	[dreg:$0x1] =	wrdreg $0xFFFFFFFF  }
0xad: {  	[dreg:$0x0] =	wrdreg $0x60  }
0xae: {  	[dreg:$0x2] =	wrdreg s2  }
0xaf: {  	[dreg:$0x3] =	wrdreg s24  }
0xb0: {  	[dreg:$0x4] =	wrdreg $0x0  }
0xb1: {  	[dreg:$0x5] =	wrdreg $0x9  }
0xb2: {  	_ =	task.clear_ibuf [dreg:s7], $0x6FFFF;
	_ =	strace $0x90000046  }
0xb3: {  	s29 =	simm.s32 $0x9;
	_ =	strace $0x80000048  }
0xb4: {  	_ =	swait.ge [sflag:s29], $0x1  }
0xb5: {  	[sflag:s29] =	ssyncadd.s32 $0xFFFFFFFF  }
0xb6: {  	_ =	strace $0x90000048  }
0xb7: {  	_ =	sfence  }
0xb8: {  	s30 =	sld [smem:$0x0];
	_ =	sdelay $0x2  }
0xb9: {  	s31 =	sshll.u32 s1, $0xD;
	s1 =	sshrl.u32 s1, $0x2  }
0xba: {  	s3 =	sand.u32 $0x4000, s31;
	s1 =	sadd.s32 s1, s30  }
0xbb: {  	s0 =	sor.u32 s3, s0;
	s1 =	sshll.u32 s1, $0x11  }
0xbc: {  	s0 =	sor.u32 s1, s0  }
0xbd: {  	s0 =	sadd.s32 $0x8F2B, s0  }
0xbe: {  	[sflag:s0] =	ssyncadd.remote.s32 $0x1  }
0xbf: {  	_ =	sfence.sel $0xFFFF  }
0xc0: {  	[dreg:$0x0] =	wrdreg $0xFFFFFFFF;
	(pc) =	sbr.abs _section_cstart, $3  }
0xc1: {  	[dreg:$0x1] =	wrdreg $0xFFFFFFFF  }
0xc2: {  	_ =	task.clear_ibuf [dreg:s7], $0x2FFFF;
	_ =	strace $0x9FFFFFFF  }
0xc3: {  	(tm) =	ssettm $0x7FFFFFFF  }
tec
execute0_lowered:
.L_overlay_start_1:
0x0: {  	(tag) =	ssettag $0x1  }
0x1: {  	s0 =	rddreg [dreg:$0x0]  }
0x2: {  	s1 =	srdreg.scid;
	s4 =	rddreg [dreg:$0x1]  }
0x3: {  	s8 =	stileid.u32;
	s2 =	rddreg [dreg:$0x2]  }
0x4: {  	s12 =	simm.s32 $0x2;
	s13 =	simm.s32 $0x280;
	s15 =	simm.s32 $0x80  }
0x5: {  	s16 =	simm.s32 $0x0;
	s1 =	sand.u32 $0x1, s1;
	s5 =	smul.u32 $0x500, s8  }
0x6: {  	s26 =	smul.u32 $0xA00, s8;
	s3 =	sshll.u32 s1, $0x4;
	s6 =	sshll.u32 s1, $0x7  }
0x7: {  	s1 =	ssub.s32 $0x2, s1;
	s7 =	sor.u32 s8, s3;
	s3 =	simm.s32 $0x0  }
0x8: {  	s5 =	sor.u32 s6, s5;
	s29 =	sshrl.u32 s1, $0x1;
	s30 =	sshrl.u32 s26, $0x2  }
0x9: {  	s6 =	simm.s32 $0x1680;
	s25 =	smul.u32 $0x280, s7;
	[smem:$0x7FF] =	sst s3  }
0xa: {  	s5 =	sshrl.u32 s5, $0x3;
	s1 =	ssub.s32 s1, s29;
	_ =	strace $0x80000047  }
0xb: {  	s9 =	sadd.s32 s5, s4;
	s10 =	smax.u32 s1, $0x1;
	s1 =	simm.s32 $0x1  }
0xc: {  	s28 =	sadd.s32 s25, s4;
	s4 =	sadd.s32 s30, s2;
	s0 =	sadd.s32 s0, s25  }
0xd: {  	s9 =	sadd.s32 $0x6000, s9;
	[dreg:$0x4] =	wrdreg s0;
	s31 =	sadd.s32 $0x1000, s28  }
0xe: {  	v0 =	vimm.f32 $0.0e+00;
	v1 =	vimm.f32 $1.000000000e+00;
	v2 =	vlaneseq.u32;
	s7 =	sadd.s32 $0x6A00, s28;
	s8 =	sadd.s32 $0xBA00, s28;
	[dreg:$0x5] =	wrdreg s31  }
.LBB2_1:
0xf: {  	[tilespmem:$0x3E80] =	vst v0  }
0x10: {  	[tilespmem:$0x3E90] =	vst v0  }
0x11: {  	[tilespmem:$0x3EA0] =	vst v0  }
0x12: {  	[tilespmem:$0x3EB0] =	vst v0  }
0x13: {  	[tilespmem:$0x3EC0] =	vst v0  }
0x14: {  	[tilespmem:$0x3ED0] =	vst v0  }
0x15: {  	[tilespmem:$0x3EE0] =	vst v0  }
0x16: {  	[tilespmem:$0x3EF0] =	vst v0  }
0x17: {  	[tilespmem:$0x3F00] =	vst v0  }
0x18: {  	[tilespmem:$0x3F10] =	vst v0  }
0x19: {  	[tilespmem:$0x3F20] =	vst v0  }
0x1a: {  	[tilespmem:$0x3F30] =	vst v0  }
0x1b: {  	[tilespmem:$0x3F40] =	vst v0  }
0x1c: {  	[tilespmem:$0x3F50] =	vst v0  }
0x1d: {  	[tilespmem:$0x3F60] =	vst v0  }
0x1e: {  	[tilespmem:$0x3F70] =	vst v0  }
0x1f: {  	[tilespmem:$0x3F80] =	vst v0  }
0x20: {  	[tilespmem:$0x3F90] =	vst v0  }
0x21: {  	[tilespmem:$0x3FA0] =	vst v0  }
0x22: {  	[tilespmem:$0x3FB0] =	vst v0  }
0x23: {  	[tilespmem:$0x3FC0] =	vst v0  }
0x24: {  	[tilespmem:$0x3FD0] =	vst v0  }
0x25: {  	[tilespmem:$0x3FE0] =	vst v0  }
0x26: {  	[tilespmem:$0x3FF0] =	vst v0  }
0x27: {  	[tilespmem:$0x4000] =	vst v0  }
0x28: {  	[tilespmem:$0x4010] =	vst v0  }
0x29: {  	[tilespmem:$0x4020] =	vst v0  }
0x2a: {  	[tilespmem:$0x4030] =	vst v0  }
0x2b: {  	[tilespmem:$0x4040] =	vst v0  }
0x2c: {  	[tilespmem:$0x4050] =	vst v0  }
0x2d: {  	[tilespmem:$0x4060] =	vst v0  }
0x2e: {  	[tilespmem:$0x4070] =	vst v0  }
0x2f: {  	[tilespmem:$0x4080] =	vst v0  }
0x30: {  	[tilespmem:$0x4090] =	vst v0  }
0x31: {  	[tilespmem:$0x40A0] =	vst v0  }
0x32: {  	[tilespmem:$0x40B0] =	vst v0  }
0x33: {  	[tilespmem:$0x40C0] =	vst v0  }
0x34: {  	[tilespmem:$0x40D0] =	vst v0  }
0x35: {  	[tilespmem:$0x40E0] =	vst v0  }
0x36: {  	[tilespmem:$0x40F0] =	vst v0;
	s0 =	simm.s32 $0x3E80  }
0x37: {  	[spmem:s4] =	stream.linear.scatter [tilespmem:s0], [sflag:$0x2], $0x280, $0x38;
	[tilespmem:$0x4100] =	vst v63  }
0x38: {  	_ =	swait.ge [sflag:s12], $0x280  }
0x39: {  	[sflag:s12] =	ssyncset.done $0x0  }
0x3a: {  	[sflag:s12] =	ssyncadd.s32 $0xFFFFFD80  }
0x3b: {  	[bflag:$0x0] =	sbarrier.arrive $0xFFFF  }
0x3c: {  	s22 =	rddreg [dreg:$0x4]  }
0x3d: {  	[tilespmem:s13], [sflag:$0x2] =	stream.linear.gather [hbm4b:s22+s3], $0x1400, $0x38;
	[tilespmem:$0x4100] =	vst v63  }
0x3e: {  	_ =	swait.ge [sflag:s12], $0x1400  }
0x3f: {  	[sflag:s12] =	ssyncset.done $0x0  }
0x40: {  	s17 =	simm.s32 $0x0;
	s23 =	rddreg [dreg:$0x5];
	[sflag:s12] =	ssyncadd.s32 $0xFFFFEC00  }
0x41: {  	[tilespmem:s6], [sflag:$0x2] =	stream.linear.gather [hbm4b:s23+s3], $0x1400, $0x38;
	[tilespmem:$0x4100] =	vst v63  }
0x42: {  	s24 =	sand.u32 $0xFFF8, s17;
	_ =	swait.ge [sflag:s12], $0x1400  }
0x43: {  	s0 =	smul.u32 $0x8889, s24;
	[sflag:s12] =	ssyncset.done $0x0  }
0x44: {  	s21 =	simm.s32 $0x16C0;
	[sflag:s12] =	ssyncadd.s32 $0xFFFFEC00  }
0x45: {  	s0 =	sshrl.u32 s0, $0x13;
	s22 =	simm.s32 $0x2C0;
	v3 =	vld [tilespmem:s21+$0xFFFFFFC0]  }
0x46: {  	s0 =	smul.u32 $0xF, s0;
	v4 =	vld [tilespmem:s22+$0xFFFFFFC0];
	_ =	sdelay $0x1  }
0x47: {  	s0 =	ssub.s32 $0x0, s0  }
0x48: {  	s0 =	sshll.u32 s0, $0x4  }
0x49: {  	s0 =	sadd.s32 $0x2710, s0  }
0x4a: {  	s11 =	sor.u32 $0x1, s17;
	s0 =	sand.u32 $0xFFF0, s0;
	vm0 =	veq.s32 v4, v3  }
0x4b: {  	s25 =	sand.u32 $0xFFF9, s11;
	s23 =	simm.s32 $0x2AC0;
	v6 =	vor.u32 s0, v2;
	v5 =	vsel vm0, $0x0, v1  }
0x4c: {  	s0 =	smul.u32 $0x8889, s25;
	v4 =	vsel vm0, v6, v4;
	[tilespmem:s23+$0xFFFFFFC0] =	vst v5  }
0x4d: {  	v3 =	vadd.s32 $0x2710, v3;
	[tilespmem:s22+$0xFFFFFFC0] =	vst v4  }
0x4e: {  	s0 =	sshrl.u32 s0, $0x13;
	[tilespmem:s21+$0xFFFFFFC0] =	vst v3;
	v3 =	vld [tilespmem:s21+$0xFFFFFFD0]  }
0x4f: {  	s0 =	smul.u32 $0xF, s0;
	v4 =	vld [tilespmem:s22+$0xFFFFFFD0];
	_ =	sdelay $0x1  }
0x50: {  	s0 =	ssub.s32 s11, s0  }
0x51: {  	s0 =	sshll.u32 s0, $0x4  }
0x52: {  	s0 =	sadd.s32 $0x2710, s0  }
0x53: {  	s26 =	sor.u32 $0x2, s17;
	s0 =	sand.u32 $0xFFF0, s0;
	vm9 =	veq.s32 v4, v3  }
0x54: {  	s5 =	sand.u32 $0xFFFA, s26;
	v5 =	vor.u32 s0, v2;
	v57 =	vsel vm9, $0x0, v1  }
0x55: {  	s0 =	smul.u32 $0x8889, s5;
	v4 =	vsel vm9, v5, v4;
	[tilespmem:s23+$0xFFFFFFD0] =	vst v57  }
0x56: {  	v3 =	vadd.s32 $0x2710, v3;
	[tilespmem:s22+$0xFFFFFFD0] =	vst v4  }
0x57: {  	s0 =	sshrl.u32 s0, $0x13;
	[tilespmem:s21+$0xFFFFFFD0] =	vst v3;
	v3 =	vld [tilespmem:s21+$0xFFFFFFE0]  }
0x58: {  	s0 =	smul.u32 $0xF, s0;
	v4 =	vld [tilespmem:s22+$0xFFFFFFE0];
	_ =	sdelay $0x1  }
0x59: {  	s0 =	ssub.s32 s26, s0  }
0x5a: {  	s0 =	sshll.u32 s0, $0x4  }
0x5b: {  	s0 =	sadd.s32 $0x2710, s0  }
0x5c: {  	s6 =	sor.u32 $0x3, s17;
	s0 =	sand.u32 $0xFFF0, s0;
	vm10 =	veq.s32 v4, v3  }
0x5d: {  	s14 =	sand.u32 $0xFFFB, s6;
	v5 =	vor.u32 s0, v2;
	v58 =	vsel vm10, $0x0, v1  }
0x5e: {  	s0 =	smul.u32 $0x8889, s14;
	v4 =	vsel vm10, v5, v4;
	[tilespmem:s23+$0xFFFFFFE0] =	vst v58  }
0x5f: {  	v3 =	vadd.s32 $0x2710, v3;
	[tilespmem:s22+$0xFFFFFFE0] =	vst v4  }
0x60: {  	s0 =	sshrl.u32 s0, $0x13;
	[tilespmem:s21+$0xFFFFFFE0] =	vst v3;
	v3 =	vld [tilespmem:s21+$0xFFFFFFF0]  }
0x61: {  	s0 =	smul.u32 $0xF, s0;
	v4 =	vld [tilespmem:s22+$0xFFFFFFF0];
	_ =	sdelay $0x1  }
0x62: {  	s0 =	ssub.s32 s6, s0  }
0x63: {  	s0 =	sshll.u32 s0, $0x4  }
0x64: {  	s0 =	sadd.s32 $0x2710, s0  }
0x65: {  	s18 =	sor.u32 $0x4, s17;
	s0 =	sand.u32 $0xFFF0, s0;
	vm11 =	veq.s32 v4, v3  }
0x66: {  	s19 =	sand.u32 $0xFFFC, s18;
	v5 =	vor.u32 s0, v2;
	v59 =	vsel vm11, $0x0, v1  }
0x67: {  	s0 =	smul.u32 $0x8889, s19;
	v4 =	vsel vm11, v5, v4;
	[tilespmem:s23+$0xFFFFFFF0] =	vst v59  }
0x68: {  	v3 =	vadd.s32 $0x2710, v3;
	[tilespmem:s22+$0xFFFFFFF0] =	vst v4  }
0x69: {  	s0 =	sshrl.u32 s0, $0x13;
	[tilespmem:s21+$0xFFFFFFF0] =	vst v3;
	v3 =	vld [tilespmem:s21+$0x0]  }
0x6a: {  	s0 =	smul.u32 $0xF, s0;
	v4 =	vld [tilespmem:s22+$0x0];
	_ =	sdelay $0x1  }
0x6b: {  	s0 =	ssub.s32 s18, s0  }
0x6c: {  	s0 =	sshll.u32 s0, $0x4  }
0x6d: {  	s0 =	sadd.s32 $0x2710, s0  }
0x6e: {  	s20 =	sor.u32 $0x5, s17;
	s0 =	sand.u32 $0xFFF0, s0;
	vm12 =	veq.s32 v4, v3  }
0x6f: {  	s24 =	sand.u32 $0xFFFD, s20;
	v5 =	vor.u32 s0, v2;
	v60 =	vsel vm12, $0x0, v1  }
0x70: {  	s0 =	smul.u32 $0x8889, s24;
	v4 =	vsel vm12, v5, v4;
	[tilespmem:s23+$0x0] =	vst v60  }
0x71: {  	v3 =	vadd.s32 $0x2710, v3;
	[tilespmem:s22+$0x0] =	vst v4  }
0x72: {  	s0 =	sshrl.u32 s0, $0x13;
	[tilespmem:s21+$0x0] =	vst v3;
	v3 =	vld [tilespmem:s21+$0x10]  }
0x73: {  	s0 =	smul.u32 $0xF, s0;
	v4 =	vld [tilespmem:s22+$0x10];
	_ =	sdelay $0x1  }
0x74: {  	s0 =	ssub.s32 s20, s0  }
0x75: {  	s0 =	sshll.u32 s0, $0x4  }
0x76: {  	s0 =	sadd.s32 $0x2710, s0  }
0x77: {  	s25 =	sor.u32 $0x6, s17;
	s0 =	sand.u32 $0xFFF0, s0;
	vm13 =	veq.s32 v4, v3  }
0x78: {  	s26 =	sand.u32 $0xFFFE, s25;
	v5 =	vor.u32 s0, v2;
	v61 =	vsel vm13, $0x0, v1  }
0x79: {  	s0 =	smul.u32 $0x8889, s26;
	v4 =	vsel vm13, v5, v4;
	[tilespmem:s23+$0x10] =	vst v61  }
0x7a: {  	v3 =	vadd.s32 $0x2710, v3;
	[tilespmem:s22+$0x10] =	vst v4  }
0x7b: {  	s0 =	sshrl.u32 s0, $0x13;
	[tilespmem:s21+$0x10] =	vst v3;
	v3 =	vld [tilespmem:s21+$0x20]  }
0x7c: {  	s0 =	smul.u32 $0xF, s0;
	v4 =	vld [tilespmem:s22+$0x20];
	_ =	sdelay $0x1  }
0x7d: {  	s0 =	ssub.s32 s25, s0  }
0x7e: {  	s0 =	sshll.u32 s0, $0x4  }
0x7f: {  	s0 =	sadd.s32 $0x2710, s0  }
0x80: {  	s5 =	sshllo.u32 s3, $0x3;
	s0 =	sand.u32 $0xFFF0, s0;
	vm14 =	veq.s32 v4, v3  }
0x81: {  	s6 =	sand.u32 $0xFFFF, s5;
	v5 =	vor.u32 s0, v2;
	v62 =	vsel vm14, $0x0, v1  }
0x82: {  	s0 =	smul.u32 $0x8889, s6;
	v4 =	vsel vm14, v5, v4;
	[tilespmem:s23+$0x20] =	vst v62  }
0x83: {  	v3 =	vadd.s32 $0x2710, v3;
	[tilespmem:s22+$0x20] =	vst v4  }
0x84: {  	s0 =	sshrl.u32 s0, $0x13;
	[tilespmem:s21+$0x20] =	vst v3;
	v3 =	vld [tilespmem:s21+$0x30]  }
0x85: {  	s0 =	smul.u32 $0xF, s0;
	v4 =	vld [tilespmem:s22+$0x30];
	_ =	sdelay $0x1  }
0x86: {  	s29 =	simm.s32 $0x8;
	s0 =	ssub.s32 s5, s0  }
0x87: {  	s31 =	sor.u32 $0x1, s29;
	s0 =	sshll.u32 s0, $0x4  }
0x88: {  	s30 =	sor.u32 $0x2, s29;
	s28 =	sor.u32 $0x3, s29;
	s0 =	sadd.s32 $0x2710, s0  }
0x89: {  	s17 =	simm.s32 $0x1740;
	s14 =	sand.u32 $0xFFF8, s29;
	s0 =	sand.u32 $0xFFF0, s0;
	vm15 =	veq.s32 v4, v3  }
0x8a: {  	s14 =	smul.u32 $0x8889, s14;
	s19 =	simm.s32 $0x340;
	s18 =	simm.s32 $0x2B40;
	v5 =	vor.u32 s0, v2;
	v63 =	vsel vm15, $0x0, v1  }
0x8b: {  	s24 =	sand.u32 $0xFFF9, s31;
	s20 =	simm.s32 $0x1;
	s26 =	sand.u32 $0xFFFA, s30;
	v4 =	vsel vm15, v5, v4;
	[tilespmem:s23+$0x30] =	vst v63  }
0x8c: {  	s25 =	simm.s32 $0x2;
	s0 =	smul.u32 $0x8889, s24;
	s24 =	sor.u32 $0x4, s29;
	v3 =	vadd.s32 $0x2710, v3;
	[tilespmem:s22+$0x30] =	vst v4  }
.LBB2_2:
0x8d: {  	s11 =	sshrl.u32 s14, $0x13;
	s14 =	smul.u32 $0x8889, s26;
	s5 =	sor.u32 $0x5, s29  }
0x8e: {  	v4 =	vld [tilespmem:s17+$0xFFFFFFC0];
	[tilespmem:s21+$0x30] =	vst v3;
	s26 =	smov.u32 s25;
	s23 =	smov.u32 s18;
	s22 =	smov.u32 s19  }
0x8f: {  	v3 =	vld [tilespmem:s19+$0xFFFFFFC0];
	s11 =	smul.u32 $0xF, s11;
	s0 =	sshrl.u32 s0, $0x13;
	s21 =	sand.u32 $0xFFFD, s5  }
0x90: {  	s6 =	sor.u32 $0x6, s29;
	s0 =	smul.u32 $0xF, s0;
	s14 =	sshrl.u32 s14, $0x13  }
0x91: {  	s11 =	ssub.s32 s29, s11;
	s14 =	smul.u32 $0xF, s14;
	s29 =	sand.u32 $0xFFFE, s6  }
0x92: {  	s21 =	smul.u32 $0x8889, s21;
	s11 =	sshll.u32 s11, $0x4;
	s0 =	ssub.s32 s31, s0  }
0x93: {  	s11 =	sadd.s32 $0x2710, s11;
	s0 =	sshll.u32 s0, $0x4;
	s14 =	ssub.s32 s30, s14  }
0x94: {  	vm0 =	veq.s32 v3, v4;
	s11 =	sand.u32 $0xFFF0, s11;
	s0 =	sadd.s32 $0x2710, s0;
	s14 =	sshll.u32 s14, $0x4  }
0x95: {  	s21 =	sshrl.u32 s21, $0x13;
	v5 =	vsel vm0, $0x0, v1;
	v6 =	vor.u32 s11, v2;
	s0 =	sand.u32 $0xFFF0, s0;
	s14 =	sadd.s32 $0x2710, s14  }
0x96: {  	s30 =	smul.u32 $0xF, s21;
	s11 =	sadd.s32 $0x1, s25;
	[tilespmem:s18+$0xFFFFFFC0] =	vst v5;
	v3 =	vsel vm0, v6, v3;
	s14 =	sand.u32 $0xFFF0, s14  }
0x97: {  	p0 =	sne.s32 s25, $0x27;
	s21 =	smov.u32 s17;
	s25 =	smul.u32 $0x8889, s29;
	[tilespmem:s19+$0xFFFFFFC0] =	vst v3;
	v3 =	vadd.s32 $0x2710, v4  }
0x98: {  	s5 =	ssub.s32 s5, s30;
	[tilespmem:s17+$0xFFFFFFC0] =	vst v3;
	v3 =	vld [tilespmem:s17+$0xFFFFFFD0]  }
0x99: {  	s5 =	sshll.u32 s5, $0x4;
	s25 =	sshrl.u32 s25, $0x13;
	v4 =	vld [tilespmem:s19+$0xFFFFFFD0]  }
0x9a: {  	s5 =	sadd.s32 $0x2710, s5;
	s25 =	smul.u32 $0xF, s25  }
0x9b: {  	s30 =	sand.u32 $0xFFF0, s5  }
0x9c: {  	s5 =	ssub.s32 s6, s25  }
0x9d: {  	s5 =	sshll.u32 s5, $0x4  }
0x9e: {  	v5 =	vor.u32 s0, v2;
	s0 =	sadd.s32 $0x2710, s5;
	vm0 =	veq.s32 v4, v3  }
0x9f: {  	s29 =	sand.u32 $0xFFF0, s0;
	v6 =	vsel vm0, $0x0, v1;
	v4 =	vsel vm0, v5, v4  }
0xa0: {  	[tilespmem:s18+$0xFFFFFFD0] =	vst v6  }
0xa1: {  	v3 =	vadd.s32 $0x2710, v3;
	[tilespmem:s19+$0xFFFFFFD0] =	vst v4  }
0xa2: {  	[tilespmem:s17+$0xFFFFFFD0] =	vst v3;
	v3 =	vld [tilespmem:s17+$0xFFFFFFE0]  }
0xa3: {  	v4 =	vld [tilespmem:s19+$0xFFFFFFE0];
	_ =	sdelay $0x4  }
0xa4: {  	s0 =	sand.u32 $0xFFFB, s28;
	v5 =	vor.u32 s14, v2;
	vm0 =	veq.s32 v4, v3  }
0xa5: {  	s0 =	smul.u32 $0x8889, s0;
	v6 =	vsel vm0, $0x0, v1;
	v4 =	vsel vm0, v5, v4  }
0xa6: {  	[tilespmem:s18+$0xFFFFFFE0] =	vst v6  }
0xa7: {  	s0 =	sshrl.u32 s0, $0x13;
	v3 =	vadd.s32 $0x2710, v3;
	[tilespmem:s19+$0xFFFFFFE0] =	vst v4  }
0xa8: {  	s0 =	smul.u32 $0xF, s0;
	[tilespmem:s17+$0xFFFFFFE0] =	vst v3;
	v3 =	vld [tilespmem:s17+$0xFFFFFFF0]  }
0xa9: {  	v4 =	vld [tilespmem:s19+$0xFFFFFFF0]  }
0xaa: {  	s0 =	ssub.s32 s28, s0  }
0xab: {  	s0 =	sshll.u32 s0, $0x4  }
0xac: {  	s0 =	sadd.s32 $0x2710, s0  }
0xad: {  	s0 =	sand.u32 $0xFFF0, s0  }
0xae: {  	v5 =	vor.u32 s0, v2;
	s0 =	sand.u32 $0xFFFC, s24;
	vm0 =	veq.s32 v4, v3  }
0xaf: {  	s0 =	smul.u32 $0x8889, s0;
	v6 =	vsel vm0, $0x0, v1;
	v4 =	vsel vm0, v5, v4  }
0xb0: {  	[tilespmem:s18+$0xFFFFFFF0] =	vst v6  }
0xb1: {  	s0 =	sshrl.u32 s0, $0x13;
	v3 =	vadd.s32 $0x2710, v3;
	[tilespmem:s19+$0xFFFFFFF0] =	vst v4  }
0xb2: {  	s0 =	smul.u32 $0xF, s0;
	[tilespmem:s17+$0xFFFFFFF0] =	vst v3;
	v3 =	vld [tilespmem:s17+$0x0]  }
0xb3: {  	v4 =	vld [tilespmem:s19+$0x0]  }
0xb4: {  	s0 =	ssub.s32 s24, s0  }
0xb5: {  	s0 =	sshll.u32 s0, $0x4  }
0xb6: {  	s0 =	sadd.s32 $0x2710, s0  }
0xb7: {  	s0 =	sand.u32 $0xFFF0, s0  }
0xb8: {  	v5 =	vor.u32 s0, v2;
	vm0 =	veq.s32 v4, v3  }
0xb9: {  	v6 =	vsel vm0, $0x0, v1;
	v4 =	vsel vm0, v5, v4  }
0xba: {  	[tilespmem:s18+$0x0] =	vst v6  }
0xbb: {  	v3 =	vadd.s32 $0x2710, v3;
	[tilespmem:s19+$0x0] =	vst v4  }
0xbc: {  	[tilespmem:s17+$0x0] =	vst v3;
	v3 =	vld [tilespmem:s17+$0x10]  }
0xbd: {  	v4 =	vld [tilespmem:s19+$0x10];
	_ =	sdelay $0x4  }
0xbe: {  	v5 =	vor.u32 s30, v2;
	vm0 =	veq.s32 v4, v3  }
0xbf: {  	v6 =	vsel vm0, $0x0, v1;
	v4 =	vsel vm0, v5, v4  }
0xc0: {  	[tilespmem:s18+$0x10] =	vst v6  }
0xc1: {  	v3 =	vadd.s32 $0x2710, v3;
	[tilespmem:s19+$0x10] =	vst v4  }
0xc2: {  	[tilespmem:s17+$0x10] =	vst v3;
	v3 =	vld [tilespmem:s17+$0x20]  }
0xc3: {  	v4 =	vld [tilespmem:s19+$0x20];
	_ =	sdelay $0x3  }
0xc4: {  	s0 =	sshllo.u32 s20, $0x3;
	s20 =	smov.u32 s26  }
0xc5: {  	s5 =	sand.u32 $0xFFFF, s0;
	v5 =	vor.u32 s29, v2;
	vm0 =	veq.s32 v4, v3  }
0xc6: {  	s5 =	smul.u32 $0x8889, s5;
	v6 =	vsel vm0, $0x0, v1;
	v4 =	vsel vm0, v5, v4  }
0xc7: {  	[tilespmem:s18+$0x20] =	vst v6  }
0xc8: {  	s5 =	sshrl.u32 s5, $0x13;
	v3 =	vadd.s32 $0x2710, v3;
	[tilespmem:s19+$0x20] =	vst v4  }
0xc9: {  	s5 =	smul.u32 $0xF, s5;
	[tilespmem:s17+$0x20] =	vst v3;
	v3 =	vld [tilespmem:s17+$0x30]  }
0xca: {  	v4 =	vld [tilespmem:s19+$0x30]  }
0xcb: {  	s0 =	ssub.s32 s0, s5  }
0xcc: {  	s0 =	sshll.u32 s0, $0x4  }
0xcd: {  	s25 =	smov.u32 s11;
	s0 =	sadd.s32 $0x2710, s0  }
.Ltmp0:
0xce: {  	s0 =	sand.u32 $0xFFF0, s0;
	s18 =	sadd.s32 $0x80, s18;
	(pc) =	sbr.rel @p0 .LBB2_2-.Ltmp0, $4  }
0xcf: {  	s29 =	sshll.u32 s20, $0x3;
	v5 =	vor.u32 s0, v2;
	s17 =	sadd.s32 $0x80, s17;
	s19 =	sadd.s32 $0x80, s19;
	vm0 =	veq.s32 v4, v3  }
0xd0: {  	s31 =	sor.u32 $0x1, s29;
	s30 =	sor.u32 $0x2, s29;
	s0 =	sand.u32 $0xFFF8, s29;
	v6 =	vsel vm0, $0x0, v1;
	v4 =	vsel vm0, v5, v4  }
0xd1: {  	s26 =	sand.u32 $0xFFFA, s30;
	s14 =	smul.u32 $0x8889, s0;
	s0 =	sand.u32 $0xFFF9, s31;
	[tilespmem:s23+$0x30] =	vst v6  }
0xd2: {  	s28 =	sor.u32 $0x3, s29;
	s24 =	sor.u32 $0x4, s29;
	s0 =	smul.u32 $0x8889, s0;
	v3 =	vadd.s32 $0x2710, v3;
	[tilespmem:s22+$0x30] =	vst v4  }
0xd3: {  	[tilespmem:s21+$0x30] =	vst v3;
	v3 =	vld [tilespmem:s17+$0xFFFFFFC0];
	s5 =	sshrl.u32 s14, $0x13  }
0xd4: {  	v4 =	vld [tilespmem:s19+$0xFFFFFFC0];
	s5 =	smul.u32 $0xF, s5;
	_ =	sdelay $0x1  }
0xd5: {  	s5 =	ssub.s32 s29, s5  }
0xd6: {  	s5 =	sshll.u32 s5, $0x4  }
0xd7: {  	s5 =	sadd.s32 $0x2710, s5  }
0xd8: {  	vm0 =	veq.s32 v4, v3;
	s5 =	sand.u32 $0xFFF0, s5  }
0xd9: {  	v5 =	vor.u32 s5, v2;
	v6 =	vsel vm0, $0x0, v1  }
0xda: {  	[tilespmem:s18+$0xFFFFFFC0] =	vst v6;
	v4 =	vsel vm0, v5, v4  }
0xdb: {  	v3 =	vadd.s32 $0x2710, v3;
	[tilespmem:s19+$0xFFFFFFC0] =	vst v4  }
0xdc: {  	s0 =	sshrl.u32 s0, $0x13;
	[tilespmem:s17+$0xFFFFFFC0] =	vst v3;
	v3 =	vld [tilespmem:s17+$0xFFFFFFD0]  }
0xdd: {  	s0 =	smul.u32 $0xF, s0;
	v43 =	vld [tilespmem:s19+$0xFFFFFFD0];
	_ =	sdelay $0x1  }
0xde: {  	s0 =	ssub.s32 s31, s0  }
0xdf: {  	s0 =	sshll.u32 s0, $0x4  }
0xe0: {  	s0 =	sadd.s32 $0x2710, s0  }
0xe1: {  	s0 =	sand.u32 $0xFFF0, s0;
	vm9 =	veq.s32 v43, v3  }
0xe2: {  	v44 =	vor.u32 s0, v2;
	v45 =	vsel vm9, $0x0, v1  }
0xe3: {  	s21 =	smul.u32 $0x8889, s26;
	v4 =	vsel vm9, v44, v43;
	[tilespmem:s18+$0xFFFFFFD0] =	vst v45  }
0xe4: {  	v3 =	vadd.s32 $0x2710, v3;
	[tilespmem:s19+$0xFFFFFFD0] =	vst v4  }
0xe5: {  	s0 =	sshrl.u32 s21, $0x13;
	[tilespmem:s17+$0xFFFFFFD0] =	vst v3;
	v3 =	vld [tilespmem:s17+$0xFFFFFFE0]  }
0xe6: {  	s0 =	smul.u32 $0xF, s0;
	v46 =	vld [tilespmem:s19+$0xFFFFFFE0];
	_ =	sdelay $0x1  }
0xe7: {  	s0 =	ssub.s32 s30, s0  }
0xe8: {  	s0 =	sshll.u32 s0, $0x4  }
0xe9: {  	s0 =	sadd.s32 $0x2710, s0  }
0xea: {  	s0 =	sand.u32 $0xFFF0, s0;
	vm10 =	veq.s32 v46, v3  }
0xeb: {  	s22 =	sand.u32 $0xFFFB, s28;
	v47 =	vor.u32 s0, v2;
	v48 =	vsel vm10, $0x0, v1  }
0xec: {  	s0 =	smul.u32 $0x8889, s22;
	v4 =	vsel vm10, v47, v46;
	[tilespmem:s18+$0xFFFFFFE0] =	vst v48  }
0xed: {  	v3 =	vadd.s32 $0x2710, v3;
	[tilespmem:s19+$0xFFFFFFE0] =	vst v4  }
0xee: {  	s0 =	sshrl.u32 s0, $0x13;
	[tilespmem:s17+$0xFFFFFFE0] =	vst v3;
	v3 =	vld [tilespmem:s17+$0xFFFFFFF0]  }
0xef: {  	s0 =	smul.u32 $0xF, s0;
	v49 =	vld [tilespmem:s19+$0xFFFFFFF0];
	_ =	sdelay $0x1  }
0xf0: {  	s0 =	ssub.s32 s28, s0  }
0xf1: {  	s0 =	sshll.u32 s0, $0x4  }
0xf2: {  	s0 =	sadd.s32 $0x2710, s0  }
0xf3: {  	s0 =	sand.u32 $0xFFF0, s0;
	vm11 =	veq.s32 v49, v3  }
0xf4: {  	s23 =	sand.u32 $0xFFFC, s24;
	v50 =	vor.u32 s0, v2;
	v51 =	vsel vm11, $0x0, v1  }
0xf5: {  	s0 =	smul.u32 $0x8889, s23;
	v4 =	vsel vm11, v50, v49;
	[tilespmem:s18+$0xFFFFFFF0] =	vst v51  }
0xf6: {  	v3 =	vadd.s32 $0x2710, v3;
	[tilespmem:s19+$0xFFFFFFF0] =	vst v4  }
0xf7: {  	s0 =	sshrl.u32 s0, $0x13;
	[tilespmem:s17+$0xFFFFFFF0] =	vst v3;
	v3 =	vld [tilespmem:s17+$0x0]  }
0xf8: {  	s0 =	smul.u32 $0xF, s0;
	v52 =	vld [tilespmem:s19+$0x0];
	_ =	sdelay $0x1  }
0xf9: {  	s0 =	ssub.s32 s24, s0  }
0xfa: {  	s0 =	sshll.u32 s0, $0x4  }
0xfb: {  	s0 =	sadd.s32 $0x2710, s0  }
0xfc: {  	s25 =	sor.u32 $0x5, s29;
	s0 =	sand.u32 $0xFFF0, s0;
	vm12 =	veq.s32 v52, v3  }
0xfd: {  	s26 =	sand.u32 $0xFFFD, s25;
	v53 =	vor.u32 s0, v2;
	v54 =	vsel vm12, $0x0, v1  }
0xfe: {  	s0 =	smul.u32 $0x8889, s26;
	v4 =	vsel vm12, v53, v52;
	[tilespmem:s18+$0x0] =	vst v54  }
0xff: {  	v3 =	vadd.s32 $0x2710, v3;
	[tilespmem:s19+$0x0] =	vst v4  }
0x100: {  	s0 =	sshrl.u32 s0, $0x13;
	[tilespmem:s17+$0x0] =	vst v3;
	v3 =	vld [tilespmem:s17+$0x10]  }
0x101: {  	s0 =	smul.u32 $0xF, s0;
	v55 =	vld [tilespmem:s19+$0x10];
	_ =	sdelay $0x1  }
0x102: {  	s0 =	ssub.s32 s25, s0  }
0x103: {  	s0 =	sshll.u32 s0, $0x4  }
0x104: {  	s0 =	sadd.s32 $0x2710, s0  }
0x105: {  	s28 =	sor.u32 $0x6, s29;
	s0 =	sand.u32 $0xFFF0, s0;
	vm13 =	veq.s32 v55, v3  }
0x106: {  	s29 =	sand.u32 $0xFFFE, s28;
	v56 =	vor.u32 s0, v2;
	v57 =	vsel vm13, $0x0, v1  }
0x107: {  	s0 =	smul.u32 $0x8889, s29;
	v4 =	vsel vm13, v56, v55;
	[tilespmem:s18+$0x10] =	vst v57  }
0x108: {  	v3 =	vadd.s32 $0x2710, v3;
	[tilespmem:s19+$0x10] =	vst v4  }
0x109: {  	s0 =	sshrl.u32 s0, $0x13;
	[tilespmem:s17+$0x10] =	vst v3;
	v3 =	vld [tilespmem:s17+$0x20]  }
0x10a: {  	s0 =	smul.u32 $0xF, s0;
	v58 =	vld [tilespmem:s19+$0x20];
	_ =	sdelay $0x1  }
0x10b: {  	s0 =	ssub.s32 s28, s0  }
0x10c: {  	s0 =	sshll.u32 s0, $0x4  }
0x10d: {  	s0 =	sadd.s32 $0x2710, s0  }
0x10e: {  	s30 =	sshllo.u32 s20, $0x3;
	s0 =	sand.u32 $0xFFF0, s0;
	vm14 =	veq.s32 v58, v3  }
0x10f: {  	s31 =	sand.u32 $0xFFFF, s30;
	v59 =	vor.u32 s0, v2;
	v60 =	vsel vm14, $0x0, v1  }
0x110: {  	s0 =	smul.u32 $0x8889, s31;
	v4 =	vsel vm14, v59, v58;
	[tilespmem:s18+$0x20] =	vst v60  }
0x111: {  	v3 =	vadd.s32 $0x2710, v3;
	[tilespmem:s19+$0x20] =	vst v4  }
0x112: {  	s0 =	sshrl.u32 s0, $0x13;
	[tilespmem:s17+$0x20] =	vst v3;
	v3 =	vld [tilespmem:s17+$0x30]  }
0x113: {  	s0 =	smul.u32 $0xF, s0;
	v61 =	vld [tilespmem:s19+$0x30];
	_ =	sdelay $0x1  }
0x114: {  	s0 =	ssub.s32 s30, s0  }
0x115: {  	s0 =	sshll.u32 s0, $0x4  }
0x116: {  	s0 =	sadd.s32 $0x2710, s0  }
0x117: {  	s0 =	sand.u32 $0xFFF0, s0;
	vm15 =	veq.s32 v61, v3  }
0x118: {  	v62 =	vor.u32 s0, v2;
	v63 =	vsel vm15, $0x0, v1  }
0x119: {  	v4 =	vsel vm15, v62, v61;
	[tilespmem:s18+$0x30] =	vst v63  }
0x11a: {  	v3 =	vadd.s32 $0x2710, v3;
	[tilespmem:s19+$0x30] =	vst v4  }
0x11b: {  	[tilespmem:s17+$0x30] =	vst v3  }
0x11c: {  	[hbm4b:s7+s3] =	stream.linear.scatter [tilespmem:s13], [sflag:$0x2], $0x1400, $0x38;
	[tilespmem:$0x4100] =	vst v63  }
0x11d: {  	_ =	swait.ge [sflag:s12], $0x1400  }
0x11e: {  	[sflag:s12] =	ssyncset.done $0x0  }
0x11f: {  	s6 =	simm.s32 $0x1680;
	[sflag:s12] =	ssyncadd.s32 $0xFFFFEC00  }
0x120: {  	[hbm4b:s8+s3] =	stream.linear.scatter [tilespmem:s6], [sflag:$0x2], $0x1400, $0x38;
	[tilespmem:$0x4100] =	vst v63  }
0x121: {  	_ =	swait.ge [sflag:s12], $0x1400  }
0x122: {  	[sflag:s12] =	ssyncset.done $0x0  }
0x123: {  	s5 =	simm.s32 $0x2A80;
	[sflag:s12] =	ssyncadd.s32 $0xFFFFEC00  }
0x124: {  	[spmem:s2] =	stream.indirect.scatter.add.f32 [tilespmem:s5], [sflag:$0x1], $0x1, s13, s15, $0xb8;
	[tilespmem:$0x4100] =	vst v63  }
0x125: {  	s11 =	simm.s32 $0x300;
	s14 =	simm.s32 $0x2B00  }
0x126: {  	[spmem:s2] =	stream.indirect.scatter.add.f32 [tilespmem:s14], [sflag:$0x1], $0x1, s11, s15, $0xb8;
	[tilespmem:$0x4100] =	vst v63  }
0x127: {  	s18 =	simm.s32 $0x2B80;
	s17 =	simm.s32 $0x380  }
0x128: {  	[spmem:s2] =	stream.indirect.scatter.add.f32 [tilespmem:s18], [sflag:$0x1], $0x1, s17, s15, $0xb8;
	[tilespmem:$0x4100] =	vst v63  }
0x129: {  	s20 =	simm.s32 $0x2C00;
	s19 =	simm.s32 $0x400  }
0x12a: {  	[spmem:s2] =	stream.indirect.scatter.add.f32 [tilespmem:s20], [sflag:$0x1], $0x1, s19, s15, $0xb8;
	[tilespmem:$0x4100] =	vst v63  }
0x12b: {  	s21 =	simm.s32 $0x480;
	s22 =	simm.s32 $0x2C80  }
0x12c: {  	[spmem:s2] =	stream.indirect.scatter.add.f32 [tilespmem:s22], [sflag:$0x1], $0x1, s21, s15, $0xb8;
	[tilespmem:$0x4100] =	vst v63  }
0x12d: {  	s23 =	simm.s32 $0x500;
	s24 =	simm.s32 $0x2D00  }
0x12e: {  	[spmem:s2] =	stream.indirect.scatter.add.f32 [tilespmem:s24], [sflag:$0x1], $0x1, s23, s15, $0xb8;
	[tilespmem:$0x4100] =	vst v63  }
0x12f: {  	s26 =	simm.s32 $0x2D80;
	s25 =	simm.s32 $0x580  }
0x130: {  	[spmem:s2] =	stream.indirect.scatter.add.f32 [tilespmem:s26], [sflag:$0x1], $0x1, s25, s15, $0xb8;
	[tilespmem:$0x4100] =	vst v63  }
0x131: {  	s29 =	simm.s32 $0x2E00;
	s28 =	simm.s32 $0x600  }
0x132: {  	[spmem:s2] =	stream.indirect.scatter.add.f32 [tilespmem:s29], [sflag:$0x1], $0x1, s28, s15, $0xb8;
	[tilespmem:$0x4100] =	vst v63  }
0x133: {  	_ =	swait.ge [sflag:s1], $0x80  }
0x134: {  	[sflag:s1] =	ssyncset.done $0x0  }
0x135: {  	[sflag:s1] =	ssyncadd.s32 $0xFFFFFF80  }
0x136: {  	_ =	swait.ge [sflag:s1], $0x80  }
0x137: {  	[sflag:s1] =	ssyncset.done $0x0  }
0x138: {  	[sflag:s1] =	ssyncadd.s32 $0xFFFFFF80  }
0x139: {  	_ =	swait.ge [sflag:s1], $0x80  }
0x13a: {  	[sflag:s1] =	ssyncset.done $0x0  }
0x13b: {  	[sflag:s1] =	ssyncadd.s32 $0xFFFFFF80  }
0x13c: {  	_ =	swait.ge [sflag:s1], $0x80  }
0x13d: {  	[sflag:s1] =	ssyncset.done $0x0  }
0x13e: {  	[sflag:s1] =	ssyncadd.s32 $0xFFFFFF80  }
0x13f: {  	_ =	swait.ge [sflag:s1], $0x80  }
0x140: {  	[sflag:s1] =	ssyncset.done $0x0  }
0x141: {  	[sflag:s1] =	ssyncadd.s32 $0xFFFFFF80  }
0x142: {  	_ =	swait.ge [sflag:s1], $0x80  }
0x143: {  	[sflag:s1] =	ssyncset.done $0x0  }
0x144: {  	[sflag:s1] =	ssyncadd.s32 $0xFFFFFF80  }
0x145: {  	_ =	swait.ge [sflag:s1], $0x80  }
0x146: {  	[sflag:s1] =	ssyncset.done $0x0  }
0x147: {  	[sflag:s1] =	ssyncadd.s32 $0xFFFFFF80  }
0x148: {  	_ =	swait.ge [sflag:s1], $0x80  }
0x149: {  	[sflag:s1] =	ssyncset.done $0x0  }
0x14a: {  	s31 =	simm.s32 $0x2E80;
	s30 =	simm.s32 $0x680;
	[sflag:s1] =	ssyncadd.s32 $0xFFFFFF80  }
0x14b: {  	[spmem:s2] =	stream.indirect.scatter.add.f32 [tilespmem:s31], [sflag:$0x1], $0x1, s30, s15, $0xb8;
	[tilespmem:$0x4100] =	vst v63  }
0x14c: {  	s11 =	simm.s32 $0x700;
	s14 =	simm.s32 $0x2F00  }
0x14d: {  	[spmem:s2] =	stream.indirect.scatter.add.f32 [tilespmem:s14], [sflag:$0x1], $0x1, s11, s15, $0xb8;
	[tilespmem:$0x4100] =	vst v63  }
0x14e: {  	s17 =	simm.s32 $0x780;
	s18 =	simm.s32 $0x2F80  }
0x14f: {  	[spmem:s2] =	stream.indirect.scatter.add.f32 [tilespmem:s18], [sflag:$0x1], $0x1, s17, s15, $0xb8;
	[tilespmem:$0x4100] =	vst v63  }
0x150: {  	s19 =	simm.s32 $0x800;
	s20 =	simm.s32 $0x3000  }
0x151: {  	[spmem:s2] =	stream.indirect.scatter.add.f32 [tilespmem:s20], [sflag:$0x1], $0x1, s19, s15, $0xb8;
	[tilespmem:$0x4100] =	vst v63  }
0x152: {  	s21 =	simm.s32 $0x880;
	s22 =	simm.s32 $0x3080  }
0x153: {  	[spmem:s2] =	stream.indirect.scatter.add.f32 [tilespmem:s22], [sflag:$0x1], $0x1, s21, s15, $0xb8;
	[tilespmem:$0x4100] =	vst v63  }
0x154: {  	s23 =	simm.s32 $0x900;
	s24 =	simm.s32 $0x3100  }
0x155: {  	[spmem:s2] =	stream.indirect.scatter.add.f32 [tilespmem:s24], [sflag:$0x1], $0x1, s23, s15, $0xb8;
	[tilespmem:$0x4100] =	vst v63  }
0x156: {  	s25 =	simm.s32 $0x980;
	s26 =	simm.s32 $0x3180  }
0x157: {  	[spmem:s2] =	stream.indirect.scatter.add.f32 [tilespmem:s26], [sflag:$0x1], $0x1, s25, s15, $0xb8;
	[tilespmem:$0x4100] =	vst v63  }
0x158: {  	s28 =	simm.s32 $0xA00;
	s29 =	simm.s32 $0x3200  }
0x159: {  	[spmem:s2] =	stream.indirect.scatter.add.f32 [tilespmem:s29], [sflag:$0x1], $0x1, s28, s15, $0xb8;
	[tilespmem:$0x4100] =	vst v63  }
0x15a: {  	_ =	swait.ge [sflag:s1], $0x80  }
0x15b: {  	[sflag:s1] =	ssyncset.done $0x0  }
0x15c: {  	[sflag:s1] =	ssyncadd.s32 $0xFFFFFF80  }
0x15d: {  	_ =	swait.ge [sflag:s1], $0x80  }
0x15e: {  	[sflag:s1] =	ssyncset.done $0x0  }
0x15f: {  	[sflag:s1] =	ssyncadd.s32 $0xFFFFFF80  }
0x160: {  	_ =	swait.ge [sflag:s1], $0x80  }
0x161: {  	[sflag:s1] =	ssyncset.done $0x0  }
0x162: {  	[sflag:s1] =	ssyncadd.s32 $0xFFFFFF80  }
0x163: {  	_ =	swait.ge [sflag:s1], $0x80  }
0x164: {  	[sflag:s1] =	ssyncset.done $0x0  }
0x165: {  	[sflag:s1] =	ssyncadd.s32 $0xFFFFFF80  }
0x166: {  	_ =	swait.ge [sflag:s1], $0x80  }
0x167: {  	[sflag:s1] =	ssyncset.done $0x0  }
0x168: {  	[sflag:s1] =	ssyncadd.s32 $0xFFFFFF80  }
0x169: {  	_ =	swait.ge [sflag:s1], $0x80  }
0x16a: {  	[sflag:s1] =	ssyncset.done $0x0  }
0x16b: {  	[sflag:s1] =	ssyncadd.s32 $0xFFFFFF80  }
0x16c: {  	_ =	swait.ge [sflag:s1], $0x80  }
0x16d: {  	[sflag:s1] =	ssyncset.done $0x0  }
0x16e: {  	[sflag:s1] =	ssyncadd.s32 $0xFFFFFF80  }
0x16f: {  	_ =	swait.ge [sflag:s1], $0x80  }
0x170: {  	[sflag:s1] =	ssyncset.done $0x0  }
0x171: {  	s30 =	simm.s32 $0xA80;
	s31 =	simm.s32 $0x3280;
	[sflag:s1] =	ssyncadd.s32 $0xFFFFFF80  }
0x172: {  	[spmem:s2] =	stream.indirect.scatter.add.f32 [tilespmem:s31], [sflag:$0x1], $0x1, s30, s15, $0xb8;
	[tilespmem:$0x4100] =	vst v63  }
0x173: {  	s11 =	simm.s32 $0xB00;
	s14 =	simm.s32 $0x3300  }
0x174: {  	[spmem:s2] =	stream.indirect.scatter.add.f32 [tilespmem:s14], [sflag:$0x1], $0x1, s11, s15, $0xb8;
	[tilespmem:$0x4100] =	vst v63  }
0x175: {  	s17 =	simm.s32 $0xB80;
	s18 =	simm.s32 $0x3380  }
0x176: {  	[spmem:s2] =	stream.indirect.scatter.add.f32 [tilespmem:s18], [sflag:$0x1], $0x1, s17, s15, $0xb8;
	[tilespmem:$0x4100] =	vst v63  }
0x177: {  	s19 =	simm.s32 $0xC00;
	s20 =	simm.s32 $0x3400  }
0x178: {  	[spmem:s2] =	stream.indirect.scatter.add.f32 [tilespmem:s20], [sflag:$0x1], $0x1, s19, s15, $0xb8;
	[tilespmem:$0x4100] =	vst v63  }
0x179: {  	s21 =	simm.s32 $0xC80;
	s22 =	simm.s32 $0x3480  }
0x17a: {  	[spmem:s2] =	stream.indirect.scatter.add.f32 [tilespmem:s22], [sflag:$0x1], $0x1, s21, s15, $0xb8;
	[tilespmem:$0x4100] =	vst v63  }
0x17b: {  	s23 =	simm.s32 $0xD00;
	s24 =	simm.s32 $0x3500  }
0x17c: {  	[spmem:s2] =	stream.indirect.scatter.add.f32 [tilespmem:s24], [sflag:$0x1], $0x1, s23, s15, $0xb8;
	[tilespmem:$0x4100] =	vst v63  }
0x17d: {  	s25 =	simm.s32 $0xD80;
	s26 =	simm.s32 $0x3580  }
0x17e: {  	[spmem:s2] =	stream.indirect.scatter.add.f32 [tilespmem:s26], [sflag:$0x1], $0x1, s25, s15, $0xb8;
	[tilespmem:$0x4100] =	vst v63  }
0x17f: {  	s28 =	simm.s32 $0xE00;
	s29 =	simm.s32 $0x3600  }
0x180: {  	[spmem:s2] =	stream.indirect.scatter.add.f32 [tilespmem:s29], [sflag:$0x1], $0x1, s28, s15, $0xb8;
	[tilespmem:$0x4100] =	vst v63  }
0x181: {  	_ =	swait.ge [sflag:s1], $0x80  }
0x182: {  	[sflag:s1] =	ssyncset.done $0x0  }
0x183: {  	[sflag:s1] =	ssyncadd.s32 $0xFFFFFF80  }
0x184: {  	_ =	swait.ge [sflag:s1], $0x80  }
0x185: {  	[sflag:s1] =	ssyncset.done $0x0  }
0x186: {  	[sflag:s1] =	ssyncadd.s32 $0xFFFFFF80  }
0x187: {  	_ =	swait.ge [sflag:s1], $0x80  }
0x188: {  	[sflag:s1] =	ssyncset.done $0x0  }
0x189: {  	[sflag:s1] =	ssyncadd.s32 $0xFFFFFF80  }
0x18a: {  	_ =	swait.ge [sflag:s1], $0x80  }
0x18b: {  	[sflag:s1] =	ssyncset.done $0x0  }
0x18c: {  	[sflag:s1] =	ssyncadd.s32 $0xFFFFFF80  }
0x18d: {  	_ =	swait.ge [sflag:s1], $0x80  }
0x18e: {  	[sflag:s1] =	ssyncset.done $0x0  }
0x18f: {  	[sflag:s1] =	ssyncadd.s32 $0xFFFFFF80  }
0x190: {  	_ =	swait.ge [sflag:s1], $0x80  }
0x191: {  	[sflag:s1] =	ssyncset.done $0x0  }
0x192: {  	[sflag:s1] =	ssyncadd.s32 $0xFFFFFF80  }
0x193: {  	_ =	swait.ge [sflag:s1], $0x80  }
0x194: {  	[sflag:s1] =	ssyncset.done $0x0  }
0x195: {  	[sflag:s1] =	ssyncadd.s32 $0xFFFFFF80  }
0x196: {  	_ =	swait.ge [sflag:s1], $0x80  }
0x197: {  	[sflag:s1] =	ssyncset.done $0x0  }
0x198: {  	s30 =	simm.s32 $0xE80;
	s31 =	simm.s32 $0x3680;
	[sflag:s1] =	ssyncadd.s32 $0xFFFFFF80  }
0x199: {  	[spmem:s2] =	stream.indirect.scatter.add.f32 [tilespmem:s31], [sflag:$0x1], $0x1, s30, s15, $0xb8;
	[tilespmem:$0x4100] =	vst v63  }
0x19a: {  	s11 =	simm.s32 $0xF00;
	s14 =	simm.s32 $0x3700  }
0x19b: {  	[spmem:s2] =	stream.indirect.scatter.add.f32 [tilespmem:s14], [sflag:$0x1], $0x1, s11, s15, $0xb8;
	[tilespmem:$0x4100] =	vst v63  }
0x19c: {  	s17 =	simm.s32 $0xF80;
	s18 =	simm.s32 $0x3780  }
0x19d: {  	[spmem:s2] =	stream.indirect.scatter.add.f32 [tilespmem:s18], [sflag:$0x1], $0x1, s17, s15, $0xb8;
	[tilespmem:$0x4100] =	vst v63  }
0x19e: {  	s19 =	simm.s32 $0x1000;
	s20 =	simm.s32 $0x3800  }
0x19f: {  	[spmem:s2] =	stream.indirect.scatter.add.f32 [tilespmem:s20], [sflag:$0x1], $0x1, s19, s15, $0xb8;
	[tilespmem:$0x4100] =	vst v63  }
0x1a0: {  	s21 =	simm.s32 $0x1080;
	s22 =	simm.s32 $0x3880  }
0x1a1: {  	[spmem:s2] =	stream.indirect.scatter.add.f32 [tilespmem:s22], [sflag:$0x1], $0x1, s21, s15, $0xb8;
	[tilespmem:$0x4100] =	vst v63  }
0x1a2: {  	s23 =	simm.s32 $0x1100;
	s24 =	simm.s32 $0x3900  }
0x1a3: {  	[spmem:s2] =	stream.indirect.scatter.add.f32 [tilespmem:s24], [sflag:$0x1], $0x1, s23, s15, $0xb8;
	[tilespmem:$0x4100] =	vst v63  }
0x1a4: {  	s25 =	simm.s32 $0x1180;
	s26 =	simm.s32 $0x3980  }
0x1a5: {  	[spmem:s2] =	stream.indirect.scatter.add.f32 [tilespmem:s26], [sflag:$0x1], $0x1, s25, s15, $0xb8;
	[tilespmem:$0x4100] =	vst v63  }
0x1a6: {  	s28 =	simm.s32 $0x1200;
	s29 =	simm.s32 $0x3A00  }
0x1a7: {  	[spmem:s2] =	stream.indirect.scatter.add.f32 [tilespmem:s29], [sflag:$0x1], $0x1, s28, s15, $0xb8;
	[tilespmem:$0x4100] =	vst v63  }
0x1a8: {  	_ =	swait.ge [sflag:s1], $0x80  }
0x1a9: {  	[sflag:s1] =	ssyncset.done $0x0  }
0x1aa: {  	[sflag:s1] =	ssyncadd.s32 $0xFFFFFF80  }
0x1ab: {  	_ =	swait.ge [sflag:s1], $0x80  }
0x1ac: {  	[sflag:s1] =	ssyncset.done $0x0  }
0x1ad: {  	[sflag:s1] =	ssyncadd.s32 $0xFFFFFF80  }
0x1ae: {  	_ =	swait.ge [sflag:s1], $0x80  }
0x1af: {  	[sflag:s1] =	ssyncset.done $0x0  }
0x1b0: {  	[sflag:s1] =	ssyncadd.s32 $0xFFFFFF80  }
0x1b1: {  	_ =	swait.ge [sflag:s1], $0x80  }
0x1b2: {  	[sflag:s1] =	ssyncset.done $0x0  }
0x1b3: {  	[sflag:s1] =	ssyncadd.s32 $0xFFFFFF80  }
0x1b4: {  	_ =	swait.ge [sflag:s1], $0x80  }
0x1b5: {  	[sflag:s1] =	ssyncset.done $0x0  }
0x1b6: {  	[sflag:s1] =	ssyncadd.s32 $0xFFFFFF80  }
0x1b7: {  	_ =	swait.ge [sflag:s1], $0x80  }
0x1b8: {  	[sflag:s1] =	ssyncset.done $0x0  }
0x1b9: {  	[sflag:s1] =	ssyncadd.s32 $0xFFFFFF80  }
0x1ba: {  	_ =	swait.ge [sflag:s1], $0x80  }
0x1bb: {  	[sflag:s1] =	ssyncset.done $0x0  }
0x1bc: {  	[sflag:s1] =	ssyncadd.s32 $0xFFFFFF80  }
0x1bd: {  	_ =	swait.ge [sflag:s1], $0x80  }
0x1be: {  	[sflag:s1] =	ssyncset.done $0x0  }
0x1bf: {  	s30 =	simm.s32 $0x1280;
	s31 =	simm.s32 $0x3A80;
	[sflag:s1] =	ssyncadd.s32 $0xFFFFFF80  }
0x1c0: {  	[spmem:s2] =	stream.indirect.scatter.add.f32 [tilespmem:s31], [sflag:$0x1], $0x1, s30, s15, $0xb8;
	[tilespmem:$0x4100] =	vst v63  }
0x1c1: {  	s5 =	simm.s32 $0x1300;
	s11 =	simm.s32 $0x3B00  }
0x1c2: {  	[spmem:s2] =	stream.indirect.scatter.add.f32 [tilespmem:s11], [sflag:$0x1], $0x1, s5, s15, $0xb8;
	[tilespmem:$0x4100] =	vst v63  }
0x1c3: {  	s14 =	simm.s32 $0x1380;
	s17 =	simm.s32 $0x3B80  }
0x1c4: {  	[spmem:s2] =	stream.indirect.scatter.add.f32 [tilespmem:s17], [sflag:$0x1], $0x1, s14, s15, $0xb8;
	[tilespmem:$0x4100] =	vst v63  }
0x1c5: {  	s18 =	simm.s32 $0x1400;
	s19 =	simm.s32 $0x3C00  }
0x1c6: {  	[spmem:s2] =	stream.indirect.scatter.add.f32 [tilespmem:s19], [sflag:$0x1], $0x1, s18, s15, $0xb8;
	[tilespmem:$0x4100] =	vst v63  }
0x1c7: {  	s20 =	simm.s32 $0x1480;
	s21 =	simm.s32 $0x3C80  }
0x1c8: {  	[spmem:s2] =	stream.indirect.scatter.add.f32 [tilespmem:s21], [sflag:$0x1], $0x1, s20, s15, $0xb8;
	[tilespmem:$0x4100] =	vst v63  }
0x1c9: {  	s22 =	simm.s32 $0x1500;
	s23 =	simm.s32 $0x3D00  }
0x1ca: {  	[spmem:s2] =	stream.indirect.scatter.add.f32 [tilespmem:s23], [sflag:$0x1], $0x1, s22, s15, $0xb8;
	[tilespmem:$0x4100] =	vst v63  }
0x1cb: {  	s24 =	simm.s32 $0x1580;
	s25 =	simm.s32 $0x3D80  }
0x1cc: {  	[spmem:s2] =	stream.indirect.scatter.add.f32 [tilespmem:s25], [sflag:$0x1], $0x1, s24, s15, $0xb8;
	[tilespmem:$0x4100] =	vst v63  }
0x1cd: {  	s26 =	simm.s32 $0x1600;
	s28 =	simm.s32 $0x3E00  }
0x1ce: {  	[spmem:s2] =	stream.indirect.scatter.add.f32 [tilespmem:s28], [sflag:$0x1], $0x1, s26, s15, $0xb8;
	[tilespmem:$0x4100] =	vst v63  }
0x1cf: {  	_ =	swait.ge [sflag:s1], $0x80  }
0x1d0: {  	[sflag:s1] =	ssyncset.done $0x0  }
0x1d1: {  	[sflag:s1] =	ssyncadd.s32 $0xFFFFFF80  }
0x1d2: {  	_ =	swait.ge [sflag:s1], $0x80  }
0x1d3: {  	[sflag:s1] =	ssyncset.done $0x0  }
0x1d4: {  	[sflag:s1] =	ssyncadd.s32 $0xFFFFFF80  }
0x1d5: {  	_ =	swait.ge [sflag:s1], $0x80  }
0x1d6: {  	[sflag:s1] =	ssyncset.done $0x0  }
0x1d7: {  	[sflag:s1] =	ssyncadd.s32 $0xFFFFFF80  }
0x1d8: {  	_ =	swait.ge [sflag:s1], $0x80  }
0x1d9: {  	[sflag:s1] =	ssyncset.done $0x0  }
0x1da: {  	[sflag:s1] =	ssyncadd.s32 $0xFFFFFF80  }
0x1db: {  	_ =	swait.ge [sflag:s1], $0x80  }
0x1dc: {  	[sflag:s1] =	ssyncset.done $0x0  }
0x1dd: {  	[sflag:s1] =	ssyncadd.s32 $0xFFFFFF80  }
0x1de: {  	_ =	swait.ge [sflag:s1], $0x80  }
0x1df: {  	[sflag:s1] =	ssyncset.done $0x0  }
0x1e0: {  	[sflag:s1] =	ssyncadd.s32 $0xFFFFFF80  }
0x1e1: {  	_ =	swait.ge [sflag:s1], $0x80  }
0x1e2: {  	[sflag:s1] =	ssyncset.done $0x0  }
0x1e3: {  	s29 =	stileid.u32;
	[sflag:s1] =	ssyncadd.s32 $0xFFFFFF80  }
0x1e4: {  	s16 =	sadd.s32 $0x1, s16;
	s0 =	sshll.u32 s29, $0x6;
	_ =	swait.ge [sflag:s1], $0x80  }
0x1e5: {  	p0 =	sne.s32 s16, s10;
	s0 =	sor.u32 $0x1C02, s0;
	[sflag:s1] =	ssyncset.done $0x0  }
0x1e6: {  	s30 =	sshrl.u32 s4, $0x3;
	s31 =	simm.s32 $0x10;
	[sflag:s1] =	ssyncadd.s32 $0xFFFFFF80  }
.Ltmp1:
0x1e7: {  	s11 =	simm.s32 $0x20;
	[bflag:$0x0] =	sbarrier.arrive $0xFFFF;
	(pc) =	sbr.rel @p0 .LBB2_1-.Ltmp1, $4  }
0x1e8: {  	[hbm:s9@s11], [sflag:s0] =	dma.strided [spmem:s30@s31], $0x50, s1, $0x10   }
0x1e9: {  	_ =	swait.ge [sflag:s12], $0x50  }
0x1ea: {  	[sflag:s12] =	ssyncset.done $0x0  }
0x1eb: {  	[sflag:s12] =	ssyncadd.s32 $0xFFFFFFB0  }
0x1ec: {  	_ =	sfence.sel $0x180000  }
0x1ed: {  	[bflag:$0x0] =	sbarrier.arrive $0xFFFF  }
0x1ee: {  	_ =	strace $0x90000047  }
0x1ef: {  	s0 =	stileid.u32;
	[bflag:$0x2] =	sbarrier.arrive $0xFFFF  }
0x1f0: {  	p0 =	sne.s32 s0, $0x0;
	s0 =	rddreg [dreg:$0x3]  }
0x1f1: {  	s0 =	sadd.s32 @!p0 $0x100000, s0  }
0x1f2: {  	[sflag:s0] =	ssyncadd.tile.s32 @!p0 $0x1;
	_ =	shalt  }
.Lfunc_end2:
_tile_overlayer_lowered:
.L_overlay_start_2:
0x1f3: {  	(tag) =	ssettag $0x2  }
0x1f4: {  	s0 =	rddreg [dreg:$0x0];
	s2 =	stileid.u32  }
0x1f5: {  	s1 =	rddreg [dreg:$0x1];
	p0 =	sne.s32 s2, $0x0  }
0x1f6: {  	s3 =	rddreg [dreg:$0x2];
	[bflag:$0x3] =	sbarrier.arrive $0xFFFF;
	s2 =	simm.s32 @!p0 $0x1C02  }
0x1f7: {  	[timem:s3], [sflag:s2] =	dma.local @!p0 [hbm:s0], s1  }
0x1f8: {  	s0 =	simm.s32 @!p0 $0x2  }
0x1f9: {  	_ =	swait.ge @!p0 [sflag:s0], s1  }
0x1fa: {  	s1 =	ssub.s32 @!p0 $0x0, s1;
	[sflag:s0] =	ssyncset.done @!p0 $0x0  }
0x1fb: {  	[sflag:s0] =	ssyncadd.s32 @!p0 s1  }
0x1fc: {  	[bflag:$0x3] =	sbarrier.arrive $0xFFFF  }
0x1fd: {  	_ =	shalt  }

// kernel: kernel.9.cloned.1.call-start
scs
__scs_entry_jumppad:
0x0: {  	(pc) =	sbr.rel $0x88, $3  }
0x1: {  	(tag) =	ssettag $0x0;
	lr =	simm.s32 $0x1  }
0x2: {  	[smem:$0x3F9D] =	sst lr;
	_ =	strace $0xD0000000  }
0x3: {  	_ = 	snop  }
0x4: {  	_ = 	snop  }
0x5: {  	_ = 	snop  }
0x6: {  	_ = 	snop  }
0x7: {  	_ = 	snop  }
__scs_overlays_trampoline_lowered:
0x8: {  	[smem:$0x3FAC] =	sst s0  }
0x9: {  	[smem:$0x3FAD] =	sst s1  }
0xa: {  	[smem:$0x3FAE] =	sst s2  }
0xb: {  	[smem:$0x3FAF] =	sst s3  }
0xc: {  	[smem:$0x3FB0] =	sst s4  }
0xd: {  	[smem:$0x3FB1] =	sst s5  }
0xe: {  	[smem:$0x3FB2] =	sst s6  }
0xf: {  	[smem:$0x3FB3] =	sst s7  }
0x10: {  	[smem:$0x3FB4] =	sst s8  }
0x11: {  	[smem:$0x3FB5] =	sst s9;
	s0 =	simm.s32 @!p0 $0x0  }
0x12: {  	s1 =	sld [smem:$0x3F9B];
	s0 =	simm.s32 @p0 $0x1  }
0x13: {  	[smem:$0x3FB6] =	sst s0;
	s0 =	simm.s32 @!p1 $0x0  }
0x14: {  	s2 =	sld [smem:$0x3F9A];
	s0 =	simm.s32 @p1 $0x1  }
0x15: {  	[smem:$0x3FB7] =	sst s0;
	s0 =	simm.s32 @!p2 $0x0  }
0x16: {  	s3 =	sld [smem:$0x3FDB];
	s0 =	simm.s32 @p2 $0x1  }
0x17: {  	s4 =	simm.s32 $0x1BF5;
	[smem:$0x3FB9] =	sst s0  }
0x18: {  	s0 =	sld [smem:$0x3F9C];
	_ =	swait.ge [sflag:s4], $0x0  }
0x19: {  	s7 =	sld [smem:$0x3F9D]  }
0x1a: {  	s8 =	sadd.s32 $0xFFFFE003, lr  }
0x1b: {  	s9 =	sadd.s32 $0xFFFFFEF7, lr;
	s5 =	simm.s32 $0xFFFFFFFF;
	p2 =	slt.u32 s8, $0xFFFFF086  }
0x1c: {  	p1 =	slt.u32 s9, $0xF7A;
	s5 =	simm.s32 @!p2 $0x0  }
0x1d: {  	s5 =	simm.s32 @p1 $0x1;
	p0 =	seq.s32 s7, s2  }
0x1e: {  	s7 =	smul.u32 @!p0 $0xF7A, s2;
	p2 =	seq.s32 @!p0 s5, $0x0  }
0x1f: {  	s9 =	smul.u32 $0xF7A, s1;
	s8 =	simm.s32 @!p0 $0x1BF5;
	p2 =	por !p2, p0  }
0x20: {  	[sflag:s8] =	ssyncset.s32 @!p0 $0xFFFFF086;
	s6 =	sadd.s32 @!p0 s3, s7;
	s7 =	simm.s32 @!p0 $0x108  }
0x21: {  	s3 =	sadd.s32 s3, s9;
	s6 =	sadd.s32 @!p0 $0x88, s6;
	s7 =	simm.s32 @p2 $0x1082  }
0x22: {  	[simem:s7], [sflag:s8] =	dma.local @!p0 [hbm:s6], $0xF7A  }
0x23: {  	s9 =	sor.u32 $0xD0000000, s2;
	s6 =	simm.s32 $0x108;
	_ =	swait.ge @!p0 [sflag:s8], $0x0  }
0x24: {  	s3 =	sadd.s32 $0x88, s3;
	s6 =	simm.s32 @!p1 $0x1082;
	[sflag:s4] =	ssyncset.s32 $0xFFFFF086  }
0x25: {  	[simem:s6], [sflag:s4] =	dma.local [hbm:s3], $0xF7A  }
0x26: {  	[smem:$0x3F9D] =	sst s1;
	(tag) =	ssettag s2;
	_ =	strace s9  }
0x27: {  	s1 =	sld [smem:$0x3FAD]  }
0x28: {  	s2 =	sld [smem:$0x3FAE]  }
0x29: {  	s4 =	sld [smem:$0x3FB0]  }
0x2a: {  	p0 =	seq.s32 s5, $0x0;
	s5 =	sld [smem:$0x3FB1]  }
0x2b: {  	s6 =	sld [smem:$0x3FB2]  }
0x2c: {  	s7 =	sld [smem:$0x3FB3]  }
0x2d: {  	s3 =	simm.s32 $0x108;
	s8 =	sld [smem:$0x3FB4]  }
0x2e: {  	s3 =	simm.s32 @!p0 $0x1082;
	s9 =	sld [smem:$0x3FB5]  }
0x2f: {  	lr =	sadd.s32 s0, s3;
	s0 =	sld [smem:$0x3FAC]  }
0x30: {  	s3 =	sld [smem:$0x3FAF]  }
0x31: {  	[smem:$0x3FB8] =	sst s10  }
0x32: {  	s10 =	sld [smem:$0x3FB6];
	_ =	sdelay $0x3  }
0x33: {  	p0 =	seq.s32 s10, $0x1;
	s10 =	sld [smem:$0x3FB8];
	_ =	sdelay $0x3  }
0x34: {  	[smem:$0x3FB8] =	sst s10  }
0x35: {  	s10 =	sld [smem:$0x3FB7];
	_ =	sdelay $0x3  }
0x36: {  	p1 =	seq.s32 s10, $0x1;
	s10 =	sld [smem:$0x3FB8];
	_ =	sdelay $0x3  }
0x37: {  	[smem:$0x3FB8] =	sst s10  }
0x38: {  	s10 =	sld [smem:$0x3FB9]  }
0x39: {  	_ = 	snop;
	(pc) =	sbr.ind lr, $3  }
0x3a: {  	_ = 	snop  }
0x3b: {  	_ = 	snop  }
0x3c: {  	p2 =	seq.s32 s10, $0x1;
	s10 =	sld [smem:$0x3FB8]  }
0x3d: {  	_ =	shalt  }
0x3e: {  	_ =	shalt  }
0x3f: {  	_ =	shalt  }
0x40: {  	_ =	shalt  }
0x41: {  	_ =	shalt  }
0x42: {  	_ =	shalt  }
0x43: {  	_ =	shalt  }
0x44: {  	_ =	shalt  }
0x45: {  	_ =	shalt  }
0x46: {  	_ =	shalt  }
0x47: {  	_ =	shalt  }
0x48: {  	_ =	shalt  }
0x49: {  	_ =	shalt  }
0x4a: {  	_ =	shalt  }
0x4b: {  	_ =	shalt  }
0x4c: {  	_ =	shalt  }
0x4d: {  	_ =	shalt  }
0x4e: {  	_ =	shalt  }
0x4f: {  	_ =	shalt  }
0x50: {  	_ =	shalt  }
0x51: {  	_ =	shalt  }
0x52: {  	_ =	shalt  }
0x53: {  	_ =	shalt  }
0x54: {  	_ =	shalt  }
0x55: {  	_ =	shalt  }
0x56: {  	_ =	shalt  }
0x57: {  	_ =	shalt  }
0x58: {  	_ =	shalt  }
0x59: {  	_ =	shalt  }
0x5a: {  	_ =	shalt  }
0x5b: {  	_ =	shalt  }
0x5c: {  	_ =	shalt  }
0x5d: {  	_ =	shalt  }
0x5e: {  	_ =	shalt  }
0x5f: {  	_ =	shalt  }
0x60: {  	_ =	shalt  }
0x61: {  	_ =	shalt  }
0x62: {  	_ =	shalt  }
0x63: {  	_ =	shalt  }
0x64: {  	_ =	shalt  }
0x65: {  	_ =	shalt  }
0x66: {  	_ =	shalt  }
0x67: {  	_ =	shalt  }
0x68: {  	_ =	shalt  }
0x69: {  	_ =	shalt  }
0x6a: {  	_ =	shalt  }
0x6b: {  	_ =	shalt  }
0x6c: {  	_ =	shalt  }
0x6d: {  	_ =	shalt  }
0x6e: {  	_ =	shalt  }
0x6f: {  	_ =	shalt  }
0x70: {  	_ =	shalt  }
0x71: {  	_ =	shalt  }
0x72: {  	_ =	shalt  }
0x73: {  	_ =	shalt  }
0x74: {  	_ =	shalt  }
0x75: {  	_ =	shalt  }
0x76: {  	_ =	shalt  }
0x77: {  	_ =	shalt  }
0x78: {  	_ =	shalt  }
0x79: {  	_ =	shalt  }
0x7a: {  	_ =	shalt  }
0x7b: {  	_ =	shalt  }
0x7c: {  	_ =	shalt  }
0x7d: {  	_ =	shalt  }
0x7e: {  	_ =	shalt  }
0x7f: {  	_ =	shalt  }
0x80: {  	_ =	shalt  }
0x81: {  	_ =	shalt  }
0x82: {  	_ =	shalt  }
0x83: {  	_ =	shalt  }
0x84: {  	_ =	shalt  }
0x85: {  	_ =	shalt  }
0x86: {  	_ =	shalt  }
0x87: {  	_ =	shalt  }
.Lfunc_end0:
.L_simem_size_0:
called_computation.1_lowered:
.L_overlay_start_0:
0x88: {  	s2 =	sld [smem:$0x3FD9]  }
0x89: {  	s3 =	sld [smem:$0x3FFE];
	_ =	sdelay $0x1  }
0x8a: {  	s1 =	srdreg.scid  }
0x8b: {  	s0 =	sand.u32 $0x1, s1  }
0x8c: {  	s17 =	sshll.u32 s0, $0xA;
	s2 =	sadd.s32 s3, s2  }
0x8d: {  	s2 =	sadd.s32 s2, s17  }
0x8e: {  	[smem:$0x3FC4] =	sst s2  }
0x8f: {  	_ = 	snop  }
0x90: {  	s2 =	sld [smem:$0x3FD0];
	(tm) =	ssettm $0x1  }
0x91: {  	s18 =	sld [smem:$0x3FFB];
	_ =	sdelay $0x3  }
0x92: {  	_ =	strace s18  }
0x93: {  	s3 =	sld [smem:$0x3FFC];
	_ =	sdelay $0x3  }
0x94: {  	_ =	strace s3  }
0x95: {  	s3 =	sld [smem:$0x3FFD];
	_ =	sdelay $0x3  }
0x96: {  	_ =	strace s3  }
0x97: {  	_ =	strace $0x8FFFFFFF  }
0x98: {  	s19 =	sld [smem:$0x3FDB];
	_ =	sdelay $0x1  }
0x99: {  	s4 =	simm.s32 $_scs_section_size  }
0x9a: {  	s5 =	simm.s32 $_size__tile_overlayer_lowered;
	s6 =	simm.s32 $_tile_overlayer_lowered  }
0x9b: {  	s22 =	simm.s32 $0x1BFF;
	s21 =	sshll.u32 s6, $0x1;
	s3 =	sadd.s32 s4, s19  }
0x9c: {  	s7 =	simm.s32 $0x0;
	s20 =	sshll.u32 s5, $0x1;
	s5 =	sadd.s32 s21, s3  }
0x9d: {  	[timem:s7], [sflag:s22] =	dma.local [hbm:s5], s20  }
0x9e: {  	_ =	swait.ge [sflag:s22], s20  }
0x9f: {  	s4 =	ssub.s32 $0x0, s20;
	[sflag:s22] =	ssyncset.done $0x0  }
0xa0: {  	[sflag:s22] =	ssyncadd.s32 s4;
	_ =	sdelay $0x1  }
0xa1: {  	s23 =	simm.s32 $0x1B8B  }
0xa2: {  	_ =	swait.ge [sflag:s23], $0x1  }
0xa3: {  	[sflag:s23] =	ssyncset.done $0x0  }
0xa4: {  	s25 =	simm.s32 $0x1B8E;
	s24 =	sld [smem:$0x3FFE];
	[sflag:s23] =	ssyncadd.s32 $0xFFFFFFFF  }
0xa5: {  	s26 =	simm.s32 $execute0_lowered;
	[smem:$0x3FD2] =	sst s25  }
0xa6: {  	s5 =	sshll.u32 s26, $0x1;
	_ =	strace $0x80000049;
	[dreg:$0x1] =	wrdreg $0xFFFFFFFF  }
0xa7: {  	s28 =	simm.s32 $_size_execute0_lowered;
	s3 =	sadd.s32 s3, s5;
	[dreg:$0x0] =	wrdreg $0x0  }
0xa8: {  	s5 =	sshll.u32 s28, $0x1;
	[dreg:$0x2] =	wrdreg s3  }
0xa9: {  	[dreg:$0x3] =	wrdreg s5  }
0xaa: {  	[dreg:$0x4] =	wrdreg $0xC0  }
0xab: {  	_ =	task [dreg:s7], $0x5FFFF  }
0xac: {  	[dreg:$0x1] =	wrdreg $0xFFFFFFFF  }
0xad: {  	[dreg:$0x0] =	wrdreg $0x60  }
0xae: {  	[dreg:$0x2] =	wrdreg s24  }
0xaf: {  	[dreg:$0x3] =	wrdreg s2  }
0xb0: {  	[dreg:$0x4] =	wrdreg $0x0  }
0xb1: {  	[dreg:$0x5] =	wrdreg $0x9  }
0xb2: {  	_ =	task.clear_ibuf [dreg:s7], $0x6FFFF;
	_ =	strace $0x90000049  }
0xb3: {  	s29 =	simm.s32 $0x9;
	_ =	strace $0x8000004B  }
0xb4: {  	_ =	swait.ge [sflag:s29], $0x1  }
0xb5: {  	[sflag:s29] =	ssyncadd.s32 $0xFFFFFFFF  }
0xb6: {  	_ =	strace $0x9000004B  }
0xb7: {  	_ =	sfence  }
0xb8: {  	s30 =	sld [smem:$0x0];
	_ =	sdelay $0x2  }
0xb9: {  	s31 =	sshll.u32 s1, $0xD;
	s1 =	sshrl.u32 s1, $0x2  }
0xba: {  	s3 =	sand.u32 $0x4000, s31;
	s1 =	sadd.s32 s1, s30  }
0xbb: {  	s0 =	sor.u32 s3, s0;
	s1 =	sshll.u32 s1, $0x11  }
0xbc: {  	s0 =	sor.u32 s1, s0  }
0xbd: {  	s0 =	sadd.s32 $0x8F2B, s0  }
0xbe: {  	[sflag:s0] =	ssyncadd.remote.s32 $0x1  }
0xbf: {  	_ =	sfence.sel $0xFFFF  }
0xc0: {  	[dreg:$0x0] =	wrdreg $0xFFFFFFFF;
	(pc) =	sbr.abs _section_cstart, $3  }
0xc1: {  	[dreg:$0x1] =	wrdreg $0xFFFFFFFF  }
0xc2: {  	_ =	task.clear_ibuf [dreg:s7], $0x2FFFF;
	_ =	strace $0x9FFFFFFF  }
0xc3: {  	(tm) =	ssettm $0x7FFFFFFF  }
tec
execute0_lowered:
.L_overlay_start_1:
0x0: {  	(tag) =	ssettag $0x1  }
0x1: {  	s30 =	stileid.u32  }
0x2: {  	s0 =	srdreg.scid;
	s2 =	smul.u32 $0x280, s30  }
0x3: {  	s8 =	sand.u32 $0x1, s0;
	s1 =	smul.u32 $0x14000, s30  }
0x4: {  	s10 =	rddreg [dreg:$0x0];
	s9 =	smul.u32 $0x140000, s8  }
0x5: {  	s11 =	sadd.s32 $0x10A00, s10;
	s0 =	ssub.s32 $0x2, s8;
	s4 =	smul.u32 $0x2710, s8  }
0x6: {  	s24 =	smul.u32 $0x2800, s30;
	s3 =	sshrl.u32 s0, $0x1;
	s12 =	sshll.u32 s2, $0x7  }
0x7: {  	s0 =	ssub.s32 s0, s3;
	s14 =	sadd.s32 s9, s1;
	s1 =	sadd.s32 s2, s4  }
0x8: {  	s2 =	sor.u32 $0x2000, s12;
	s4 =	sadd.s32 $0x6000, s12;
	s3 =	sshrl.u32 s14, $0x3  }
0x9: {  	s5 =	sadd.s32 s9, s2;
	s15 =	sadd.s32 s11, s3;
	s3 =	sadd.s32 $0x4000, s12  }
0xa: {  	s7 =	sadd.s32 s9, s4;
	s5 =	sshrl.u32 s5, $0x3;
	s6 =	sadd.s32 s9, s3  }
0xb: {  	[dreg:$0x4] =	wrdreg s15;
	s5 =	sadd.s32 s11, s5;
	s16 =	sshrl.u32 s6, $0x3  }
0xc: {  	s17 =	sshrl.u32 s7, $0x3;
	[dreg:$0x5] =	wrdreg s5;
	s5 =	sadd.s32 s11, s16  }
0xd: {  	s7 =	sadd.s32 $0xC000, s12;
	[dreg:$0x6] =	wrdreg s5;
	s5 =	sadd.s32 $0x8000, s12  }
0xe: {  	s18 =	sadd.s32 s11, s17;
	s6 =	sadd.s32 $0xA000, s12;
	s13 =	sadd.s32 s9, s5  }
0xf: {  	s15 =	sadd.s32 s9, s7;
	s14 =	sadd.s32 s9, s6;
	s13 =	sshrl.u32 s13, $0x3  }
0x10: {  	[dreg:$0x7] =	wrdreg s18;
	s19 =	sshrl.u32 s14, $0x3;
	s13 =	sadd.s32 s11, s13  }
0x11: {  	s20 =	sshrl.u32 s15, $0x3;
	[dreg:$0x8] =	wrdreg s13;
	s13 =	sadd.s32 s11, s19  }
0x12: {  	s15 =	sadd.s32 $0x10000, s12;
	[dreg:$0x9] =	wrdreg s13;
	s13 =	sadd.s32 $0xE000, s12  }
0x13: {  	s21 =	sadd.s32 s11, s20;
	s12 =	sadd.s32 $0x12000, s12;
	s22 =	sadd.s32 s9, s13  }
0x14: {  	s16 =	sadd.s32 s9, s15;
	s9 =	sadd.s32 s9, s12;
	s14 =	sshrl.u32 s22, $0x3  }
0x15: {  	[dreg:$0xa] =	wrdreg s21;
	s9 =	sshrl.u32 s9, $0x3;
	s14 =	sadd.s32 s11, s14  }
0x16: {  	s23 =	sshrl.u32 s16, $0x3;
	s9 =	sadd.s32 s11, s9;
	[dreg:$0xb] =	wrdreg s14  }
0x17: {  	p0 =	seq.s32 s8, $0x0;
	s14 =	sadd.s32 s11, s23;
	[dreg:$0xd] =	wrdreg s9  }
0x18: {  	s9 =	simm.s32 $0x1000;
	s11 =	simm.s32 $0x0;
	[dreg:$0xc] =	wrdreg s14  }
0x19: {  	s9 =	simm.s32 @!p0 $0xBA00;
	[smem:$0x7FF] =	sst s11  }
0x1a: {  	s14 =	sshrl.u32 s24, $0x3;
	s9 =	sadd.s32 s9, s10;
	s10 =	sadd.s32 $0x6A00, s10  }
0x1b: {  	s26 =	sor.u32 $0x10, s14;
	s19 =	sor.u32 $0x20, s14;
	s18 =	sadd.s32 s10, s14  }
0x1c: {  	s20 =	sor.u32 $0x30, s14;
	s14 =	sadd.s32 s9, s14;
	[dreg:$0xe] =	wrdreg s18  }
0x1d: {  	s21 =	sadd.s32 s10, s26;
	[dreg:$0xf] =	wrdreg s14  }
0x1e: {  	s22 =	sadd.s32 s9, s26;
	[dreg:$0x10] =	wrdreg s21  }
0x1f: {  	s25 =	sor.u32 $0x200, s24;
	s23 =	sadd.s32 s10, s19;
	[dreg:$0x11] =	wrdreg s22  }
0x20: {  	s17 =	sor.u32 $0x280, s24;
	s24 =	sadd.s32 s9, s19;
	[dreg:$0x12] =	wrdreg s23  }
0x21: {  	s16 =	sshrl.u32 s25, $0x3;
	s25 =	sadd.s32 s10, s20;
	[dreg:$0x13] =	wrdreg s24  }
0x22: {  	s26 =	sadd.s32 s9, s20;
	[dreg:$0x14] =	wrdreg s25  }
0x23: {  	s31 =	simm.s32 $0x1;
	s19 =	sadd.s32 s9, s16;
	[dreg:$0x15] =	wrdreg s26  }
0x24: {  	s8 =	smul.u32 $0x27100, s8;
	s1 =	sshll.u32 s1, $0x4;
	[dreg:$0x17] =	wrdreg s19  }
0x25: {  	s0 =	smax.u32 s0, $0x1;
	s17 =	sshrl.u32 s17, $0x3;
	s22 =	rddreg [dreg:$0x1]  }
0x26: {  	p0 =	seq.s32 s30, $0xF;
	s18 =	sadd.s32 s10, s16;
	s24 =	rddreg [dreg:$0x2]  }
0x27: {  	s20 =	smul.u32 $0x500, s30;
	s23 =	sadd.s32 s10, s17;
	[dreg:$0x16] =	wrdreg s18  }
0x28: {  	s21 =	smul.u32 $0x50000, s30;
	s17 =	sadd.s32 s9, s17;
	[dreg:$0x18] =	wrdreg s23  }
0x29: {  	[dreg:$0x19] =	wrdreg s17;
	s28 =	sadd.s32 s20, s10;
	s29 =	sadd.s32 s20, s9  }
0x2a: {  	s8 =	sadd.s32 s8, s22;
	s1 =	sadd.s32 s22, s1;
	s2 =	sadd.s32 s2, s24  }
0x2b: {  	s3 =	sadd.s32 s3, s24;
	s4 =	sadd.s32 s4, s24;
	s5 =	sadd.s32 s5, s24  }
0x2c: {  	s10 =	sadd.s32 s7, s24;
	s14 =	sadd.s32 s13, s24;
	s15 =	sadd.s32 s15, s24  }
0x2d: {  	s16 =	sadd.s32 s12, s24;
	s12 =	simm.s32 $0x14200;
	s13 =	simm.s32 $0x14080  }
0x2e: {  	_ =	strace $0x8000004A;
	s25 =	sshrl.u32 s21, $0x2;
	[dreg:$0x1b] =	wrdreg s1  }
0x2f: {  	s26 =	sadd.s32 $0x25800, s8;
	[dreg:$0x1d] =	wrdreg s0;
	s0 =	sshrl.u32 s2, $0x3  }
0x30: {  	s17 =	sshrl.u32 s3, $0x3;
	s18 =	sshrl.u32 s4, $0x3;
	[dreg:$0x1c] =	wrdreg s26  }
0x31: {  	s19 =	sshrl.u32 s5, $0x3;
	s21 =	sshrl.u32 s10, $0x3;
	[dreg:$0x1e] =	wrdreg s0  }
0x32: {  	s23 =	sshrl.u32 s14, $0x3;
	s10 =	simm.s32 $0x14000;
	[dreg:$0x1f] =	wrdreg s17  }
0x33: {  	s14 =	simm.s32 $0x14280;
	s1 =	simm.s32 $0x7;
	[smem:$0x7F7] =	sst s18  }
0x34: {  	s2 =	simm.s32 $0x2;
	s3 =	simm.s32 $0x4;
	[smem:$0x7F8] =	sst s19  }
0x35: {  	s4 =	simm.s32 $0x8;
	s5 =	simm.s32 $0x0;
	[smem:$0x7FA] =	sst s21  }
0x36: {  	s9 =	sadd.s32 s25, s24;
	[smem:$0x7FB] =	sst s23;
	s25 =	sshrl.u32 s15, $0x3  }
0x37: {  	s26 =	sshrl.u32 s16, $0x3;
	s15 =	simm.s32 $0x14100;
	s16 =	simm.s32 $0x14300  }
0x38: {  	s17 =	simm.s32 $0x5;
	s18 =	simm.s32 $0x80;
	s19 =	simm.s32 $0x14400  }
0x39: {  	s21 =	simm.s32 $0x14380;
	s23 =	simm.s32 $0x3;
	[smem:$0x7FC] =	sst s25  }
0x3a: {  	s8 =	smov.u32 s9;
	s9 =	sadd.s32 s6, s24;
	[smem:$0x7FD] =	sst s26  }
0x3b: {  	s25 =	simm.s32 $0x6;
	s20 =	sshrl.u32 s9, $0x3;
	[dreg:$0x1a] =	wrdreg s8  }
0x3c: {  	s26 =	simm.s32 $0x18400;
	[smem:$0x7F9] =	sst s20;
	s20 =	simm.s32 $0x14180  }
.LBB2_1:
0x3d: {  	[smem:$0x7F6] =	sst s5  }
0x3e: {  	s6 =	sshrl.u32 @p0 s8, $0x3;
	s7 =	simm.s32 @p0 $0x1FC9;
	s0 =	rddreg [dreg:$0x1c]  }
0x3f: {  	[spmem:s6], [sflag:s7] =	dma.local @p0 [hbm:s0], $0x1900  }
0x40: {  	s6 =	simm.s32 @p0 $0x9  }
0x41: {  	_ =	swait.ge @p0 [sflag:s6], $0x1900  }
0x42: {  	s7 =	sshll.u32 @!p0 s30, $0x6;
	[sflag:s6] =	ssyncset.done @p0 $0x0;
	s0 =	rddreg [dreg:$0x1b]  }
0x43: {  	[sflag:s6] =	ssyncadd.s32 @p0 $0xFFFFE700;
	s6 =	sor.u32 @!p0 $0x1C09, s7;
	s7 =	sshrl.u32 @!p0 s8, $0x3  }
0x44: {  	[spmem:s7], [sflag:s6] =	dma.local @!p0 [hbm:s0], $0x2800  }
0x45: {  	s6 =	simm.s32 @!p0 $0x9  }
0x46: {  	_ =	swait.ge @!p0 [sflag:s6], $0x2800  }
0x47: {  	[sflag:s6] =	ssyncset.done @!p0 $0x0  }
0x48: {  	[sflag:s6] =	ssyncadd.s32 @!p0 $0xFFFFD800  }
0x49: {  	[bflag:$0x0] =	sbarrier.arrive $0xFFFF  }
0x4a: {  	s5 =	rddreg [dreg:$0xf]  }
0x4b: {  	[tilespmem:s10], [sflag:$0x5] =	stream.linear.gather [hbm4b:s5+s11], $0x80, $0x38;
	[tilespmem:$0x1C400] =	vst v63  }
0x4c: {  	s6 =	rddreg [dreg:$0xe]  }
0x4d: {  	[tilespmem:s12], [sflag:$0x5] =	stream.linear.gather [hbm4b:s6+s11], $0x80, $0x38;
	[tilespmem:$0x1C400] =	vst v63  }
0x4e: {  	s7 =	rddreg [dreg:$0x11]  }
0x4f: {  	[tilespmem:s13], [sflag:$0x6] =	stream.linear.gather [hbm4b:s7+s11], $0x80, $0x38;
	[tilespmem:$0x1C400] =	vst v63  }
0x50: {  	s8 =	rddreg [dreg:$0x10]  }
0x51: {  	[tilespmem:s14], [sflag:$0x6] =	stream.linear.gather [hbm4b:s8+s11], $0x80, $0x38;
	[tilespmem:$0x1C400] =	vst v63  }
0x52: {  	s9 =	rddreg [dreg:$0x13]  }
0x53: {  	[tilespmem:s15], [sflag:$0x7] =	stream.linear.gather [hbm4b:s9+s11], $0x80, $0x38;
	[tilespmem:$0x1C400] =	vst v63  }
0x54: {  	s30 =	rddreg [dreg:$0x12]  }
0x55: {  	[tilespmem:s16], [sflag:$0x7] =	stream.linear.gather [hbm4b:s30+s11], $0x80, $0x38;
	[tilespmem:$0x1C400] =	vst v63  }
0x56: {  	_ =	swait.ge [sflag:s17], $0x80  }
0x57: {  	[sflag:s17] =	ssyncset.done $0x0  }
0x58: {  	[sflag:s17] =	ssyncadd.s32 $0xFFFFFF80  }
0x59: {  	_ =	swait.ge [sflag:s17], $0x80  }
0x5a: {  	[sflag:s17] =	ssyncset.done $0x0  }
0x5b: {  	[sflag:s17] =	ssyncadd.s32 $0xFFFFFF80  }
0x5c: {  	[tilespmem:s19], [sflag:$0x1] =	stream.indirect.gather [hbm4b:s22+s18], $0x80, s10, s18, $0xb8;
	[tilespmem:$0x1C400] =	vst v63  }
0x5d: {  	s5 =	rddreg [dreg:$0x15]  }
0x5e: {  	[tilespmem:s20], [sflag:$0x8] =	stream.linear.gather [hbm4b:s5+s11], $0x80, $0x38;
	[tilespmem:$0x1C400] =	vst v63  }
0x5f: {  	s6 =	rddreg [dreg:$0x14]  }
0x60: {  	[tilespmem:s21], [sflag:$0x8] =	stream.linear.gather [hbm4b:s6+s11], $0x80, $0x38;
	[tilespmem:$0x1C400] =	vst v63  }
0x61: {  	_ =	swait.ge [sflag:s25], $0x80  }
0x62: {  	[sflag:s25] =	ssyncset.done $0x0  }
0x63: {  	[sflag:s25] =	ssyncadd.s32 $0xFFFFFF80  }
0x64: {  	_ =	swait.ge [sflag:s25], $0x80  }
0x65: {  	[sflag:s25] =	ssyncset.done $0x0  }
0x66: {  	[sflag:s25] =	ssyncadd.s32 $0xFFFFFF80  }
0x67: {  	[tilespmem:s26], [sflag:$0x2] =	stream.indirect.gather [hbm4b:s22+s18], $0x80, s13, s18, $0xb8;
	[tilespmem:$0x1C400] =	vst v63  }
0x68: {  	_ =	swait.ge [sflag:s31], $0x4000  }
0x69: {  	[sflag:s31] =	ssyncset.done $0x0  }
0x6a: {  	[sflag:s31] =	ssyncadd.s32 $0xFFFFC000  }
0x6b: {  	[spmem:s24] =	stream.indirect.scatter.add.f32 [tilespmem:s19], [sflag:$0x3], $0x80, s12, s18, $0xb8;
	[tilespmem:$0x1C400] =	vst v63  }
0x6c: {  	_ =	swait.ge [sflag:s23], $0x4000  }
0x6d: {  	[sflag:s23] =	ssyncset.done $0x0  }
0x6e: {  	s7 =	rddreg [dreg:$0x17];
	[sflag:s23] =	ssyncadd.s32 $0xFFFFC000  }
0x6f: {  	[tilespmem:s10], [sflag:$0x5] =	stream.linear.gather [hbm4b:s7+s11], $0x80, $0x38;
	[tilespmem:$0x1C400] =	vst v63  }
0x70: {  	s8 =	rddreg [dreg:$0x16]  }
0x71: {  	[tilespmem:s12], [sflag:$0x5] =	stream.linear.gather [hbm4b:s8+s11], $0x80, $0x38;
	[tilespmem:$0x1C400] =	vst v63  }
0x72: {  	_ =	swait.ge [sflag:s1], $0x80  }
0x73: {  	[sflag:s1] =	ssyncset.done $0x0  }
0x74: {  	[sflag:s1] =	ssyncadd.s32 $0xFFFFFF80  }
0x75: {  	_ =	swait.ge [sflag:s1], $0x80  }
0x76: {  	[sflag:s1] =	ssyncset.done $0x0  }
0x77: {  	[sflag:s1] =	ssyncadd.s32 $0xFFFFFF80  }
0x78: {  	[tilespmem:s19], [sflag:$0x1] =	stream.indirect.gather [hbm4b:s22+s18], $0x80, s15, s18, $0xb8;
	[tilespmem:$0x1C400] =	vst v63  }
0x79: {  	_ =	swait.ge [sflag:s2], $0x4000  }
0x7a: {  	[sflag:s2] =	ssyncset.done $0x0  }
0x7b: {  	[sflag:s2] =	ssyncadd.s32 $0xFFFFC000  }
0x7c: {  	[spmem:s24] =	stream.indirect.scatter.add.f32 [tilespmem:s26], [sflag:$0x4], $0x80, s14, s18, $0xb8;
	[tilespmem:$0x1C400] =	vst v63  }
0x7d: {  	_ =	swait.ge [sflag:s3], $0x4000  }
0x7e: {  	[sflag:s3] =	ssyncset.done $0x0  }
0x7f: {  	s9 =	rddreg [dreg:$0x19];
	[sflag:s3] =	ssyncadd.s32 $0xFFFFC000  }
0x80: {  	[tilespmem:s13], [sflag:$0x6] =	stream.linear.gather [hbm4b:s9+s11], $0x80, $0x38;
	[tilespmem:$0x1C400] =	vst v63  }
0x81: {  	s30 =	rddreg [dreg:$0x18]  }
0x82: {  	[tilespmem:s14], [sflag:$0x6] =	stream.linear.gather [hbm4b:s30+s11], $0x80, $0x38;
	[tilespmem:$0x1C400] =	vst v63  }
0x83: {  	_ =	swait.ge [sflag:s4], $0x80  }
0x84: {  	[sflag:s4] =	ssyncset.done $0x0  }
0x85: {  	[sflag:s4] =	ssyncadd.s32 $0xFFFFFF80  }
0x86: {  	_ =	swait.ge [sflag:s4], $0x80  }
0x87: {  	[sflag:s4] =	ssyncset.done $0x0  }
0x88: {  	[sflag:s4] =	ssyncadd.s32 $0xFFFFFF80  }
0x89: {  	[tilespmem:s26], [sflag:$0x2] =	stream.indirect.gather [hbm4b:s22+s18], $0x80, s20, s18, $0xb8;
	[tilespmem:$0x1C400] =	vst v63  }
0x8a: {  	_ =	swait.ge [sflag:s31], $0x4000  }
0x8b: {  	[sflag:s31] =	ssyncset.done $0x0  }
0x8c: {  	[sflag:s31] =	ssyncadd.s32 $0xFFFFC000  }
0x8d: {  	[spmem:s24] =	stream.indirect.scatter.add.f32 [tilespmem:s19], [sflag:$0x3], $0x80, s16, s18, $0xb8;
	[tilespmem:$0x1C400] =	vst v63  }
0x8e: {  	_ =	swait.ge [sflag:s23], $0x4000  }
0x8f: {  	s5 =	sadd.s32 $0x0, s29;
	[sflag:s23] =	ssyncset.done $0x0  }
0x90: {  	s8 =	sadd.s32 $0x60, s5;
	s9 =	sadd.s32 $0x0, s28;
	[sflag:s23] =	ssyncadd.s32 $0xFFFFC000  }
0x91: {  	[tilespmem:s15], [sflag:$0x7] =	stream.linear.gather [hbm4b:s8+s11], $0x80, $0x38;
	[tilespmem:$0x1C400] =	vst v63  }
0x92: {  	s30 =	sadd.s32 $0x60, s9  }
0x93: {  	[tilespmem:s16], [sflag:$0x7] =	stream.linear.gather [hbm4b:s30+s11], $0x80, $0x38;
	[tilespmem:$0x1C400] =	vst v63  }
0x94: {  	_ =	swait.ge [sflag:s17], $0x80  }
0x95: {  	[sflag:s17] =	ssyncset.done $0x0  }
0x96: {  	[sflag:s17] =	ssyncadd.s32 $0xFFFFFF80  }
0x97: {  	_ =	swait.ge [sflag:s17], $0x80  }
0x98: {  	[sflag:s17] =	ssyncset.done $0x0  }
0x99: {  	[sflag:s17] =	ssyncadd.s32 $0xFFFFFF80  }
0x9a: {  	[tilespmem:s19], [sflag:$0x1] =	stream.indirect.gather [hbm4b:s22+s18], $0x80, s10, s18, $0xb8;
	[tilespmem:$0x1C400] =	vst v63  }
0x9b: {  	_ =	swait.ge [sflag:s2], $0x4000  }
0x9c: {  	[sflag:s2] =	ssyncset.done $0x0  }
0x9d: {  	[sflag:s2] =	ssyncadd.s32 $0xFFFFC000  }
0x9e: {  	[spmem:s24] =	stream.indirect.scatter.add.f32 [tilespmem:s26], [sflag:$0x4], $0x80, s21, s18, $0xb8;
	[tilespmem:$0x1C400] =	vst v63  }
0x9f: {  	_ =	swait.ge [sflag:s3], $0x4000  }
0xa0: {  	[sflag:s3] =	ssyncset.done $0x0  }
0xa1: {  	s6 =	sadd.s32 $0x70, s5;
	[sflag:s3] =	ssyncadd.s32 $0xFFFFC000  }
0xa2: {  	[tilespmem:s20], [sflag:$0x8] =	stream.linear.gather [hbm4b:s6+s11], $0x80, $0x38;
	[tilespmem:$0x1C400] =	vst v63  }
0xa3: {  	s0 =	sadd.s32 $0x70, s9  }
0xa4: {  	[tilespmem:s21], [sflag:$0x8] =	stream.linear.gather [hbm4b:s0+s11], $0x80, $0x38;
	[tilespmem:$0x1C400] =	vst v63  }
0xa5: {  	_ =	swait.ge [sflag:s25], $0x80  }
0xa6: {  	[sflag:s25] =	ssyncset.done $0x0  }
0xa7: {  	[sflag:s25] =	ssyncadd.s32 $0xFFFFFF80  }
0xa8: {  	_ =	swait.ge [sflag:s25], $0x80  }
0xa9: {  	[sflag:s25] =	ssyncset.done $0x0  }
0xaa: {  	[sflag:s25] =	ssyncadd.s32 $0xFFFFFF80  }
0xab: {  	[tilespmem:s26], [sflag:$0x2] =	stream.indirect.gather [hbm4b:s22+s18], $0x80, s13, s18, $0xb8;
	[tilespmem:$0x1C400] =	vst v63  }
0xac: {  	_ =	swait.ge [sflag:s31], $0x4000  }
0xad: {  	[sflag:s31] =	ssyncset.done $0x0  }
0xae: {  	p1 =	por $0x0, $0x0;
	[sflag:s31] =	ssyncadd.s32 $0xFFFFC000  }
0xaf: {  	[spmem:s24] =	stream.indirect.scatter.add.f32 [tilespmem:s19], [sflag:$0x3], $0x80, s12, s18, $0xb8;
	[tilespmem:$0x1C400] =	vst v63  }
0xb0: {  	s9 =	sadd.s32 @!p1 $0x0, s28;
	_ =	swait.ge [sflag:s23], $0x4000  }
0xb1: {  	s8 =	simm.s32 @!p1 $0x14000;
	s0 =	sadd.s32 @!p1 $0x0, s29;
	[sflag:s23] =	ssyncset.done $0x0  }
0xb2: {  	s6 =	simm.s32 @!p1 $0x0;
	s7 =	sadd.s32 @!p1 $0x80, s0;
	[sflag:s23] =	ssyncadd.s32 $0xFFFFC000  }
0xb3: {  	[tilespmem:s8], [sflag:$0x5] =	stream.linear.gather @!p1 [hbm4b:s7+s6], $0x80, $0x38;
	[tilespmem:$0x1C400] =	vst v63  }
0xb4: {  	s7 =	simm.s32 @!p1 $0x14200;
	s8 =	sadd.s32 @!p1 $0x80, s9  }
0xb5: {  	[tilespmem:s7], [sflag:$0x5] =	stream.linear.gather @!p1 [hbm4b:s8+s6], $0x80, $0x38;
	[tilespmem:$0x1C400] =	vst v63  }
0xb6: {  	_ =	swait.ge [sflag:s1], $0x80  }
0xb7: {  	[sflag:s1] =	ssyncset.done $0x0  }
0xb8: {  	[sflag:s1] =	ssyncadd.s32 $0xFFFFFF80  }
0xb9: {  	_ =	swait.ge [sflag:s1], $0x80  }
0xba: {  	[sflag:s1] =	ssyncset.done $0x0  }
0xbb: {  	[sflag:s1] =	ssyncadd.s32 $0xFFFFFF80  }
0xbc: {  	[tilespmem:s19], [sflag:$0x1] =	stream.indirect.gather [hbm4b:s22+s18], $0x80, s15, s18, $0xb8;
	[tilespmem:$0x1C400] =	vst v63  }
0xbd: {  	_ =	swait.ge [sflag:s2], $0x4000  }
0xbe: {  	[sflag:s2] =	ssyncset.done $0x0  }
0xbf: {  	[sflag:s2] =	ssyncadd.s32 $0xFFFFC000  }
0xc0: {  	[spmem:s24] =	stream.indirect.scatter.add.f32 [tilespmem:s26], [sflag:$0x4], $0x80, s14, s18, $0xb8;
	[tilespmem:$0x1C400] =	vst v63  }
0xc1: {  	_ =	swait.ge [sflag:s3], $0x4000  }
0xc2: {  	[sflag:s3] =	ssyncset.done $0x0  }
0xc3: {  	s0 =	sadd.s32 @!p1 $0x90, s0;
	s7 =	simm.s32 @!p1 $0x14080;
	[sflag:s3] =	ssyncadd.s32 $0xFFFFC000  }
0xc4: {  	[tilespmem:s7], [sflag:$0x6] =	stream.linear.gather @!p1 [hbm4b:s0+s6], $0x80, $0x38;
	[tilespmem:$0x1C400] =	vst v63  }
0xc5: {  	s0 =	sadd.s32 @!p1 $0x90, s9;
	s7 =	simm.s32 @!p1 $0x14280  }
0xc6: {  	[tilespmem:s7], [sflag:$0x6] =	stream.linear.gather @!p1 [hbm4b:s0+s6], $0x80, $0x38;
	[tilespmem:$0x1C400] =	vst v63  }
0xc7: {  	_ =	swait.ge [sflag:s4], $0x80  }
0xc8: {  	[sflag:s4] =	ssyncset.done $0x0  }
0xc9: {  	[sflag:s4] =	ssyncadd.s32 $0xFFFFFF80  }
0xca: {  	_ =	swait.ge [sflag:s4], $0x80  }
0xcb: {  	[sflag:s4] =	ssyncset.done $0x0  }
0xcc: {  	[sflag:s4] =	ssyncadd.s32 $0xFFFFFF80  }
0xcd: {  	[tilespmem:s26], [sflag:$0x2] =	stream.indirect.gather [hbm4b:s22+s18], $0x80, s20, s18, $0xb8;
	[tilespmem:$0x1C400] =	vst v63  }
0xce: {  	_ =	swait.ge [sflag:s31], $0x4000  }
0xcf: {  	s6 =	simm.s32 $0x40;
	[sflag:s31] =	ssyncset.done $0x0  }
.LBB2_2:
0xd0: {  	[sflag:s31] =	ssyncadd.s32 $0xFFFFC000;
	s7 =	smov.u32 s6;
	s6 =	sadd.s32 $0x40, s6  }
0xd1: {  	[spmem:s24] =	stream.indirect.scatter.add.f32 [tilespmem:s19], [sflag:$0x3], $0x80, s16, s18, $0xb8;
	[tilespmem:$0x1C400] =	vst v63  }
0xd2: {  	s0 =	sadd.s32 s7, s29;
	p1 =	sne.s32 s6, $0x4C0;
	_ =	swait.ge [sflag:s23], $0x4000  }
0xd3: {  	s9 =	sadd.s32 s7, s28;
	s8 =	sadd.s32 $0x60, s0;
	[sflag:s23] =	ssyncset.done $0x0  }
0xd4: {  	[sflag:s23] =	ssyncadd.s32 $0xFFFFC000  }
0xd5: {  	[tilespmem:s15], [sflag:$0x7] =	stream.linear.gather [hbm4b:s8+s11], $0x80, $0x38;
	[tilespmem:$0x1C400] =	vst v63  }
0xd6: {  	s8 =	sadd.s32 $0x60, s9  }
0xd7: {  	[tilespmem:s16], [sflag:$0x7] =	stream.linear.gather [hbm4b:s8+s11], $0x80, $0x38;
	[tilespmem:$0x1C400] =	vst v63  }
0xd8: {  	_ =	swait.ge [sflag:s17], $0x80  }
0xd9: {  	[sflag:s17] =	ssyncset.done $0x0  }
0xda: {  	[sflag:s17] =	ssyncadd.s32 $0xFFFFFF80  }
0xdb: {  	_ =	swait.ge [sflag:s17], $0x80  }
0xdc: {  	[sflag:s17] =	ssyncset.done $0x0  }
0xdd: {  	[sflag:s17] =	ssyncadd.s32 $0xFFFFFF80  }
0xde: {  	[tilespmem:s19], [sflag:$0x1] =	stream.indirect.gather [hbm4b:s22+s18], $0x80, s10, s18, $0xb8;
	[tilespmem:$0x1C400] =	vst v63  }
0xdf: {  	_ =	swait.ge [sflag:s2], $0x4000  }
0xe0: {  	[sflag:s2] =	ssyncset.done $0x0  }
0xe1: {  	[sflag:s2] =	ssyncadd.s32 $0xFFFFC000  }
0xe2: {  	[spmem:s24] =	stream.indirect.scatter.add.f32 [tilespmem:s26], [sflag:$0x4], $0x80, s21, s18, $0xb8;
	[tilespmem:$0x1C400] =	vst v63  }
0xe3: {  	_ =	swait.ge [sflag:s3], $0x4000  }
0xe4: {  	s0 =	sadd.s32 $0x70, s0;
	[sflag:s3] =	ssyncset.done $0x0  }
0xe5: {  	[sflag:s3] =	ssyncadd.s32 $0xFFFFC000  }
0xe6: {  	[tilespmem:s20], [sflag:$0x8] =	stream.linear.gather [hbm4b:s0+s11], $0x80, $0x38;
	[tilespmem:$0x1C400] =	vst v63  }
0xe7: {  	s0 =	sadd.s32 $0x70, s9  }
0xe8: {  	[tilespmem:s21], [sflag:$0x8] =	stream.linear.gather [hbm4b:s0+s11], $0x80, $0x38;
	[tilespmem:$0x1C400] =	vst v63  }
0xe9: {  	_ =	swait.ge [sflag:s25], $0x80  }
0xea: {  	[sflag:s25] =	ssyncset.done $0x0  }
0xeb: {  	[sflag:s25] =	ssyncadd.s32 $0xFFFFFF80  }
0xec: {  	_ =	swait.ge [sflag:s25], $0x80  }
0xed: {  	[sflag:s25] =	ssyncset.done $0x0  }
0xee: {  	[sflag:s25] =	ssyncadd.s32 $0xFFFFFF80  }
0xef: {  	[tilespmem:s26], [sflag:$0x2] =	stream.indirect.gather [hbm4b:s22+s18], $0x80, s13, s18, $0xb8;
	[tilespmem:$0x1C400] =	vst v63  }
0xf0: {  	_ =	swait.ge [sflag:s31], $0x4000  }
0xf1: {  	[sflag:s31] =	ssyncset.done $0x0  }
0xf2: {  	p2 =	seq.s32 s7, $0x480;
	[sflag:s31] =	ssyncadd.s32 $0xFFFFC000  }
0xf3: {  	[spmem:s24] =	stream.indirect.scatter.add.f32 [tilespmem:s19], [sflag:$0x3], $0x80, s12, s18, $0xb8;
	[tilespmem:$0x1C400] =	vst v63  }
0xf4: {  	s8 =	simm.s32 @!p2 $0x0;
	s0 =	sadd.s32 @!p2 s7, s29;
	_ =	swait.ge [sflag:s23], $0x4000  }
0xf5: {  	s30 =	simm.s32 @!p2 $0x14000;
	s9 =	sadd.s32 @!p2 $0x80, s0;
	[sflag:s23] =	ssyncset.done $0x0  }
0xf6: {  	s5 =	simm.s32 @!p2 $0x14200;
	s7 =	sadd.s32 @!p2 s7, s28;
	[sflag:s23] =	ssyncadd.s32 $0xFFFFC000  }
0xf7: {  	[tilespmem:s30], [sflag:$0x5] =	stream.linear.gather @!p2 [hbm4b:s9+s8], $0x80, $0x38;
	[tilespmem:$0x1C400] =	vst v63  }
0xf8: {  	s9 =	sadd.s32 @!p2 $0x80, s7;
	s7 =	sadd.s32 @!p2 $0x90, s7  }
0xf9: {  	[tilespmem:s5], [sflag:$0x5] =	stream.linear.gather @!p2 [hbm4b:s9+s8], $0x80, $0x38;
	[tilespmem:$0x1C400] =	vst v63  }
0xfa: {  	_ =	swait.ge [sflag:s1], $0x80  }
0xfb: {  	[sflag:s1] =	ssyncset.done $0x0  }
0xfc: {  	[sflag:s1] =	ssyncadd.s32 $0xFFFFFF80  }
0xfd: {  	_ =	swait.ge [sflag:s1], $0x80  }
0xfe: {  	[sflag:s1] =	ssyncset.done $0x0  }
0xff: {  	[sflag:s1] =	ssyncadd.s32 $0xFFFFFF80  }
0x100: {  	[tilespmem:s19], [sflag:$0x1] =	stream.indirect.gather [hbm4b:s22+s18], $0x80, s15, s18, $0xb8;
	[tilespmem:$0x1C400] =	vst v63  }
0x101: {  	_ =	swait.ge [sflag:s2], $0x4000  }
0x102: {  	[sflag:s2] =	ssyncset.done $0x0  }
0x103: {  	[sflag:s2] =	ssyncadd.s32 $0xFFFFC000  }
0x104: {  	[spmem:s24] =	stream.indirect.scatter.add.f32 [tilespmem:s26], [sflag:$0x4], $0x80, s14, s18, $0xb8;
	[tilespmem:$0x1C400] =	vst v63  }
0x105: {  	_ =	swait.ge [sflag:s3], $0x4000  }
0x106: {  	s0 =	sadd.s32 @!p2 $0x90, s0;
	s5 =	simm.s32 @!p2 $0x14080;
	[sflag:s3] =	ssyncset.done $0x0  }
0x107: {  	s9 =	simm.s32 @!p2 $0x14280;
	[sflag:s3] =	ssyncadd.s32 $0xFFFFC000  }
0x108: {  	[tilespmem:s5], [sflag:$0x6] =	stream.linear.gather @!p2 [hbm4b:s0+s8], $0x80, $0x38;
	[tilespmem:$0x1C400] =	vst v63  }
0x109: {  	_ = 	snop  }
0x10a: {  	[tilespmem:s9], [sflag:$0x6] =	stream.linear.gather @!p2 [hbm4b:s7+s8], $0x80, $0x38;
	[tilespmem:$0x1C400] =	vst v63  }
0x10b: {  	_ =	swait.ge [sflag:s4], $0x80  }
0x10c: {  	[sflag:s4] =	ssyncset.done $0x0  }
0x10d: {  	[sflag:s4] =	ssyncadd.s32 $0xFFFFFF80  }
0x10e: {  	_ =	swait.ge [sflag:s4], $0x80  }
.Ltmp0:
0x10f: {  	[sflag:s4] =	ssyncset.done $0x0;
	(pc) =	sbr.rel @p1 .LBB2_2-.Ltmp0, $4  }
0x110: {  	[sflag:s4] =	ssyncadd.s32 $0xFFFFFF80  }
0x111: {  	[tilespmem:s26], [sflag:$0x2] =	stream.indirect.gather [hbm4b:s22+s18], $0x80, s20, s18, $0xb8;
	[tilespmem:$0x1C400] =	vst v63  }
0x112: {  	_ =	swait.ge [sflag:s31], $0x4000  }
0x113: {  	[sflag:s31] =	ssyncset.done $0x0  }
0x114: {  	[sflag:s31] =	ssyncadd.s32 $0xFFFFC000  }
0x115: {  	[spmem:s24] =	stream.indirect.scatter.add.f32 [tilespmem:s19], [sflag:$0x3], $0x80, s16, s18, $0xb8;
	[tilespmem:$0x1C400] =	vst v63  }
0x116: {  	_ =	swait.ge [sflag:s2], $0x4000  }
0x117: {  	[sflag:s2] =	ssyncset.done $0x0  }
0x118: {  	[sflag:s2] =	ssyncadd.s32 $0xFFFFC000  }
0x119: {  	[spmem:s24] =	stream.indirect.scatter.add.f32 [tilespmem:s26], [sflag:$0x4], $0x80, s21, s18, $0xb8;
	[tilespmem:$0x1C400] =	vst v63  }
0x11a: {  	_ =	swait.ge [sflag:s23], $0x4000  }
0x11b: {  	[sflag:s23] =	ssyncset.done $0x0  }
0x11c: {  	[sflag:s23] =	ssyncadd.s32 $0xFFFFC000  }
0x11d: {  	_ =	swait.ge [sflag:s3], $0x4000  }
0x11e: {  	[sflag:s3] =	ssyncset.done $0x0  }
0x11f: {  	[sflag:s3] =	ssyncadd.s32 $0xFFFFC000  }
0x120: {  	s30 =	stileid.u32;
	[bflag:$0x0] =	sbarrier.arrive $0xFFFF  }
0x121: {  	s0 =	sshll.u32 s30, $0x6;
	s8 =	rddreg [dreg:$0x1a]  }
0x122: {  	s0 =	sor.u32 $0x1C05, s0;
	s6 =	rddreg [dreg:$0x4];
	s5 =	sshrl.u32 s8, $0x3  }
0x123: {  	[hbm:s6], [sflag:s0] =	dma.local [spmem:s5], $0x400  }
0x124: {  	s5 =	rddreg [dreg:$0x5]  }
0x125: {  	s6 =	rddreg [dreg:$0x1e]  }
0x126: {  	[hbm:s5], [sflag:s0] =	dma.local [spmem:s6], $0x400  }
0x127: {  	s5 =	rddreg [dreg:$0x6]  }
0x128: {  	s6 =	rddreg [dreg:$0x1f]  }
0x129: {  	[hbm:s5], [sflag:s0] =	dma.local [spmem:s6], $0x400  }
0x12a: {  	s6 =	sld [smem:$0x7F7];
	_ =	sdelay $0x1  }
0x12b: {  	s5 =	rddreg [dreg:$0x7]  }
0x12c: {  	[hbm:s5], [sflag:s0] =	dma.local [spmem:s6], $0x400  }
0x12d: {  	s6 =	sld [smem:$0x7F8];
	_ =	sdelay $0x1  }
0x12e: {  	s5 =	rddreg [dreg:$0x8]  }
0x12f: {  	[hbm:s5], [sflag:s0] =	dma.local [spmem:s6], $0x400  }
0x130: {  	s6 =	sld [smem:$0x7F9];
	_ =	sdelay $0x1  }
0x131: {  	s5 =	rddreg [dreg:$0x9]  }
0x132: {  	[hbm:s5], [sflag:s0] =	dma.local [spmem:s6], $0x400  }
0x133: {  	s6 =	sld [smem:$0x7FA];
	_ =	sdelay $0x1  }
0x134: {  	s5 =	rddreg [dreg:$0xa]  }
0x135: {  	[hbm:s5], [sflag:s0] =	dma.local [spmem:s6], $0x400  }
0x136: {  	s6 =	sld [smem:$0x7FB];
	_ =	sdelay $0x1  }
0x137: {  	s5 =	rddreg [dreg:$0xb]  }
0x138: {  	[hbm:s5], [sflag:s0] =	dma.local [spmem:s6], $0x400  }
0x139: {  	s6 =	sld [smem:$0x7FC];
	_ =	sdelay $0x1  }
0x13a: {  	s5 =	rddreg [dreg:$0xc]  }
0x13b: {  	[hbm:s5], [sflag:s0] =	dma.local [spmem:s6], $0x400  }
0x13c: {  	s6 =	sld [smem:$0x7FD];
	_ =	sdelay $0x1  }
0x13d: {  	s5 =	rddreg [dreg:$0xd]  }
0x13e: {  	[hbm:s5], [sflag:s0] =	dma.local [spmem:s6], $0x400  }
0x13f: {  	_ =	swait.ge [sflag:s17], $0x400  }
0x140: {  	[sflag:s17] =	ssyncset.done $0x0  }
0x141: {  	[sflag:s17] =	ssyncadd.s32 $0xFFFFFC00  }
0x142: {  	_ =	swait.ge [sflag:s17], $0x400  }
0x143: {  	[sflag:s17] =	ssyncset.done $0x0  }
0x144: {  	[sflag:s17] =	ssyncadd.s32 $0xFFFFFC00  }
0x145: {  	_ =	swait.ge [sflag:s17], $0x400  }
0x146: {  	[sflag:s17] =	ssyncset.done $0x0  }
0x147: {  	[sflag:s17] =	ssyncadd.s32 $0xFFFFFC00  }
0x148: {  	_ =	swait.ge [sflag:s17], $0x400  }
0x149: {  	[sflag:s17] =	ssyncset.done $0x0  }
0x14a: {  	[sflag:s17] =	ssyncadd.s32 $0xFFFFFC00  }
0x14b: {  	_ =	swait.ge [sflag:s17], $0x400  }
0x14c: {  	[sflag:s17] =	ssyncset.done $0x0  }
0x14d: {  	[sflag:s17] =	ssyncadd.s32 $0xFFFFFC00  }
0x14e: {  	_ =	swait.ge [sflag:s17], $0x400  }
0x14f: {  	[sflag:s17] =	ssyncset.done $0x0  }
0x150: {  	[sflag:s17] =	ssyncadd.s32 $0xFFFFFC00  }
0x151: {  	_ =	swait.ge [sflag:s17], $0x400  }
0x152: {  	[sflag:s17] =	ssyncset.done $0x0  }
0x153: {  	[sflag:s17] =	ssyncadd.s32 $0xFFFFFC00  }
0x154: {  	_ =	swait.ge [sflag:s17], $0x400  }
0x155: {  	[sflag:s17] =	ssyncset.done $0x0  }
0x156: {  	[sflag:s17] =	ssyncadd.s32 $0xFFFFFC00  }
0x157: {  	_ =	swait.ge [sflag:s17], $0x400  }
0x158: {  	[sflag:s17] =	ssyncset.done $0x0  }
0x159: {  	[sflag:s17] =	ssyncadd.s32 $0xFFFFFC00  }
0x15a: {  	_ =	swait.ge [sflag:s17], $0x400  }
0x15b: {  	s7 =	sld [smem:$0x7F6];
	_ =	sdelay $0x2  }
0x15c: {  	s9 =	rddreg [dreg:$0x1d];
	s5 =	sadd.s32 $0x1, s7  }
0x15d: {  	p1 =	sne.s32 s5, s9  }
.Ltmp1:
0x15e: {  	_ = 	snop;
	(pc) =	sbr.rel @p1 .LBB2_1-.Ltmp1, $3  }
0x15f: {  	_ =	sdelay $0x1  }
0x160: {  	[sflag:s17] =	ssyncset.done $0x0  }
0x161: {  	[sflag:s17] =	ssyncadd.s32 $0xFFFFFC00  }
0x162: {  	_ =	sfence.sel $0x180000  }
0x163: {  	[bflag:$0x0] =	sbarrier.arrive $0xFFFF  }
0x164: {  	_ =	strace $0x9000004A  }
0x165: {  	[bflag:$0x2] =	sbarrier.arrive $0xFFFF  }
0x166: {  	p0 =	sne.s32 s30, $0x0;
	s0 =	rddreg [dreg:$0x3]  }
0x167: {  	s0 =	sadd.s32 @!p0 $0x100000, s0  }
0x168: {  	[sflag:s0] =	ssyncadd.tile.s32 @!p0 $0x1;
	_ =	shalt  }
.Lfunc_end2:
_tile_overlayer_lowered:
.L_overlay_start_2:
0x169: {  	(tag) =	ssettag $0x2  }
0x16a: {  	s0 =	rddreg [dreg:$0x0];
	s2 =	stileid.u32  }
0x16b: {  	s1 =	rddreg [dreg:$0x1];
	p0 =	sne.s32 s2, $0x0  }
0x16c: {  	s3 =	rddreg [dreg:$0x2];
	[bflag:$0x3] =	sbarrier.arrive $0xFFFF;
	s2 =	simm.s32 @!p0 $0x1C09  }
0x16d: {  	[timem:s3], [sflag:s2] =	dma.local @!p0 [hbm:s0], s1  }
0x16e: {  	s0 =	simm.s32 @!p0 $0x9  }
0x16f: {  	_ =	swait.ge @!p0 [sflag:s0], s1  }
0x170: {  	s1 =	ssub.s32 @!p0 $0x0, s1;
	[sflag:s0] =	ssyncset.done @!p0 $0x0  }
0x171: {  	[sflag:s0] =	ssyncadd.s32 @!p0 s1  }
0x172: {  	[bflag:$0x3] =	sbarrier.arrive $0xFFFF  }
0x173: {  	_ =	shalt  }

</sc_bundles>
